<compile_context>
chip_gen: v7x
topology: tpu7x:2x2x1
jax: 0.10.2.dev20260603
libtpu: 0.0.44.dev20260713+nightly
codegen_flags: <defaults>
</compile_context>

<pallas_src>
import functools

import jax
import jax.numpy as jnp
from jax import lax
from jax.experimental import pallas as pl
from jax.experimental.pallas import tpu as pltpu
from jax.experimental.pallas import tpu_sc as plsc


def _order_map_sc(B, N, D, I):
    info = plsc.get_sparse_core_info()
    NC, NS, L = info.num_cores, info.num_subcores, info.num_lanes
    NW = NC * NS
    TPB = N // 128
    DB = D // 8
    K = D // 2
    CI = L
    CW = CI * K
    n_chunks = I // CI
    n_rounds = 4
    rc = n_chunks // n_rounds
    assert NW == 2 * B and D == 64 and N % 128 == 0 and L == 16
    assert I % CI == 0 and n_chunks % n_rounds == 0

    mesh = plsc.VectorSubcoreMesh(core_axis_name="c", subcore_axis_name="s")

    @functools.partial(
        pl.kernel,
        mesh=mesh,
        out_type=jax.ShapeDtypeStruct((NW * D, 128), jnp.float32),
        scratch_types=[
            pltpu.VMEM((I,), jnp.int32),
            pltpu.VMEM((I,), jnp.int32),
            pltpu.VMEM((I,), jnp.int32),
            pltpu.VMEM((K,), jnp.int32),
            pltpu.VMEM((n_chunks, CW), jnp.int32),
            pltpu.VMEM((rc, CW, 16), jnp.float32),
            pltpu.VMEM((rc, CW, 16), jnp.float32),
            pltpu.VMEM((2 * K, 128), jnp.float32),
            pltpu.SemaphoreType.DMA,
            pltpu.SemaphoreType.DMA,
        ],
        compiler_params=pltpu.CompilerParams(
            needs_layout_passes=False, use_tc_tiling_on_sc=False),
    )
    def gather_kernel(z_hbm, idx_hbm, out_hbm, idx_v, g_v, lane_v, pat_v,
                      ids_v, grp0_v, grp1_v, out_v, sem0, sem1):
        wid = lax.axis_index("s") * NC + lax.axis_index("c")
        b = lax.shift_right_logical(wid, 1)
        db0 = lax.bitwise_and(wid, 1) * (DB // 2)
        lanes = lax.iota(jnp.int32, L)

        pltpu.sync_copy(idx_hbm, idx_v)
        for j in range(I // L):
            v = idx_v[pl.ds(j * L, L)]
            c = jnp.minimum(jnp.maximum(v, 0), N - 1)
            g_v[pl.ds(j * L, L)] = (
                lax.shift_right_logical(c, 7) * 64
                + lax.bitwise_and(lax.shift_right_logical(c, 4), 7))
            lane_v[pl.ds(j * L, L)] = lax.bitwise_and(c, 15)

        for j in range(K // L):
            k16 = lanes + j * L
            rb16 = b * DB + db0 + lax.shift_right_logical(k16, 3)
            pat_v[pl.ds(j * L, L)] = (
                rb16 * (TPB * 64) + lax.bitwise_and(k16, 7) * 8)

        def build_ids(cidx, carry):
            for j in range(CW // L):
                i16 = jnp.full((L,), j * L // K, jnp.int32) + cidx * CI
                g16 = plsc.load_gather(g_v, [i16])
                ids_v[cidx, pl.ds(j * L, L)] = (
                    pat_v[pl.ds((j % (K // L)) * L, L)] + g16)
            return carry
        lax.fori_loop(0, n_chunks, build_ids, 0)

        grps = (grp0_v, grp1_v)
        sems = (sem0, sem1)

        def issue_round(r):
            for jj in range(rc):
                pltpu.async_copy(z_hbm.at[ids_v.at[r * rc + jj]],
                                 grps[r % 2].at[jj], sems[r % 2])

        def drain_round(r):
            for jj in range(rc):
                pltpu.make_async_copy(z_hbm.at[ids_v.at[r * rc + jj]],
                                      grps[r % 2].at[jj],
                                      sems[r % 2]).wait()

        def select_round(r):
            grp = grps[r % 2]

            def body(jj, carry):
                i16 = (r * rc + jj) * CI + lanes
                cols16 = plsc.load_gather(lane_v, [i16])
                row_hi16 = lax.shift_right_logical(i16, 7) * 8
                col16 = lax.bitwise_and(i16, 127)
                jj16 = jnp.full((L,), 0, jnp.int32) + jj
                for kk in range(K):
                    r16 = lanes * K + kk
                    vals = plsc.load_gather(grp, [jj16, r16, cols16])
                    row16 = row_hi16 + ((kk >> 3) * 16 + (kk & 7))
                    plsc.store_scatter(out_v, [row16, col16], vals)
                return carry
            lax.fori_loop(0, rc, body, 0)

        issue_round(0)
        for r in range(n_rounds):
            if r + 1 < n_rounds:
                issue_round(r + 1)
            drain_round(r)
            select_round(r)

        pltpu.sync_copy(out_v, out_hbm.at[pl.ds(wid * (2 * K), 2 * K)])

    return gather_kernel


def kernel(x, indices):
    B, N, D = x.shape
    I = indices.shape[0]
    NW = 2 * B
    xf = x.astype(jnp.float32)
    xt = jnp.transpose(xf, (0, 2, 1))
    z = (xt.reshape(B * D // 8, 8, N // 128, 128)
           .transpose(0, 2, 1, 3)
           .reshape(B * D * N // 16, 16))
    out_p = _order_map_sc(B, N, D, I)(z, indices)
    out_t = (out_p.reshape(B * D // 8, 2, 8, 128)
                  .transpose(0, 2, 1, 3)
                  .reshape(B * D, I))
    return jnp.transpose(out_t.reshape(B, D, I), (0, 2, 1))

# --- scband reference (transcript-rebuilt; emitter-appended) ---
"""Pipeline reference for scband-order-map-61357902791401 (READ-ONLY COPY).

The authoritative reference and input builder live on the scoring server;
editing this copy changes nothing except your own understanding.
"""

import jax, jax.numpy as jnp
import numpy as np


def setup_inputs(seed: int = 0) -> dict:
    key = jax.random.key(seed)
    x = jax.random.normal(key, (16, 65536, 64), dtype=jnp.float32)
    # constructor constant: indices = 65535 - 256*i for i in [0, 256)
    indices = (65535 - 256 * jnp.arange(256)).astype(jnp.int32)
    return {"x": x, "indices": indices}


def reference(x, indices):
    # Faithful translation of OrderMap.call
    xf = x.astype(jnp.float32)
    n_pixels = xf.shape[1]
    clamped = jnp.clip(indices, 0, n_pixels - 1)
    zero = jnp.zeros((xf.shape[0], 1, xf.shape[2]), dtype=jnp.float32)
    x1 = jnp.concatenate([xf, zero], axis=1)
    reordered = jnp.take(x1, clamped, axis=1)
    return reordered

if __name__ == "__main__":
    import jax
    _d = setup_inputs()
    print(jax.jit(kernel)(*tuple(_d.values())))

</pallas_src>

<mosaic_0001>
#map = affine_map<(d0, d1) -> (0, 0)>
#map1 = affine_map<(d0, d1) -> (0)>
module attributes {stable_mosaic.version = 14 : i64} {
  func.func @gather_kernel(%arg0: i32, %arg1: i32, %arg2: memref<4194304x16xf32, #tpu.memory_space<hbm>>, %arg3: memref<256xi32, #tpu.memory_space<hbm>>, %arg4: memref<2048x128xf32, #tpu.memory_space<hbm>>, %arg5: memref<256xi32, #tpu.memory_space<vmem>>, %arg6: memref<256xi32, #tpu.memory_space<vmem>>, %arg7: memref<256xi32, #tpu.memory_space<vmem>>, %arg8: memref<32xi32, #tpu.memory_space<vmem>>, %arg9: memref<16x512xi32, #tpu.memory_space<vmem>>, %arg10: memref<4x512x16xf32, #tpu.memory_space<vmem>>, %arg11: memref<4x512x16xf32, #tpu.memory_space<vmem>>, %arg12: memref<64x128xf32, #tpu.memory_space<vmem>>, %arg13: memref<!tpu.dma_semaphore, #tpu.memory_space<semaphore_mem>>, %arg14: memref<!tpu.dma_semaphore, #tpu.memory_space<semaphore_mem>>) attributes {dimension_semantics = [#tpu.dimension_semantics<core_parallel>, #tpu.dimension_semantics<subcore_parallel>], iteration_bounds = array<i64: 2, 16>, scalar_prefetch = 0 : i64, scratch_operands = 10 : i64, tpu.core_type = #tpu.core_type<sc_vector_subcore>, window_params = [{transform_indices = #map}, {transform_indices = #map1}, {transform_indices = #map}]} {
    %mul3A = arith.constant 2 : i32
    %mul3A_0 = arith.muli %arg1, %mul3A : i32
    %add3A = arith.addi %mul3A_0, %arg0 : i32
    %shift_right_logical3A = arith.constant 1 : i32
    %shift_right_logical3A_1 = arith.shrui %add3A, %shift_right_logical3A : i32
    %and3A = arith.constant 1 : i32
    %and3A_2 = arith.andi %add3A, %and3A : i32
    %mul3A_3 = arith.constant 4 : i32
    %mul3A_4 = arith.muli %and3A_2, %mul3A_3 : i32
    %iota3A = tpu.iota {dimensions = array<i32: 0>} : vector<16xi32>
    "tpu.region"() ({
      %run_scoped3A = tpu.sem_alloc : memref<!tpu.dma_semaphore, #tpu.memory_space<semaphore_mem>>
      tpu.enqueue_dma source(%arg3 : memref<256xi32, #tpu.memory_space<hbm>>) target(%arg5 : memref<256xi32, #tpu.memory_space<vmem>>) target_semaphore(%run_scoped3A : memref<!tpu.dma_semaphore, #tpu.memory_space<semaphore_mem>>)
      tpu.wait_dma2 semaphore(%run_scoped3A : memref<!tpu.dma_semaphore, #tpu.memory_space<semaphore_mem>>) src(%arg3 : memref<256xi32, #tpu.memory_space<hbm>>) dst(%arg5 : memref<256xi32, #tpu.memory_space<vmem>>)
      tpu.yield
    }) : () -> ()
    %get3A = arith.constant 0 : index
    %get3A_5 = tpu.vector_load %arg5[%get3A] {strides = array<i32>} : memref<256xi32, #tpu.memory_space<vmem>>, vector<16xi32>,
    %max3A = arith.constant 0 : i32
    %max3A_6 = vector.broadcast %max3A : i32 to vector<16xi32>
    %max3A_7 = arith.maxsi %get3A_5, %max3A_6 : vector<16xi32>
    %min3A = arith.constant 65535 : i32
    %min3A_8 = vector.broadcast %min3A : i32 to vector<16xi32>
    %min3A_9 = arith.minsi %max3A_7, %min3A_8 : vector<16xi32>
    %shift_right_logical3A_10 = arith.constant 7 : i32
    %shift_right_logical3A_11 = vector.broadcast %shift_right_logical3A_10 : i32 to vector<16xi32>
    %shift_right_logical3A_12 = arith.shrui %min3A_9, %shift_right_logical3A_11 : vector<16xi32>
    %mul3A_13 = arith.constant 64 : i32
    %mul3A_14 = vector.broadcast %mul3A_13 : i32 to vector<16xi32>
    %mul3A_15 = arith.muli %shift_right_logical3A_12, %mul3A_14 : vector<16xi32>
    %shift_right_logical3A_16 = arith.constant 4 : i32
    %shift_right_logical3A_17 = vector.broadcast %shift_right_logical3A_16 : i32 to vector<16xi32>
    %shift_right_logical3A_18 = arith.shrui %min3A_9, %shift_right_logical3A_17 : vector<16xi32>
    %and3A_19 = arith.constant 7 : i32
    %and3A_20 = vector.broadcast %and3A_19 : i32 to vector<16xi32>
    %and3A_21 = arith.andi %shift_right_logical3A_18, %and3A_20 : vector<16xi32>
    %add3A_22 = arith.addi %mul3A_15, %and3A_21 : vector<16xi32>
    %swap3A = arith.constant 0 : index
    %swap3A_23 = tpu.vector_load %arg6[%swap3A] {strides = array<i32>} : memref<256xi32, #tpu.memory_space<vmem>>, vector<16xi32>,
    tpu.vector_store %arg6[%swap3A], %add3A_22 {strides = array<i32>} : memref<256xi32, #tpu.memory_space<vmem>>, vector<16xi32>,
    %and3A_24 = arith.constant 15 : i32
    %and3A_25 = vector.broadcast %and3A_24 : i32 to vector<16xi32>
    %and3A_26 = arith.andi %min3A_9, %and3A_25 : vector<16xi32>
    %swap3A_27 = arith.constant 0 : index
    %swap3A_28 = tpu.vector_load %arg7[%swap3A_27] {strides = array<i32>} : memref<256xi32, #tpu.memory_space<vmem>>, vector<16xi32>,
    tpu.vector_store %arg7[%swap3A_27], %and3A_26 {strides = array<i32>} : memref<256xi32, #tpu.memory_space<vmem>>, vector<16xi32>,
    %get3A_29 = arith.constant 16 : index
    %get3A_30 = tpu.vector_load %arg5[%get3A_29] {strides = array<i32>} : memref<256xi32, #tpu.memory_space<vmem>>, vector<16xi32>,
    %max3A_31 = arith.constant 0 : i32
    %max3A_32 = vector.broadcast %max3A_31 : i32 to vector<16xi32>
    %max3A_33 = arith.maxsi %get3A_30, %max3A_32 : vector<16xi32>
    %min3A_34 = arith.constant 65535 : i32
    %min3A_35 = vector.broadcast %min3A_34 : i32 to vector<16xi32>
    %min3A_36 = arith.minsi %max3A_33, %min3A_35 : vector<16xi32>
    %shift_right_logical3A_37 = arith.constant 7 : i32
    %shift_right_logical3A_38 = vector.broadcast %shift_right_logical3A_37 : i32 to vector<16xi32>
    %shift_right_logical3A_39 = arith.shrui %min3A_36, %shift_right_logical3A_38 : vector<16xi32>
    %mul3A_40 = arith.constant 64 : i32
    %mul3A_41 = vector.broadcast %mul3A_40 : i32 to vector<16xi32>
    %mul3A_42 = arith.muli %shift_right_logical3A_39, %mul3A_41 : vector<16xi32>
    %shift_right_logical3A_43 = arith.constant 4 : i32
    %shift_right_logical3A_44 = vector.broadcast %shift_right_logical3A_43 : i32 to vector<16xi32>
    %shift_right_logical3A_45 = arith.shrui %min3A_36, %shift_right_logical3A_44 : vector<16xi32>
    %and3A_46 = arith.constant 7 : i32
    %and3A_47 = vector.broadcast %and3A_46 : i32 to vector<16xi32>
    %and3A_48 = arith.andi %shift_right_logical3A_45, %and3A_47 : vector<16xi32>
    %add3A_49 = arith.addi %mul3A_42, %and3A_48 : vector<16xi32>
    %swap3A_50 = arith.constant 16 : index
    %swap3A_51 = tpu.vector_load %arg6[%swap3A_50] {strides = array<i32>} : memref<256xi32, #tpu.memory_space<vmem>>, vector<16xi32>,
    tpu.vector_store %arg6[%swap3A_50], %add3A_49 {strides = array<i32>} : memref<256xi32, #tpu.memory_space<vmem>>, vector<16xi32>,
    %and3A_52 = arith.constant 15 : i32
    %and3A_53 = vector.broadcast %and3A_52 : i32 to vector<16xi32>
    %and3A_54 = arith.andi %min3A_36, %and3A_53 : vector<16xi32>
    %swap3A_55 = arith.constant 16 : index
    %swap3A_56 = tpu.vector_load %arg7[%swap3A_55] {strides = array<i32>} : memref<256xi32, #tpu.memory_space<vmem>>, vector<16xi32>,
    tpu.vector_store %arg7[%swap3A_55], %and3A_54 {strides = array<i32>} : memref<256xi32, #tpu.memory_space<vmem>>, vector<16xi32>,
    %get3A_57 = arith.constant 32 : index
    %get3A_58 = tpu.vector_load %arg5[%get3A_57] {strides = array<i32>} : memref<256xi32, #tpu.memory_space<vmem>>, vector<16xi32>,
    %max3A_59 = arith.constant 0 : i32
    %max3A_60 = vector.broadcast %max3A_59 : i32 to vector<16xi32>
    %max3A_61 = arith.maxsi %get3A_58, %max3A_60 : vector<16xi32>
    %min3A_62 = arith.constant 65535 : i32
    %min3A_63 = vector.broadcast %min3A_62 : i32 to vector<16xi32>
    %min3A_64 = arith.minsi %max3A_61, %min3A_63 : vector<16xi32>
    %shift_right_logical3A_65 = arith.constant 7 : i32
    %shift_right_logical3A_66 = vector.broadcast %shift_right_logical3A_65 : i32 to vector<16xi32>
    %shift_right_logical3A_67 = arith.shrui %min3A_64, %shift_right_logical3A_66 : vector<16xi32>
    %mul3A_68 = arith.constant 64 : i32
    %mul3A_69 = vector.broadcast %mul3A_68 : i32 to vector<16xi32>
    %mul3A_70 = arith.muli %shift_right_logical3A_67, %mul3A_69 : vector<16xi32>
    %shift_right_logical3A_71 = arith.constant 4 : i32
    %shift_right_logical3A_72 = vector.broadcast %shift_right_logical3A_71 : i32 to vector<16xi32>
    %shift_right_logical3A_73 = arith.shrui %min3A_64, %shift_right_logical3A_72 : vector<16xi32>
    %and3A_74 = arith.constant 7 : i32
    %and3A_75 = vector.broadcast %and3A_74 : i32 to vector<16xi32>
    %and3A_76 = arith.andi %shift_right_logical3A_73, %and3A_75 : vector<16xi32>
    %add3A_77 = arith.addi %mul3A_70, %and3A_76 : vector<16xi32>
    %swap3A_78 = arith.constant 32 : index
    %swap3A_79 = tpu.vector_load %arg6[%swap3A_78] {strides = array<i32>} : memref<256xi32, #tpu.memory_space<vmem>>, vector<16xi32>,
    tpu.vector_store %arg6[%swap3A_78], %add3A_77 {strides = array<i32>} : memref<256xi32, #tpu.memory_space<vmem>>, vector<16xi32>,
    %and3A_80 = arith.constant 15 : i32
    %and3A_81 = vector.broadcast %and3A_80 : i32 to vector<16xi32>
    %and3A_82 = arith.andi %min3A_64, %and3A_81 : vector<16xi32>
    %swap3A_83 = arith.constant 32 : index
    %swap3A_84 = tpu.vector_load %arg7[%swap3A_83] {strides = array<i32>} : memref<256xi32, #tpu.memory_space<vmem>>, vector<16xi32>,
    tpu.vector_store %arg7[%swap3A_83], %and3A_82 {strides = array<i32>} : memref<256xi32, #tpu.memory_space<vmem>>, vector<16xi32>,
    %get3A_85 = arith.constant 48 : index
    %get3A_86 = tpu.vector_load %arg5[%get3A_85] {strides = array<i32>} : memref<256xi32, #tpu.memory_space<vmem>>, vector<16xi32>,
    %max3A_87 = arith.constant 0 : i32
    %max3A_88 = vector.broadcast %max3A_87 : i32 to vector<16xi32>
    %max3A_89 = arith.maxsi %get3A_86, %max3A_88 : vector<16xi32>
    %min3A_90 = arith.constant 65535 : i32
    %min3A_91 = vector.broadcast %min3A_90 : i32 to vector<16xi32>
    %min3A_92 = arith.minsi %max3A_89, %min3A_91 : vector<16xi32>
    %shift_right_logical3A_93 = arith.constant 7 : i32
    %shift_right_logical3A_94 = vector.broadcast %shift_right_logical3A_93 : i32 to vector<16xi32>
    %shift_right_logical3A_95 = arith.shrui %min3A_92, %shift_right_logical3A_94 : vector<16xi32>
    %mul3A_96 = arith.constant 64 : i32
    %mul3A_97 = vector.broadcast %mul3A_96 : i32 to vector<16xi32>
    %mul3A_98 = arith.muli %shift_right_logical3A_95, %mul3A_97 : vector<16xi32>
    %shift_right_logical3A_99 = arith.constant 4 : i32
    %shift_right_logical3A_100 = vector.broadcast %shift_right_logical3A_99 : i32 to vector<16xi32>
    %shift_right_logical3A_101 = arith.shrui %min3A_92, %shift_right_logical3A_100 : vector<16xi32>
    %and3A_102 = arith.constant 7 : i32
    %and3A_103 = vector.broadcast %and3A_102 : i32 to vector<16xi32>
    %and3A_104 = arith.andi %shift_right_logical3A_101, %and3A_103 : vector<16xi32>
    %add3A_105 = arith.addi %mul3A_98, %and3A_104 : vector<16xi32>
    %swap3A_106 = arith.constant 48 : index
    %swap3A_107 = tpu.vector_load %arg6[%swap3A_106] {strides = array<i32>} : memref<256xi32, #tpu.memory_space<vmem>>, vector<16xi32>,
    tpu.vector_store %arg6[%swap3A_106], %add3A_105 {strides = array<i32>} : memref<256xi32, #tpu.memory_space<vmem>>, vector<16xi32>,
    %and3A_108 = arith.constant 15 : i32
    %and3A_109 = vector.broadcast %and3A_108 : i32 to vector<16xi32>
    %and3A_110 = arith.andi %min3A_92, %and3A_109 : vector<16xi32>
    %swap3A_111 = arith.constant 48 : index
    %swap3A_112 = tpu.vector_load %arg7[%swap3A_111] {strides = array<i32>} : memref<256xi32, #tpu.memory_space<vmem>>, vector<16xi32>,
    tpu.vector_store %arg7[%swap3A_111], %and3A_110 {strides = array<i32>} : memref<256xi32, #tpu.memory_space<vmem>>, vector<16xi32>,
    %get3A_113 = arith.constant 64 : index
    %get3A_114 = tpu.vector_load %arg5[%get3A_113] {strides = array<i32>} : memref<256xi32, #tpu.memory_space<vmem>>, vector<16xi32>,
    %max3A_115 = arith.constant 0 : i32
    %max3A_116 = vector.broadcast %max3A_115 : i32 to vector<16xi32>
    %max3A_117 = arith.maxsi %get3A_114, %max3A_116 : vector<16xi32>
    %min3A_118 = arith.constant 65535 : i32
    %min3A_119 = vector.broadcast %min3A_118 : i32 to vector<16xi32>
    %min3A_120 = arith.minsi %max3A_117, %min3A_119 : vector<16xi32>
    %shift_right_logical3A_121 = arith.constant 7 : i32
    %shift_right_logical3A_122 = vector.broadcast %shift_right_logical3A_121 : i32 to vector<16xi32>
    %shift_right_logical3A_123 = arith.shrui %min3A_120, %shift_right_logical3A_122 : vector<16xi32>
    %mul3A_124 = arith.constant 64 : i32
    %mul3A_125 = vector.broadcast %mul3A_124 : i32 to vector<16xi32>
    %mul3A_126 = arith.muli %shift_right_logical3A_123, %mul3A_125 : vector<16xi32>
    %shift_right_logical3A_127 = arith.constant 4 : i32
    %shift_right_logical3A_128 = vector.broadcast %shift_right_logical3A_127 : i32 to vector<16xi32>
    %shift_right_logical3A_129 = arith.shrui %min3A_120, %shift_right_logical3A_128 : vector<16xi32>
    %and3A_130 = arith.constant 7 : i32
    %and3A_131 = vector.broadcast %and3A_130 : i32 to vector<16xi32>
    %and3A_132 = arith.andi %shift_right_logical3A_129, %and3A_131 : vector<16xi32>
    %add3A_133 = arith.addi %mul3A_126, %and3A_132 : vector<16xi32>
    %swap3A_134 = arith.constant 64 : index
    %swap3A_135 = tpu.vector_load %arg6[%swap3A_134] {strides = array<i32>} : memref<256xi32, #tpu.memory_space<vmem>>, vector<16xi32>,
    tpu.vector_store %arg6[%swap3A_134], %add3A_133 {strides = array<i32>} : memref<256xi32, #tpu.memory_space<vmem>>, vector<16xi32>,
    %and3A_136 = arith.constant 15 : i32
    %and3A_137 = vector.broadcast %and3A_136 : i32 to vector<16xi32>
    %and3A_138 = arith.andi %min3A_120, %and3A_137 : vector<16xi32>
    %swap3A_139 = arith.constant 64 : index
    %swap3A_140 = tpu.vector_load %arg7[%swap3A_139] {strides = array<i32>} : memref<256xi32, #tpu.memory_space<vmem>>, vector<16xi32>,
    tpu.vector_store %arg7[%swap3A_139], %and3A_138 {strides = array<i32>} : memref<256xi32, #tpu.memory_space<vmem>>, vector<16xi32>,
    %get3A_141 = arith.constant 80 : index
    %get3A_142 = tpu.vector_load %arg5[%get3A_141] {strides = array<i32>} : memref<256xi32, #tpu.memory_space<vmem>>, vector<16xi32>,
    %max3A_143 = arith.constant 0 : i32
    %max3A_144 = vector.broadcast %max3A_143 : i32 to vector<16xi32>
    %max3A_145 = arith.maxsi %get3A_142, %max3A_144 : vector<16xi32>
    %min3A_146 = arith.constant 65535 : i32
    %min3A_147 = vector.broadcast %min3A_146 : i32 to vector<16xi32>
    %min3A_148 = arith.minsi %max3A_145, %min3A_147 : vector<16xi32>
    %shift_right_logical3A_149 = arith.constant 7 : i32
    %shift_right_logical3A_150 = vector.broadcast %shift_right_logical3A_149 : i32 to vector<16xi32>
    %shift_right_logical3A_151 = arith.shrui %min3A_148, %shift_right_logical3A_150 : vector<16xi32>
    %mul3A_152 = arith.constant 64 : i32
    %mul3A_153 = vector.broadcast %mul3A_152 : i32 to vector<16xi32>
    %mul3A_154 = arith.muli %shift_right_logical3A_151, %mul3A_153 : vector<16xi32>
    %shift_right_logical3A_155 = arith.constant 4 : i32
    %shift_right_logical3A_156 = vector.broadcast %shift_right_logical3A_155 : i32 to vector<16xi32>
    %shift_right_logical3A_157 = arith.shrui %min3A_148, %shift_right_logical3A_156 : vector<16xi32>
    %and3A_158 = arith.constant 7 : i32
    %and3A_159 = vector.broadcast %and3A_158 : i32 to vector<16xi32>
    %and3A_160 = arith.andi %shift_right_logical3A_157, %and3A_159 : vector<16xi32>
    %add3A_161 = arith.addi %mul3A_154, %and3A_160 : vector<16xi32>
    %swap3A_162 = arith.constant 80 : index
    %swap3A_163 = tpu.vector_load %arg6[%swap3A_162] {strides = array<i32>} : memref<256xi32, #tpu.memory_space<vmem>>, vector<16xi32>,
    tpu.vector_store %arg6[%swap3A_162], %add3A_161 {strides = array<i32>} : memref<256xi32, #tpu.memory_space<vmem>>, vector<16xi32>,
    %and3A_164 = arith.constant 15 : i32
    %and3A_165 = vector.broadcast %and3A_164 : i32 to vector<16xi32>
    %and3A_166 = arith.andi %min3A_148, %and3A_165 : vector<16xi32>
    %swap3A_167 = arith.constant 80 : index
    %swap3A_168 = tpu.vector_load %arg7[%swap3A_167] {strides = array<i32>} : memref<256xi32, #tpu.memory_space<vmem>>, vector<16xi32>,
    tpu.vector_store %arg7[%swap3A_167], %and3A_166 {strides = array<i32>} : memref<256xi32, #tpu.memory_space<vmem>>, vector<16xi32>,
    %get3A_169 = arith.constant 96 : index
    %get3A_170 = tpu.vector_load %arg5[%get3A_169] {strides = array<i32>} : memref<256xi32, #tpu.memory_space<vmem>>, vector<16xi32>,
    %max3A_171 = arith.constant 0 : i32
    %max3A_172 = vector.broadcast %max3A_171 : i32 to vector<16xi32>
    %max3A_173 = arith.maxsi %get3A_170, %max3A_172 : vector<16xi32>
    %min3A_174 = arith.constant 65535 : i32
    %min3A_175 = vector.broadcast %min3A_174 : i32 to vector<16xi32>
    %min3A_176 = arith.minsi %max3A_173, %min3A_175 : vector<16xi32>
    %shift_right_logical3A_177 = arith.constant 7 : i32
    %shift_right_logical3A_178 = vector.broadcast %shift_right_logical3A_177 : i32 to vector<16xi32>
    %shift_right_logical3A_179 = arith.shrui %min3A_176, %shift_right_logical3A_178 : vector<16xi32>
    %mul3A_180 = arith.constant 64 : i32
    %mul3A_181 = vector.broadcast %mul3A_180 : i32 to vector<16xi32>
    %mul3A_182 = arith.muli %shift_right_logical3A_179, %mul3A_181 : vector<16xi32>
    %shift_right_logical3A_183 = arith.constant 4 : i32
    %shift_right_logical3A_184 = vector.broadcast %shift_right_logical3A_183 : i32 to vector<16xi32>
    %shift_right_logical3A_185 = arith.shrui %min3A_176, %shift_right_logical3A_184 : vector<16xi32>
    %and3A_186 = arith.constant 7 : i32
    %and3A_187 = vector.broadcast %and3A_186 : i32 to vector<16xi32>
    %and3A_188 = arith.andi %shift_right_logical3A_185, %and3A_187 : vector<16xi32>
    %add3A_189 = arith.addi %mul3A_182, %and3A_188 : vector<16xi32>
    %swap3A_190 = arith.constant 96 : index
    %swap3A_191 = tpu.vector_load %arg6[%swap3A_190] {strides = array<i32>} : memref<256xi32, #tpu.memory_space<vmem>>, vector<16xi32>,
    tpu.vector_store %arg6[%swap3A_190], %add3A_189 {strides = array<i32>} : memref<256xi32, #tpu.memory_space<vmem>>, vector<16xi32>,
    %and3A_192 = arith.constant 15 : i32
    %and3A_193 = vector.broadcast %and3A_192 : i32 to vector<16xi32>
    %and3A_194 = arith.andi %min3A_176, %and3A_193 : vector<16xi32>
    %swap3A_195 = arith.constant 96 : index
    %swap3A_196 = tpu.vector_load %arg7[%swap3A_195] {strides = array<i32>} : memref<256xi32, #tpu.memory_space<vmem>>, vector<16xi32>,
    tpu.vector_store %arg7[%swap3A_195], %and3A_194 {strides = array<i32>} : memref<256xi32, #tpu.memory_space<vmem>>, vector<16xi32>,
    %get3A_197 = arith.constant 112 : index
    %get3A_198 = tpu.vector_load %arg5[%get3A_197] {strides = array<i32>} : memref<256xi32, #tpu.memory_space<vmem>>, vector<16xi32>,
    %max3A_199 = arith.constant 0 : i32
    %max3A_200 = vector.broadcast %max3A_199 : i32 to vector<16xi32>
    %max3A_201 = arith.maxsi %get3A_198, %max3A_200 : vector<16xi32>
    %min3A_202 = arith.constant 65535 : i32
    %min3A_203 = vector.broadcast %min3A_202 : i32 to vector<16xi32>
    %min3A_204 = arith.minsi %max3A_201, %min3A_203 : vector<16xi32>
    %shift_right_logical3A_205 = arith.constant 7 : i32
    %shift_right_logical3A_206 = vector.broadcast %shift_right_logical3A_205 : i32 to vector<16xi32>
    %shift_right_logical3A_207 = arith.shrui %min3A_204, %shift_right_logical3A_206 : vector<16xi32>
    %mul3A_208 = arith.constant 64 : i32
    %mul3A_209 = vector.broadcast %mul3A_208 : i32 to vector<16xi32>
    %mul3A_210 = arith.muli %shift_right_logical3A_207, %mul3A_209 : vector<16xi32>
    %shift_right_logical3A_211 = arith.constant 4 : i32
    %shift_right_logical3A_212 = vector.broadcast %shift_right_logical3A_211 : i32 to vector<16xi32>
    %shift_right_logical3A_213 = arith.shrui %min3A_204, %shift_right_logical3A_212 : vector<16xi32>
    %and3A_214 = arith.constant 7 : i32
    %and3A_215 = vector.broadcast %and3A_214 : i32 to vector<16xi32>
    %and3A_216 = arith.andi %shift_right_logical3A_213, %and3A_215 : vector<16xi32>
    %add3A_217 = arith.addi %mul3A_210, %and3A_216 : vector<16xi32>
    %swap3A_218 = arith.constant 112 : index
    %swap3A_219 = tpu.vector_load %arg6[%swap3A_218] {strides = array<i32>} : memref<256xi32, #tpu.memory_space<vmem>>, vector<16xi32>,
    tpu.vector_store %arg6[%swap3A_218], %add3A_217 {strides = array<i32>} : memref<256xi32, #tpu.memory_space<vmem>>, vector<16xi32>,
    %and3A_220 = arith.constant 15 : i32
    %and3A_221 = vector.broadcast %and3A_220 : i32 to vector<16xi32>
    %and3A_222 = arith.andi %min3A_204, %and3A_221 : vector<16xi32>
    %swap3A_223 = arith.constant 112 : index
    %swap3A_224 = tpu.vector_load %arg7[%swap3A_223] {strides = array<i32>} : memref<256xi32, #tpu.memory_space<vmem>>, vector<16xi32>,
    tpu.vector_store %arg7[%swap3A_223], %and3A_222 {strides = array<i32>} : memref<256xi32, #tpu.memory_space<vmem>>, vector<16xi32>,
    %get3A_225 = arith.constant 128 : index
    %get3A_226 = tpu.vector_load %arg5[%get3A_225] {strides = array<i32>} : memref<256xi32, #tpu.memory_space<vmem>>, vector<16xi32>,
    %max3A_227 = arith.constant 0 : i32
    %max3A_228 = vector.broadcast %max3A_227 : i32 to vector<16xi32>
    %max3A_229 = arith.maxsi %get3A_226, %max3A_228 : vector<16xi32>
    %min3A_230 = arith.constant 65535 : i32
    %min3A_231 = vector.broadcast %min3A_230 : i32 to vector<16xi32>
    %min3A_232 = arith.minsi %max3A_229, %min3A_231 : vector<16xi32>
    %shift_right_logical3A_233 = arith.constant 7 : i32
    %shift_right_logical3A_234 = vector.broadcast %shift_right_logical3A_233 : i32 to vector<16xi32>
    %shift_right_logical3A_235 = arith.shrui %min3A_232, %shift_right_logical3A_234 : vector<16xi32>
    %mul3A_236 = arith.constant 64 : i32
    %mul3A_237 = vector.broadcast %mul3A_236 : i32 to vector<16xi32>
    %mul3A_238 = arith.muli %shift_right_logical3A_235, %mul3A_237 : vector<16xi32>
    %shift_right_logical3A_239 = arith.constant 4 : i32
    %shift_right_logical3A_240 = vector.broadcast %shift_right_logical3A_239 : i32 to vector<16xi32>
    %shift_right_logical3A_241 = arith.shrui %min3A_232, %shift_right_logical3A_240 : vector<16xi32>
    %and3A_242 = arith.constant 7 : i32
    %and3A_243 = vector.broadcast %and3A_242 : i32 to vector<16xi32>
    %and3A_244 = arith.andi %shift_right_logical3A_241, %and3A_243 : vector<16xi32>
    %add3A_245 = arith.addi %mul3A_238, %and3A_244 : vector<16xi32>
    %swap3A_246 = arith.constant 128 : index
    %swap3A_247 = tpu.vector_load %arg6[%swap3A_246] {strides = array<i32>} : memref<256xi32, #tpu.memory_space<vmem>>, vector<16xi32>,
    tpu.vector_store %arg6[%swap3A_246], %add3A_245 {strides = array<i32>} : memref<256xi32, #tpu.memory_space<vmem>>, vector<16xi32>,
    %and3A_248 = arith.constant 15 : i32
    %and3A_249 = vector.broadcast %and3A_248 : i32 to vector<16xi32>
    %and3A_250 = arith.andi %min3A_232, %and3A_249 : vector<16xi32>
    %swap3A_251 = arith.constant 128 : index
    %swap3A_252 = tpu.vector_load %arg7[%swap3A_251] {strides = array<i32>} : memref<256xi32, #tpu.memory_space<vmem>>, vector<16xi32>,
    tpu.vector_store %arg7[%swap3A_251], %and3A_250 {strides = array<i32>} : memref<256xi32, #tpu.memory_space<vmem>>, vector<16xi32>,
    %get3A_253 = arith.constant 144 : index
    %get3A_254 = tpu.vector_load %arg5[%get3A_253] {strides = array<i32>} : memref<256xi32, #tpu.memory_space<vmem>>, vector<16xi32>,
    %max3A_255 = arith.constant 0 : i32
    %max3A_256 = vector.broadcast %max3A_255 : i32 to vector<16xi32>
    %max3A_257 = arith.maxsi %get3A_254, %max3A_256 : vector<16xi32>
    %min3A_258 = arith.constant 65535 : i32
    %min3A_259 = vector.broadcast %min3A_258 : i32 to vector<16xi32>
    %min3A_260 = arith.minsi %max3A_257, %min3A_259 : vector<16xi32>
    %shift_right_logical3A_261 = arith.constant 7 : i32
    %shift_right_logical3A_262 = vector.broadcast %shift_right_logical3A_261 : i32 to vector<16xi32>
    %shift_right_logical3A_263 = arith.shrui %min3A_260, %shift_right_logical3A_262 : vector<16xi32>
    %mul3A_264 = arith.constant 64 : i32
    %mul3A_265 = vector.broadcast %mul3A_264 : i32 to vector<16xi32>
    %mul3A_266 = arith.muli %shift_right_logical3A_263, %mul3A_265 : vector<16xi32>
    %shift_right_logical3A_267 = arith.constant 4 : i32
    %shift_right_logical3A_268 = vector.broadcast %shift_right_logical3A_267 : i32 to vector<16xi32>
    %shift_right_logical3A_269 = arith.shrui %min3A_260, %shift_right_logical3A_268 : vector<16xi32>
    %and3A_270 = arith.constant 7 : i32
    %and3A_271 = vector.broadcast %and3A_270 : i32 to vector<16xi32>
    %and3A_272 = arith.andi %shift_right_logical3A_269, %and3A_271 : vector<16xi32>
    %add3A_273 = arith.addi %mul3A_266, %and3A_272 : vector<16xi32>
    %swap3A_274 = arith.constant 144 : index
    %swap3A_275 = tpu.vector_load %arg6[%swap3A_274] {strides = array<i32>} : memref<256xi32, #tpu.memory_space<vmem>>, vector<16xi32>,
    tpu.vector_store %arg6[%swap3A_274], %add3A_273 {strides = array<i32>} : memref<256xi32, #tpu.memory_space<vmem>>, vector<16xi32>,
    %and3A_276 = arith.constant 15 : i32
    %and3A_277 = vector.broadcast %and3A_276 : i32 to vector<16xi32>
    %and3A_278 = arith.andi %min3A_260, %and3A_277 : vector<16xi32>
    %swap3A_279 = arith.constant 144 : index
    %swap3A_280 = tpu.vector_load %arg7[%swap3A_279] {strides = array<i32>} : memref<256xi32, #tpu.memory_space<vmem>>, vector<16xi32>,
    tpu.vector_store %arg7[%swap3A_279], %and3A_278 {strides = array<i32>} : memref<256xi32, #tpu.memory_space<vmem>>, vector<16xi32>,
    %get3A_281 = arith.constant 160 : index
    %get3A_282 = tpu.vector_load %arg5[%get3A_281] {strides = array<i32>} : memref<256xi32, #tpu.memory_space<vmem>>, vector<16xi32>,
    %max3A_283 = arith.constant 0 : i32
    %max3A_284 = vector.broadcast %max3A_283 : i32 to vector<16xi32>
    %max3A_285 = arith.maxsi %get3A_282, %max3A_284 : vector<16xi32>
    %min3A_286 = arith.constant 65535 : i32
    %min3A_287 = vector.broadcast %min3A_286 : i32 to vector<16xi32>
    %min3A_288 = arith.minsi %max3A_285, %min3A_287 : vector<16xi32>
    %shift_right_logical3A_289 = arith.constant 7 : i32
    %shift_right_logical3A_290 = vector.broadcast %shift_right_logical3A_289 : i32 to vector<16xi32>
    %shift_right_logical3A_291 = arith.shrui %min3A_288, %shift_right_logical3A_290 : vector<16xi32>
    %mul3A_292 = arith.constant 64 : i32
    %mul3A_293 = vector.broadcast %mul3A_292 : i32 to vector<16xi32>
    %mul3A_294 = arith.muli %shift_right_logical3A_291, %mul3A_293 : vector<16xi32>
    %shift_right_logical3A_295 = arith.constant 4 : i32
    %shift_right_logical3A_296 = vector.broadcast %shift_right_logical3A_295 : i32 to vector<16xi32>
    %shift_right_logical3A_297 = arith.shrui %min3A_288, %shift_right_logical3A_296 : vector<16xi32>
    %and3A_298 = arith.constant 7 : i32
    %and3A_299 = vector.broadcast %and3A_298 : i32 to vector<16xi32>
    %and3A_300 = arith.andi %shift_right_logical3A_297, %and3A_299 : vector<16xi32>
    %add3A_301 = arith.addi %mul3A_294, %and3A_300 : vector<16xi32>
    %swap3A_302 = arith.constant 160 : index
    %swap3A_303 = tpu.vector_load %arg6[%swap3A_302] {strides = array<i32>} : memref<256xi32, #tpu.memory_space<vmem>>, vector<16xi32>,
    tpu.vector_store %arg6[%swap3A_302], %add3A_301 {strides = array<i32>} : memref<256xi32, #tpu.memory_space<vmem>>, vector<16xi32>,
    %and3A_304 = arith.constant 15 : i32
    %and3A_305 = vector.broadcast %and3A_304 : i32 to vector<16xi32>
    %and3A_306 = arith.andi %min3A_288, %and3A_305 : vector<16xi32>
    %swap3A_307 = arith.constant 160 : index
    %swap3A_308 = tpu.vector_load %arg7[%swap3A_307] {strides = array<i32>} : memref<256xi32, #tpu.memory_space<vmem>>, vector<16xi32>,
    tpu.vector_store %arg7[%swap3A_307], %and3A_306 {strides = array<i32>} : memref<256xi32, #tpu.memory_space<vmem>>, vector<16xi32>,
    %get3A_309 = arith.constant 176 : index
    %get3A_310 = tpu.vector_load %arg5[%get3A_309] {strides = array<i32>} : memref<256xi32, #tpu.memory_space<vmem>>, vector<16xi32>,
    %max3A_311 = arith.constant 0 : i32
    %max3A_312 = vector.broadcast %max3A_311 : i32 to vector<16xi32>
    %max3A_313 = arith.maxsi %get3A_310, %max3A_312 : vector<16xi32>
    %min3A_314 = arith.constant 65535 : i32
    %min3A_315 = vector.broadcast %min3A_314 : i32 to vector<16xi32>
    %min3A_316 = arith.minsi %max3A_313, %min3A_315 : vector<16xi32>
    %shift_right_logical3A_317 = arith.constant 7 : i32
    %shift_right_logical3A_318 = vector.broadcast %shift_right_logical3A_317 : i32 to vector<16xi32>
    %shift_right_logical3A_319 = arith.shrui %min3A_316, %shift_right_logical3A_318 : vector<16xi32>
    %mul3A_320 = arith.constant 64 : i32
    %mul3A_321 = vector.broadcast %mul3A_320 : i32 to vector<16xi32>
    %mul3A_322 = arith.muli %shift_right_logical3A_319, %mul3A_321 : vector<16xi32>
    %shift_right_logical3A_323 = arith.constant 4 : i32
    %shift_right_logical3A_324 = vector.broadcast %shift_right_logical3A_323 : i32 to vector<16xi32>
    %shift_right_logical3A_325 = arith.shrui %min3A_316, %shift_right_logical3A_324 : vector<16xi32>
    %and3A_326 = arith.constant 7 : i32
    %and3A_327 = vector.broadcast %and3A_326 : i32 to vector<16xi32>
    %and3A_328 = arith.andi %shift_right_logical3A_325, %and3A_327 : vector<16xi32>
    %add3A_329 = arith.addi %mul3A_322, %and3A_328 : vector<16xi32>
    %swap3A_330 = arith.constant 176 : index
    %swap3A_331 = tpu.vector_load %arg6[%swap3A_330] {strides = array<i32>} : memref<256xi32, #tpu.memory_space<vmem>>, vector<16xi32>,
    tpu.vector_store %arg6[%swap3A_330], %add3A_329 {strides = array<i32>} : memref<256xi32, #tpu.memory_space<vmem>>, vector<16xi32>,
    %and3A_332 = arith.constant 15 : i32
    %and3A_333 = vector.broadcast %and3A_332 : i32 to vector<16xi32>
    %and3A_334 = arith.andi %min3A_316, %and3A_333 : vector<16xi32>
    %swap3A_335 = arith.constant 176 : index
    %swap3A_336 = tpu.vector_load %arg7[%swap3A_335] {strides = array<i32>} : memref<256xi32, #tpu.memory_space<vmem>>, vector<16xi32>,
    tpu.vector_store %arg7[%swap3A_335], %and3A_334 {strides = array<i32>} : memref<256xi32, #tpu.memory_space<vmem>>, vector<16xi32>,
    %get3A_337 = arith.constant 192 : index
    %get3A_338 = tpu.vector_load %arg5[%get3A_337] {strides = array<i32>} : memref<256xi32, #tpu.memory_space<vmem>>, vector<16xi32>,
    %max3A_339 = arith.constant 0 : i32
    %max3A_340 = vector.broadcast %max3A_339 : i32 to vector<16xi32>
    %max3A_341 = arith.maxsi %get3A_338, %max3A_340 : vector<16xi32>
    %min3A_342 = arith.constant 65535 : i32
    %min3A_343 = vector.broadcast %min3A_342 : i32 to vector<16xi32>
    %min3A_344 = arith.minsi %max3A_341, %min3A_343 : vector<16xi32>
    %shift_right_logical3A_345 = arith.constant 7 : i32
    %shift_right_logical3A_346 = vector.broadcast %shift_right_logical3A_345 : i32 to vector<16xi32>
    %shift_right_logical3A_347 = arith.shrui %min3A_344, %shift_right_logical3A_346 : vector<16xi32>
    %mul3A_348 = arith.constant 64 : i32
    %mul3A_349 = vector.broadcast %mul3A_348 : i32 to vector<16xi32>
    %mul3A_350 = arith.muli %shift_right_logical3A_347, %mul3A_349 : vector<16xi32>
    %shift_right_logical3A_351 = arith.constant 4 : i32
    %shift_right_logical3A_352 = vector.broadcast %shift_right_logical3A_351 : i32 to vector<16xi32>
    %shift_right_logical3A_353 = arith.shrui %min3A_344, %shift_right_logical3A_352 : vector<16xi32>
    %and3A_354 = arith.constant 7 : i32
    %and3A_355 = vector.broadcast %and3A_354 : i32 to vector<16xi32>
    %and3A_356 = arith.andi %shift_right_logical3A_353, %and3A_355 : vector<16xi32>
    %add3A_357 = arith.addi %mul3A_350, %and3A_356 : vector<16xi32>
    %swap3A_358 = arith.constant 192 : index
    %swap3A_359 = tpu.vector_load %arg6[%swap3A_358] {strides = array<i32>} : memref<256xi32, #tpu.memory_space<vmem>>, vector<16xi32>,
    tpu.vector_store %arg6[%swap3A_358], %add3A_357 {strides = array<i32>} : memref<256xi32, #tpu.memory_space<vmem>>, vector<16xi32>,
    %and3A_360 = arith.constant 15 : i32
    %and3A_361 = vector.broadcast %and3A_360 : i32 to vector<16xi32>
    %and3A_362 = arith.andi %min3A_344, %and3A_361 : vector<16xi32>
    %swap3A_363 = arith.constant 192 : index
    %swap3A_364 = tpu.vector_load %arg7[%swap3A_363] {strides = array<i32>} : memref<256xi32, #tpu.memory_space<vmem>>, vector<16xi32>,
    tpu.vector_store %arg7[%swap3A_363], %and3A_362 {strides = array<i32>} : memref<256xi32, #tpu.memory_space<vmem>>, vector<16xi32>,
    %get3A_365 = arith.constant 208 : index
    %get3A_366 = tpu.vector_load %arg5[%get3A_365] {strides = array<i32>} : memref<256xi32, #tpu.memory_space<vmem>>, vector<16xi32>,
    %max3A_367 = arith.constant 0 : i32
    %max3A_368 = vector.broadcast %max3A_367 : i32 to vector<16xi32>
    %max3A_369 = arith.maxsi %get3A_366, %max3A_368 : vector<16xi32>
    %min3A_370 = arith.constant 65535 : i32
    %min3A_371 = vector.broadcast %min3A_370 : i32 to vector<16xi32>
    %min3A_372 = arith.minsi %max3A_369, %min3A_371 : vector<16xi32>
    %shift_right_logical3A_373 = arith.constant 7 : i32
    %shift_right_logical3A_374 = vector.broadcast %shift_right_logical3A_373 : i32 to vector<16xi32>
    %shift_right_logical3A_375 = arith.shrui %min3A_372, %shift_right_logical3A_374 : vector<16xi32>
    %mul3A_376 = arith.constant 64 : i32
    %mul3A_377 = vector.broadcast %mul3A_376 : i32 to vector<16xi32>
    %mul3A_378 = arith.muli %shift_right_logical3A_375, %mul3A_377 : vector<16xi32>
    %shift_right_logical3A_379 = arith.constant 4 : i32
    %shift_right_logical3A_380 = vector.broadcast %shift_right_logical3A_379 : i32 to vector<16xi32>
    %shift_right_logical3A_381 = arith.shrui %min3A_372, %shift_right_logical3A_380 : vector<16xi32>
    %and3A_382 = arith.constant 7 : i32
    %and3A_383 = vector.broadcast %and3A_382 : i32 to vector<16xi32>
    %and3A_384 = arith.andi %shift_right_logical3A_381, %and3A_383 : vector<16xi32>
    %add3A_385 = arith.addi %mul3A_378, %and3A_384 : vector<16xi32>
    %swap3A_386 = arith.constant 208 : index
    %swap3A_387 = tpu.vector_load %arg6[%swap3A_386] {strides = array<i32>} : memref<256xi32, #tpu.memory_space<vmem>>, vector<16xi32>,
    tpu.vector_store %arg6[%swap3A_386], %add3A_385 {strides = array<i32>} : memref<256xi32, #tpu.memory_space<vmem>>, vector<16xi32>,
    %and3A_388 = arith.constant 15 : i32
    %and3A_389 = vector.broadcast %and3A_388 : i32 to vector<16xi32>
    %and3A_390 = arith.andi %min3A_372, %and3A_389 : vector<16xi32>
    %swap3A_391 = arith.constant 208 : index
    %swap3A_392 = tpu.vector_load %arg7[%swap3A_391] {strides = array<i32>} : memref<256xi32, #tpu.memory_space<vmem>>, vector<16xi32>,
    tpu.vector_store %arg7[%swap3A_391], %and3A_390 {strides = array<i32>} : memref<256xi32, #tpu.memory_space<vmem>>, vector<16xi32>,
    %get3A_393 = arith.constant 224 : index
    %get3A_394 = tpu.vector_load %arg5[%get3A_393] {strides = array<i32>} : memref<256xi32, #tpu.memory_space<vmem>>, vector<16xi32>,
    %max3A_395 = arith.constant 0 : i32
    %max3A_396 = vector.broadcast %max3A_395 : i32 to vector<16xi32>
    %max3A_397 = arith.maxsi %get3A_394, %max3A_396 : vector<16xi32>
    %min3A_398 = arith.constant 65535 : i32
    %min3A_399 = vector.broadcast %min3A_398 : i32 to vector<16xi32>
    %min3A_400 = arith.minsi %max3A_397, %min3A_399 : vector<16xi32>
    %shift_right_logical3A_401 = arith.constant 7 : i32
    %shift_right_logical3A_402 = vector.broadcast %shift_right_logical3A_401 : i32 to vector<16xi32>
    %shift_right_logical3A_403 = arith.shrui %min3A_400, %shift_right_logical3A_402 : vector<16xi32>
    %mul3A_404 = arith.constant 64 : i32
    %mul3A_405 = vector.broadcast %mul3A_404 : i32 to vector<16xi32>
    %mul3A_406 = arith.muli %shift_right_logical3A_403, %mul3A_405 : vector<16xi32>
    %shift_right_logical3A_407 = arith.constant 4 : i32
    %shift_right_logical3A_408 = vector.broadcast %shift_right_logical3A_407 : i32 to vector<16xi32>
    %shift_right_logical3A_409 = arith.shrui %min3A_400, %shift_right_logical3A_408 : vector<16xi32>
    %and3A_410 = arith.constant 7 : i32
    %and3A_411 = vector.broadcast %and3A_410 : i32 to vector<16xi32>
    %and3A_412 = arith.andi %shift_right_logical3A_409, %and3A_411 : vector<16xi32>
    %add3A_413 = arith.addi %mul3A_406, %and3A_412 : vector<16xi32>
    %swap3A_414 = arith.constant 224 : index
    %swap3A_415 = tpu.vector_load %arg6[%swap3A_414] {strides = array<i32>} : memref<256xi32, #tpu.memory_space<vmem>>, vector<16xi32>,
    tpu.vector_store %arg6[%swap3A_414], %add3A_413 {strides = array<i32>} : memref<256xi32, #tpu.memory_space<vmem>>, vector<16xi32>,
    %and3A_416 = arith.constant 15 : i32
    %and3A_417 = vector.broadcast %and3A_416 : i32 to vector<16xi32>
    %and3A_418 = arith.andi %min3A_400, %and3A_417 : vector<16xi32>
    %swap3A_419 = arith.constant 224 : index
    %swap3A_420 = tpu.vector_load %arg7[%swap3A_419] {strides = array<i32>} : memref<256xi32, #tpu.memory_space<vmem>>, vector<16xi32>,
    tpu.vector_store %arg7[%swap3A_419], %and3A_418 {strides = array<i32>} : memref<256xi32, #tpu.memory_space<vmem>>, vector<16xi32>,
    %get3A_421 = arith.constant 240 : index
    %get3A_422 = tpu.vector_load %arg5[%get3A_421] {strides = array<i32>} : memref<256xi32, #tpu.memory_space<vmem>>, vector<16xi32>,
    %max3A_423 = arith.constant 0 : i32
    %max3A_424 = vector.broadcast %max3A_423 : i32 to vector<16xi32>
    %max3A_425 = arith.maxsi %get3A_422, %max3A_424 : vector<16xi32>
    %min3A_426 = arith.constant 65535 : i32
    %min3A_427 = vector.broadcast %min3A_426 : i32 to vector<16xi32>
    %min3A_428 = arith.minsi %max3A_425, %min3A_427 : vector<16xi32>
    %shift_right_logical3A_429 = arith.constant 7 : i32
    %shift_right_logical3A_430 = vector.broadcast %shift_right_logical3A_429 : i32 to vector<16xi32>
    %shift_right_logical3A_431 = arith.shrui %min3A_428, %shift_right_logical3A_430 : vector<16xi32>
    %mul3A_432 = arith.constant 64 : i32
    %mul3A_433 = vector.broadcast %mul3A_432 : i32 to vector<16xi32>
    %mul3A_434 = arith.muli %shift_right_logical3A_431, %mul3A_433 : vector<16xi32>
    %shift_right_logical3A_435 = arith.constant 4 : i32
    %shift_right_logical3A_436 = vector.broadcast %shift_right_logical3A_435 : i32 to vector<16xi32>
    %shift_right_logical3A_437 = arith.shrui %min3A_428, %shift_right_logical3A_436 : vector<16xi32>
    %and3A_438 = arith.constant 7 : i32
    %and3A_439 = vector.broadcast %and3A_438 : i32 to vector<16xi32>
    %and3A_440 = arith.andi %shift_right_logical3A_437, %and3A_439 : vector<16xi32>
    %add3A_441 = arith.addi %mul3A_434, %and3A_440 : vector<16xi32>
    %swap3A_442 = arith.constant 240 : index
    %swap3A_443 = tpu.vector_load %arg6[%swap3A_442] {strides = array<i32>} : memref<256xi32, #tpu.memory_space<vmem>>, vector<16xi32>,
    tpu.vector_store %arg6[%swap3A_442], %add3A_441 {strides = array<i32>} : memref<256xi32, #tpu.memory_space<vmem>>, vector<16xi32>,
    %and3A_444 = arith.constant 15 : i32
    %and3A_445 = vector.broadcast %and3A_444 : i32 to vector<16xi32>
    %and3A_446 = arith.andi %min3A_428, %and3A_445 : vector<16xi32>
    %swap3A_447 = arith.constant 240 : index
    %swap3A_448 = tpu.vector_load %arg7[%swap3A_447] {strides = array<i32>} : memref<256xi32, #tpu.memory_space<vmem>>, vector<16xi32>,
    tpu.vector_store %arg7[%swap3A_447], %and3A_446 {strides = array<i32>} : memref<256xi32, #tpu.memory_space<vmem>>, vector<16xi32>,
    %add3A_449 = arith.constant 0 : i32
    %add3A_450 = vector.broadcast %add3A_449 : i32 to vector<16xi32>
    %add3A_451 = arith.addi %iota3A, %add3A_450 : vector<16xi32>
    %mul3A_452 = arith.constant 8 : i32
    %mul3A_453 = arith.muli %shift_right_logical3A_1, %mul3A_452 : i32
    %add3A_454 = arith.addi %mul3A_453, %mul3A_4 : i32
    %shift_right_logical3A_455 = arith.constant 3 : i32
    %shift_right_logical3A_456 = vector.broadcast %shift_right_logical3A_455 : i32 to vector<16xi32>
    %shift_right_logical3A_457 = arith.shrui %add3A_451, %shift_right_logical3A_456 : vector<16xi32>
    %add3A_458 = vector.broadcast %add3A_454 : i32 to vector<16xi32>
    %add3A_459 = arith.addi %add3A_458, %shift_right_logical3A_457 : vector<16xi32>
    %mul3A_460 = arith.constant 32768 : i32
    %mul3A_461 = vector.broadcast %mul3A_460 : i32 to vector<16xi32>
    %mul3A_462 = arith.muli %add3A_459, %mul3A_461 : vector<16xi32>
    %and3A_463 = arith.constant 7 : i32
    %and3A_464 = vector.broadcast %and3A_463 : i32 to vector<16xi32>
    %and3A_465 = arith.andi %add3A_451, %and3A_464 : vector<16xi32>
    %mul3A_466 = arith.constant 8 : i32
    %mul3A_467 = vector.broadcast %mul3A_466 : i32 to vector<16xi32>
    %mul3A_468 = arith.muli %and3A_465, %mul3A_467 : vector<16xi32>
    %add3A_469 = arith.addi %mul3A_462, %mul3A_468 : vector<16xi32>
    %swap3A_470 = arith.constant 0 : index
    %swap3A_471 = tpu.vector_load %arg8[%swap3A_470] {strides = array<i32>} : memref<32xi32, #tpu.memory_space<vmem>>, vector<16xi32>,
    tpu.vector_store %arg8[%swap3A_470], %add3A_469 {strides = array<i32>} : memref<32xi32, #tpu.memory_space<vmem>>, vector<16xi32>,
    %add3A_472 = arith.constant 16 : i32
    %add3A_473 = vector.broadcast %add3A_472 : i32 to vector<16xi32>
    %add3A_474 = arith.addi %iota3A, %add3A_473 : vector<16xi32>
    %mul3A_475 = arith.constant 8 : i32
    %mul3A_476 = arith.muli %shift_right_logical3A_1, %mul3A_475 : i32
    %add3A_477 = arith.addi %mul3A_476, %mul3A_4 : i32
    %shift_right_logical3A_478 = arith.constant 3 : i32
    %shift_right_logical3A_479 = vector.broadcast %shift_right_logical3A_478 : i32 to vector<16xi32>
    %shift_right_logical3A_480 = arith.shrui %add3A_474, %shift_right_logical3A_479 : vector<16xi32>
    %add3A_481 = vector.broadcast %add3A_477 : i32 to vector<16xi32>
    %add3A_482 = arith.addi %add3A_481, %shift_right_logical3A_480 : vector<16xi32>
    %mul3A_483 = arith.constant 32768 : i32
    %mul3A_484 = vector.broadcast %mul3A_483 : i32 to vector<16xi32>
    %mul3A_485 = arith.muli %add3A_482, %mul3A_484 : vector<16xi32>
    %and3A_486 = arith.constant 7 : i32
    %and3A_487 = vector.broadcast %and3A_486 : i32 to vector<16xi32>
    %and3A_488 = arith.andi %add3A_474, %and3A_487 : vector<16xi32>
    %mul3A_489 = arith.constant 8 : i32
    %mul3A_490 = vector.broadcast %mul3A_489 : i32 to vector<16xi32>
    %mul3A_491 = arith.muli %and3A_488, %mul3A_490 : vector<16xi32>
    %add3A_492 = arith.addi %mul3A_485, %mul3A_491 : vector<16xi32>
    %swap3A_493 = arith.constant 16 : index
    %swap3A_494 = tpu.vector_load %arg8[%swap3A_493] {strides = array<i32>} : memref<32xi32, #tpu.memory_space<vmem>>, vector<16xi32>,
    tpu.vector_store %arg8[%swap3A_493], %add3A_492 {strides = array<i32>} : memref<32xi32, #tpu.memory_space<vmem>>, vector<16xi32>,
    %scan3A = arith.constant 0 : i32
    %scan3A_495 = arith.constant 0 : i32
    %scan3A_496 = arith.constant 16 : i32
    %scan3A_497 = arith.addi %scan3A_495, %scan3A_496 : i32
    %scan3A_498 = arith.constant 1 : i32
    scf.for %scan3A_908 = %scan3A_495 to %scan3A_497 step %scan3A_498  : i32 {
      %broadcast_in_dim3A = arith.constant 0 : i32
      %broadcast_in_dim3A_909 = vector.broadcast %broadcast_in_dim3A : i32 to vector<16xi32>
      %mul3A_910 = arith.constant 16 : i32
      %mul3A_911 = arith.muli %scan3A_908, %mul3A_910 : i32
      %add3A_912 = vector.broadcast %mul3A_911 : i32 to vector<16xi32>
      %add3A_913 = arith.addi %broadcast_in_dim3A_909, %add3A_912 : vector<16xi32>
      %gather3A = tpu.vector_load_idx %arg6[%add3A_913] : memref<256xi32, #tpu.memory_space<vmem>>[vector<16xi32>], vector<16xi32>,
      %get3A_914 = arith.constant 0 : index
      %get3A_915 = tpu.vector_load %arg8[%get3A_914] {strides = array<i32>} : memref<32xi32, #tpu.memory_space<vmem>>, vector<16xi32>,
      %add3A_916 = arith.addi %get3A_915, %gather3A : vector<16xi32>
      %swap3A_917 = arith.index_cast %scan3A_908 : i32 to index
      %swap3A_918 = arith.constant 0 : index
      %swap3A_919 = tpu.vector_load %arg9[%swap3A_917, %swap3A_918] {strides = array<i32>} : memref<16x512xi32, #tpu.memory_space<vmem>>, vector<16xi32>,
      tpu.vector_store %arg9[%swap3A_917, %swap3A_918], %add3A_916 {strides = array<i32>} : memref<16x512xi32, #tpu.memory_space<vmem>>, vector<16xi32>,
      %broadcast_in_dim3A_920 = arith.constant 0 : i32
      %broadcast_in_dim3A_921 = vector.broadcast %broadcast_in_dim3A_920 : i32 to vector<16xi32>
      %mul3A_922 = arith.constant 16 : i32
      %mul3A_923 = arith.muli %scan3A_908, %mul3A_922 : i32
      %add3A_924 = vector.broadcast %mul3A_923 : i32 to vector<16xi32>
      %add3A_925 = arith.addi %broadcast_in_dim3A_921, %add3A_924 : vector<16xi32>
      %gather3A_926 = tpu.vector_load_idx %arg6[%add3A_925] : memref<256xi32, #tpu.memory_space<vmem>>[vector<16xi32>], vector<16xi32>,
      %get3A_927 = arith.constant 16 : index
      %get3A_928 = tpu.vector_load %arg8[%get3A_927] {strides = array<i32>} : memref<32xi32, #tpu.memory_space<vmem>>, vector<16xi32>,
      %add3A_929 = arith.addi %get3A_928, %gather3A_926 : vector<16xi32>
      %swap3A_930 = arith.index_cast %scan3A_908 : i32 to index
      %swap3A_931 = arith.constant 16 : index
      %swap3A_932 = tpu.vector_load %arg9[%swap3A_930, %swap3A_931] {strides = array<i32>} : memref<16x512xi32, #tpu.memory_space<vmem>>, vector<16xi32>,
      tpu.vector_store %arg9[%swap3A_930, %swap3A_931], %add3A_929 {strides = array<i32>} : memref<16x512xi32, #tpu.memory_space<vmem>>, vector<16xi32>,
      %broadcast_in_dim3A_933 = arith.constant 1 : i32
      %broadcast_in_dim3A_934 = vector.broadcast %broadcast_in_dim3A_933 : i32 to vector<16xi32>
      %mul3A_935 = arith.constant 16 : i32
      %mul3A_936 = arith.muli %scan3A_908, %mul3A_935 : i32
      %add3A_937 = vector.broadcast %mul3A_936 : i32 to vector<16xi32>
      %add3A_938 = arith.addi %broadcast_in_dim3A_934, %add3A_937 : vector<16xi32>
      %gather3A_939 = tpu.vector_load_idx %arg6[%add3A_938] : memref<256xi32, #tpu.memory_space<vmem>>[vector<16xi32>], vector<16xi32>,
      %get3A_940 = arith.constant 0 : index
      %get3A_941 = tpu.vector_load %arg8[%get3A_940] {strides = array<i32>} : memref<32xi32, #tpu.memory_space<vmem>>, vector<16xi32>,
      %add3A_942 = arith.addi %get3A_941, %gather3A_939 : vector<16xi32>
      %swap3A_943 = arith.index_cast %scan3A_908 : i32 to index
      %swap3A_944 = arith.constant 32 : index
      %swap3A_945 = tpu.vector_load %arg9[%swap3A_943, %swap3A_944] {strides = array<i32>} : memref<16x512xi32, #tpu.memory_space<vmem>>, vector<16xi32>,
      tpu.vector_store %arg9[%swap3A_943, %swap3A_944], %add3A_942 {strides = array<i32>} : memref<16x512xi32, #tpu.memory_space<vmem>>, vector<16xi32>,
      %broadcast_in_dim3A_946 = arith.constant 1 : i32
      %broadcast_in_dim3A_947 = vector.broadcast %broadcast_in_dim3A_946 : i32 to vector<16xi32>
      %mul3A_948 = arith.constant 16 : i32
      %mul3A_949 = arith.muli %scan3A_908, %mul3A_948 : i32
      %add3A_950 = vector.broadcast %mul3A_949 : i32 to vector<16xi32>
      %add3A_951 = arith.addi %broadcast_in_dim3A_947, %add3A_950 : vector<16xi32>
      %gather3A_952 = tpu.vector_load_idx %arg6[%add3A_951] : memref<256xi32, #tpu.memory_space<vmem>>[vector<16xi32>], vector<16xi32>,
      %get3A_953 = arith.constant 16 : index
      %get3A_954 = tpu.vector_load %arg8[%get3A_953] {strides = array<i32>} : memref<32xi32, #tpu.memory_space<vmem>>, vector<16xi32>,
      %add3A_955 = arith.addi %get3A_954, %gather3A_952 : vector<16xi32>
      %swap3A_956 = arith.index_cast %scan3A_908 : i32 to index
      %swap3A_957 = arith.constant 48 : index
      %swap3A_958 = tpu.vector_load %arg9[%swap3A_956, %swap3A_957] {strides = array<i32>} : memref<16x512xi32, #tpu.memory_space<vmem>>, vector<16xi32>,
      tpu.vector_store %arg9[%swap3A_956, %swap3A_957], %add3A_955 {strides = array<i32>} : memref<16x512xi32, #tpu.memory_space<vmem>>, vector<16xi32>,
      %broadcast_in_dim3A_959 = arith.constant 2 : i32
      %broadcast_in_dim3A_960 = vector.broadcast %broadcast_in_dim3A_959 : i32 to vector<16xi32>
      %mul3A_961 = arith.constant 16 : i32
      %mul3A_962 = arith.muli %scan3A_908, %mul3A_961 : i32
      %add3A_963 = vector.broadcast %mul3A_962 : i32 to vector<16xi32>
      %add3A_964 = arith.addi %broadcast_in_dim3A_960, %add3A_963 : vector<16xi32>
      %gather3A_965 = tpu.vector_load_idx %arg6[%add3A_964] : memref<256xi32, #tpu.memory_space<vmem>>[vector<16xi32>], vector<16xi32>,
      %get3A_966 = arith.constant 0 : index
      %get3A_967 = tpu.vector_load %arg8[%get3A_966] {strides = array<i32>} : memref<32xi32, #tpu.memory_space<vmem>>, vector<16xi32>,
      %add3A_968 = arith.addi %get3A_967, %gather3A_965 : vector<16xi32>
      %swap3A_969 = arith.index_cast %scan3A_908 : i32 to index
      %swap3A_970 = arith.constant 64 : index
      %swap3A_971 = tpu.vector_load %arg9[%swap3A_969, %swap3A_970] {strides = array<i32>} : memref<16x512xi32, #tpu.memory_space<vmem>>, vector<16xi32>,
      tpu.vector_store %arg9[%swap3A_969, %swap3A_970], %add3A_968 {strides = array<i32>} : memref<16x512xi32, #tpu.memory_space<vmem>>, vector<16xi32>,
      %broadcast_in_dim3A_972 = arith.constant 2 : i32
      %broadcast_in_dim3A_973 = vector.broadcast %broadcast_in_dim3A_972 : i32 to vector<16xi32>
      %mul3A_974 = arith.constant 16 : i32
      %mul3A_975 = arith.muli %scan3A_908, %mul3A_974 : i32
      %add3A_976 = vector.broadcast %mul3A_975 : i32 to vector<16xi32>
      %add3A_977 = arith.addi %broadcast_in_dim3A_973, %add3A_976 : vector<16xi32>
      %gather3A_978 = tpu.vector_load_idx %arg6[%add3A_977] : memref<256xi32, #tpu.memory_space<vmem>>[vector<16xi32>], vector<16xi32>,
      %get3A_979 = arith.constant 16 : index
      %get3A_980 = tpu.vector_load %arg8[%get3A_979] {strides = array<i32>} : memref<32xi32, #tpu.memory_space<vmem>>, vector<16xi32>,
      %add3A_981 = arith.addi %get3A_980, %gather3A_978 : vector<16xi32>
      %swap3A_982 = arith.index_cast %scan3A_908 : i32 to index
      %swap3A_983 = arith.constant 80 : index
      %swap3A_984 = tpu.vector_load %arg9[%swap3A_982, %swap3A_983] {strides = array<i32>} : memref<16x512xi32, #tpu.memory_space<vmem>>, vector<16xi32>,
      tpu.vector_store %arg9[%swap3A_982, %swap3A_983], %add3A_981 {strides = array<i32>} : memref<16x512xi32, #tpu.memory_space<vmem>>, vector<16xi32>,
      %broadcast_in_dim3A_985 = arith.constant 3 : i32
      %broadcast_in_dim3A_986 = vector.broadcast %broadcast_in_dim3A_985 : i32 to vector<16xi32>
      %mul3A_987 = arith.constant 16 : i32
      %mul3A_988 = arith.muli %scan3A_908, %mul3A_987 : i32
      %add3A_989 = vector.broadcast %mul3A_988 : i32 to vector<16xi32>
      %add3A_990 = arith.addi %broadcast_in_dim3A_986, %add3A_989 : vector<16xi32>
      %gather3A_991 = tpu.vector_load_idx %arg6[%add3A_990] : memref<256xi32, #tpu.memory_space<vmem>>[vector<16xi32>], vector<16xi32>,
      %get3A_992 = arith.constant 0 : index
      %get3A_993 = tpu.vector_load %arg8[%get3A_992] {strides = array<i32>} : memref<32xi32, #tpu.memory_space<vmem>>, vector<16xi32>,
      %add3A_994 = arith.addi %get3A_993, %gather3A_991 : vector<16xi32>
      %swap3A_995 = arith.index_cast %scan3A_908 : i32 to index
      %swap3A_996 = arith.constant 96 : index
      %swap3A_997 = tpu.vector_load %arg9[%swap3A_995, %swap3A_996] {strides = array<i32>} : memref<16x512xi32, #tpu.memory_space<vmem>>, vector<16xi32>,
      tpu.vector_store %arg9[%swap3A_995, %swap3A_996], %add3A_994 {strides = array<i32>} : memref<16x512xi32, #tpu.memory_space<vmem>>, vector<16xi32>,
      %broadcast_in_dim3A_998 = arith.constant 3 : i32
      %broadcast_in_dim3A_999 = vector.broadcast %broadcast_in_dim3A_998 : i32 to vector<16xi32>
      %mul3A_1000 = arith.constant 16 : i32
      %mul3A_1001 = arith.muli %scan3A_908, %mul3A_1000 : i32
      %add3A_1002 = vector.broadcast %mul3A_1001 : i32 to vector<16xi32>
      %add3A_1003 = arith.addi %broadcast_in_dim3A_999, %add3A_1002 : vector<16xi32>
      %gather3A_1004 = tpu.vector_load_idx %arg6[%add3A_1003] : memref<256xi32, #tpu.memory_space<vmem>>[vector<16xi32>], vector<16xi32>,
      %get3A_1005 = arith.constant 16 : index
      %get3A_1006 = tpu.vector_load %arg8[%get3A_1005] {strides = array<i32>} : memref<32xi32, #tpu.memory_space<vmem>>, vector<16xi32>,
      %add3A_1007 = arith.addi %get3A_1006, %gather3A_1004 : vector<16xi32>
      %swap3A_1008 = arith.index_cast %scan3A_908 : i32 to index
      %swap3A_1009 = arith.constant 112 : index
      %swap3A_1010 = tpu.vector_load %arg9[%swap3A_1008, %swap3A_1009] {strides = array<i32>} : memref<16x512xi32, #tpu.memory_space<vmem>>, vector<16xi32>,
      tpu.vector_store %arg9[%swap3A_1008, %swap3A_1009], %add3A_1007 {strides = array<i32>} : memref<16x512xi32, #tpu.memory_space<vmem>>, vector<16xi32>,
      %broadcast_in_dim3A_1011 = arith.constant 4 : i32
      %broadcast_in_dim3A_1012 = vector.broadcast %broadcast_in_dim3A_1011 : i32 to vector<16xi32>
      %mul3A_1013 = arith.constant 16 : i32
      %mul3A_1014 = arith.muli %scan3A_908, %mul3A_1013 : i32
      %add3A_1015 = vector.broadcast %mul3A_1014 : i32 to vector<16xi32>
      %add3A_1016 = arith.addi %broadcast_in_dim3A_1012, %add3A_1015 : vector<16xi32>
      %gather3A_1017 = tpu.vector_load_idx %arg6[%add3A_1016] : memref<256xi32, #tpu.memory_space<vmem>>[vector<16xi32>], vector<16xi32>,
      %get3A_1018 = arith.constant 0 : index
      %get3A_1019 = tpu.vector_load %arg8[%get3A_1018] {strides = array<i32>} : memref<32xi32, #tpu.memory_space<vmem>>, vector<16xi32>,
      %add3A_1020 = arith.addi %get3A_1019, %gather3A_1017 : vector<16xi32>
      %swap3A_1021 = arith.index_cast %scan3A_908 : i32 to index
      %swap3A_1022 = arith.constant 128 : index
      %swap3A_1023 = tpu.vector_load %arg9[%swap3A_1021, %swap3A_1022] {strides = array<i32>} : memref<16x512xi32, #tpu.memory_space<vmem>>, vector<16xi32>,
      tpu.vector_store %arg9[%swap3A_1021, %swap3A_1022], %add3A_1020 {strides = array<i32>} : memref<16x512xi32, #tpu.memory_space<vmem>>, vector<16xi32>,
      %broadcast_in_dim3A_1024 = arith.constant 4 : i32
      %broadcast_in_dim3A_1025 = vector.broadcast %broadcast_in_dim3A_1024 : i32 to vector<16xi32>
      %mul3A_1026 = arith.constant 16 : i32
      %mul3A_1027 = arith.muli %scan3A_908, %mul3A_1026 : i32
      %add3A_1028 = vector.broadcast %mul3A_1027 : i32 to vector<16xi32>
      %add3A_1029 = arith.addi %broadcast_in_dim3A_1025, %add3A_1028 : vector<16xi32>
      %gather3A_1030 = tpu.vector_load_idx %arg6[%add3A_1029] : memref<256xi32, #tpu.memory_space<vmem>>[vector<16xi32>], vector<16xi32>,
      %get3A_1031 = arith.constant 16 : index
      %get3A_1032 = tpu.vector_load %arg8[%get3A_1031] {strides = array<i32>} : memref<32xi32, #tpu.memory_space<vmem>>, vector<16xi32>,
      %add3A_1033 = arith.addi %get3A_1032, %gather3A_1030 : vector<16xi32>
      %swap3A_1034 = arith.index_cast %scan3A_908 : i32 to index
      %swap3A_1035 = arith.constant 144 : index
      %swap3A_1036 = tpu.vector_load %arg9[%swap3A_1034, %swap3A_1035] {strides = array<i32>} : memref<16x512xi32, #tpu.memory_space<vmem>>, vector<16xi32>,
      tpu.vector_store %arg9[%swap3A_1034, %swap3A_1035], %add3A_1033 {strides = array<i32>} : memref<16x512xi32, #tpu.memory_space<vmem>>, vector<16xi32>,
      %broadcast_in_dim3A_1037 = arith.constant 5 : i32
      %broadcast_in_dim3A_1038 = vector.broadcast %broadcast_in_dim3A_1037 : i32 to vector<16xi32>
      %mul3A_1039 = arith.constant 16 : i32
      %mul3A_1040 = arith.muli %scan3A_908, %mul3A_1039 : i32
      %add3A_1041 = vector.broadcast %mul3A_1040 : i32 to vector<16xi32>
      %add3A_1042 = arith.addi %broadcast_in_dim3A_1038, %add3A_1041 : vector<16xi32>
      %gather3A_1043 = tpu.vector_load_idx %arg6[%add3A_1042] : memref<256xi32, #tpu.memory_space<vmem>>[vector<16xi32>], vector<16xi32>,
      %get3A_1044 = arith.constant 0 : index
      %get3A_1045 = tpu.vector_load %arg8[%get3A_1044] {strides = array<i32>} : memref<32xi32, #tpu.memory_space<vmem>>, vector<16xi32>,
      %add3A_1046 = arith.addi %get3A_1045, %gather3A_1043 : vector<16xi32>
      %swap3A_1047 = arith.index_cast %scan3A_908 : i32 to index
      %swap3A_1048 = arith.constant 160 : index
      %swap3A_1049 = tpu.vector_load %arg9[%swap3A_1047, %swap3A_1048] {strides = array<i32>} : memref<16x512xi32, #tpu.memory_space<vmem>>, vector<16xi32>,
      tpu.vector_store %arg9[%swap3A_1047, %swap3A_1048], %add3A_1046 {strides = array<i32>} : memref<16x512xi32, #tpu.memory_space<vmem>>, vector<16xi32>,
      %broadcast_in_dim3A_1050 = arith.constant 5 : i32
      %broadcast_in_dim3A_1051 = vector.broadcast %broadcast_in_dim3A_1050 : i32 to vector<16xi32>
      %mul3A_1052 = arith.constant 16 : i32
      %mul3A_1053 = arith.muli %scan3A_908, %mul3A_1052 : i32
      %add3A_1054 = vector.broadcast %mul3A_1053 : i32 to vector<16xi32>
      %add3A_1055 = arith.addi %broadcast_in_dim3A_1051, %add3A_1054 : vector<16xi32>
      %gather3A_1056 = tpu.vector_load_idx %arg6[%add3A_1055] : memref<256xi32, #tpu.memory_space<vmem>>[vector<16xi32>], vector<16xi32>,
      %get3A_1057 = arith.constant 16 : index
      %get3A_1058 = tpu.vector_load %arg8[%get3A_1057] {strides = array<i32>} : memref<32xi32, #tpu.memory_space<vmem>>, vector<16xi32>,
      %add3A_1059 = arith.addi %get3A_1058, %gather3A_1056 : vector<16xi32>
      %swap3A_1060 = arith.index_cast %scan3A_908 : i32 to index
      %swap3A_1061 = arith.constant 176 : index
      %swap3A_1062 = tpu.vector_load %arg9[%swap3A_1060, %swap3A_1061] {strides = array<i32>} : memref<16x512xi32, #tpu.memory_space<vmem>>, vector<16xi32>,
      tpu.vector_store %arg9[%swap3A_1060, %swap3A_1061], %add3A_1059 {strides = array<i32>} : memref<16x512xi32, #tpu.memory_space<vmem>>, vector<16xi32>,
      %broadcast_in_dim3A_1063 = arith.constant 6 : i32
      %broadcast_in_dim3A_1064 = vector.broadcast %broadcast_in_dim3A_1063 : i32 to vector<16xi32>
      %mul3A_1065 = arith.constant 16 : i32
      %mul3A_1066 = arith.muli %scan3A_908, %mul3A_1065 : i32
      %add3A_1067 = vector.broadcast %mul3A_1066 : i32 to vector<16xi32>
      %add3A_1068 = arith.addi %broadcast_in_dim3A_1064, %add3A_1067 : vector<16xi32>
      %gather3A_1069 = tpu.vector_load_idx %arg6[%add3A_1068] : memref<256xi32, #tpu.memory_space<vmem>>[vector<16xi32>], vector<16xi32>,
      %get3A_1070 = arith.constant 0 : index
      %get3A_1071 = tpu.vector_load %arg8[%get3A_1070] {strides = array<i32>} : memref<32xi32, #tpu.memory_space<vmem>>, vector<16xi32>,
      %add3A_1072 = arith.addi %get3A_1071, %gather3A_1069 : vector<16xi32>
      %swap3A_1073 = arith.index_cast %scan3A_908 : i32 to index
      %swap3A_1074 = arith.constant 192 : index
      %swap3A_1075 = tpu.vector_load %arg9[%swap3A_1073, %swap3A_1074] {strides = array<i32>} : memref<16x512xi32, #tpu.memory_space<vmem>>, vector<16xi32>,
      tpu.vector_store %arg9[%swap3A_1073, %swap3A_1074], %add3A_1072 {strides = array<i32>} : memref<16x512xi32, #tpu.memory_space<vmem>>, vector<16xi32>,
      %broadcast_in_dim3A_1076 = arith.constant 6 : i32
      %broadcast_in_dim3A_1077 = vector.broadcast %broadcast_in_dim3A_1076 : i32 to vector<16xi32>
      %mul3A_1078 = arith.constant 16 : i32
      %mul3A_1079 = arith.muli %scan3A_908, %mul3A_1078 : i32
      %add3A_1080 = vector.broadcast %mul3A_1079 : i32 to vector<16xi32>
      %add3A_1081 = arith.addi %broadcast_in_dim3A_1077, %add3A_1080 : vector<16xi32>
      %gather3A_1082 = tpu.vector_load_idx %arg6[%add3A_1081] : memref<256xi32, #tpu.memory_space<vmem>>[vector<16xi32>], vector<16xi32>,
      %get3A_1083 = arith.constant 16 : index
      %get3A_1084 = tpu.vector_load %arg8[%get3A_1083] {strides = array<i32>} : memref<32xi32, #tpu.memory_space<vmem>>, vector<16xi32>,
      %add3A_1085 = arith.addi %get3A_1084, %gather3A_1082 : vector<16xi32>
      %swap3A_1086 = arith.index_cast %scan3A_908 : i32 to index
      %swap3A_1087 = arith.constant 208 : index
      %swap3A_1088 = tpu.vector_load %arg9[%swap3A_1086, %swap3A_1087] {strides = array<i32>} : memref<16x512xi32, #tpu.memory_space<vmem>>, vector<16xi32>,
      tpu.vector_store %arg9[%swap3A_1086, %swap3A_1087], %add3A_1085 {strides = array<i32>} : memref<16x512xi32, #tpu.memory_space<vmem>>, vector<16xi32>,
      %broadcast_in_dim3A_1089 = arith.constant 7 : i32
      %broadcast_in_dim3A_1090 = vector.broadcast %broadcast_in_dim3A_1089 : i32 to vector<16xi32>
      %mul3A_1091 = arith.constant 16 : i32
      %mul3A_1092 = arith.muli %scan3A_908, %mul3A_1091 : i32
      %add3A_1093 = vector.broadcast %mul3A_1092 : i32 to vector<16xi32>
      %add3A_1094 = arith.addi %broadcast_in_dim3A_1090, %add3A_1093 : vector<16xi32>
      %gather3A_1095 = tpu.vector_load_idx %arg6[%add3A_1094] : memref<256xi32, #tpu.memory_space<vmem>>[vector<16xi32>], vector<16xi32>,
      %get3A_1096 = arith.constant 0 : index
      %get3A_1097 = tpu.vector_load %arg8[%get3A_1096] {strides = array<i32>} : memref<32xi32, #tpu.memory_space<vmem>>, vector<16xi32>,
      %add3A_1098 = arith.addi %get3A_1097, %gather3A_1095 : vector<16xi32>
      %swap3A_1099 = arith.index_cast %scan3A_908 : i32 to index
      %swap3A_1100 = arith.constant 224 : index
      %swap3A_1101 = tpu.vector_load %arg9[%swap3A_1099, %swap3A_1100] {strides = array<i32>} : memref<16x512xi32, #tpu.memory_space<vmem>>, vector<16xi32>,
      tpu.vector_store %arg9[%swap3A_1099, %swap3A_1100], %add3A_1098 {strides = array<i32>} : memref<16x512xi32, #tpu.memory_space<vmem>>, vector<16xi32>,
      %broadcast_in_dim3A_1102 = arith.constant 7 : i32
      %broadcast_in_dim3A_1103 = vector.broadcast %broadcast_in_dim3A_1102 : i32 to vector<16xi32>
      %mul3A_1104 = arith.constant 16 : i32
      %mul3A_1105 = arith.muli %scan3A_908, %mul3A_1104 : i32
      %add3A_1106 = vector.broadcast %mul3A_1105 : i32 to vector<16xi32>
      %add3A_1107 = arith.addi %broadcast_in_dim3A_1103, %add3A_1106 : vector<16xi32>
      %gather3A_1108 = tpu.vector_load_idx %arg6[%add3A_1107] : memref<256xi32, #tpu.memory_space<vmem>>[vector<16xi32>], vector<16xi32>,
      %get3A_1109 = arith.constant 16 : index
      %get3A_1110 = tpu.vector_load %arg8[%get3A_1109] {strides = array<i32>} : memref<32xi32, #tpu.memory_space<vmem>>, vector<16xi32>,
      %add3A_1111 = arith.addi %get3A_1110, %gather3A_1108 : vector<16xi32>
      %swap3A_1112 = arith.index_cast %scan3A_908 : i32 to index
      %swap3A_1113 = arith.constant 240 : index
      %swap3A_1114 = tpu.vector_load %arg9[%swap3A_1112, %swap3A_1113] {strides = array<i32>} : memref<16x512xi32, #tpu.memory_space<vmem>>, vector<16xi32>,
      tpu.vector_store %arg9[%swap3A_1112, %swap3A_1113], %add3A_1111 {strides = array<i32>} : memref<16x512xi32, #tpu.memory_space<vmem>>, vector<16xi32>,
      %broadcast_in_dim3A_1115 = arith.constant 8 : i32
      %broadcast_in_dim3A_1116 = vector.broadcast %broadcast_in_dim3A_1115 : i32 to vector<16xi32>
      %mul3A_1117 = arith.constant 16 : i32
      %mul3A_1118 = arith.muli %scan3A_908, %mul3A_1117 : i32
      %add3A_1119 = vector.broadcast %mul3A_1118 : i32 to vector<16xi32>
      %add3A_1120 = arith.addi %broadcast_in_dim3A_1116, %add3A_1119 : vector<16xi32>
      %gather3A_1121 = tpu.vector_load_idx %arg6[%add3A_1120] : memref<256xi32, #tpu.memory_space<vmem>>[vector<16xi32>], vector<16xi32>,
      %get3A_1122 = arith.constant 0 : index
      %get3A_1123 = tpu.vector_load %arg8[%get3A_1122] {strides = array<i32>} : memref<32xi32, #tpu.memory_space<vmem>>, vector<16xi32>,
      %add3A_1124 = arith.addi %get3A_1123, %gather3A_1121 : vector<16xi32>
      %swap3A_1125 = arith.index_cast %scan3A_908 : i32 to index
      %swap3A_1126 = arith.constant 256 : index
      %swap3A_1127 = tpu.vector_load %arg9[%swap3A_1125, %swap3A_1126] {strides = array<i32>} : memref<16x512xi32, #tpu.memory_space<vmem>>, vector<16xi32>,
      tpu.vector_store %arg9[%swap3A_1125, %swap3A_1126], %add3A_1124 {strides = array<i32>} : memref<16x512xi32, #tpu.memory_space<vmem>>, vector<16xi32>,
      %broadcast_in_dim3A_1128 = arith.constant 8 : i32
      %broadcast_in_dim3A_1129 = vector.broadcast %broadcast_in_dim3A_1128 : i32 to vector<16xi32>
      %mul3A_1130 = arith.constant 16 : i32
      %mul3A_1131 = arith.muli %scan3A_908, %mul3A_1130 : i32
      %add3A_1132 = vector.broadcast %mul3A_1131 : i32 to vector<16xi32>
      %add3A_1133 = arith.addi %broadcast_in_dim3A_1129, %add3A_1132 : vector<16xi32>
      %gather3A_1134 = tpu.vector_load_idx %arg6[%add3A_1133] : memref<256xi32, #tpu.memory_space<vmem>>[vector<16xi32>], vector<16xi32>,
      %get3A_1135 = arith.constant 16 : index
      %get3A_1136 = tpu.vector_load %arg8[%get3A_1135] {strides = array<i32>} : memref<32xi32, #tpu.memory_space<vmem>>, vector<16xi32>,
      %add3A_1137 = arith.addi %get3A_1136, %gather3A_1134 : vector<16xi32>
      %swap3A_1138 = arith.index_cast %scan3A_908 : i32 to index
      %swap3A_1139 = arith.constant 272 : index
      %swap3A_1140 = tpu.vector_load %arg9[%swap3A_1138, %swap3A_1139] {strides = array<i32>} : memref<16x512xi32, #tpu.memory_space<vmem>>, vector<16xi32>,
      tpu.vector_store %arg9[%swap3A_1138, %swap3A_1139], %add3A_1137 {strides = array<i32>} : memref<16x512xi32, #tpu.memory_space<vmem>>, vector<16xi32>,
      %broadcast_in_dim3A_1141 = arith.constant 9 : i32
      %broadcast_in_dim3A_1142 = vector.broadcast %broadcast_in_dim3A_1141 : i32 to vector<16xi32>
      %mul3A_1143 = arith.constant 16 : i32
      %mul3A_1144 = arith.muli %scan3A_908, %mul3A_1143 : i32
      %add3A_1145 = vector.broadcast %mul3A_1144 : i32 to vector<16xi32>
      %add3A_1146 = arith.addi %broadcast_in_dim3A_1142, %add3A_1145 : vector<16xi32>
      %gather3A_1147 = tpu.vector_load_idx %arg6[%add3A_1146] : memref<256xi32, #tpu.memory_space<vmem>>[vector<16xi32>], vector<16xi32>,
      %get3A_1148 = arith.constant 0 : index
      %get3A_1149 = tpu.vector_load %arg8[%get3A_1148] {strides = array<i32>} : memref<32xi32, #tpu.memory_space<vmem>>, vector<16xi32>,
      %add3A_1150 = arith.addi %get3A_1149, %gather3A_1147 : vector<16xi32>
      %swap3A_1151 = arith.index_cast %scan3A_908 : i32 to index
      %swap3A_1152 = arith.constant 288 : index
      %swap3A_1153 = tpu.vector_load %arg9[%swap3A_1151, %swap3A_1152] {strides = array<i32>} : memref<16x512xi32, #tpu.memory_space<vmem>>, vector<16xi32>,
      tpu.vector_store %arg9[%swap3A_1151, %swap3A_1152], %add3A_1150 {strides = array<i32>} : memref<16x512xi32, #tpu.memory_space<vmem>>, vector<16xi32>,
      %broadcast_in_dim3A_1154 = arith.constant 9 : i32
      %broadcast_in_dim3A_1155 = vector.broadcast %broadcast_in_dim3A_1154 : i32 to vector<16xi32>
      %mul3A_1156 = arith.constant 16 : i32
      %mul3A_1157 = arith.muli %scan3A_908, %mul3A_1156 : i32
      %add3A_1158 = vector.broadcast %mul3A_1157 : i32 to vector<16xi32>
      %add3A_1159 = arith.addi %broadcast_in_dim3A_1155, %add3A_1158 : vector<16xi32>
      %gather3A_1160 = tpu.vector_load_idx %arg6[%add3A_1159] : memref<256xi32, #tpu.memory_space<vmem>>[vector<16xi32>], vector<16xi32>,
      %get3A_1161 = arith.constant 16 : index
      %get3A_1162 = tpu.vector_load %arg8[%get3A_1161] {strides = array<i32>} : memref<32xi32, #tpu.memory_space<vmem>>, vector<16xi32>,
      %add3A_1163 = arith.addi %get3A_1162, %gather3A_1160 : vector<16xi32>
      %swap3A_1164 = arith.index_cast %scan3A_908 : i32 to index
      %swap3A_1165 = arith.constant 304 : index
      %swap3A_1166 = tpu.vector_load %arg9[%swap3A_1164, %swap3A_1165] {strides = array<i32>} : memref<16x512xi32, #tpu.memory_space<vmem>>, vector<16xi32>,
      tpu.vector_store %arg9[%swap3A_1164, %swap3A_1165], %add3A_1163 {strides = array<i32>} : memref<16x512xi32, #tpu.memory_space<vmem>>, vector<16xi32>,
      %broadcast_in_dim3A_1167 = arith.constant 10 : i32
      %broadcast_in_dim3A_1168 = vector.broadcast %broadcast_in_dim3A_1167 : i32 to vector<16xi32>
      %mul3A_1169 = arith.constant 16 : i32
      %mul3A_1170 = arith.muli %scan3A_908, %mul3A_1169 : i32
      %add3A_1171 = vector.broadcast %mul3A_1170 : i32 to vector<16xi32>
      %add3A_1172 = arith.addi %broadcast_in_dim3A_1168, %add3A_1171 : vector<16xi32>
      %gather3A_1173 = tpu.vector_load_idx %arg6[%add3A_1172] : memref<256xi32, #tpu.memory_space<vmem>>[vector<16xi32>], vector<16xi32>,
      %get3A_1174 = arith.constant 0 : index
      %get3A_1175 = tpu.vector_load %arg8[%get3A_1174] {strides = array<i32>} : memref<32xi32, #tpu.memory_space<vmem>>, vector<16xi32>,
      %add3A_1176 = arith.addi %get3A_1175, %gather3A_1173 : vector<16xi32>
      %swap3A_1177 = arith.index_cast %scan3A_908 : i32 to index
      %swap3A_1178 = arith.constant 320 : index
      %swap3A_1179 = tpu.vector_load %arg9[%swap3A_1177, %swap3A_1178] {strides = array<i32>} : memref<16x512xi32, #tpu.memory_space<vmem>>, vector<16xi32>,
      tpu.vector_store %arg9[%swap3A_1177, %swap3A_1178], %add3A_1176 {strides = array<i32>} : memref<16x512xi32, #tpu.memory_space<vmem>>, vector<16xi32>,
      %broadcast_in_dim3A_1180 = arith.constant 10 : i32
      %broadcast_in_dim3A_1181 = vector.broadcast %broadcast_in_dim3A_1180 : i32 to vector<16xi32>
      %mul3A_1182 = arith.constant 16 : i32
      %mul3A_1183 = arith.muli %scan3A_908, %mul3A_1182 : i32
      %add3A_1184 = vector.broadcast %mul3A_1183 : i32 to vector<16xi32>
      %add3A_1185 = arith.addi %broadcast_in_dim3A_1181, %add3A_1184 : vector<16xi32>
      %gather3A_1186 = tpu.vector_load_idx %arg6[%add3A_1185] : memref<256xi32, #tpu.memory_space<vmem>>[vector<16xi32>], vector<16xi32>,
      %get3A_1187 = arith.constant 16 : index
      %get3A_1188 = tpu.vector_load %arg8[%get3A_1187] {strides = array<i32>} : memref<32xi32, #tpu.memory_space<vmem>>, vector<16xi32>,
      %add3A_1189 = arith.addi %get3A_1188, %gather3A_1186 : vector<16xi32>
      %swap3A_1190 = arith.index_cast %scan3A_908 : i32 to index
      %swap3A_1191 = arith.constant 336 : index
      %swap3A_1192 = tpu.vector_load %arg9[%swap3A_1190, %swap3A_1191] {strides = array<i32>} : memref<16x512xi32, #tpu.memory_space<vmem>>, vector<16xi32>,
      tpu.vector_store %arg9[%swap3A_1190, %swap3A_1191], %add3A_1189 {strides = array<i32>} : memref<16x512xi32, #tpu.memory_space<vmem>>, vector<16xi32>,
      %broadcast_in_dim3A_1193 = arith.constant 11 : i32
      %broadcast_in_dim3A_1194 = vector.broadcast %broadcast_in_dim3A_1193 : i32 to vector<16xi32>
      %mul3A_1195 = arith.constant 16 : i32
      %mul3A_1196 = arith.muli %scan3A_908, %mul3A_1195 : i32
      %add3A_1197 = vector.broadcast %mul3A_1196 : i32 to vector<16xi32>
      %add3A_1198 = arith.addi %broadcast_in_dim3A_1194, %add3A_1197 : vector<16xi32>
      %gather3A_1199 = tpu.vector_load_idx %arg6[%add3A_1198] : memref<256xi32, #tpu.memory_space<vmem>>[vector<16xi32>], vector<16xi32>,
      %get3A_1200 = arith.constant 0 : index
      %get3A_1201 = tpu.vector_load %arg8[%get3A_1200] {strides = array<i32>} : memref<32xi32, #tpu.memory_space<vmem>>, vector<16xi32>,
      %add3A_1202 = arith.addi %get3A_1201, %gather3A_1199 : vector<16xi32>
      %swap3A_1203 = arith.index_cast %scan3A_908 : i32 to index
      %swap3A_1204 = arith.constant 352 : index
      %swap3A_1205 = tpu.vector_load %arg9[%swap3A_1203, %swap3A_1204] {strides = array<i32>} : memref<16x512xi32, #tpu.memory_space<vmem>>, vector<16xi32>,
      tpu.vector_store %arg9[%swap3A_1203, %swap3A_1204], %add3A_1202 {strides = array<i32>} : memref<16x512xi32, #tpu.memory_space<vmem>>, vector<16xi32>,
      %broadcast_in_dim3A_1206 = arith.constant 11 : i32
      %broadcast_in_dim3A_1207 = vector.broadcast %broadcast_in_dim3A_1206 : i32 to vector<16xi32>
      %mul3A_1208 = arith.constant 16 : i32
      %mul3A_1209 = arith.muli %scan3A_908, %mul3A_1208 : i32
      %add3A_1210 = vector.broadcast %mul3A_1209 : i32 to vector<16xi32>
      %add3A_1211 = arith.addi %broadcast_in_dim3A_1207, %add3A_1210 : vector<16xi32>
      %gather3A_1212 = tpu.vector_load_idx %arg6[%add3A_1211] : memref<256xi32, #tpu.memory_space<vmem>>[vector<16xi32>], vector<16xi32>,
      %get3A_1213 = arith.constant 16 : index
      %get3A_1214 = tpu.vector_load %arg8[%get3A_1213] {strides = array<i32>} : memref<32xi32, #tpu.memory_space<vmem>>, vector<16xi32>,
      %add3A_1215 = arith.addi %get3A_1214, %gather3A_1212 : vector<16xi32>
      %swap3A_1216 = arith.index_cast %scan3A_908 : i32 to index
      %swap3A_1217 = arith.constant 368 : index
      %swap3A_1218 = tpu.vector_load %arg9[%swap3A_1216, %swap3A_1217] {strides = array<i32>} : memref<16x512xi32, #tpu.memory_space<vmem>>, vector<16xi32>,
      tpu.vector_store %arg9[%swap3A_1216, %swap3A_1217], %add3A_1215 {strides = array<i32>} : memref<16x512xi32, #tpu.memory_space<vmem>>, vector<16xi32>,
      %broadcast_in_dim3A_1219 = arith.constant 12 : i32
      %broadcast_in_dim3A_1220 = vector.broadcast %broadcast_in_dim3A_1219 : i32 to vector<16xi32>
      %mul3A_1221 = arith.constant 16 : i32
      %mul3A_1222 = arith.muli %scan3A_908, %mul3A_1221 : i32
      %add3A_1223 = vector.broadcast %mul3A_1222 : i32 to vector<16xi32>
      %add3A_1224 = arith.addi %broadcast_in_dim3A_1220, %add3A_1223 : vector<16xi32>
      %gather3A_1225 = tpu.vector_load_idx %arg6[%add3A_1224] : memref<256xi32, #tpu.memory_space<vmem>>[vector<16xi32>], vector<16xi32>,
      %get3A_1226 = arith.constant 0 : index
      %get3A_1227 = tpu.vector_load %arg8[%get3A_1226] {strides = array<i32>} : memref<32xi32, #tpu.memory_space<vmem>>, vector<16xi32>,
      %add3A_1228 = arith.addi %get3A_1227, %gather3A_1225 : vector<16xi32>
      %swap3A_1229 = arith.index_cast %scan3A_908 : i32 to index
      %swap3A_1230 = arith.constant 384 : index
      %swap3A_1231 = tpu.vector_load %arg9[%swap3A_1229, %swap3A_1230] {strides = array<i32>} : memref<16x512xi32, #tpu.memory_space<vmem>>, vector<16xi32>,
      tpu.vector_store %arg9[%swap3A_1229, %swap3A_1230], %add3A_1228 {strides = array<i32>} : memref<16x512xi32, #tpu.memory_space<vmem>>, vector<16xi32>,
      %broadcast_in_dim3A_1232 = arith.constant 12 : i32
      %broadcast_in_dim3A_1233 = vector.broadcast %broadcast_in_dim3A_1232 : i32 to vector<16xi32>
      %mul3A_1234 = arith.constant 16 : i32
      %mul3A_1235 = arith.muli %scan3A_908, %mul3A_1234 : i32
      %add3A_1236 = vector.broadcast %mul3A_1235 : i32 to vector<16xi32>
      %add3A_1237 = arith.addi %broadcast_in_dim3A_1233, %add3A_1236 : vector<16xi32>
      %gather3A_1238 = tpu.vector_load_idx %arg6[%add3A_1237] : memref<256xi32, #tpu.memory_space<vmem>>[vector<16xi32>], vector<16xi32>,
      %get3A_1239 = arith.constant 16 : index
      %get3A_1240 = tpu.vector_load %arg8[%get3A_1239] {strides = array<i32>} : memref<32xi32, #tpu.memory_space<vmem>>, vector<16xi32>,
      %add3A_1241 = arith.addi %get3A_1240, %gather3A_1238 : vector<16xi32>
      %swap3A_1242 = arith.index_cast %scan3A_908 : i32 to index
      %swap3A_1243 = arith.constant 400 : index
      %swap3A_1244 = tpu.vector_load %arg9[%swap3A_1242, %swap3A_1243] {strides = array<i32>} : memref<16x512xi32, #tpu.memory_space<vmem>>, vector<16xi32>,
      tpu.vector_store %arg9[%swap3A_1242, %swap3A_1243], %add3A_1241 {strides = array<i32>} : memref<16x512xi32, #tpu.memory_space<vmem>>, vector<16xi32>,
      %broadcast_in_dim3A_1245 = arith.constant 13 : i32
      %broadcast_in_dim3A_1246 = vector.broadcast %broadcast_in_dim3A_1245 : i32 to vector<16xi32>
      %mul3A_1247 = arith.constant 16 : i32
      %mul3A_1248 = arith.muli %scan3A_908, %mul3A_1247 : i32
      %add3A_1249 = vector.broadcast %mul3A_1248 : i32 to vector<16xi32>
      %add3A_1250 = arith.addi %broadcast_in_dim3A_1246, %add3A_1249 : vector<16xi32>
      %gather3A_1251 = tpu.vector_load_idx %arg6[%add3A_1250] : memref<256xi32, #tpu.memory_space<vmem>>[vector<16xi32>], vector<16xi32>,
      %get3A_1252 = arith.constant 0 : index
      %get3A_1253 = tpu.vector_load %arg8[%get3A_1252] {strides = array<i32>} : memref<32xi32, #tpu.memory_space<vmem>>, vector<16xi32>,
      %add3A_1254 = arith.addi %get3A_1253, %gather3A_1251 : vector<16xi32>
      %swap3A_1255 = arith.index_cast %scan3A_908 : i32 to index
      %swap3A_1256 = arith.constant 416 : index
      %swap3A_1257 = tpu.vector_load %arg9[%swap3A_1255, %swap3A_1256] {strides = array<i32>} : memref<16x512xi32, #tpu.memory_space<vmem>>, vector<16xi32>,
      tpu.vector_store %arg9[%swap3A_1255, %swap3A_1256], %add3A_1254 {strides = array<i32>} : memref<16x512xi32, #tpu.memory_space<vmem>>, vector<16xi32>,
      %broadcast_in_dim3A_1258 = arith.constant 13 : i32
      %broadcast_in_dim3A_1259 = vector.broadcast %broadcast_in_dim3A_1258 : i32 to vector<16xi32>
      %mul3A_1260 = arith.constant 16 : i32
      %mul3A_1261 = arith.muli %scan3A_908, %mul3A_1260 : i32
      %add3A_1262 = vector.broadcast %mul3A_1261 : i32 to vector<16xi32>
      %add3A_1263 = arith.addi %broadcast_in_dim3A_1259, %add3A_1262 : vector<16xi32>
      %gather3A_1264 = tpu.vector_load_idx %arg6[%add3A_1263] : memref<256xi32, #tpu.memory_space<vmem>>[vector<16xi32>], vector<16xi32>,
      %get3A_1265 = arith.constant 16 : index
      %get3A_1266 = tpu.vector_load %arg8[%get3A_1265] {strides = array<i32>} : memref<32xi32, #tpu.memory_space<vmem>>, vector<16xi32>,
      %add3A_1267 = arith.addi %get3A_1266, %gather3A_1264 : vector<16xi32>
      %swap3A_1268 = arith.index_cast %scan3A_908 : i32 to index
      %swap3A_1269 = arith.constant 432 : index
      %swap3A_1270 = tpu.vector_load %arg9[%swap3A_1268, %swap3A_1269] {strides = array<i32>} : memref<16x512xi32, #tpu.memory_space<vmem>>, vector<16xi32>,
      tpu.vector_store %arg9[%swap3A_1268, %swap3A_1269], %add3A_1267 {strides = array<i32>} : memref<16x512xi32, #tpu.memory_space<vmem>>, vector<16xi32>,
      %broadcast_in_dim3A_1271 = arith.constant 14 : i32
      %broadcast_in_dim3A_1272 = vector.broadcast %broadcast_in_dim3A_1271 : i32 to vector<16xi32>
      %mul3A_1273 = arith.constant 16 : i32
      %mul3A_1274 = arith.muli %scan3A_908, %mul3A_1273 : i32
      %add3A_1275 = vector.broadcast %mul3A_1274 : i32 to vector<16xi32>
      %add3A_1276 = arith.addi %broadcast_in_dim3A_1272, %add3A_1275 : vector<16xi32>
      %gather3A_1277 = tpu.vector_load_idx %arg6[%add3A_1276] : memref<256xi32, #tpu.memory_space<vmem>>[vector<16xi32>], vector<16xi32>,
      %get3A_1278 = arith.constant 0 : index
      %get3A_1279 = tpu.vector_load %arg8[%get3A_1278] {strides = array<i32>} : memref<32xi32, #tpu.memory_space<vmem>>, vector<16xi32>,
      %add3A_1280 = arith.addi %get3A_1279, %gather3A_1277 : vector<16xi32>
      %swap3A_1281 = arith.index_cast %scan3A_908 : i32 to index
      %swap3A_1282 = arith.constant 448 : index
      %swap3A_1283 = tpu.vector_load %arg9[%swap3A_1281, %swap3A_1282] {strides = array<i32>} : memref<16x512xi32, #tpu.memory_space<vmem>>, vector<16xi32>,
      tpu.vector_store %arg9[%swap3A_1281, %swap3A_1282], %add3A_1280 {strides = array<i32>} : memref<16x512xi32, #tpu.memory_space<vmem>>, vector<16xi32>,
      %broadcast_in_dim3A_1284 = arith.constant 14 : i32
      %broadcast_in_dim3A_1285 = vector.broadcast %broadcast_in_dim3A_1284 : i32 to vector<16xi32>
      %mul3A_1286 = arith.constant 16 : i32
      %mul3A_1287 = arith.muli %scan3A_908, %mul3A_1286 : i32
      %add3A_1288 = vector.broadcast %mul3A_1287 : i32 to vector<16xi32>
      %add3A_1289 = arith.addi %broadcast_in_dim3A_1285, %add3A_1288 : vector<16xi32>
      %gather3A_1290 = tpu.vector_load_idx %arg6[%add3A_1289] : memref<256xi32, #tpu.memory_space<vmem>>[vector<16xi32>], vector<16xi32>,
      %get3A_1291 = arith.constant 16 : index
      %get3A_1292 = tpu.vector_load %arg8[%get3A_1291] {strides = array<i32>} : memref<32xi32, #tpu.memory_space<vmem>>, vector<16xi32>,
      %add3A_1293 = arith.addi %get3A_1292, %gather3A_1290 : vector<16xi32>
      %swap3A_1294 = arith.index_cast %scan3A_908 : i32 to index
      %swap3A_1295 = arith.constant 464 : index
      %swap3A_1296 = tpu.vector_load %arg9[%swap3A_1294, %swap3A_1295] {strides = array<i32>} : memref<16x512xi32, #tpu.memory_space<vmem>>, vector<16xi32>,
      tpu.vector_store %arg9[%swap3A_1294, %swap3A_1295], %add3A_1293 {strides = array<i32>} : memref<16x512xi32, #tpu.memory_space<vmem>>, vector<16xi32>,
      %broadcast_in_dim3A_1297 = arith.constant 15 : i32
      %broadcast_in_dim3A_1298 = vector.broadcast %broadcast_in_dim3A_1297 : i32 to vector<16xi32>
      %mul3A_1299 = arith.constant 16 : i32
      %mul3A_1300 = arith.muli %scan3A_908, %mul3A_1299 : i32
      %add3A_1301 = vector.broadcast %mul3A_1300 : i32 to vector<16xi32>
      %add3A_1302 = arith.addi %broadcast_in_dim3A_1298, %add3A_1301 : vector<16xi32>
      %gather3A_1303 = tpu.vector_load_idx %arg6[%add3A_1302] : memref<256xi32, #tpu.memory_space<vmem>>[vector<16xi32>], vector<16xi32>,
      %get3A_1304 = arith.constant 0 : index
      %get3A_1305 = tpu.vector_load %arg8[%get3A_1304] {strides = array<i32>} : memref<32xi32, #tpu.memory_space<vmem>>, vector<16xi32>,
      %add3A_1306 = arith.addi %get3A_1305, %gather3A_1303 : vector<16xi32>
      %swap3A_1307 = arith.index_cast %scan3A_908 : i32 to index
      %swap3A_1308 = arith.constant 480 : index
      %swap3A_1309 = tpu.vector_load %arg9[%swap3A_1307, %swap3A_1308] {strides = array<i32>} : memref<16x512xi32, #tpu.memory_space<vmem>>, vector<16xi32>,
      tpu.vector_store %arg9[%swap3A_1307, %swap3A_1308], %add3A_1306 {strides = array<i32>} : memref<16x512xi32, #tpu.memory_space<vmem>>, vector<16xi32>,
      %broadcast_in_dim3A_1310 = arith.constant 15 : i32
      %broadcast_in_dim3A_1311 = vector.broadcast %broadcast_in_dim3A_1310 : i32 to vector<16xi32>
      %mul3A_1312 = arith.constant 16 : i32
      %mul3A_1313 = arith.muli %scan3A_908, %mul3A_1312 : i32
      %add3A_1314 = vector.broadcast %mul3A_1313 : i32 to vector<16xi32>
      %add3A_1315 = arith.addi %broadcast_in_dim3A_1311, %add3A_1314 : vector<16xi32>
      %gather3A_1316 = tpu.vector_load_idx %arg6[%add3A_1315] : memref<256xi32, #tpu.memory_space<vmem>>[vector<16xi32>], vector<16xi32>,
      %get3A_1317 = arith.constant 16 : index
      %get3A_1318 = tpu.vector_load %arg8[%get3A_1317] {strides = array<i32>} : memref<32xi32, #tpu.memory_space<vmem>>, vector<16xi32>,
      %add3A_1319 = arith.addi %get3A_1318, %gather3A_1316 : vector<16xi32>
      %swap3A_1320 = arith.index_cast %scan3A_908 : i32 to index
      %swap3A_1321 = arith.constant 496 : index
      %swap3A_1322 = tpu.vector_load %arg9[%swap3A_1320, %swap3A_1321] {strides = array<i32>} : memref<16x512xi32, #tpu.memory_space<vmem>>, vector<16xi32>,
      tpu.vector_store %arg9[%swap3A_1320, %swap3A_1321], %add3A_1319 {strides = array<i32>} : memref<16x512xi32, #tpu.memory_space<vmem>>, vector<16xi32>,
    }
    %scan3A_499 = arith.constant 16 : i32
    %dma_start3A = arith.constant 0 : i32
    %dma_start3A_500 = arith.constant 0 : i32
    %dma_start3A_501 = arith.constant 0 : i32
    %dma_start3A_502 = arith.constant 0 : i32
    %dma_start3A_503 = tpu.memref_slice %arg10[%dma_start3A_500, %dma_start3A_501, %dma_start3A_502] : memref<4x512x16xf32, #tpu.memory_space<vmem>> -> memref<1x512x16xf32, #tpu.memory_space<vmem>>
    %dma_start3A_504 = tpu.memref_squeeze %dma_start3A_503 : memref<1x512x16xf32, #tpu.memory_space<vmem>> -> memref<512x16xf32, #tpu.memory_space<vmem>>
    %dma_start3A_505 = arith.constant 0 : i32
    %dma_start3A_506 = tpu.memref_slice %arg9[%dma_start3A, %dma_start3A_505] : memref<16x512xi32, #tpu.memory_space<vmem>> -> memref<1x512xi32, #tpu.memory_space<vmem>>
    %dma_start3A_507 = tpu.memref_squeeze %dma_start3A_506 : memref<1x512xi32, #tpu.memory_space<vmem>> -> memref<512xi32, #tpu.memory_space<vmem>>
    %dma_start3A_508 = arith.constant 0 : i32
    %dma_start3A_509 = arith.constant 0 : i32
    %dma_start3A_510 = tpu.memref_slice %arg2[%dma_start3A_508, %dma_start3A_509] : memref<4194304x16xf32, #tpu.memory_space<hbm>> -> memref<4194304x16xf32, #tpu.memory_space<hbm>>
    tpu.enqueue_indirect_dma source(%dma_start3A_510 : memref<4194304x16xf32, #tpu.memory_space<hbm>>) target(%dma_start3A_504 : memref<512x16xf32, #tpu.memory_space<vmem>>) offsets(%dma_start3A_507 : memref<512xi32, #tpu.memory_space<vmem>>) semaphore(%arg13 : memref<!tpu.dma_semaphore, #tpu.memory_space<semaphore_mem>>)
    %dma_start3A_511 = arith.constant 1 : i32
    %dma_start3A_512 = arith.constant 1 : i32
    %dma_start3A_513 = arith.constant 0 : i32
    %dma_start3A_514 = arith.constant 0 : i32
    %dma_start3A_515 = tpu.memref_slice %arg10[%dma_start3A_512, %dma_start3A_513, %dma_start3A_514] : memref<4x512x16xf32, #tpu.memory_space<vmem>> -> memref<1x512x16xf32, #tpu.memory_space<vmem>>
    %dma_start3A_516 = tpu.memref_squeeze %dma_start3A_515 : memref<1x512x16xf32, #tpu.memory_space<vmem>> -> memref<512x16xf32, #tpu.memory_space<vmem>>
    %dma_start3A_517 = arith.constant 0 : i32
    %dma_start3A_518 = tpu.memref_slice %arg9[%dma_start3A_511, %dma_start3A_517] : memref<16x512xi32, #tpu.memory_space<vmem>> -> memref<1x512xi32, #tpu.memory_space<vmem>>
    %dma_start3A_519 = tpu.memref_squeeze %dma_start3A_518 : memref<1x512xi32, #tpu.memory_space<vmem>> -> memref<512xi32, #tpu.memory_space<vmem>>
    %dma_start3A_520 = arith.constant 0 : i32
    %dma_start3A_521 = arith.constant 0 : i32
    %dma_start3A_522 = tpu.memref_slice %arg2[%dma_start3A_520, %dma_start3A_521] : memref<4194304x16xf32, #tpu.memory_space<hbm>> -> memref<4194304x16xf32, #tpu.memory_space<hbm>>
    tpu.enqueue_indirect_dma source(%dma_start3A_522 : memref<4194304x16xf32, #tpu.memory_space<hbm>>) target(%dma_start3A_516 : memref<512x16xf32, #tpu.memory_space<vmem>>) offsets(%dma_start3A_519 : memref<512xi32, #tpu.memory_space<vmem>>) semaphore(%arg13 : memref<!tpu.dma_semaphore, #tpu.memory_space<semaphore_mem>>)
    %dma_start3A_523 = arith.constant 2 : i32
    %dma_start3A_524 = arith.constant 2 : i32
    %dma_start3A_525 = arith.constant 0 : i32
    %dma_start3A_526 = arith.constant 0 : i32
    %dma_start3A_527 = tpu.memref_slice %arg10[%dma_start3A_524, %dma_start3A_525, %dma_start3A_526] : memref<4x512x16xf32, #tpu.memory_space<vmem>> -> memref<1x512x16xf32, #tpu.memory_space<vmem>>
    %dma_start3A_528 = tpu.memref_squeeze %dma_start3A_527 : memref<1x512x16xf32, #tpu.memory_space<vmem>> -> memref<512x16xf32, #tpu.memory_space<vmem>>
    %dma_start3A_529 = arith.constant 0 : i32
    %dma_start3A_530 = tpu.memref_slice %arg9[%dma_start3A_523, %dma_start3A_529] : memref<16x512xi32, #tpu.memory_space<vmem>> -> memref<1x512xi32, #tpu.memory_space<vmem>>
    %dma_start3A_531 = tpu.memref_squeeze %dma_start3A_530 : memref<1x512xi32, #tpu.memory_space<vmem>> -> memref<512xi32, #tpu.memory_space<vmem>>
    %dma_start3A_532 = arith.constant 0 : i32
    %dma_start3A_533 = arith.constant 0 : i32
    %dma_start3A_534 = tpu.memref_slice %arg2[%dma_start3A_532, %dma_start3A_533] : memref<4194304x16xf32, #tpu.memory_space<hbm>> -> memref<4194304x16xf32, #tpu.memory_space<hbm>>
    tpu.enqueue_indirect_dma source(%dma_start3A_534 : memref<4194304x16xf32, #tpu.memory_space<hbm>>) target(%dma_start3A_528 : memref<512x16xf32, #tpu.memory_space<vmem>>) offsets(%dma_start3A_531 : memref<512xi32, #tpu.memory_space<vmem>>) semaphore(%arg13 : memref<!tpu.dma_semaphore, #tpu.memory_space<semaphore_mem>>)
    %dma_start3A_535 = arith.constant 3 : i32
    %dma_start3A_536 = arith.constant 3 : i32
    %dma_start3A_537 = arith.constant 0 : i32
    %dma_start3A_538 = arith.constant 0 : i32
    %dma_start3A_539 = tpu.memref_slice %arg10[%dma_start3A_536, %dma_start3A_537, %dma_start3A_538] : memref<4x512x16xf32, #tpu.memory_space<vmem>> -> memref<1x512x16xf32, #tpu.memory_space<vmem>>
    %dma_start3A_540 = tpu.memref_squeeze %dma_start3A_539 : memref<1x512x16xf32, #tpu.memory_space<vmem>> -> memref<512x16xf32, #tpu.memory_space<vmem>>
    %dma_start3A_541 = arith.constant 0 : i32
    %dma_start3A_542 = tpu.memref_slice %arg9[%dma_start3A_535, %dma_start3A_541] : memref<16x512xi32, #tpu.memory_space<vmem>> -> memref<1x512xi32, #tpu.memory_space<vmem>>
    %dma_start3A_543 = tpu.memref_squeeze %dma_start3A_542 : memref<1x512xi32, #tpu.memory_space<vmem>> -> memref<512xi32, #tpu.memory_space<vmem>>
    %dma_start3A_544 = arith.constant 0 : i32
    %dma_start3A_545 = arith.constant 0 : i32
    %dma_start3A_546 = tpu.memref_slice %arg2[%dma_start3A_544, %dma_start3A_545] : memref<4194304x16xf32, #tpu.memory_space<hbm>> -> memref<4194304x16xf32, #tpu.memory_space<hbm>>
    tpu.enqueue_indirect_dma source(%dma_start3A_546 : memref<4194304x16xf32, #tpu.memory_space<hbm>>) target(%dma_start3A_540 : memref<512x16xf32, #tpu.memory_space<vmem>>) offsets(%dma_start3A_543 : memref<512xi32, #tpu.memory_space<vmem>>) semaphore(%arg13 : memref<!tpu.dma_semaphore, #tpu.memory_space<semaphore_mem>>)
    %dma_start3A_547 = arith.constant 4 : i32
    %dma_start3A_548 = arith.constant 0 : i32
    %dma_start3A_549 = arith.constant 0 : i32
    %dma_start3A_550 = arith.constant 0 : i32
    %dma_start3A_551 = tpu.memref_slice %arg11[%dma_start3A_548, %dma_start3A_549, %dma_start3A_550] : memref<4x512x16xf32, #tpu.memory_space<vmem>> -> memref<1x512x16xf32, #tpu.memory_space<vmem>>
    %dma_start3A_552 = tpu.memref_squeeze %dma_start3A_551 : memref<1x512x16xf32, #tpu.memory_space<vmem>> -> memref<512x16xf32, #tpu.memory_space<vmem>>
    %dma_start3A_553 = arith.constant 0 : i32
    %dma_start3A_554 = tpu.memref_slice %arg9[%dma_start3A_547, %dma_start3A_553] : memref<16x512xi32, #tpu.memory_space<vmem>> -> memref<1x512xi32, #tpu.memory_space<vmem>>
    %dma_start3A_555 = tpu.memref_squeeze %dma_start3A_554 : memref<1x512xi32, #tpu.memory_space<vmem>> -> memref<512xi32, #tpu.memory_space<vmem>>
    %dma_start3A_556 = arith.constant 0 : i32
    %dma_start3A_557 = arith.constant 0 : i32
    %dma_start3A_558 = tpu.memref_slice %arg2[%dma_start3A_556, %dma_start3A_557] : memref<4194304x16xf32, #tpu.memory_space<hbm>> -> memref<4194304x16xf32, #tpu.memory_space<hbm>>
    tpu.enqueue_indirect_dma source(%dma_start3A_558 : memref<4194304x16xf32, #tpu.memory_space<hbm>>) target(%dma_start3A_552 : memref<512x16xf32, #tpu.memory_space<vmem>>) offsets(%dma_start3A_555 : memref<512xi32, #tpu.memory_space<vmem>>) semaphore(%arg14 : memref<!tpu.dma_semaphore, #tpu.memory_space<semaphore_mem>>)
    %dma_start3A_559 = arith.constant 5 : i32
    %dma_start3A_560 = arith.constant 1 : i32
    %dma_start3A_561 = arith.constant 0 : i32
    %dma_start3A_562 = arith.constant 0 : i32
    %dma_start3A_563 = tpu.memref_slice %arg11[%dma_start3A_560, %dma_start3A_561, %dma_start3A_562] : memref<4x512x16xf32, #tpu.memory_space<vmem>> -> memref<1x512x16xf32, #tpu.memory_space<vmem>>
    %dma_start3A_564 = tpu.memref_squeeze %dma_start3A_563 : memref<1x512x16xf32, #tpu.memory_space<vmem>> -> memref<512x16xf32, #tpu.memory_space<vmem>>
    %dma_start3A_565 = arith.constant 0 : i32
    %dma_start3A_566 = tpu.memref_slice %arg9[%dma_start3A_559, %dma_start3A_565] : memref<16x512xi32, #tpu.memory_space<vmem>> -> memref<1x512xi32, #tpu.memory_space<vmem>>
    %dma_start3A_567 = tpu.memref_squeeze %dma_start3A_566 : memref<1x512xi32, #tpu.memory_space<vmem>> -> memref<512xi32, #tpu.memory_space<vmem>>
    %dma_start3A_568 = arith.constant 0 : i32
    %dma_start3A_569 = arith.constant 0 : i32
    %dma_start3A_570 = tpu.memref_slice %arg2[%dma_start3A_568, %dma_start3A_569] : memref<4194304x16xf32, #tpu.memory_space<hbm>> -> memref<4194304x16xf32, #tpu.memory_space<hbm>>
    tpu.enqueue_indirect_dma source(%dma_start3A_570 : memref<4194304x16xf32, #tpu.memory_space<hbm>>) target(%dma_start3A_564 : memref<512x16xf32, #tpu.memory_space<vmem>>) offsets(%dma_start3A_567 : memref<512xi32, #tpu.memory_space<vmem>>) semaphore(%arg14 : memref<!tpu.dma_semaphore, #tpu.memory_space<semaphore_mem>>)
    %dma_start3A_571 = arith.constant 6 : i32
    %dma_start3A_572 = arith.constant 2 : i32
    %dma_start3A_573 = arith.constant 0 : i32
    %dma_start3A_574 = arith.constant 0 : i32
    %dma_start3A_575 = tpu.memref_slice %arg11[%dma_start3A_572, %dma_start3A_573, %dma_start3A_574] : memref<4x512x16xf32, #tpu.memory_space<vmem>> -> memref<1x512x16xf32, #tpu.memory_space<vmem>>
    %dma_start3A_576 = tpu.memref_squeeze %dma_start3A_575 : memref<1x512x16xf32, #tpu.memory_space<vmem>> -> memref<512x16xf32, #tpu.memory_space<vmem>>
    %dma_start3A_577 = arith.constant 0 : i32
    %dma_start3A_578 = tpu.memref_slice %arg9[%dma_start3A_571, %dma_start3A_577] : memref<16x512xi32, #tpu.memory_space<vmem>> -> memref<1x512xi32, #tpu.memory_space<vmem>>
    %dma_start3A_579 = tpu.memref_squeeze %dma_start3A_578 : memref<1x512xi32, #tpu.memory_space<vmem>> -> memref<512xi32, #tpu.memory_space<vmem>>
    %dma_start3A_580 = arith.constant 0 : i32
    %dma_start3A_581 = arith.constant 0 : i32
    %dma_start3A_582 = tpu.memref_slice %arg2[%dma_start3A_580, %dma_start3A_581] : memref<4194304x16xf32, #tpu.memory_space<hbm>> -> memref<4194304x16xf32, #tpu.memory_space<hbm>>
    tpu.enqueue_indirect_dma source(%dma_start3A_582 : memref<4194304x16xf32, #tpu.memory_space<hbm>>) target(%dma_start3A_576 : memref<512x16xf32, #tpu.memory_space<vmem>>) offsets(%dma_start3A_579 : memref<512xi32, #tpu.memory_space<vmem>>) semaphore(%arg14 : memref<!tpu.dma_semaphore, #tpu.memory_space<semaphore_mem>>)
    %dma_start3A_583 = arith.constant 7 : i32
    %dma_start3A_584 = arith.constant 3 : i32
    %dma_start3A_585 = arith.constant 0 : i32
    %dma_start3A_586 = arith.constant 0 : i32
    %dma_start3A_587 = tpu.memref_slice %arg11[%dma_start3A_584, %dma_start3A_585, %dma_start3A_586] : memref<4x512x16xf32, #tpu.memory_space<vmem>> -> memref<1x512x16xf32, #tpu.memory_space<vmem>>
    %dma_start3A_588 = tpu.memref_squeeze %dma_start3A_587 : memref<1x512x16xf32, #tpu.memory_space<vmem>> -> memref<512x16xf32, #tpu.memory_space<vmem>>
    %dma_start3A_589 = arith.constant 0 : i32
    %dma_start3A_590 = tpu.memref_slice %arg9[%dma_start3A_583, %dma_start3A_589] : memref<16x512xi32, #tpu.memory_space<vmem>> -> memref<1x512xi32, #tpu.memory_space<vmem>>
    %dma_start3A_591 = tpu.memref_squeeze %dma_start3A_590 : memref<1x512xi32, #tpu.memory_space<vmem>> -> memref<512xi32, #tpu.memory_space<vmem>>
    %dma_start3A_592 = arith.constant 0 : i32
    %dma_start3A_593 = arith.constant 0 : i32
    %dma_start3A_594 = tpu.memref_slice %arg2[%dma_start3A_592, %dma_start3A_593] : memref<4194304x16xf32, #tpu.memory_space<hbm>> -> memref<4194304x16xf32, #tpu.memory_space<hbm>>
    tpu.enqueue_indirect_dma source(%dma_start3A_594 : memref<4194304x16xf32, #tpu.memory_space<hbm>>) target(%dma_start3A_588 : memref<512x16xf32, #tpu.memory_space<vmem>>) offsets(%dma_start3A_591 : memref<512xi32, #tpu.memory_space<vmem>>) semaphore(%arg14 : memref<!tpu.dma_semaphore, #tpu.memory_space<semaphore_mem>>)
    %dma_wait3A = arith.constant 0 : i32
    %dma_wait3A_595 = arith.constant 0 : i32
    %dma_wait3A_596 = arith.constant 0 : i32
    %dma_wait3A_597 = arith.constant 0 : i32
    %dma_wait3A_598 = tpu.memref_slice %arg10[%dma_wait3A_595, %dma_wait3A_596, %dma_wait3A_597] : memref<4x512x16xf32, #tpu.memory_space<vmem>> -> memref<1x512x16xf32, #tpu.memory_space<vmem>>
    %dma_wait3A_599 = tpu.memref_squeeze %dma_wait3A_598 : memref<1x512x16xf32, #tpu.memory_space<vmem>> -> memref<512x16xf32, #tpu.memory_space<vmem>>
    %dma_wait3A_600 = arith.constant 0 : i32
    %dma_wait3A_601 = tpu.memref_slice %arg9[%dma_wait3A, %dma_wait3A_600] : memref<16x512xi32, #tpu.memory_space<vmem>> -> memref<1x512xi32, #tpu.memory_space<vmem>>
    %dma_wait3A_602 = tpu.memref_squeeze %dma_wait3A_601 : memref<1x512xi32, #tpu.memory_space<vmem>> -> memref<512xi32, #tpu.memory_space<vmem>>
    %dma_wait3A_603 = arith.constant 0 : i32
    %dma_wait3A_604 = arith.constant 0 : i32
    %dma_wait3A_605 = tpu.memref_slice %arg2[%dma_wait3A_603, %dma_wait3A_604] : memref<4194304x16xf32, #tpu.memory_space<hbm>> -> memref<4194304x16xf32, #tpu.memory_space<hbm>>
    tpu.wait_indirect_dma semaphore(%arg13 : memref<!tpu.dma_semaphore, #tpu.memory_space<semaphore_mem>>) src(%dma_wait3A_605 : memref<4194304x16xf32, #tpu.memory_space<hbm>>) dst(%dma_wait3A_599 : memref<512x16xf32, #tpu.memory_space<vmem>>)
    %dma_wait3A_606 = arith.constant 1 : i32
    %dma_wait3A_607 = arith.constant 1 : i32
    %dma_wait3A_608 = arith.constant 0 : i32
    %dma_wait3A_609 = arith.constant 0 : i32
    %dma_wait3A_610 = tpu.memref_slice %arg10[%dma_wait3A_607, %dma_wait3A_608, %dma_wait3A_609] : memref<4x512x16xf32, #tpu.memory_space<vmem>> -> memref<1x512x16xf32, #tpu.memory_space<vmem>>
    %dma_wait3A_611 = tpu.memref_squeeze %dma_wait3A_610 : memref<1x512x16xf32, #tpu.memory_space<vmem>> -> memref<512x16xf32, #tpu.memory_space<vmem>>
    %dma_wait3A_612 = arith.constant 0 : i32
    %dma_wait3A_613 = tpu.memref_slice %arg9[%dma_wait3A_606, %dma_wait3A_612] : memref<16x512xi32, #tpu.memory_space<vmem>> -> memref<1x512xi32, #tpu.memory_space<vmem>>
    %dma_wait3A_614 = tpu.memref_squeeze %dma_wait3A_613 : memref<1x512xi32, #tpu.memory_space<vmem>> -> memref<512xi32, #tpu.memory_space<vmem>>
    %dma_wait3A_615 = arith.constant 0 : i32
    %dma_wait3A_616 = arith.constant 0 : i32
    %dma_wait3A_617 = tpu.memref_slice %arg2[%dma_wait3A_615, %dma_wait3A_616] : memref<4194304x16xf32, #tpu.memory_space<hbm>> -> memref<4194304x16xf32, #tpu.memory_space<hbm>>
    tpu.wait_indirect_dma semaphore(%arg13 : memref<!tpu.dma_semaphore, #tpu.memory_space<semaphore_mem>>) src(%dma_wait3A_617 : memref<4194304x16xf32, #tpu.memory_space<hbm>>) dst(%dma_wait3A_611 : memref<512x16xf32, #tpu.memory_space<vmem>>)
    %dma_wait3A_618 = arith.constant 2 : i32
    %dma_wait3A_619 = arith.constant 2 : i32
    %dma_wait3A_620 = arith.constant 0 : i32
    %dma_wait3A_621 = arith.constant 0 : i32
    %dma_wait3A_622 = tpu.memref_slice %arg10[%dma_wait3A_619, %dma_wait3A_620, %dma_wait3A_621] : memref<4x512x16xf32, #tpu.memory_space<vmem>> -> memref<1x512x16xf32, #tpu.memory_space<vmem>>
    %dma_wait3A_623 = tpu.memref_squeeze %dma_wait3A_622 : memref<1x512x16xf32, #tpu.memory_space<vmem>> -> memref<512x16xf32, #tpu.memory_space<vmem>>
    %dma_wait3A_624 = arith.constant 0 : i32
    %dma_wait3A_625 = tpu.memref_slice %arg9[%dma_wait3A_618, %dma_wait3A_624] : memref<16x512xi32, #tpu.memory_space<vmem>> -> memref<1x512xi32, #tpu.memory_space<vmem>>
    %dma_wait3A_626 = tpu.memref_squeeze %dma_wait3A_625 : memref<1x512xi32, #tpu.memory_space<vmem>> -> memref<512xi32, #tpu.memory_space<vmem>>
    %dma_wait3A_627 = arith.constant 0 : i32
    %dma_wait3A_628 = arith.constant 0 : i32
    %dma_wait3A_629 = tpu.memref_slice %arg2[%dma_wait3A_627, %dma_wait3A_628] : memref<4194304x16xf32, #tpu.memory_space<hbm>> -> memref<4194304x16xf32, #tpu.memory_space<hbm>>
    tpu.wait_indirect_dma semaphore(%arg13 : memref<!tpu.dma_semaphore, #tpu.memory_space<semaphore_mem>>) src(%dma_wait3A_629 : memref<4194304x16xf32, #tpu.memory_space<hbm>>) dst(%dma_wait3A_623 : memref<512x16xf32, #tpu.memory_space<vmem>>)
    %dma_wait3A_630 = arith.constant 3 : i32
    %dma_wait3A_631 = arith.constant 3 : i32
    %dma_wait3A_632 = arith.constant 0 : i32
    %dma_wait3A_633 = arith.constant 0 : i32
    %dma_wait3A_634 = tpu.memref_slice %arg10[%dma_wait3A_631, %dma_wait3A_632, %dma_wait3A_633] : memref<4x512x16xf32, #tpu.memory_space<vmem>> -> memref<1x512x16xf32, #tpu.memory_space<vmem>>
    %dma_wait3A_635 = tpu.memref_squeeze %dma_wait3A_634 : memref<1x512x16xf32, #tpu.memory_space<vmem>> -> memref<512x16xf32, #tpu.memory_space<vmem>>
    %dma_wait3A_636 = arith.constant 0 : i32
    %dma_wait3A_637 = tpu.memref_slice %arg9[%dma_wait3A_630, %dma_wait3A_636] : memref<16x512xi32, #tpu.memory_space<vmem>> -> memref<1x512xi32, #tpu.memory_space<vmem>>
    %dma_wait3A_638 = tpu.memref_squeeze %dma_wait3A_637 : memref<1x512xi32, #tpu.memory_space<vmem>> -> memref<512xi32, #tpu.memory_space<vmem>>
    %dma_wait3A_639 = arith.constant 0 : i32
    %dma_wait3A_640 = arith.constant 0 : i32
    %dma_wait3A_641 = tpu.memref_slice %arg2[%dma_wait3A_639, %dma_wait3A_640] : memref<4194304x16xf32, #tpu.memory_space<hbm>> -> memref<4194304x16xf32, #tpu.memory_space<hbm>>
    tpu.wait_indirect_dma semaphore(%arg13 : memref<!tpu.dma_semaphore, #tpu.memory_space<semaphore_mem>>) src(%dma_wait3A_641 : memref<4194304x16xf32, #tpu.memory_space<hbm>>) dst(%dma_wait3A_635 : memref<512x16xf32, #tpu.memory_space<vmem>>)
    %scan3A_642 = arith.constant 0 : i32
    %scan3A_643 = arith.constant 0 : i32
    %scan3A_644 = arith.constant 4 : i32
    %scan3A_645 = arith.addi %scan3A_643, %scan3A_644 : i32
    %scan3A_646 = arith.constant 1 : i32
    scf.for %scan3A_908 = %scan3A_643 to %scan3A_645 step %scan3A_646  : i32 {
      %add3A_909 = arith.constant 0 : i32
      %add3A_910 = arith.addi %add3A_909, %scan3A_908 : i32
      %mul3A_911 = arith.constant 16 : i32
      %mul3A_912 = arith.muli %add3A_910, %mul3A_911 : i32
      %add3A_913 = vector.broadcast %mul3A_912 : i32 to vector<16xi32>
      %add3A_914 = arith.addi %add3A_913, %iota3A : vector<16xi32>
      %gather3A = tpu.vector_load_idx %arg7[%add3A_914] : memref<256xi32, #tpu.memory_space<vmem>>[vector<16xi32>], vector<16xi32>,
      %shift_right_logical3A_915 = arith.constant 7 : i32
      %shift_right_logical3A_916 = vector.broadcast %shift_right_logical3A_915 : i32 to vector<16xi32>
      %shift_right_logical3A_917 = arith.shrui %add3A_914, %shift_right_logical3A_916 : vector<16xi32>
      %mul3A_918 = arith.constant 8 : i32
      %mul3A_919 = vector.broadcast %mul3A_918 : i32 to vector<16xi32>
      %mul3A_920 = arith.muli %shift_right_logical3A_917, %mul3A_919 : vector<16xi32>
      %and3A_921 = arith.constant 127 : i32
      %and3A_922 = vector.broadcast %and3A_921 : i32 to vector<16xi32>
      %and3A_923 = arith.andi %add3A_914, %and3A_922 : vector<16xi32>
      %broadcast_in_dim3A = arith.constant 0 : i32
      %broadcast_in_dim3A_924 = vector.broadcast %broadcast_in_dim3A : i32 to vector<16xi32>
      %add3A_925 = vector.broadcast %scan3A_908 : i32 to vector<16xi32>
      %add3A_926 = arith.addi %broadcast_in_dim3A_924, %add3A_925 : vector<16xi32>
      %mul3A_927 = arith.constant 32 : i32
      %mul3A_928 = vector.broadcast %mul3A_927 : i32 to vector<16xi32>
      %mul3A_929 = arith.muli %iota3A, %mul3A_928 : vector<16xi32>
      %add3A_930 = arith.constant 0 : i32
      %add3A_931 = vector.broadcast %add3A_930 : i32 to vector<16xi32>
      %add3A_932 = arith.addi %mul3A_929, %add3A_931 : vector<16xi32>
      %gather3A_933 = tpu.vector_load_idx %arg10[%add3A_926, %add3A_932, %gather3A] : memref<4x512x16xf32, #tpu.memory_space<vmem>>[vector<16xi32>, vector<16xi32>, vector<16xi32>], vector<16xf32>,
      %add3A_934 = arith.constant 0 : i32
      %add3A_935 = vector.broadcast %add3A_934 : i32 to vector<16xi32>
      %add3A_936 = arith.addi %mul3A_920, %add3A_935 : vector<16xi32>
      tpu.vector_store_idx %arg12[%add3A_936, %and3A_923], %gather3A_933 : memref<64x128xf32, #tpu.memory_space<vmem>>[vector<16xi32>, vector<16xi32>], vector<16xf32>,
      %mul3A_937 = arith.constant 32 : i32
      %mul3A_938 = vector.broadcast %mul3A_937 : i32 to vector<16xi32>
      %mul3A_939 = arith.muli %iota3A, %mul3A_938 : vector<16xi32>
      %add3A_940 = arith.constant 1 : i32
      %add3A_941 = vector.broadcast %add3A_940 : i32 to vector<16xi32>
      %add3A_942 = arith.addi %mul3A_939, %add3A_941 : vector<16xi32>
      %gather3A_943 = tpu.vector_load_idx %arg10[%add3A_926, %add3A_942, %gather3A] : memref<4x512x16xf32, #tpu.memory_space<vmem>>[vector<16xi32>, vector<16xi32>, vector<16xi32>], vector<16xf32>,
      %add3A_944 = arith.constant 1 : i32
      %add3A_945 = vector.broadcast %add3A_944 : i32 to vector<16xi32>
      %add3A_946 = arith.addi %mul3A_920, %add3A_945 : vector<16xi32>
      tpu.vector_store_idx %arg12[%add3A_946, %and3A_923], %gather3A_943 : memref<64x128xf32, #tpu.memory_space<vmem>>[vector<16xi32>, vector<16xi32>], vector<16xf32>,
      %mul3A_947 = arith.constant 32 : i32
      %mul3A_948 = vector.broadcast %mul3A_947 : i32 to vector<16xi32>
      %mul3A_949 = arith.muli %iota3A, %mul3A_948 : vector<16xi32>
      %add3A_950 = arith.constant 2 : i32
      %add3A_951 = vector.broadcast %add3A_950 : i32 to vector<16xi32>
      %add3A_952 = arith.addi %mul3A_949, %add3A_951 : vector<16xi32>
      %gather3A_953 = tpu.vector_load_idx %arg10[%add3A_926, %add3A_952, %gather3A] : memref<4x512x16xf32, #tpu.memory_space<vmem>>[vector<16xi32>, vector<16xi32>, vector<16xi32>], vector<16xf32>,
      %add3A_954 = arith.constant 2 : i32
      %add3A_955 = vector.broadcast %add3A_954 : i32 to vector<16xi32>
      %add3A_956 = arith.addi %mul3A_920, %add3A_955 : vector<16xi32>
      tpu.vector_store_idx %arg12[%add3A_956, %and3A_923], %gather3A_953 : memref<64x128xf32, #tpu.memory_space<vmem>>[vector<16xi32>, vector<16xi32>], vector<16xf32>,
      %mul3A_957 = arith.constant 32 : i32
      %mul3A_958 = vector.broadcast %mul3A_957 : i32 to vector<16xi32>
      %mul3A_959 = arith.muli %iota3A, %mul3A_958 : vector<16xi32>
      %add3A_960 = arith.constant 3 : i32
      %add3A_961 = vector.broadcast %add3A_960 : i32 to vector<16xi32>
      %add3A_962 = arith.addi %mul3A_959, %add3A_961 : vector<16xi32>
      %gather3A_963 = tpu.vector_load_idx %arg10[%add3A_926, %add3A_962, %gather3A] : memref<4x512x16xf32, #tpu.memory_space<vmem>>[vector<16xi32>, vector<16xi32>, vector<16xi32>], vector<16xf32>,
      %add3A_964 = arith.constant 3 : i32
      %add3A_965 = vector.broadcast %add3A_964 : i32 to vector<16xi32>
      %add3A_966 = arith.addi %mul3A_920, %add3A_965 : vector<16xi32>
      tpu.vector_store_idx %arg12[%add3A_966, %and3A_923], %gather3A_963 : memref<64x128xf32, #tpu.memory_space<vmem>>[vector<16xi32>, vector<16xi32>], vector<16xf32>,
      %mul3A_967 = arith.constant 32 : i32
      %mul3A_968 = vector.broadcast %mul3A_967 : i32 to vector<16xi32>
      %mul3A_969 = arith.muli %iota3A, %mul3A_968 : vector<16xi32>
      %add3A_970 = arith.constant 4 : i32
      %add3A_971 = vector.broadcast %add3A_970 : i32 to vector<16xi32>
      %add3A_972 = arith.addi %mul3A_969, %add3A_971 : vector<16xi32>
      %gather3A_973 = tpu.vector_load_idx %arg10[%add3A_926, %add3A_972, %gather3A] : memref<4x512x16xf32, #tpu.memory_space<vmem>>[vector<16xi32>, vector<16xi32>, vector<16xi32>], vector<16xf32>,
      %add3A_974 = arith.constant 4 : i32
      %add3A_975 = vector.broadcast %add3A_974 : i32 to vector<16xi32>
      %add3A_976 = arith.addi %mul3A_920, %add3A_975 : vector<16xi32>
      tpu.vector_store_idx %arg12[%add3A_976, %and3A_923], %gather3A_973 : memref<64x128xf32, #tpu.memory_space<vmem>>[vector<16xi32>, vector<16xi32>], vector<16xf32>,
      %mul3A_977 = arith.constant 32 : i32
      %mul3A_978 = vector.broadcast %mul3A_977 : i32 to vector<16xi32>
      %mul3A_979 = arith.muli %iota3A, %mul3A_978 : vector<16xi32>
      %add3A_980 = arith.constant 5 : i32
      %add3A_981 = vector.broadcast %add3A_980 : i32 to vector<16xi32>
      %add3A_982 = arith.addi %mul3A_979, %add3A_981 : vector<16xi32>
      %gather3A_983 = tpu.vector_load_idx %arg10[%add3A_926, %add3A_982, %gather3A] : memref<4x512x16xf32, #tpu.memory_space<vmem>>[vector<16xi32>, vector<16xi32>, vector<16xi32>], vector<16xf32>,
      %add3A_984 = arith.constant 5 : i32
      %add3A_985 = vector.broadcast %add3A_984 : i32 to vector<16xi32>
      %add3A_986 = arith.addi %mul3A_920, %add3A_985 : vector<16xi32>
      tpu.vector_store_idx %arg12[%add3A_986, %and3A_923], %gather3A_983 : memref<64x128xf32, #tpu.memory_space<vmem>>[vector<16xi32>, vector<16xi32>], vector<16xf32>,
      %mul3A_987 = arith.constant 32 : i32
      %mul3A_988 = vector.broadcast %mul3A_987 : i32 to vector<16xi32>
      %mul3A_989 = arith.muli %iota3A, %mul3A_988 : vector<16xi32>
      %add3A_990 = arith.constant 6 : i32
      %add3A_991 = vector.broadcast %add3A_990 : i32 to vector<16xi32>
      %add3A_992 = arith.addi %mul3A_989, %add3A_991 : vector<16xi32>
      %gather3A_993 = tpu.vector_load_idx %arg10[%add3A_926, %add3A_992, %gather3A] : memref<4x512x16xf32, #tpu.memory_space<vmem>>[vector<16xi32>, vector<16xi32>, vector<16xi32>], vector<16xf32>,
      %add3A_994 = arith.constant 6 : i32
      %add3A_995 = vector.broadcast %add3A_994 : i32 to vector<16xi32>
      %add3A_996 = arith.addi %mul3A_920, %add3A_995 : vector<16xi32>
      tpu.vector_store_idx %arg12[%add3A_996, %and3A_923], %gather3A_993 : memref<64x128xf32, #tpu.memory_space<vmem>>[vector<16xi32>, vector<16xi32>], vector<16xf32>,
      %mul3A_997 = arith.constant 32 : i32
      %mul3A_998 = vector.broadcast %mul3A_997 : i32 to vector<16xi32>
      %mul3A_999 = arith.muli %iota3A, %mul3A_998 : vector<16xi32>
      %add3A_1000 = arith.constant 7 : i32
      %add3A_1001 = vector.broadcast %add3A_1000 : i32 to vector<16xi32>
      %add3A_1002 = arith.addi %mul3A_999, %add3A_1001 : vector<16xi32>
      %gather3A_1003 = tpu.vector_load_idx %arg10[%add3A_926, %add3A_1002, %gather3A] : memref<4x512x16xf32, #tpu.memory_space<vmem>>[vector<16xi32>, vector<16xi32>, vector<16xi32>], vector<16xf32>,
      %add3A_1004 = arith.constant 7 : i32
      %add3A_1005 = vector.broadcast %add3A_1004 : i32 to vector<16xi32>
      %add3A_1006 = arith.addi %mul3A_920, %add3A_1005 : vector<16xi32>
      tpu.vector_store_idx %arg12[%add3A_1006, %and3A_923], %gather3A_1003 : memref<64x128xf32, #tpu.memory_space<vmem>>[vector<16xi32>, vector<16xi32>], vector<16xf32>,
      %mul3A_1007 = arith.constant 32 : i32
      %mul3A_1008 = vector.broadcast %mul3A_1007 : i32 to vector<16xi32>
      %mul3A_1009 = arith.muli %iota3A, %mul3A_1008 : vector<16xi32>
      %add3A_1010 = arith.constant 8 : i32
      %add3A_1011 = vector.broadcast %add3A_1010 : i32 to vector<16xi32>
      %add3A_1012 = arith.addi %mul3A_1009, %add3A_1011 : vector<16xi32>
      %gather3A_1013 = tpu.vector_load_idx %arg10[%add3A_926, %add3A_1012, %gather3A] : memref<4x512x16xf32, #tpu.memory_space<vmem>>[vector<16xi32>, vector<16xi32>, vector<16xi32>], vector<16xf32>,
      %add3A_1014 = arith.constant 16 : i32
      %add3A_1015 = vector.broadcast %add3A_1014 : i32 to vector<16xi32>
      %add3A_1016 = arith.addi %mul3A_920, %add3A_1015 : vector<16xi32>
      tpu.vector_store_idx %arg12[%add3A_1016, %and3A_923], %gather3A_1013 : memref<64x128xf32, #tpu.memory_space<vmem>>[vector<16xi32>, vector<16xi32>], vector<16xf32>,
      %mul3A_1017 = arith.constant 32 : i32
      %mul3A_1018 = vector.broadcast %mul3A_1017 : i32 to vector<16xi32>
      %mul3A_1019 = arith.muli %iota3A, %mul3A_1018 : vector<16xi32>
      %add3A_1020 = arith.constant 9 : i32
      %add3A_1021 = vector.broadcast %add3A_1020 : i32 to vector<16xi32>
      %add3A_1022 = arith.addi %mul3A_1019, %add3A_1021 : vector<16xi32>
      %gather3A_1023 = tpu.vector_load_idx %arg10[%add3A_926, %add3A_1022, %gather3A] : memref<4x512x16xf32, #tpu.memory_space<vmem>>[vector<16xi32>, vector<16xi32>, vector<16xi32>], vector<16xf32>,
      %add3A_1024 = arith.constant 17 : i32
      %add3A_1025 = vector.broadcast %add3A_1024 : i32 to vector<16xi32>
      %add3A_1026 = arith.addi %mul3A_920, %add3A_1025 : vector<16xi32>
      tpu.vector_store_idx %arg12[%add3A_1026, %and3A_923], %gather3A_1023 : memref<64x128xf32, #tpu.memory_space<vmem>>[vector<16xi32>, vector<16xi32>], vector<16xf32>,
      %mul3A_1027 = arith.constant 32 : i32
      %mul3A_1028 = vector.broadcast %mul3A_1027 : i32 to vector<16xi32>
      %mul3A_1029 = arith.muli %iota3A, %mul3A_1028 : vector<16xi32>
      %add3A_1030 = arith.constant 10 : i32
      %add3A_1031 = vector.broadcast %add3A_1030 : i32 to vector<16xi32>
      %add3A_1032 = arith.addi %mul3A_1029, %add3A_1031 : vector<16xi32>
      %gather3A_1033 = tpu.vector_load_idx %arg10[%add3A_926, %add3A_1032, %gather3A] : memref<4x512x16xf32, #tpu.memory_space<vmem>>[vector<16xi32>, vector<16xi32>, vector<16xi32>], vector<16xf32>,
      %add3A_1034 = arith.constant 18 : i32
      %add3A_1035 = vector.broadcast %add3A_1034 : i32 to vector<16xi32>
      %add3A_1036 = arith.addi %mul3A_920, %add3A_1035 : vector<16xi32>
      tpu.vector_store_idx %arg12[%add3A_1036, %and3A_923], %gather3A_1033 : memref<64x128xf32, #tpu.memory_space<vmem>>[vector<16xi32>, vector<16xi32>], vector<16xf32>,
      %mul3A_1037 = arith.constant 32 : i32
      %mul3A_1038 = vector.broadcast %mul3A_1037 : i32 to vector<16xi32>
      %mul3A_1039 = arith.muli %iota3A, %mul3A_1038 : vector<16xi32>
      %add3A_1040 = arith.constant 11 : i32
      %add3A_1041 = vector.broadcast %add3A_1040 : i32 to vector<16xi32>
      %add3A_1042 = arith.addi %mul3A_1039, %add3A_1041 : vector<16xi32>
      %gather3A_1043 = tpu.vector_load_idx %arg10[%add3A_926, %add3A_1042, %gather3A] : memref<4x512x16xf32, #tpu.memory_space<vmem>>[vector<16xi32>, vector<16xi32>, vector<16xi32>], vector<16xf32>,
      %add3A_1044 = arith.constant 19 : i32
      %add3A_1045 = vector.broadcast %add3A_1044 : i32 to vector<16xi32>
      %add3A_1046 = arith.addi %mul3A_920, %add3A_1045 : vector<16xi32>
      tpu.vector_store_idx %arg12[%add3A_1046, %and3A_923], %gather3A_1043 : memref<64x128xf32, #tpu.memory_space<vmem>>[vector<16xi32>, vector<16xi32>], vector<16xf32>,
      %mul3A_1047 = arith.constant 32 : i32
      %mul3A_1048 = vector.broadcast %mul3A_1047 : i32 to vector<16xi32>
      %mul3A_1049 = arith.muli %iota3A, %mul3A_1048 : vector<16xi32>
      %add3A_1050 = arith.constant 12 : i32
      %add3A_1051 = vector.broadcast %add3A_1050 : i32 to vector<16xi32>
      %add3A_1052 = arith.addi %mul3A_1049, %add3A_1051 : vector<16xi32>
      %gather3A_1053 = tpu.vector_load_idx %arg10[%add3A_926, %add3A_1052, %gather3A] : memref<4x512x16xf32, #tpu.memory_space<vmem>>[vector<16xi32>, vector<16xi32>, vector<16xi32>], vector<16xf32>,
      %add3A_1054 = arith.constant 20 : i32
      %add3A_1055 = vector.broadcast %add3A_1054 : i32 to vector<16xi32>
      %add3A_1056 = arith.addi %mul3A_920, %add3A_1055 : vector<16xi32>
      tpu.vector_store_idx %arg12[%add3A_1056, %and3A_923], %gather3A_1053 : memref<64x128xf32, #tpu.memory_space<vmem>>[vector<16xi32>, vector<16xi32>], vector<16xf32>,
      %mul3A_1057 = arith.constant 32 : i32
      %mul3A_1058 = vector.broadcast %mul3A_1057 : i32 to vector<16xi32>
      %mul3A_1059 = arith.muli %iota3A, %mul3A_1058 : vector<16xi32>
      %add3A_1060 = arith.constant 13 : i32
      %add3A_1061 = vector.broadcast %add3A_1060 : i32 to vector<16xi32>
      %add3A_1062 = arith.addi %mul3A_1059, %add3A_1061 : vector<16xi32>
      %gather3A_1063 = tpu.vector_load_idx %arg10[%add3A_926, %add3A_1062, %gather3A] : memref<4x512x16xf32, #tpu.memory_space<vmem>>[vector<16xi32>, vector<16xi32>, vector<16xi32>], vector<16xf32>,
      %add3A_1064 = arith.constant 21 : i32
      %add3A_1065 = vector.broadcast %add3A_1064 : i32 to vector<16xi32>
      %add3A_1066 = arith.addi %mul3A_920, %add3A_1065 : vector<16xi32>
      tpu.vector_store_idx %arg12[%add3A_1066, %and3A_923], %gather3A_1063 : memref<64x128xf32, #tpu.memory_space<vmem>>[vector<16xi32>, vector<16xi32>], vector<16xf32>,
      %mul3A_1067 = arith.constant 32 : i32
      %mul3A_1068 = vector.broadcast %mul3A_1067 : i32 to vector<16xi32>
      %mul3A_1069 = arith.muli %iota3A, %mul3A_1068 : vector<16xi32>
      %add3A_1070 = arith.constant 14 : i32
      %add3A_1071 = vector.broadcast %add3A_1070 : i32 to vector<16xi32>
      %add3A_1072 = arith.addi %mul3A_1069, %add3A_1071 : vector<16xi32>
      %gather3A_1073 = tpu.vector_load_idx %arg10[%add3A_926, %add3A_1072, %gather3A] : memref<4x512x16xf32, #tpu.memory_space<vmem>>[vector<16xi32>, vector<16xi32>, vector<16xi32>], vector<16xf32>,
      %add3A_1074 = arith.constant 22 : i32
      %add3A_1075 = vector.broadcast %add3A_1074 : i32 to vector<16xi32>
      %add3A_1076 = arith.addi %mul3A_920, %add3A_1075 : vector<16xi32>
      tpu.vector_store_idx %arg12[%add3A_1076, %and3A_923], %gather3A_1073 : memref<64x128xf32, #tpu.memory_space<vmem>>[vector<16xi32>, vector<16xi32>], vector<16xf32>,
      %mul3A_1077 = arith.constant 32 : i32
      %mul3A_1078 = vector.broadcast %mul3A_1077 : i32 to vector<16xi32>
      %mul3A_1079 = arith.muli %iota3A, %mul3A_1078 : vector<16xi32>
      %add3A_1080 = arith.constant 15 : i32
      %add3A_1081 = vector.broadcast %add3A_1080 : i32 to vector<16xi32>
      %add3A_1082 = arith.addi %mul3A_1079, %add3A_1081 : vector<16xi32>
      %gather3A_1083 = tpu.vector_load_idx %arg10[%add3A_926, %add3A_1082, %gather3A] : memref<4x512x16xf32, #tpu.memory_space<vmem>>[vector<16xi32>, vector<16xi32>, vector<16xi32>], vector<16xf32>,
      %add3A_1084 = arith.constant 23 : i32
      %add3A_1085 = vector.broadcast %add3A_1084 : i32 to vector<16xi32>
      %add3A_1086 = arith.addi %mul3A_920, %add3A_1085 : vector<16xi32>
      tpu.vector_store_idx %arg12[%add3A_1086, %and3A_923], %gather3A_1083 : memref<64x128xf32, #tpu.memory_space<vmem>>[vector<16xi32>, vector<16xi32>], vector<16xf32>,
      %mul3A_1087 = arith.constant 32 : i32
      %mul3A_1088 = vector.broadcast %mul3A_1087 : i32 to vector<16xi32>
      %mul3A_1089 = arith.muli %iota3A, %mul3A_1088 : vector<16xi32>
      %add3A_1090 = arith.constant 16 : i32
      %add3A_1091 = vector.broadcast %add3A_1090 : i32 to vector<16xi32>
      %add3A_1092 = arith.addi %mul3A_1089, %add3A_1091 : vector<16xi32>
      %gather3A_1093 = tpu.vector_load_idx %arg10[%add3A_926, %add3A_1092, %gather3A] : memref<4x512x16xf32, #tpu.memory_space<vmem>>[vector<16xi32>, vector<16xi32>, vector<16xi32>], vector<16xf32>,
      %add3A_1094 = arith.constant 32 : i32
      %add3A_1095 = vector.broadcast %add3A_1094 : i32 to vector<16xi32>
      %add3A_1096 = arith.addi %mul3A_920, %add3A_1095 : vector<16xi32>
      tpu.vector_store_idx %arg12[%add3A_1096, %and3A_923], %gather3A_1093 : memref<64x128xf32, #tpu.memory_space<vmem>>[vector<16xi32>, vector<16xi32>], vector<16xf32>,
      %mul3A_1097 = arith.constant 32 : i32
      %mul3A_1098 = vector.broadcast %mul3A_1097 : i32 to vector<16xi32>
      %mul3A_1099 = arith.muli %iota3A, %mul3A_1098 : vector<16xi32>
      %add3A_1100 = arith.constant 17 : i32
      %add3A_1101 = vector.broadcast %add3A_1100 : i32 to vector<16xi32>
      %add3A_1102 = arith.addi %mul3A_1099, %add3A_1101 : vector<16xi32>
      %gather3A_1103 = tpu.vector_load_idx %arg10[%add3A_926, %add3A_1102, %gather3A] : memref<4x512x16xf32, #tpu.memory_space<vmem>>[vector<16xi32>, vector<16xi32>, vector<16xi32>], vector<16xf32>,
      %add3A_1104 = arith.constant 33 : i32
      %add3A_1105 = vector.broadcast %add3A_1104 : i32 to vector<16xi32>
      %add3A_1106 = arith.addi %mul3A_920, %add3A_1105 : vector<16xi32>
      tpu.vector_store_idx %arg12[%add3A_1106, %and3A_923], %gather3A_1103 : memref<64x128xf32, #tpu.memory_space<vmem>>[vector<16xi32>, vector<16xi32>], vector<16xf32>,
      %mul3A_1107 = arith.constant 32 : i32
      %mul3A_1108 = vector.broadcast %mul3A_1107 : i32 to vector<16xi32>
      %mul3A_1109 = arith.muli %iota3A, %mul3A_1108 : vector<16xi32>
      %add3A_1110 = arith.constant 18 : i32
      %add3A_1111 = vector.broadcast %add3A_1110 : i32 to vector<16xi32>
      %add3A_1112 = arith.addi %mul3A_1109, %add3A_1111 : vector<16xi32>
      %gather3A_1113 = tpu.vector_load_idx %arg10[%add3A_926, %add3A_1112, %gather3A] : memref<4x512x16xf32, #tpu.memory_space<vmem>>[vector<16xi32>, vector<16xi32>, vector<16xi32>], vector<16xf32>,
      %add3A_1114 = arith.constant 34 : i32
      %add3A_1115 = vector.broadcast %add3A_1114 : i32 to vector<16xi32>
      %add3A_1116 = arith.addi %mul3A_920, %add3A_1115 : vector<16xi32>
      tpu.vector_store_idx %arg12[%add3A_1116, %and3A_923], %gather3A_1113 : memref<64x128xf32, #tpu.memory_space<vmem>>[vector<16xi32>, vector<16xi32>], vector<16xf32>,
      %mul3A_1117 = arith.constant 32 : i32
      %mul3A_1118 = vector.broadcast %mul3A_1117 : i32 to vector<16xi32>
      %mul3A_1119 = arith.muli %iota3A, %mul3A_1118 : vector<16xi32>
      %add3A_1120 = arith.constant 19 : i32
      %add3A_1121 = vector.broadcast %add3A_1120 : i32 to vector<16xi32>
      %add3A_1122 = arith.addi %mul3A_1119, %add3A_1121 : vector<16xi32>
      %gather3A_1123 = tpu.vector_load_idx %arg10[%add3A_926, %add3A_1122, %gather3A] : memref<4x512x16xf32, #tpu.memory_space<vmem>>[vector<16xi32>, vector<16xi32>, vector<16xi32>], vector<16xf32>,
      %add3A_1124 = arith.constant 35 : i32
      %add3A_1125 = vector.broadcast %add3A_1124 : i32 to vector<16xi32>
      %add3A_1126 = arith.addi %mul3A_920, %add3A_1125 : vector<16xi32>
      tpu.vector_store_idx %arg12[%add3A_1126, %and3A_923], %gather3A_1123 : memref<64x128xf32, #tpu.memory_space<vmem>>[vector<16xi32>, vector<16xi32>], vector<16xf32>,
      %mul3A_1127 = arith.constant 32 : i32
      %mul3A_1128 = vector.broadcast %mul3A_1127 : i32 to vector<16xi32>
      %mul3A_1129 = arith.muli %iota3A, %mul3A_1128 : vector<16xi32>
      %add3A_1130 = arith.constant 20 : i32
      %add3A_1131 = vector.broadcast %add3A_1130 : i32 to vector<16xi32>
      %add3A_1132 = arith.addi %mul3A_1129, %add3A_1131 : vector<16xi32>
      %gather3A_1133 = tpu.vector_load_idx %arg10[%add3A_926, %add3A_1132, %gather3A] : memref<4x512x16xf32, #tpu.memory_space<vmem>>[vector<16xi32>, vector<16xi32>, vector<16xi32>], vector<16xf32>,
      %add3A_1134 = arith.constant 36 : i32
      %add3A_1135 = vector.broadcast %add3A_1134 : i32 to vector<16xi32>
      %add3A_1136 = arith.addi %mul3A_920, %add3A_1135 : vector<16xi32>
      tpu.vector_store_idx %arg12[%add3A_1136, %and3A_923], %gather3A_1133 : memref<64x128xf32, #tpu.memory_space<vmem>>[vector<16xi32>, vector<16xi32>], vector<16xf32>,
      %mul3A_1137 = arith.constant 32 : i32
      %mul3A_1138 = vector.broadcast %mul3A_1137 : i32 to vector<16xi32>
      %mul3A_1139 = arith.muli %iota3A, %mul3A_1138 : vector<16xi32>
      %add3A_1140 = arith.constant 21 : i32
      %add3A_1141 = vector.broadcast %add3A_1140 : i32 to vector<16xi32>
      %add3A_1142 = arith.addi %mul3A_1139, %add3A_1141 : vector<16xi32>
      %gather3A_1143 = tpu.vector_load_idx %arg10[%add3A_926, %add3A_1142, %gather3A] : memref<4x512x16xf32, #tpu.memory_space<vmem>>[vector<16xi32>, vector<16xi32>, vector<16xi32>], vector<16xf32>,
      %add3A_1144 = arith.constant 37 : i32
      %add3A_1145 = vector.broadcast %add3A_1144 : i32 to vector<16xi32>
      %add3A_1146 = arith.addi %mul3A_920, %add3A_1145 : vector<16xi32>
      tpu.vector_store_idx %arg12[%add3A_1146, %and3A_923], %gather3A_1143 : memref<64x128xf32, #tpu.memory_space<vmem>>[vector<16xi32>, vector<16xi32>], vector<16xf32>,
      %mul3A_1147 = arith.constant 32 : i32
      %mul3A_1148 = vector.broadcast %mul3A_1147 : i32 to vector<16xi32>
      %mul3A_1149 = arith.muli %iota3A, %mul3A_1148 : vector<16xi32>
      %add3A_1150 = arith.constant 22 : i32
      %add3A_1151 = vector.broadcast %add3A_1150 : i32 to vector<16xi32>
      %add3A_1152 = arith.addi %mul3A_1149, %add3A_1151 : vector<16xi32>
      %gather3A_1153 = tpu.vector_load_idx %arg10[%add3A_926, %add3A_1152, %gather3A] : memref<4x512x16xf32, #tpu.memory_space<vmem>>[vector<16xi32>, vector<16xi32>, vector<16xi32>], vector<16xf32>,
      %add3A_1154 = arith.constant 38 : i32
      %add3A_1155 = vector.broadcast %add3A_1154 : i32 to vector<16xi32>
      %add3A_1156 = arith.addi %mul3A_920, %add3A_1155 : vector<16xi32>
      tpu.vector_store_idx %arg12[%add3A_1156, %and3A_923], %gather3A_1153 : memref<64x128xf32, #tpu.memory_space<vmem>>[vector<16xi32>, vector<16xi32>], vector<16xf32>,
      %mul3A_1157 = arith.constant 32 : i32
      %mul3A_1158 = vector.broadcast %mul3A_1157 : i32 to vector<16xi32>
      %mul3A_1159 = arith.muli %iota3A, %mul3A_1158 : vector<16xi32>
      %add3A_1160 = arith.constant 23 : i32
      %add3A_1161 = vector.broadcast %add3A_1160 : i32 to vector<16xi32>
      %add3A_1162 = arith.addi %mul3A_1159, %add3A_1161 : vector<16xi32>
      %gather3A_1163 = tpu.vector_load_idx %arg10[%add3A_926, %add3A_1162, %gather3A] : memref<4x512x16xf32, #tpu.memory_space<vmem>>[vector<16xi32>, vector<16xi32>, vector<16xi32>], vector<16xf32>,
      %add3A_1164 = arith.constant 39 : i32
      %add3A_1165 = vector.broadcast %add3A_1164 : i32 to vector<16xi32>
      %add3A_1166 = arith.addi %mul3A_920, %add3A_1165 : vector<16xi32>
      tpu.vector_store_idx %arg12[%add3A_1166, %and3A_923], %gather3A_1163 : memref<64x128xf32, #tpu.memory_space<vmem>>[vector<16xi32>, vector<16xi32>], vector<16xf32>,
      %mul3A_1167 = arith.constant 32 : i32
      %mul3A_1168 = vector.broadcast %mul3A_1167 : i32 to vector<16xi32>
      %mul3A_1169 = arith.muli %iota3A, %mul3A_1168 : vector<16xi32>
      %add3A_1170 = arith.constant 24 : i32
      %add3A_1171 = vector.broadcast %add3A_1170 : i32 to vector<16xi32>
      %add3A_1172 = arith.addi %mul3A_1169, %add3A_1171 : vector<16xi32>
      %gather3A_1173 = tpu.vector_load_idx %arg10[%add3A_926, %add3A_1172, %gather3A] : memref<4x512x16xf32, #tpu.memory_space<vmem>>[vector<16xi32>, vector<16xi32>, vector<16xi32>], vector<16xf32>,
      %add3A_1174 = arith.constant 48 : i32
      %add3A_1175 = vector.broadcast %add3A_1174 : i32 to vector<16xi32>
      %add3A_1176 = arith.addi %mul3A_920, %add3A_1175 : vector<16xi32>
      tpu.vector_store_idx %arg12[%add3A_1176, %and3A_923], %gather3A_1173 : memref<64x128xf32, #tpu.memory_space<vmem>>[vector<16xi32>, vector<16xi32>], vector<16xf32>,
      %mul3A_1177 = arith.constant 32 : i32
      %mul3A_1178 = vector.broadcast %mul3A_1177 : i32 to vector<16xi32>
      %mul3A_1179 = arith.muli %iota3A, %mul3A_1178 : vector<16xi32>
      %add3A_1180 = arith.constant 25 : i32
      %add3A_1181 = vector.broadcast %add3A_1180 : i32 to vector<16xi32>
      %add3A_1182 = arith.addi %mul3A_1179, %add3A_1181 : vector<16xi32>
      %gather3A_1183 = tpu.vector_load_idx %arg10[%add3A_926, %add3A_1182, %gather3A] : memref<4x512x16xf32, #tpu.memory_space<vmem>>[vector<16xi32>, vector<16xi32>, vector<16xi32>], vector<16xf32>,
      %add3A_1184 = arith.constant 49 : i32
      %add3A_1185 = vector.broadcast %add3A_1184 : i32 to vector<16xi32>
      %add3A_1186 = arith.addi %mul3A_920, %add3A_1185 : vector<16xi32>
      tpu.vector_store_idx %arg12[%add3A_1186, %and3A_923], %gather3A_1183 : memref<64x128xf32, #tpu.memory_space<vmem>>[vector<16xi32>, vector<16xi32>], vector<16xf32>,
      %mul3A_1187 = arith.constant 32 : i32
      %mul3A_1188 = vector.broadcast %mul3A_1187 : i32 to vector<16xi32>
      %mul3A_1189 = arith.muli %iota3A, %mul3A_1188 : vector<16xi32>
      %add3A_1190 = arith.constant 26 : i32
      %add3A_1191 = vector.broadcast %add3A_1190 : i32 to vector<16xi32>
      %add3A_1192 = arith.addi %mul3A_1189, %add3A_1191 : vector<16xi32>
      %gather3A_1193 = tpu.vector_load_idx %arg10[%add3A_926, %add3A_1192, %gather3A] : memref<4x512x16xf32, #tpu.memory_space<vmem>>[vector<16xi32>, vector<16xi32>, vector<16xi32>], vector<16xf32>,
      %add3A_1194 = arith.constant 50 : i32
      %add3A_1195 = vector.broadcast %add3A_1194 : i32 to vector<16xi32>
      %add3A_1196 = arith.addi %mul3A_920, %add3A_1195 : vector<16xi32>
      tpu.vector_store_idx %arg12[%add3A_1196, %and3A_923], %gather3A_1193 : memref<64x128xf32, #tpu.memory_space<vmem>>[vector<16xi32>, vector<16xi32>], vector<16xf32>,
      %mul3A_1197 = arith.constant 32 : i32
      %mul3A_1198 = vector.broadcast %mul3A_1197 : i32 to vector<16xi32>
      %mul3A_1199 = arith.muli %iota3A, %mul3A_1198 : vector<16xi32>
      %add3A_1200 = arith.constant 27 : i32
      %add3A_1201 = vector.broadcast %add3A_1200 : i32 to vector<16xi32>
      %add3A_1202 = arith.addi %mul3A_1199, %add3A_1201 : vector<16xi32>
      %gather3A_1203 = tpu.vector_load_idx %arg10[%add3A_926, %add3A_1202, %gather3A] : memref<4x512x16xf32, #tpu.memory_space<vmem>>[vector<16xi32>, vector<16xi32>, vector<16xi32>], vector<16xf32>,
      %add3A_1204 = arith.constant 51 : i32
      %add3A_1205 = vector.broadcast %add3A_1204 : i32 to vector<16xi32>
      %add3A_1206 = arith.addi %mul3A_920, %add3A_1205 : vector<16xi32>
      tpu.vector_store_idx %arg12[%add3A_1206, %and3A_923], %gather3A_1203 : memref<64x128xf32, #tpu.memory_space<vmem>>[vector<16xi32>, vector<16xi32>], vector<16xf32>,
      %mul3A_1207 = arith.constant 32 : i32
      %mul3A_1208 = vector.broadcast %mul3A_1207 : i32 to vector<16xi32>
      %mul3A_1209 = arith.muli %iota3A, %mul3A_1208 : vector<16xi32>
      %add3A_1210 = arith.constant 28 : i32
      %add3A_1211 = vector.broadcast %add3A_1210 : i32 to vector<16xi32>
      %add3A_1212 = arith.addi %mul3A_1209, %add3A_1211 : vector<16xi32>
      %gather3A_1213 = tpu.vector_load_idx %arg10[%add3A_926, %add3A_1212, %gather3A] : memref<4x512x16xf32, #tpu.memory_space<vmem>>[vector<16xi32>, vector<16xi32>, vector<16xi32>], vector<16xf32>,
      %add3A_1214 = arith.constant 52 : i32
      %add3A_1215 = vector.broadcast %add3A_1214 : i32 to vector<16xi32>
      %add3A_1216 = arith.addi %mul3A_920, %add3A_1215 : vector<16xi32>
      tpu.vector_store_idx %arg12[%add3A_1216, %and3A_923], %gather3A_1213 : memref<64x128xf32, #tpu.memory_space<vmem>>[vector<16xi32>, vector<16xi32>], vector<16xf32>,
      %mul3A_1217 = arith.constant 32 : i32
      %mul3A_1218 = vector.broadcast %mul3A_1217 : i32 to vector<16xi32>
      %mul3A_1219 = arith.muli %iota3A, %mul3A_1218 : vector<16xi32>
      %add3A_1220 = arith.constant 29 : i32
      %add3A_1221 = vector.broadcast %add3A_1220 : i32 to vector<16xi32>
      %add3A_1222 = arith.addi %mul3A_1219, %add3A_1221 : vector<16xi32>
      %gather3A_1223 = tpu.vector_load_idx %arg10[%add3A_926, %add3A_1222, %gather3A] : memref<4x512x16xf32, #tpu.memory_space<vmem>>[vector<16xi32>, vector<16xi32>, vector<16xi32>], vector<16xf32>,
      %add3A_1224 = arith.constant 53 : i32
      %add3A_1225 = vector.broadcast %add3A_1224 : i32 to vector<16xi32>
      %add3A_1226 = arith.addi %mul3A_920, %add3A_1225 : vector<16xi32>
      tpu.vector_store_idx %arg12[%add3A_1226, %and3A_923], %gather3A_1223 : memref<64x128xf32, #tpu.memory_space<vmem>>[vector<16xi32>, vector<16xi32>], vector<16xf32>,
      %mul3A_1227 = arith.constant 32 : i32
      %mul3A_1228 = vector.broadcast %mul3A_1227 : i32 to vector<16xi32>
      %mul3A_1229 = arith.muli %iota3A, %mul3A_1228 : vector<16xi32>
      %add3A_1230 = arith.constant 30 : i32
      %add3A_1231 = vector.broadcast %add3A_1230 : i32 to vector<16xi32>
      %add3A_1232 = arith.addi %mul3A_1229, %add3A_1231 : vector<16xi32>
      %gather3A_1233 = tpu.vector_load_idx %arg10[%add3A_926, %add3A_1232, %gather3A] : memref<4x512x16xf32, #tpu.memory_space<vmem>>[vector<16xi32>, vector<16xi32>, vector<16xi32>], vector<16xf32>,
      %add3A_1234 = arith.constant 54 : i32
      %add3A_1235 = vector.broadcast %add3A_1234 : i32 to vector<16xi32>
      %add3A_1236 = arith.addi %mul3A_920, %add3A_1235 : vector<16xi32>
      tpu.vector_store_idx %arg12[%add3A_1236, %and3A_923], %gather3A_1233 : memref<64x128xf32, #tpu.memory_space<vmem>>[vector<16xi32>, vector<16xi32>], vector<16xf32>,
      %mul3A_1237 = arith.constant 32 : i32
      %mul3A_1238 = vector.broadcast %mul3A_1237 : i32 to vector<16xi32>
      %mul3A_1239 = arith.muli %iota3A, %mul3A_1238 : vector<16xi32>
      %add3A_1240 = arith.constant 31 : i32
      %add3A_1241 = vector.broadcast %add3A_1240 : i32 to vector<16xi32>
      %add3A_1242 = arith.addi %mul3A_1239, %add3A_1241 : vector<16xi32>
      %gather3A_1243 = tpu.vector_load_idx %arg10[%add3A_926, %add3A_1242, %gather3A] : memref<4x512x16xf32, #tpu.memory_space<vmem>>[vector<16xi32>, vector<16xi32>, vector<16xi32>], vector<16xf32>,
      %add3A_1244 = arith.constant 55 : i32
      %add3A_1245 = vector.broadcast %add3A_1244 : i32 to vector<16xi32>
      %add3A_1246 = arith.addi %mul3A_920, %add3A_1245 : vector<16xi32>
      tpu.vector_store_idx %arg12[%add3A_1246, %and3A_923], %gather3A_1243 : memref<64x128xf32, #tpu.memory_space<vmem>>[vector<16xi32>, vector<16xi32>], vector<16xf32>,
    }
    %scan3A_647 = arith.constant 4 : i32
    %dma_start3A_648 = arith.constant 8 : i32
    %dma_start3A_649 = arith.constant 0 : i32
    %dma_start3A_650 = arith.constant 0 : i32
    %dma_start3A_651 = arith.constant 0 : i32
    %dma_start3A_652 = tpu.memref_slice %arg10[%dma_start3A_649, %dma_start3A_650, %dma_start3A_651] : memref<4x512x16xf32, #tpu.memory_space<vmem>> -> memref<1x512x16xf32, #tpu.memory_space<vmem>>
    %dma_start3A_653 = tpu.memref_squeeze %dma_start3A_652 : memref<1x512x16xf32, #tpu.memory_space<vmem>> -> memref<512x16xf32, #tpu.memory_space<vmem>>
    %dma_start3A_654 = arith.constant 0 : i32
    %dma_start3A_655 = tpu.memref_slice %arg9[%dma_start3A_648, %dma_start3A_654] : memref<16x512xi32, #tpu.memory_space<vmem>> -> memref<1x512xi32, #tpu.memory_space<vmem>>
    %dma_start3A_656 = tpu.memref_squeeze %dma_start3A_655 : memref<1x512xi32, #tpu.memory_space<vmem>> -> memref<512xi32, #tpu.memory_space<vmem>>
    %dma_start3A_657 = arith.constant 0 : i32
    %dma_start3A_658 = arith.constant 0 : i32
    %dma_start3A_659 = tpu.memref_slice %arg2[%dma_start3A_657, %dma_start3A_658] : memref<4194304x16xf32, #tpu.memory_space<hbm>> -> memref<4194304x16xf32, #tpu.memory_space<hbm>>
    tpu.enqueue_indirect_dma source(%dma_start3A_659 : memref<4194304x16xf32, #tpu.memory_space<hbm>>) target(%dma_start3A_653 : memref<512x16xf32, #tpu.memory_space<vmem>>) offsets(%dma_start3A_656 : memref<512xi32, #tpu.memory_space<vmem>>) semaphore(%arg13 : memref<!tpu.dma_semaphore, #tpu.memory_space<semaphore_mem>>)
    %dma_start3A_660 = arith.constant 9 : i32
    %dma_start3A_661 = arith.constant 1 : i32
    %dma_start3A_662 = arith.constant 0 : i32
    %dma_start3A_663 = arith.constant 0 : i32
    %dma_start3A_664 = tpu.memref_slice %arg10[%dma_start3A_661, %dma_start3A_662, %dma_start3A_663] : memref<4x512x16xf32, #tpu.memory_space<vmem>> -> memref<1x512x16xf32, #tpu.memory_space<vmem>>
    %dma_start3A_665 = tpu.memref_squeeze %dma_start3A_664 : memref<1x512x16xf32, #tpu.memory_space<vmem>> -> memref<512x16xf32, #tpu.memory_space<vmem>>
    %dma_start3A_666 = arith.constant 0 : i32
    %dma_start3A_667 = tpu.memref_slice %arg9[%dma_start3A_660, %dma_start3A_666] : memref<16x512xi32, #tpu.memory_space<vmem>> -> memref<1x512xi32, #tpu.memory_space<vmem>>
    %dma_start3A_668 = tpu.memref_squeeze %dma_start3A_667 : memref<1x512xi32, #tpu.memory_space<vmem>> -> memref<512xi32, #tpu.memory_space<vmem>>
    %dma_start3A_669 = arith.constant 0 : i32
    %dma_start3A_670 = arith.constant 0 : i32
    %dma_start3A_671 = tpu.memref_slice %arg2[%dma_start3A_669, %dma_start3A_670] : memref<4194304x16xf32, #tpu.memory_space<hbm>> -> memref<4194304x16xf32, #tpu.memory_space<hbm>>
    tpu.enqueue_indirect_dma source(%dma_start3A_671 : memref<4194304x16xf32, #tpu.memory_space<hbm>>) target(%dma_start3A_665 : memref<512x16xf32, #tpu.memory_space<vmem>>) offsets(%dma_start3A_668 : memref<512xi32, #tpu.memory_space<vmem>>) semaphore(%arg13 : memref<!tpu.dma_semaphore, #tpu.memory_space<semaphore_mem>>)
    %dma_start3A_672 = arith.constant 10 : i32
    %dma_start3A_673 = arith.constant 2 : i32
    %dma_start3A_674 = arith.constant 0 : i32
    %dma_start3A_675 = arith.constant 0 : i32
    %dma_start3A_676 = tpu.memref_slice %arg10[%dma_start3A_673, %dma_start3A_674, %dma_start3A_675] : memref<4x512x16xf32, #tpu.memory_space<vmem>> -> memref<1x512x16xf32, #tpu.memory_space<vmem>>
    %dma_start3A_677 = tpu.memref_squeeze %dma_start3A_676 : memref<1x512x16xf32, #tpu.memory_space<vmem>> -> memref<512x16xf32, #tpu.memory_space<vmem>>
    %dma_start3A_678 = arith.constant 0 : i32
    %dma_start3A_679 = tpu.memref_slice %arg9[%dma_start3A_672, %dma_start3A_678] : memref<16x512xi32, #tpu.memory_space<vmem>> -> memref<1x512xi32, #tpu.memory_space<vmem>>
    %dma_start3A_680 = tpu.memref_squeeze %dma_start3A_679 : memref<1x512xi32, #tpu.memory_space<vmem>> -> memref<512xi32, #tpu.memory_space<vmem>>
    %dma_start3A_681 = arith.constant 0 : i32
    %dma_start3A_682 = arith.constant 0 : i32
    %dma_start3A_683 = tpu.memref_slice %arg2[%dma_start3A_681, %dma_start3A_682] : memref<4194304x16xf32, #tpu.memory_space<hbm>> -> memref<4194304x16xf32, #tpu.memory_space<hbm>>
    tpu.enqueue_indirect_dma source(%dma_start3A_683 : memref<4194304x16xf32, #tpu.memory_space<hbm>>) target(%dma_start3A_677 : memref<512x16xf32, #tpu.memory_space<vmem>>) offsets(%dma_start3A_680 : memref<512xi32, #tpu.memory_space<vmem>>) semaphore(%arg13 : memref<!tpu.dma_semaphore, #tpu.memory_space<semaphore_mem>>)
    %dma_start3A_684 = arith.constant 11 : i32
    %dma_start3A_685 = arith.constant 3 : i32
    %dma_start3A_686 = arith.constant 0 : i32
    %dma_start3A_687 = arith.constant 0 : i32
    %dma_start3A_688 = tpu.memref_slice %arg10[%dma_start3A_685, %dma_start3A_686, %dma_start3A_687] : memref<4x512x16xf32, #tpu.memory_space<vmem>> -> memref<1x512x16xf32, #tpu.memory_space<vmem>>
    %dma_start3A_689 = tpu.memref_squeeze %dma_start3A_688 : memref<1x512x16xf32, #tpu.memory_space<vmem>> -> memref<512x16xf32, #tpu.memory_space<vmem>>
    %dma_start3A_690 = arith.constant 0 : i32
    %dma_start3A_691 = tpu.memref_slice %arg9[%dma_start3A_684, %dma_start3A_690] : memref<16x512xi32, #tpu.memory_space<vmem>> -> memref<1x512xi32, #tpu.memory_space<vmem>>
    %dma_start3A_692 = tpu.memref_squeeze %dma_start3A_691 : memref<1x512xi32, #tpu.memory_space<vmem>> -> memref<512xi32, #tpu.memory_space<vmem>>
    %dma_start3A_693 = arith.constant 0 : i32
    %dma_start3A_694 = arith.constant 0 : i32
    %dma_start3A_695 = tpu.memref_slice %arg2[%dma_start3A_693, %dma_start3A_694] : memref<4194304x16xf32, #tpu.memory_space<hbm>> -> memref<4194304x16xf32, #tpu.memory_space<hbm>>
    tpu.enqueue_indirect_dma source(%dma_start3A_695 : memref<4194304x16xf32, #tpu.memory_space<hbm>>) target(%dma_start3A_689 : memref<512x16xf32, #tpu.memory_space<vmem>>) offsets(%dma_start3A_692 : memref<512xi32, #tpu.memory_space<vmem>>) semaphore(%arg13 : memref<!tpu.dma_semaphore, #tpu.memory_space<semaphore_mem>>)
    %dma_wait3A_696 = arith.constant 4 : i32
    %dma_wait3A_697 = arith.constant 0 : i32
    %dma_wait3A_698 = arith.constant 0 : i32
    %dma_wait3A_699 = arith.constant 0 : i32
    %dma_wait3A_700 = tpu.memref_slice %arg11[%dma_wait3A_697, %dma_wait3A_698, %dma_wait3A_699] : memref<4x512x16xf32, #tpu.memory_space<vmem>> -> memref<1x512x16xf32, #tpu.memory_space<vmem>>
    %dma_wait3A_701 = tpu.memref_squeeze %dma_wait3A_700 : memref<1x512x16xf32, #tpu.memory_space<vmem>> -> memref<512x16xf32, #tpu.memory_space<vmem>>
    %dma_wait3A_702 = arith.constant 0 : i32
    %dma_wait3A_703 = tpu.memref_slice %arg9[%dma_wait3A_696, %dma_wait3A_702] : memref<16x512xi32, #tpu.memory_space<vmem>> -> memref<1x512xi32, #tpu.memory_space<vmem>>
    %dma_wait3A_704 = tpu.memref_squeeze %dma_wait3A_703 : memref<1x512xi32, #tpu.memory_space<vmem>> -> memref<512xi32, #tpu.memory_space<vmem>>
    %dma_wait3A_705 = arith.constant 0 : i32
    %dma_wait3A_706 = arith.constant 0 : i32
    %dma_wait3A_707 = tpu.memref_slice %arg2[%dma_wait3A_705, %dma_wait3A_706] : memref<4194304x16xf32, #tpu.memory_space<hbm>> -> memref<4194304x16xf32, #tpu.memory_space<hbm>>
    tpu.wait_indirect_dma semaphore(%arg14 : memref<!tpu.dma_semaphore, #tpu.memory_space<semaphore_mem>>) src(%dma_wait3A_707 : memref<4194304x16xf32, #tpu.memory_space<hbm>>) dst(%dma_wait3A_701 : memref<512x16xf32, #tpu.memory_space<vmem>>)
    %dma_wait3A_708 = arith.constant 5 : i32
    %dma_wait3A_709 = arith.constant 1 : i32
    %dma_wait3A_710 = arith.constant 0 : i32
    %dma_wait3A_711 = arith.constant 0 : i32
    %dma_wait3A_712 = tpu.memref_slice %arg11[%dma_wait3A_709, %dma_wait3A_710, %dma_wait3A_711] : memref<4x512x16xf32, #tpu.memory_space<vmem>> -> memref<1x512x16xf32, #tpu.memory_space<vmem>>
    %dma_wait3A_713 = tpu.memref_squeeze %dma_wait3A_712 : memref<1x512x16xf32, #tpu.memory_space<vmem>> -> memref<512x16xf32, #tpu.memory_space<vmem>>
    %dma_wait3A_714 = arith.constant 0 : i32
    %dma_wait3A_715 = tpu.memref_slice %arg9[%dma_wait3A_708, %dma_wait3A_714] : memref<16x512xi32, #tpu.memory_space<vmem>> -> memref<1x512xi32, #tpu.memory_space<vmem>>
    %dma_wait3A_716 = tpu.memref_squeeze %dma_wait3A_715 : memref<1x512xi32, #tpu.memory_space<vmem>> -> memref<512xi32, #tpu.memory_space<vmem>>
    %dma_wait3A_717 = arith.constant 0 : i32
    %dma_wait3A_718 = arith.constant 0 : i32
    %dma_wait3A_719 = tpu.memref_slice %arg2[%dma_wait3A_717, %dma_wait3A_718] : memref<4194304x16xf32, #tpu.memory_space<hbm>> -> memref<4194304x16xf32, #tpu.memory_space<hbm>>
    tpu.wait_indirect_dma semaphore(%arg14 : memref<!tpu.dma_semaphore, #tpu.memory_space<semaphore_mem>>) src(%dma_wait3A_719 : memref<4194304x16xf32, #tpu.memory_space<hbm>>) dst(%dma_wait3A_713 : memref<512x16xf32, #tpu.memory_space<vmem>>)
    %dma_wait3A_720 = arith.constant 6 : i32
    %dma_wait3A_721 = arith.constant 2 : i32
    %dma_wait3A_722 = arith.constant 0 : i32
    %dma_wait3A_723 = arith.constant 0 : i32
    %dma_wait3A_724 = tpu.memref_slice %arg11[%dma_wait3A_721, %dma_wait3A_722, %dma_wait3A_723] : memref<4x512x16xf32, #tpu.memory_space<vmem>> -> memref<1x512x16xf32, #tpu.memory_space<vmem>>
    %dma_wait3A_725 = tpu.memref_squeeze %dma_wait3A_724 : memref<1x512x16xf32, #tpu.memory_space<vmem>> -> memref<512x16xf32, #tpu.memory_space<vmem>>
    %dma_wait3A_726 = arith.constant 0 : i32
    %dma_wait3A_727 = tpu.memref_slice %arg9[%dma_wait3A_720, %dma_wait3A_726] : memref<16x512xi32, #tpu.memory_space<vmem>> -> memref<1x512xi32, #tpu.memory_space<vmem>>
    %dma_wait3A_728 = tpu.memref_squeeze %dma_wait3A_727 : memref<1x512xi32, #tpu.memory_space<vmem>> -> memref<512xi32, #tpu.memory_space<vmem>>
    %dma_wait3A_729 = arith.constant 0 : i32
    %dma_wait3A_730 = arith.constant 0 : i32
    %dma_wait3A_731 = tpu.memref_slice %arg2[%dma_wait3A_729, %dma_wait3A_730] : memref<4194304x16xf32, #tpu.memory_space<hbm>> -> memref<4194304x16xf32, #tpu.memory_space<hbm>>
    tpu.wait_indirect_dma semaphore(%arg14 : memref<!tpu.dma_semaphore, #tpu.memory_space<semaphore_mem>>) src(%dma_wait3A_731 : memref<4194304x16xf32, #tpu.memory_space<hbm>>) dst(%dma_wait3A_725 : memref<512x16xf32, #tpu.memory_space<vmem>>)
    %dma_wait3A_732 = arith.constant 7 : i32
    %dma_wait3A_733 = arith.constant 3 : i32
    %dma_wait3A_734 = arith.constant 0 : i32
    %dma_wait3A_735 = arith.constant 0 : i32
    %dma_wait3A_736 = tpu.memref_slice %arg11[%dma_wait3A_733, %dma_wait3A_734, %dma_wait3A_735] : memref<4x512x16xf32, #tpu.memory_space<vmem>> -> memref<1x512x16xf32, #tpu.memory_space<vmem>>
    %dma_wait3A_737 = tpu.memref_squeeze %dma_wait3A_736 : memref<1x512x16xf32, #tpu.memory_space<vmem>> -> memref<512x16xf32, #tpu.memory_space<vmem>>
    %dma_wait3A_738 = arith.constant 0 : i32
    %dma_wait3A_739 = tpu.memref_slice %arg9[%dma_wait3A_732, %dma_wait3A_738] : memref<16x512xi32, #tpu.memory_space<vmem>> -> memref<1x512xi32, #tpu.memory_space<vmem>>
    %dma_wait3A_740 = tpu.memref_squeeze %dma_wait3A_739 : memref<1x512xi32, #tpu.memory_space<vmem>> -> memref<512xi32, #tpu.memory_space<vmem>>
    %dma_wait3A_741 = arith.constant 0 : i32
    %dma_wait3A_742 = arith.constant 0 : i32
    %dma_wait3A_743 = tpu.memref_slice %arg2[%dma_wait3A_741, %dma_wait3A_742] : memref<4194304x16xf32, #tpu.memory_space<hbm>> -> memref<4194304x16xf32, #tpu.memory_space<hbm>>
    tpu.wait_indirect_dma semaphore(%arg14 : memref<!tpu.dma_semaphore, #tpu.memory_space<semaphore_mem>>) src(%dma_wait3A_743 : memref<4194304x16xf32, #tpu.memory_space<hbm>>) dst(%dma_wait3A_737 : memref<512x16xf32, #tpu.memory_space<vmem>>)
    %scan3A_744 = arith.constant 0 : i32
    %scan3A_745 = arith.constant 0 : i32
    %scan3A_746 = arith.constant 4 : i32
    %scan3A_747 = arith.addi %scan3A_745, %scan3A_746 : i32
    %scan3A_748 = arith.constant 1 : i32
    scf.for %scan3A_908 = %scan3A_745 to %scan3A_747 step %scan3A_748  : i32 {
      %add3A_909 = arith.constant 4 : i32
      %add3A_910 = arith.addi %add3A_909, %scan3A_908 : i32
      %mul3A_911 = arith.constant 16 : i32
      %mul3A_912 = arith.muli %add3A_910, %mul3A_911 : i32
      %add3A_913 = vector.broadcast %mul3A_912 : i32 to vector<16xi32>
      %add3A_914 = arith.addi %add3A_913, %iota3A : vector<16xi32>
      %gather3A = tpu.vector_load_idx %arg7[%add3A_914] : memref<256xi32, #tpu.memory_space<vmem>>[vector<16xi32>], vector<16xi32>,
      %shift_right_logical3A_915 = arith.constant 7 : i32
      %shift_right_logical3A_916 = vector.broadcast %shift_right_logical3A_915 : i32 to vector<16xi32>
      %shift_right_logical3A_917 = arith.shrui %add3A_914, %shift_right_logical3A_916 : vector<16xi32>
      %mul3A_918 = arith.constant 8 : i32
      %mul3A_919 = vector.broadcast %mul3A_918 : i32 to vector<16xi32>
      %mul3A_920 = arith.muli %shift_right_logical3A_917, %mul3A_919 : vector<16xi32>
      %and3A_921 = arith.constant 127 : i32
      %and3A_922 = vector.broadcast %and3A_921 : i32 to vector<16xi32>
      %and3A_923 = arith.andi %add3A_914, %and3A_922 : vector<16xi32>
      %broadcast_in_dim3A = arith.constant 0 : i32
      %broadcast_in_dim3A_924 = vector.broadcast %broadcast_in_dim3A : i32 to vector<16xi32>
      %add3A_925 = vector.broadcast %scan3A_908 : i32 to vector<16xi32>
      %add3A_926 = arith.addi %broadcast_in_dim3A_924, %add3A_925 : vector<16xi32>
      %mul3A_927 = arith.constant 32 : i32
      %mul3A_928 = vector.broadcast %mul3A_927 : i32 to vector<16xi32>
      %mul3A_929 = arith.muli %iota3A, %mul3A_928 : vector<16xi32>
      %add3A_930 = arith.constant 0 : i32
      %add3A_931 = vector.broadcast %add3A_930 : i32 to vector<16xi32>
      %add3A_932 = arith.addi %mul3A_929, %add3A_931 : vector<16xi32>
      %gather3A_933 = tpu.vector_load_idx %arg11[%add3A_926, %add3A_932, %gather3A] : memref<4x512x16xf32, #tpu.memory_space<vmem>>[vector<16xi32>, vector<16xi32>, vector<16xi32>], vector<16xf32>,
      %add3A_934 = arith.constant 0 : i32
      %add3A_935 = vector.broadcast %add3A_934 : i32 to vector<16xi32>
      %add3A_936 = arith.addi %mul3A_920, %add3A_935 : vector<16xi32>
      tpu.vector_store_idx %arg12[%add3A_936, %and3A_923], %gather3A_933 : memref<64x128xf32, #tpu.memory_space<vmem>>[vector<16xi32>, vector<16xi32>], vector<16xf32>,
      %mul3A_937 = arith.constant 32 : i32
      %mul3A_938 = vector.broadcast %mul3A_937 : i32 to vector<16xi32>
      %mul3A_939 = arith.muli %iota3A, %mul3A_938 : vector<16xi32>
      %add3A_940 = arith.constant 1 : i32
      %add3A_941 = vector.broadcast %add3A_940 : i32 to vector<16xi32>
      %add3A_942 = arith.addi %mul3A_939, %add3A_941 : vector<16xi32>
      %gather3A_943 = tpu.vector_load_idx %arg11[%add3A_926, %add3A_942, %gather3A] : memref<4x512x16xf32, #tpu.memory_space<vmem>>[vector<16xi32>, vector<16xi32>, vector<16xi32>], vector<16xf32>,
      %add3A_944 = arith.constant 1 : i32
      %add3A_945 = vector.broadcast %add3A_944 : i32 to vector<16xi32>
      %add3A_946 = arith.addi %mul3A_920, %add3A_945 : vector<16xi32>
      tpu.vector_store_idx %arg12[%add3A_946, %and3A_923], %gather3A_943 : memref<64x128xf32, #tpu.memory_space<vmem>>[vector<16xi32>, vector<16xi32>], vector<16xf32>,
      %mul3A_947 = arith.constant 32 : i32
      %mul3A_948 = vector.broadcast %mul3A_947 : i32 to vector<16xi32>
      %mul3A_949 = arith.muli %iota3A, %mul3A_948 : vector<16xi32>
      %add3A_950 = arith.constant 2 : i32
      %add3A_951 = vector.broadcast %add3A_950 : i32 to vector<16xi32>
      %add3A_952 = arith.addi %mul3A_949, %add3A_951 : vector<16xi32>
      %gather3A_953 = tpu.vector_load_idx %arg11[%add3A_926, %add3A_952, %gather3A] : memref<4x512x16xf32, #tpu.memory_space<vmem>>[vector<16xi32>, vector<16xi32>, vector<16xi32>], vector<16xf32>,
      %add3A_954 = arith.constant 2 : i32
      %add3A_955 = vector.broadcast %add3A_954 : i32 to vector<16xi32>
      %add3A_956 = arith.addi %mul3A_920, %add3A_955 : vector<16xi32>
      tpu.vector_store_idx %arg12[%add3A_956, %and3A_923], %gather3A_953 : memref<64x128xf32, #tpu.memory_space<vmem>>[vector<16xi32>, vector<16xi32>], vector<16xf32>,
      %mul3A_957 = arith.constant 32 : i32
      %mul3A_958 = vector.broadcast %mul3A_957 : i32 to vector<16xi32>
      %mul3A_959 = arith.muli %iota3A, %mul3A_958 : vector<16xi32>
      %add3A_960 = arith.constant 3 : i32
      %add3A_961 = vector.broadcast %add3A_960 : i32 to vector<16xi32>
      %add3A_962 = arith.addi %mul3A_959, %add3A_961 : vector<16xi32>
      %gather3A_963 = tpu.vector_load_idx %arg11[%add3A_926, %add3A_962, %gather3A] : memref<4x512x16xf32, #tpu.memory_space<vmem>>[vector<16xi32>, vector<16xi32>, vector<16xi32>], vector<16xf32>,
      %add3A_964 = arith.constant 3 : i32
      %add3A_965 = vector.broadcast %add3A_964 : i32 to vector<16xi32>
      %add3A_966 = arith.addi %mul3A_920, %add3A_965 : vector<16xi32>
      tpu.vector_store_idx %arg12[%add3A_966, %and3A_923], %gather3A_963 : memref<64x128xf32, #tpu.memory_space<vmem>>[vector<16xi32>, vector<16xi32>], vector<16xf32>,
      %mul3A_967 = arith.constant 32 : i32
      %mul3A_968 = vector.broadcast %mul3A_967 : i32 to vector<16xi32>
      %mul3A_969 = arith.muli %iota3A, %mul3A_968 : vector<16xi32>
      %add3A_970 = arith.constant 4 : i32
      %add3A_971 = vector.broadcast %add3A_970 : i32 to vector<16xi32>
      %add3A_972 = arith.addi %mul3A_969, %add3A_971 : vector<16xi32>
      %gather3A_973 = tpu.vector_load_idx %arg11[%add3A_926, %add3A_972, %gather3A] : memref<4x512x16xf32, #tpu.memory_space<vmem>>[vector<16xi32>, vector<16xi32>, vector<16xi32>], vector<16xf32>,
      %add3A_974 = arith.constant 4 : i32
      %add3A_975 = vector.broadcast %add3A_974 : i32 to vector<16xi32>
      %add3A_976 = arith.addi %mul3A_920, %add3A_975 : vector<16xi32>
      tpu.vector_store_idx %arg12[%add3A_976, %and3A_923], %gather3A_973 : memref<64x128xf32, #tpu.memory_space<vmem>>[vector<16xi32>, vector<16xi32>], vector<16xf32>,
      %mul3A_977 = arith.constant 32 : i32
      %mul3A_978 = vector.broadcast %mul3A_977 : i32 to vector<16xi32>
      %mul3A_979 = arith.muli %iota3A, %mul3A_978 : vector<16xi32>
      %add3A_980 = arith.constant 5 : i32
      %add3A_981 = vector.broadcast %add3A_980 : i32 to vector<16xi32>
      %add3A_982 = arith.addi %mul3A_979, %add3A_981 : vector<16xi32>
      %gather3A_983 = tpu.vector_load_idx %arg11[%add3A_926, %add3A_982, %gather3A] : memref<4x512x16xf32, #tpu.memory_space<vmem>>[vector<16xi32>, vector<16xi32>, vector<16xi32>], vector<16xf32>,
      %add3A_984 = arith.constant 5 : i32
      %add3A_985 = vector.broadcast %add3A_984 : i32 to vector<16xi32>
      %add3A_986 = arith.addi %mul3A_920, %add3A_985 : vector<16xi32>
      tpu.vector_store_idx %arg12[%add3A_986, %and3A_923], %gather3A_983 : memref<64x128xf32, #tpu.memory_space<vmem>>[vector<16xi32>, vector<16xi32>], vector<16xf32>,
      %mul3A_987 = arith.constant 32 : i32
      %mul3A_988 = vector.broadcast %mul3A_987 : i32 to vector<16xi32>
      %mul3A_989 = arith.muli %iota3A, %mul3A_988 : vector<16xi32>
      %add3A_990 = arith.constant 6 : i32
      %add3A_991 = vector.broadcast %add3A_990 : i32 to vector<16xi32>
      %add3A_992 = arith.addi %mul3A_989, %add3A_991 : vector<16xi32>
      %gather3A_993 = tpu.vector_load_idx %arg11[%add3A_926, %add3A_992, %gather3A] : memref<4x512x16xf32, #tpu.memory_space<vmem>>[vector<16xi32>, vector<16xi32>, vector<16xi32>], vector<16xf32>,
      %add3A_994 = arith.constant 6 : i32
      %add3A_995 = vector.broadcast %add3A_994 : i32 to vector<16xi32>
      %add3A_996 = arith.addi %mul3A_920, %add3A_995 : vector<16xi32>
      tpu.vector_store_idx %arg12[%add3A_996, %and3A_923], %gather3A_993 : memref<64x128xf32, #tpu.memory_space<vmem>>[vector<16xi32>, vector<16xi32>], vector<16xf32>,
      %mul3A_997 = arith.constant 32 : i32
      %mul3A_998 = vector.broadcast %mul3A_997 : i32 to vector<16xi32>
      %mul3A_999 = arith.muli %iota3A, %mul3A_998 : vector<16xi32>
      %add3A_1000 = arith.constant 7 : i32
      %add3A_1001 = vector.broadcast %add3A_1000 : i32 to vector<16xi32>
      %add3A_1002 = arith.addi %mul3A_999, %add3A_1001 : vector<16xi32>
      %gather3A_1003 = tpu.vector_load_idx %arg11[%add3A_926, %add3A_1002, %gather3A] : memref<4x512x16xf32, #tpu.memory_space<vmem>>[vector<16xi32>, vector<16xi32>, vector<16xi32>], vector<16xf32>,
      %add3A_1004 = arith.constant 7 : i32
      %add3A_1005 = vector.broadcast %add3A_1004 : i32 to vector<16xi32>
      %add3A_1006 = arith.addi %mul3A_920, %add3A_1005 : vector<16xi32>
      tpu.vector_store_idx %arg12[%add3A_1006, %and3A_923], %gather3A_1003 : memref<64x128xf32, #tpu.memory_space<vmem>>[vector<16xi32>, vector<16xi32>], vector<16xf32>,
      %mul3A_1007 = arith.constant 32 : i32
      %mul3A_1008 = vector.broadcast %mul3A_1007 : i32 to vector<16xi32>
      %mul3A_1009 = arith.muli %iota3A, %mul3A_1008 : vector<16xi32>
      %add3A_1010 = arith.constant 8 : i32
      %add3A_1011 = vector.broadcast %add3A_1010 : i32 to vector<16xi32>
      %add3A_1012 = arith.addi %mul3A_1009, %add3A_1011 : vector<16xi32>
      %gather3A_1013 = tpu.vector_load_idx %arg11[%add3A_926, %add3A_1012, %gather3A] : memref<4x512x16xf32, #tpu.memory_space<vmem>>[vector<16xi32>, vector<16xi32>, vector<16xi32>], vector<16xf32>,
      %add3A_1014 = arith.constant 16 : i32
      %add3A_1015 = vector.broadcast %add3A_1014 : i32 to vector<16xi32>
      %add3A_1016 = arith.addi %mul3A_920, %add3A_1015 : vector<16xi32>
      tpu.vector_store_idx %arg12[%add3A_1016, %and3A_923], %gather3A_1013 : memref<64x128xf32, #tpu.memory_space<vmem>>[vector<16xi32>, vector<16xi32>], vector<16xf32>,
      %mul3A_1017 = arith.constant 32 : i32
      %mul3A_1018 = vector.broadcast %mul3A_1017 : i32 to vector<16xi32>
      %mul3A_1019 = arith.muli %iota3A, %mul3A_1018 : vector<16xi32>
      %add3A_1020 = arith.constant 9 : i32
      %add3A_1021 = vector.broadcast %add3A_1020 : i32 to vector<16xi32>
      %add3A_1022 = arith.addi %mul3A_1019, %add3A_1021 : vector<16xi32>
      %gather3A_1023 = tpu.vector_load_idx %arg11[%add3A_926, %add3A_1022, %gather3A] : memref<4x512x16xf32, #tpu.memory_space<vmem>>[vector<16xi32>, vector<16xi32>, vector<16xi32>], vector<16xf32>,
      %add3A_1024 = arith.constant 17 : i32
      %add3A_1025 = vector.broadcast %add3A_1024 : i32 to vector<16xi32>
      %add3A_1026 = arith.addi %mul3A_920, %add3A_1025 : vector<16xi32>
      tpu.vector_store_idx %arg12[%add3A_1026, %and3A_923], %gather3A_1023 : memref<64x128xf32, #tpu.memory_space<vmem>>[vector<16xi32>, vector<16xi32>], vector<16xf32>,
      %mul3A_1027 = arith.constant 32 : i32
      %mul3A_1028 = vector.broadcast %mul3A_1027 : i32 to vector<16xi32>
      %mul3A_1029 = arith.muli %iota3A, %mul3A_1028 : vector<16xi32>
      %add3A_1030 = arith.constant 10 : i32
      %add3A_1031 = vector.broadcast %add3A_1030 : i32 to vector<16xi32>
      %add3A_1032 = arith.addi %mul3A_1029, %add3A_1031 : vector<16xi32>
      %gather3A_1033 = tpu.vector_load_idx %arg11[%add3A_926, %add3A_1032, %gather3A] : memref<4x512x16xf32, #tpu.memory_space<vmem>>[vector<16xi32>, vector<16xi32>, vector<16xi32>], vector<16xf32>,
      %add3A_1034 = arith.constant 18 : i32
      %add3A_1035 = vector.broadcast %add3A_1034 : i32 to vector<16xi32>
      %add3A_1036 = arith.addi %mul3A_920, %add3A_1035 : vector<16xi32>
      tpu.vector_store_idx %arg12[%add3A_1036, %and3A_923], %gather3A_1033 : memref<64x128xf32, #tpu.memory_space<vmem>>[vector<16xi32>, vector<16xi32>], vector<16xf32>,
      %mul3A_1037 = arith.constant 32 : i32
      %mul3A_1038 = vector.broadcast %mul3A_1037 : i32 to vector<16xi32>
      %mul3A_1039 = arith.muli %iota3A, %mul3A_1038 : vector<16xi32>
      %add3A_1040 = arith.constant 11 : i32
      %add3A_1041 = vector.broadcast %add3A_1040 : i32 to vector<16xi32>
      %add3A_1042 = arith.addi %mul3A_1039, %add3A_1041 : vector<16xi32>
      %gather3A_1043 = tpu.vector_load_idx %arg11[%add3A_926, %add3A_1042, %gather3A] : memref<4x512x16xf32, #tpu.memory_space<vmem>>[vector<16xi32>, vector<16xi32>, vector<16xi32>], vector<16xf32>,
      %add3A_1044 = arith.constant 19 : i32
      %add3A_1045 = vector.broadcast %add3A_1044 : i32 to vector<16xi32>
      %add3A_1046 = arith.addi %mul3A_920, %add3A_1045 : vector<16xi32>
      tpu.vector_store_idx %arg12[%add3A_1046, %and3A_923], %gather3A_1043 : memref<64x128xf32, #tpu.memory_space<vmem>>[vector<16xi32>, vector<16xi32>], vector<16xf32>,
      %mul3A_1047 = arith.constant 32 : i32
      %mul3A_1048 = vector.broadcast %mul3A_1047 : i32 to vector<16xi32>
      %mul3A_1049 = arith.muli %iota3A, %mul3A_1048 : vector<16xi32>
      %add3A_1050 = arith.constant 12 : i32
      %add3A_1051 = vector.broadcast %add3A_1050 : i32 to vector<16xi32>
      %add3A_1052 = arith.addi %mul3A_1049, %add3A_1051 : vector<16xi32>
      %gather3A_1053 = tpu.vector_load_idx %arg11[%add3A_926, %add3A_1052, %gather3A] : memref<4x512x16xf32, #tpu.memory_space<vmem>>[vector<16xi32>, vector<16xi32>, vector<16xi32>], vector<16xf32>,
      %add3A_1054 = arith.constant 20 : i32
      %add3A_1055 = vector.broadcast %add3A_1054 : i32 to vector<16xi32>
      %add3A_1056 = arith.addi %mul3A_920, %add3A_1055 : vector<16xi32>
      tpu.vector_store_idx %arg12[%add3A_1056, %and3A_923], %gather3A_1053 : memref<64x128xf32, #tpu.memory_space<vmem>>[vector<16xi32>, vector<16xi32>], vector<16xf32>,
      %mul3A_1057 = arith.constant 32 : i32
      %mul3A_1058 = vector.broadcast %mul3A_1057 : i32 to vector<16xi32>
      %mul3A_1059 = arith.muli %iota3A, %mul3A_1058 : vector<16xi32>
      %add3A_1060 = arith.constant 13 : i32
      %add3A_1061 = vector.broadcast %add3A_1060 : i32 to vector<16xi32>
      %add3A_1062 = arith.addi %mul3A_1059, %add3A_1061 : vector<16xi32>
      %gather3A_1063 = tpu.vector_load_idx %arg11[%add3A_926, %add3A_1062, %gather3A] : memref<4x512x16xf32, #tpu.memory_space<vmem>>[vector<16xi32>, vector<16xi32>, vector<16xi32>], vector<16xf32>,
      %add3A_1064 = arith.constant 21 : i32
      %add3A_1065 = vector.broadcast %add3A_1064 : i32 to vector<16xi32>
      %add3A_1066 = arith.addi %mul3A_920, %add3A_1065 : vector<16xi32>
      tpu.vector_store_idx %arg12[%add3A_1066, %and3A_923], %gather3A_1063 : memref<64x128xf32, #tpu.memory_space<vmem>>[vector<16xi32>, vector<16xi32>], vector<16xf32>,
      %mul3A_1067 = arith.constant 32 : i32
      %mul3A_1068 = vector.broadcast %mul3A_1067 : i32 to vector<16xi32>
      %mul3A_1069 = arith.muli %iota3A, %mul3A_1068 : vector<16xi32>
      %add3A_1070 = arith.constant 14 : i32
      %add3A_1071 = vector.broadcast %add3A_1070 : i32 to vector<16xi32>
      %add3A_1072 = arith.addi %mul3A_1069, %add3A_1071 : vector<16xi32>
      %gather3A_1073 = tpu.vector_load_idx %arg11[%add3A_926, %add3A_1072, %gather3A] : memref<4x512x16xf32, #tpu.memory_space<vmem>>[vector<16xi32>, vector<16xi32>, vector<16xi32>], vector<16xf32>,
      %add3A_1074 = arith.constant 22 : i32
      %add3A_1075 = vector.broadcast %add3A_1074 : i32 to vector<16xi32>
      %add3A_1076 = arith.addi %mul3A_920, %add3A_1075 : vector<16xi32>
      tpu.vector_store_idx %arg12[%add3A_1076, %and3A_923], %gather3A_1073 : memref<64x128xf32, #tpu.memory_space<vmem>>[vector<16xi32>, vector<16xi32>], vector<16xf32>,
      %mul3A_1077 = arith.constant 32 : i32
      %mul3A_1078 = vector.broadcast %mul3A_1077 : i32 to vector<16xi32>
      %mul3A_1079 = arith.muli %iota3A, %mul3A_1078 : vector<16xi32>
      %add3A_1080 = arith.constant 15 : i32
      %add3A_1081 = vector.broadcast %add3A_1080 : i32 to vector<16xi32>
      %add3A_1082 = arith.addi %mul3A_1079, %add3A_1081 : vector<16xi32>
      %gather3A_1083 = tpu.vector_load_idx %arg11[%add3A_926, %add3A_1082, %gather3A] : memref<4x512x16xf32, #tpu.memory_space<vmem>>[vector<16xi32>, vector<16xi32>, vector<16xi32>], vector<16xf32>,
      %add3A_1084 = arith.constant 23 : i32
      %add3A_1085 = vector.broadcast %add3A_1084 : i32 to vector<16xi32>
      %add3A_1086 = arith.addi %mul3A_920, %add3A_1085 : vector<16xi32>
      tpu.vector_store_idx %arg12[%add3A_1086, %and3A_923], %gather3A_1083 : memref<64x128xf32, #tpu.memory_space<vmem>>[vector<16xi32>, vector<16xi32>], vector<16xf32>,
      %mul3A_1087 = arith.constant 32 : i32
      %mul3A_1088 = vector.broadcast %mul3A_1087 : i32 to vector<16xi32>
      %mul3A_1089 = arith.muli %iota3A, %mul3A_1088 : vector<16xi32>
      %add3A_1090 = arith.constant 16 : i32
      %add3A_1091 = vector.broadcast %add3A_1090 : i32 to vector<16xi32>
      %add3A_1092 = arith.addi %mul3A_1089, %add3A_1091 : vector<16xi32>
      %gather3A_1093 = tpu.vector_load_idx %arg11[%add3A_926, %add3A_1092, %gather3A] : memref<4x512x16xf32, #tpu.memory_space<vmem>>[vector<16xi32>, vector<16xi32>, vector<16xi32>], vector<16xf32>,
      %add3A_1094 = arith.constant 32 : i32
      %add3A_1095 = vector.broadcast %add3A_1094 : i32 to vector<16xi32>
      %add3A_1096 = arith.addi %mul3A_920, %add3A_1095 : vector<16xi32>
      tpu.vector_store_idx %arg12[%add3A_1096, %and3A_923], %gather3A_1093 : memref<64x128xf32, #tpu.memory_space<vmem>>[vector<16xi32>, vector<16xi32>], vector<16xf32>,
      %mul3A_1097 = arith.constant 32 : i32
      %mul3A_1098 = vector.broadcast %mul3A_1097 : i32 to vector<16xi32>
      %mul3A_1099 = arith.muli %iota3A, %mul3A_1098 : vector<16xi32>
      %add3A_1100 = arith.constant 17 : i32
      %add3A_1101 = vector.broadcast %add3A_1100 : i32 to vector<16xi32>
      %add3A_1102 = arith.addi %mul3A_1099, %add3A_1101 : vector<16xi32>
      %gather3A_1103 = tpu.vector_load_idx %arg11[%add3A_926, %add3A_1102, %gather3A] : memref<4x512x16xf32, #tpu.memory_space<vmem>>[vector<16xi32>, vector<16xi32>, vector<16xi32>], vector<16xf32>,
      %add3A_1104 = arith.constant 33 : i32
      %add3A_1105 = vector.broadcast %add3A_1104 : i32 to vector<16xi32>
      %add3A_1106 = arith.addi %mul3A_920, %add3A_1105 : vector<16xi32>
      tpu.vector_store_idx %arg12[%add3A_1106, %and3A_923], %gather3A_1103 : memref<64x128xf32, #tpu.memory_space<vmem>>[vector<16xi32>, vector<16xi32>], vector<16xf32>,
      %mul3A_1107 = arith.constant 32 : i32
      %mul3A_1108 = vector.broadcast %mul3A_1107 : i32 to vector<16xi32>
      %mul3A_1109 = arith.muli %iota3A, %mul3A_1108 : vector<16xi32>
      %add3A_1110 = arith.constant 18 : i32
      %add3A_1111 = vector.broadcast %add3A_1110 : i32 to vector<16xi32>
      %add3A_1112 = arith.addi %mul3A_1109, %add3A_1111 : vector<16xi32>
      %gather3A_1113 = tpu.vector_load_idx %arg11[%add3A_926, %add3A_1112, %gather3A] : memref<4x512x16xf32, #tpu.memory_space<vmem>>[vector<16xi32>, vector<16xi32>, vector<16xi32>], vector<16xf32>,
      %add3A_1114 = arith.constant 34 : i32
      %add3A_1115 = vector.broadcast %add3A_1114 : i32 to vector<16xi32>
      %add3A_1116 = arith.addi %mul3A_920, %add3A_1115 : vector<16xi32>
      tpu.vector_store_idx %arg12[%add3A_1116, %and3A_923], %gather3A_1113 : memref<64x128xf32, #tpu.memory_space<vmem>>[vector<16xi32>, vector<16xi32>], vector<16xf32>,
      %mul3A_1117 = arith.constant 32 : i32
      %mul3A_1118 = vector.broadcast %mul3A_1117 : i32 to vector<16xi32>
      %mul3A_1119 = arith.muli %iota3A, %mul3A_1118 : vector<16xi32>
      %add3A_1120 = arith.constant 19 : i32
      %add3A_1121 = vector.broadcast %add3A_1120 : i32 to vector<16xi32>
      %add3A_1122 = arith.addi %mul3A_1119, %add3A_1121 : vector<16xi32>
      %gather3A_1123 = tpu.vector_load_idx %arg11[%add3A_926, %add3A_1122, %gather3A] : memref<4x512x16xf32, #tpu.memory_space<vmem>>[vector<16xi32>, vector<16xi32>, vector<16xi32>], vector<16xf32>,
      %add3A_1124 = arith.constant 35 : i32
      %add3A_1125 = vector.broadcast %add3A_1124 : i32 to vector<16xi32>
      %add3A_1126 = arith.addi %mul3A_920, %add3A_1125 : vector<16xi32>
      tpu.vector_store_idx %arg12[%add3A_1126, %and3A_923], %gather3A_1123 : memref<64x128xf32, #tpu.memory_space<vmem>>[vector<16xi32>, vector<16xi32>], vector<16xf32>,
      %mul3A_1127 = arith.constant 32 : i32
      %mul3A_1128 = vector.broadcast %mul3A_1127 : i32 to vector<16xi32>
      %mul3A_1129 = arith.muli %iota3A, %mul3A_1128 : vector<16xi32>
      %add3A_1130 = arith.constant 20 : i32
      %add3A_1131 = vector.broadcast %add3A_1130 : i32 to vector<16xi32>
      %add3A_1132 = arith.addi %mul3A_1129, %add3A_1131 : vector<16xi32>
      %gather3A_1133 = tpu.vector_load_idx %arg11[%add3A_926, %add3A_1132, %gather3A] : memref<4x512x16xf32, #tpu.memory_space<vmem>>[vector<16xi32>, vector<16xi32>, vector<16xi32>], vector<16xf32>,
      %add3A_1134 = arith.constant 36 : i32
      %add3A_1135 = vector.broadcast %add3A_1134 : i32 to vector<16xi32>
      %add3A_1136 = arith.addi %mul3A_920, %add3A_1135 : vector<16xi32>
      tpu.vector_store_idx %arg12[%add3A_1136, %and3A_923], %gather3A_1133 : memref<64x128xf32, #tpu.memory_space<vmem>>[vector<16xi32>, vector<16xi32>], vector<16xf32>,
      %mul3A_1137 = arith.constant 32 : i32
      %mul3A_1138 = vector.broadcast %mul3A_1137 : i32 to vector<16xi32>
      %mul3A_1139 = arith.muli %iota3A, %mul3A_1138 : vector<16xi32>
      %add3A_1140 = arith.constant 21 : i32
      %add3A_1141 = vector.broadcast %add3A_1140 : i32 to vector<16xi32>
      %add3A_1142 = arith.addi %mul3A_1139, %add3A_1141 : vector<16xi32>
      %gather3A_1143 = tpu.vector_load_idx %arg11[%add3A_926, %add3A_1142, %gather3A] : memref<4x512x16xf32, #tpu.memory_space<vmem>>[vector<16xi32>, vector<16xi32>, vector<16xi32>], vector<16xf32>,
      %add3A_1144 = arith.constant 37 : i32
      %add3A_1145 = vector.broadcast %add3A_1144 : i32 to vector<16xi32>
      %add3A_1146 = arith.addi %mul3A_920, %add3A_1145 : vector<16xi32>
      tpu.vector_store_idx %arg12[%add3A_1146, %and3A_923], %gather3A_1143 : memref<64x128xf32, #tpu.memory_space<vmem>>[vector<16xi32>, vector<16xi32>], vector<16xf32>,
      %mul3A_1147 = arith.constant 32 : i32
      %mul3A_1148 = vector.broadcast %mul3A_1147 : i32 to vector<16xi32>
      %mul3A_1149 = arith.muli %iota3A, %mul3A_1148 : vector<16xi32>
      %add3A_1150 = arith.constant 22 : i32
      %add3A_1151 = vector.broadcast %add3A_1150 : i32 to vector<16xi32>
      %add3A_1152 = arith.addi %mul3A_1149, %add3A_1151 : vector<16xi32>
      %gather3A_1153 = tpu.vector_load_idx %arg11[%add3A_926, %add3A_1152, %gather3A] : memref<4x512x16xf32, #tpu.memory_space<vmem>>[vector<16xi32>, vector<16xi32>, vector<16xi32>], vector<16xf32>,
      %add3A_1154 = arith.constant 38 : i32
      %add3A_1155 = vector.broadcast %add3A_1154 : i32 to vector<16xi32>
      %add3A_1156 = arith.addi %mul3A_920, %add3A_1155 : vector<16xi32>
      tpu.vector_store_idx %arg12[%add3A_1156, %and3A_923], %gather3A_1153 : memref<64x128xf32, #tpu.memory_space<vmem>>[vector<16xi32>, vector<16xi32>], vector<16xf32>,
      %mul3A_1157 = arith.constant 32 : i32
      %mul3A_1158 = vector.broadcast %mul3A_1157 : i32 to vector<16xi32>
      %mul3A_1159 = arith.muli %iota3A, %mul3A_1158 : vector<16xi32>
      %add3A_1160 = arith.constant 23 : i32
      %add3A_1161 = vector.broadcast %add3A_1160 : i32 to vector<16xi32>
      %add3A_1162 = arith.addi %mul3A_1159, %add3A_1161 : vector<16xi32>
      %gather3A_1163 = tpu.vector_load_idx %arg11[%add3A_926, %add3A_1162, %gather3A] : memref<4x512x16xf32, #tpu.memory_space<vmem>>[vector<16xi32>, vector<16xi32>, vector<16xi32>], vector<16xf32>,
      %add3A_1164 = arith.constant 39 : i32
      %add3A_1165 = vector.broadcast %add3A_1164 : i32 to vector<16xi32>
      %add3A_1166 = arith.addi %mul3A_920, %add3A_1165 : vector<16xi32>
      tpu.vector_store_idx %arg12[%add3A_1166, %and3A_923], %gather3A_1163 : memref<64x128xf32, #tpu.memory_space<vmem>>[vector<16xi32>, vector<16xi32>], vector<16xf32>,
      %mul3A_1167 = arith.constant 32 : i32
      %mul3A_1168 = vector.broadcast %mul3A_1167 : i32 to vector<16xi32>
      %mul3A_1169 = arith.muli %iota3A, %mul3A_1168 : vector<16xi32>
      %add3A_1170 = arith.constant 24 : i32
      %add3A_1171 = vector.broadcast %add3A_1170 : i32 to vector<16xi32>
      %add3A_1172 = arith.addi %mul3A_1169, %add3A_1171 : vector<16xi32>
      %gather3A_1173 = tpu.vector_load_idx %arg11[%add3A_926, %add3A_1172, %gather3A] : memref<4x512x16xf32, #tpu.memory_space<vmem>>[vector<16xi32>, vector<16xi32>, vector<16xi32>], vector<16xf32>,
      %add3A_1174 = arith.constant 48 : i32
      %add3A_1175 = vector.broadcast %add3A_1174 : i32 to vector<16xi32>
      %add3A_1176 = arith.addi %mul3A_920, %add3A_1175 : vector<16xi32>
      tpu.vector_store_idx %arg12[%add3A_1176, %and3A_923], %gather3A_1173 : memref<64x128xf32, #tpu.memory_space<vmem>>[vector<16xi32>, vector<16xi32>], vector<16xf32>,
      %mul3A_1177 = arith.constant 32 : i32
      %mul3A_1178 = vector.broadcast %mul3A_1177 : i32 to vector<16xi32>
      %mul3A_1179 = arith.muli %iota3A, %mul3A_1178 : vector<16xi32>
      %add3A_1180 = arith.constant 25 : i32
      %add3A_1181 = vector.broadcast %add3A_1180 : i32 to vector<16xi32>
      %add3A_1182 = arith.addi %mul3A_1179, %add3A_1181 : vector<16xi32>
      %gather3A_1183 = tpu.vector_load_idx %arg11[%add3A_926, %add3A_1182, %gather3A] : memref<4x512x16xf32, #tpu.memory_space<vmem>>[vector<16xi32>, vector<16xi32>, vector<16xi32>], vector<16xf32>,
      %add3A_1184 = arith.constant 49 : i32
      %add3A_1185 = vector.broadcast %add3A_1184 : i32 to vector<16xi32>
      %add3A_1186 = arith.addi %mul3A_920, %add3A_1185 : vector<16xi32>
      tpu.vector_store_idx %arg12[%add3A_1186, %and3A_923], %gather3A_1183 : memref<64x128xf32, #tpu.memory_space<vmem>>[vector<16xi32>, vector<16xi32>], vector<16xf32>,
      %mul3A_1187 = arith.constant 32 : i32
      %mul3A_1188 = vector.broadcast %mul3A_1187 : i32 to vector<16xi32>
      %mul3A_1189 = arith.muli %iota3A, %mul3A_1188 : vector<16xi32>
      %add3A_1190 = arith.constant 26 : i32
      %add3A_1191 = vector.broadcast %add3A_1190 : i32 to vector<16xi32>
      %add3A_1192 = arith.addi %mul3A_1189, %add3A_1191 : vector<16xi32>
      %gather3A_1193 = tpu.vector_load_idx %arg11[%add3A_926, %add3A_1192, %gather3A] : memref<4x512x16xf32, #tpu.memory_space<vmem>>[vector<16xi32>, vector<16xi32>, vector<16xi32>], vector<16xf32>,
      %add3A_1194 = arith.constant 50 : i32
      %add3A_1195 = vector.broadcast %add3A_1194 : i32 to vector<16xi32>
      %add3A_1196 = arith.addi %mul3A_920, %add3A_1195 : vector<16xi32>
      tpu.vector_store_idx %arg12[%add3A_1196, %and3A_923], %gather3A_1193 : memref<64x128xf32, #tpu.memory_space<vmem>>[vector<16xi32>, vector<16xi32>], vector<16xf32>,
      %mul3A_1197 = arith.constant 32 : i32
      %mul3A_1198 = vector.broadcast %mul3A_1197 : i32 to vector<16xi32>
      %mul3A_1199 = arith.muli %iota3A, %mul3A_1198 : vector<16xi32>
      %add3A_1200 = arith.constant 27 : i32
      %add3A_1201 = vector.broadcast %add3A_1200 : i32 to vector<16xi32>
      %add3A_1202 = arith.addi %mul3A_1199, %add3A_1201 : vector<16xi32>
      %gather3A_1203 = tpu.vector_load_idx %arg11[%add3A_926, %add3A_1202, %gather3A] : memref<4x512x16xf32, #tpu.memory_space<vmem>>[vector<16xi32>, vector<16xi32>, vector<16xi32>], vector<16xf32>,
      %add3A_1204 = arith.constant 51 : i32
      %add3A_1205 = vector.broadcast %add3A_1204 : i32 to vector<16xi32>
      %add3A_1206 = arith.addi %mul3A_920, %add3A_1205 : vector<16xi32>
      tpu.vector_store_idx %arg12[%add3A_1206, %and3A_923], %gather3A_1203 : memref<64x128xf32, #tpu.memory_space<vmem>>[vector<16xi32>, vector<16xi32>], vector<16xf32>,
      %mul3A_1207 = arith.constant 32 : i32
      %mul3A_1208 = vector.broadcast %mul3A_1207 : i32 to vector<16xi32>
      %mul3A_1209 = arith.muli %iota3A, %mul3A_1208 : vector<16xi32>
      %add3A_1210 = arith.constant 28 : i32
      %add3A_1211 = vector.broadcast %add3A_1210 : i32 to vector<16xi32>
      %add3A_1212 = arith.addi %mul3A_1209, %add3A_1211 : vector<16xi32>
      %gather3A_1213 = tpu.vector_load_idx %arg11[%add3A_926, %add3A_1212, %gather3A] : memref<4x512x16xf32, #tpu.memory_space<vmem>>[vector<16xi32>, vector<16xi32>, vector<16xi32>], vector<16xf32>,
      %add3A_1214 = arith.constant 52 : i32
      %add3A_1215 = vector.broadcast %add3A_1214 : i32 to vector<16xi32>
      %add3A_1216 = arith.addi %mul3A_920, %add3A_1215 : vector<16xi32>
      tpu.vector_store_idx %arg12[%add3A_1216, %and3A_923], %gather3A_1213 : memref<64x128xf32, #tpu.memory_space<vmem>>[vector<16xi32>, vector<16xi32>], vector<16xf32>,
      %mul3A_1217 = arith.constant 32 : i32
      %mul3A_1218 = vector.broadcast %mul3A_1217 : i32 to vector<16xi32>
      %mul3A_1219 = arith.muli %iota3A, %mul3A_1218 : vector<16xi32>
      %add3A_1220 = arith.constant 29 : i32
      %add3A_1221 = vector.broadcast %add3A_1220 : i32 to vector<16xi32>
      %add3A_1222 = arith.addi %mul3A_1219, %add3A_1221 : vector<16xi32>
      %gather3A_1223 = tpu.vector_load_idx %arg11[%add3A_926, %add3A_1222, %gather3A] : memref<4x512x16xf32, #tpu.memory_space<vmem>>[vector<16xi32>, vector<16xi32>, vector<16xi32>], vector<16xf32>,
      %add3A_1224 = arith.constant 53 : i32
      %add3A_1225 = vector.broadcast %add3A_1224 : i32 to vector<16xi32>
      %add3A_1226 = arith.addi %mul3A_920, %add3A_1225 : vector<16xi32>
      tpu.vector_store_idx %arg12[%add3A_1226, %and3A_923], %gather3A_1223 : memref<64x128xf32, #tpu.memory_space<vmem>>[vector<16xi32>, vector<16xi32>], vector<16xf32>,
      %mul3A_1227 = arith.constant 32 : i32
      %mul3A_1228 = vector.broadcast %mul3A_1227 : i32 to vector<16xi32>
      %mul3A_1229 = arith.muli %iota3A, %mul3A_1228 : vector<16xi32>
      %add3A_1230 = arith.constant 30 : i32
      %add3A_1231 = vector.broadcast %add3A_1230 : i32 to vector<16xi32>
      %add3A_1232 = arith.addi %mul3A_1229, %add3A_1231 : vector<16xi32>
      %gather3A_1233 = tpu.vector_load_idx %arg11[%add3A_926, %add3A_1232, %gather3A] : memref<4x512x16xf32, #tpu.memory_space<vmem>>[vector<16xi32>, vector<16xi32>, vector<16xi32>], vector<16xf32>,
      %add3A_1234 = arith.constant 54 : i32
      %add3A_1235 = vector.broadcast %add3A_1234 : i32 to vector<16xi32>
      %add3A_1236 = arith.addi %mul3A_920, %add3A_1235 : vector<16xi32>
      tpu.vector_store_idx %arg12[%add3A_1236, %and3A_923], %gather3A_1233 : memref<64x128xf32, #tpu.memory_space<vmem>>[vector<16xi32>, vector<16xi32>], vector<16xf32>,
      %mul3A_1237 = arith.constant 32 : i32
      %mul3A_1238 = vector.broadcast %mul3A_1237 : i32 to vector<16xi32>
      %mul3A_1239 = arith.muli %iota3A, %mul3A_1238 : vector<16xi32>
      %add3A_1240 = arith.constant 31 : i32
      %add3A_1241 = vector.broadcast %add3A_1240 : i32 to vector<16xi32>
      %add3A_1242 = arith.addi %mul3A_1239, %add3A_1241 : vector<16xi32>
      %gather3A_1243 = tpu.vector_load_idx %arg11[%add3A_926, %add3A_1242, %gather3A] : memref<4x512x16xf32, #tpu.memory_space<vmem>>[vector<16xi32>, vector<16xi32>, vector<16xi32>], vector<16xf32>,
      %add3A_1244 = arith.constant 55 : i32
      %add3A_1245 = vector.broadcast %add3A_1244 : i32 to vector<16xi32>
      %add3A_1246 = arith.addi %mul3A_920, %add3A_1245 : vector<16xi32>
      tpu.vector_store_idx %arg12[%add3A_1246, %and3A_923], %gather3A_1243 : memref<64x128xf32, #tpu.memory_space<vmem>>[vector<16xi32>, vector<16xi32>], vector<16xf32>,
    }
    %scan3A_749 = arith.constant 4 : i32
    %dma_start3A_750 = arith.constant 12 : i32
    %dma_start3A_751 = arith.constant 0 : i32
    %dma_start3A_752 = arith.constant 0 : i32
    %dma_start3A_753 = arith.constant 0 : i32
    %dma_start3A_754 = tpu.memref_slice %arg11[%dma_start3A_751, %dma_start3A_752, %dma_start3A_753] : memref<4x512x16xf32, #tpu.memory_space<vmem>> -> memref<1x512x16xf32, #tpu.memory_space<vmem>>
    %dma_start3A_755 = tpu.memref_squeeze %dma_start3A_754 : memref<1x512x16xf32, #tpu.memory_space<vmem>> -> memref<512x16xf32, #tpu.memory_space<vmem>>
    %dma_start3A_756 = arith.constant 0 : i32
    %dma_start3A_757 = tpu.memref_slice %arg9[%dma_start3A_750, %dma_start3A_756] : memref<16x512xi32, #tpu.memory_space<vmem>> -> memref<1x512xi32, #tpu.memory_space<vmem>>
    %dma_start3A_758 = tpu.memref_squeeze %dma_start3A_757 : memref<1x512xi32, #tpu.memory_space<vmem>> -> memref<512xi32, #tpu.memory_space<vmem>>
    %dma_start3A_759 = arith.constant 0 : i32
    %dma_start3A_760 = arith.constant 0 : i32
    %dma_start3A_761 = tpu.memref_slice %arg2[%dma_start3A_759, %dma_start3A_760] : memref<4194304x16xf32, #tpu.memory_space<hbm>> -> memref<4194304x16xf32, #tpu.memory_space<hbm>>
    tpu.enqueue_indirect_dma source(%dma_start3A_761 : memref<4194304x16xf32, #tpu.memory_space<hbm>>) target(%dma_start3A_755 : memref<512x16xf32, #tpu.memory_space<vmem>>) offsets(%dma_start3A_758 : memref<512xi32, #tpu.memory_space<vmem>>) semaphore(%arg14 : memref<!tpu.dma_semaphore, #tpu.memory_space<semaphore_mem>>)
    %dma_start3A_762 = arith.constant 13 : i32
    %dma_start3A_763 = arith.constant 1 : i32
    %dma_start3A_764 = arith.constant 0 : i32
    %dma_start3A_765 = arith.constant 0 : i32
    %dma_start3A_766 = tpu.memref_slice %arg11[%dma_start3A_763, %dma_start3A_764, %dma_start3A_765] : memref<4x512x16xf32, #tpu.memory_space<vmem>> -> memref<1x512x16xf32, #tpu.memory_space<vmem>>
    %dma_start3A_767 = tpu.memref_squeeze %dma_start3A_766 : memref<1x512x16xf32, #tpu.memory_space<vmem>> -> memref<512x16xf32, #tpu.memory_space<vmem>>
    %dma_start3A_768 = arith.constant 0 : i32
    %dma_start3A_769 = tpu.memref_slice %arg9[%dma_start3A_762, %dma_start3A_768] : memref<16x512xi32, #tpu.memory_space<vmem>> -> memref<1x512xi32, #tpu.memory_space<vmem>>
    %dma_start3A_770 = tpu.memref_squeeze %dma_start3A_769 : memref<1x512xi32, #tpu.memory_space<vmem>> -> memref<512xi32, #tpu.memory_space<vmem>>
    %dma_start3A_771 = arith.constant 0 : i32
    %dma_start3A_772 = arith.constant 0 : i32
    %dma_start3A_773 = tpu.memref_slice %arg2[%dma_start3A_771, %dma_start3A_772] : memref<4194304x16xf32, #tpu.memory_space<hbm>> -> memref<4194304x16xf32, #tpu.memory_space<hbm>>
    tpu.enqueue_indirect_dma source(%dma_start3A_773 : memref<4194304x16xf32, #tpu.memory_space<hbm>>) target(%dma_start3A_767 : memref<512x16xf32, #tpu.memory_space<vmem>>) offsets(%dma_start3A_770 : memref<512xi32, #tpu.memory_space<vmem>>) semaphore(%arg14 : memref<!tpu.dma_semaphore, #tpu.memory_space<semaphore_mem>>)
    %dma_start3A_774 = arith.constant 14 : i32
    %dma_start3A_775 = arith.constant 2 : i32
    %dma_start3A_776 = arith.constant 0 : i32
    %dma_start3A_777 = arith.constant 0 : i32
    %dma_start3A_778 = tpu.memref_slice %arg11[%dma_start3A_775, %dma_start3A_776, %dma_start3A_777] : memref<4x512x16xf32, #tpu.memory_space<vmem>> -> memref<1x512x16xf32, #tpu.memory_space<vmem>>
    %dma_start3A_779 = tpu.memref_squeeze %dma_start3A_778 : memref<1x512x16xf32, #tpu.memory_space<vmem>> -> memref<512x16xf32, #tpu.memory_space<vmem>>
    %dma_start3A_780 = arith.constant 0 : i32
    %dma_start3A_781 = tpu.memref_slice %arg9[%dma_start3A_774, %dma_start3A_780] : memref<16x512xi32, #tpu.memory_space<vmem>> -> memref<1x512xi32, #tpu.memory_space<vmem>>
    %dma_start3A_782 = tpu.memref_squeeze %dma_start3A_781 : memref<1x512xi32, #tpu.memory_space<vmem>> -> memref<512xi32, #tpu.memory_space<vmem>>
    %dma_start3A_783 = arith.constant 0 : i32
    %dma_start3A_784 = arith.constant 0 : i32
    %dma_start3A_785 = tpu.memref_slice %arg2[%dma_start3A_783, %dma_start3A_784] : memref<4194304x16xf32, #tpu.memory_space<hbm>> -> memref<4194304x16xf32, #tpu.memory_space<hbm>>
    tpu.enqueue_indirect_dma source(%dma_start3A_785 : memref<4194304x16xf32, #tpu.memory_space<hbm>>) target(%dma_start3A_779 : memref<512x16xf32, #tpu.memory_space<vmem>>) offsets(%dma_start3A_782 : memref<512xi32, #tpu.memory_space<vmem>>) semaphore(%arg14 : memref<!tpu.dma_semaphore, #tpu.memory_space<semaphore_mem>>)
    %dma_start3A_786 = arith.constant 15 : i32
    %dma_start3A_787 = arith.constant 3 : i32
    %dma_start3A_788 = arith.constant 0 : i32
    %dma_start3A_789 = arith.constant 0 : i32
    %dma_start3A_790 = tpu.memref_slice %arg11[%dma_start3A_787, %dma_start3A_788, %dma_start3A_789] : memref<4x512x16xf32, #tpu.memory_space<vmem>> -> memref<1x512x16xf32, #tpu.memory_space<vmem>>
    %dma_start3A_791 = tpu.memref_squeeze %dma_start3A_790 : memref<1x512x16xf32, #tpu.memory_space<vmem>> -> memref<512x16xf32, #tpu.memory_space<vmem>>
    %dma_start3A_792 = arith.constant 0 : i32
    %dma_start3A_793 = tpu.memref_slice %arg9[%dma_start3A_786, %dma_start3A_792] : memref<16x512xi32, #tpu.memory_space<vmem>> -> memref<1x512xi32, #tpu.memory_space<vmem>>
    %dma_start3A_794 = tpu.memref_squeeze %dma_start3A_793 : memref<1x512xi32, #tpu.memory_space<vmem>> -> memref<512xi32, #tpu.memory_space<vmem>>
    %dma_start3A_795 = arith.constant 0 : i32
    %dma_start3A_796 = arith.constant 0 : i32
    %dma_start3A_797 = tpu.memref_slice %arg2[%dma_start3A_795, %dma_start3A_796] : memref<4194304x16xf32, #tpu.memory_space<hbm>> -> memref<4194304x16xf32, #tpu.memory_space<hbm>>
    tpu.enqueue_indirect_dma source(%dma_start3A_797 : memref<4194304x16xf32, #tpu.memory_space<hbm>>) target(%dma_start3A_791 : memref<512x16xf32, #tpu.memory_space<vmem>>) offsets(%dma_start3A_794 : memref<512xi32, #tpu.memory_space<vmem>>) semaphore(%arg14 : memref<!tpu.dma_semaphore, #tpu.memory_space<semaphore_mem>>)
    %dma_wait3A_798 = arith.constant 8 : i32
    %dma_wait3A_799 = arith.constant 0 : i32
    %dma_wait3A_800 = arith.constant 0 : i32
    %dma_wait3A_801 = arith.constant 0 : i32
    %dma_wait3A_802 = tpu.memref_slice %arg10[%dma_wait3A_799, %dma_wait3A_800, %dma_wait3A_801] : memref<4x512x16xf32, #tpu.memory_space<vmem>> -> memref<1x512x16xf32, #tpu.memory_space<vmem>>
    %dma_wait3A_803 = tpu.memref_squeeze %dma_wait3A_802 : memref<1x512x16xf32, #tpu.memory_space<vmem>> -> memref<512x16xf32, #tpu.memory_space<vmem>>
    %dma_wait3A_804 = arith.constant 0 : i32
    %dma_wait3A_805 = tpu.memref_slice %arg9[%dma_wait3A_798, %dma_wait3A_804] : memref<16x512xi32, #tpu.memory_space<vmem>> -> memref<1x512xi32, #tpu.memory_space<vmem>>
    %dma_wait3A_806 = tpu.memref_squeeze %dma_wait3A_805 : memref<1x512xi32, #tpu.memory_space<vmem>> -> memref<512xi32, #tpu.memory_space<vmem>>
    %dma_wait3A_807 = arith.constant 0 : i32
    %dma_wait3A_808 = arith.constant 0 : i32
    %dma_wait3A_809 = tpu.memref_slice %arg2[%dma_wait3A_807, %dma_wait3A_808] : memref<4194304x16xf32, #tpu.memory_space<hbm>> -> memref<4194304x16xf32, #tpu.memory_space<hbm>>
    tpu.wait_indirect_dma semaphore(%arg13 : memref<!tpu.dma_semaphore, #tpu.memory_space<semaphore_mem>>) src(%dma_wait3A_809 : memref<4194304x16xf32, #tpu.memory_space<hbm>>) dst(%dma_wait3A_803 : memref<512x16xf32, #tpu.memory_space<vmem>>)
    %dma_wait3A_810 = arith.constant 9 : i32
    %dma_wait3A_811 = arith.constant 1 : i32
    %dma_wait3A_812 = arith.constant 0 : i32
    %dma_wait3A_813 = arith.constant 0 : i32
    %dma_wait3A_814 = tpu.memref_slice %arg10[%dma_wait3A_811, %dma_wait3A_812, %dma_wait3A_813] : memref<4x512x16xf32, #tpu.memory_space<vmem>> -> memref<1x512x16xf32, #tpu.memory_space<vmem>>
    %dma_wait3A_815 = tpu.memref_squeeze %dma_wait3A_814 : memref<1x512x16xf32, #tpu.memory_space<vmem>> -> memref<512x16xf32, #tpu.memory_space<vmem>>
    %dma_wait3A_816 = arith.constant 0 : i32
    %dma_wait3A_817 = tpu.memref_slice %arg9[%dma_wait3A_810, %dma_wait3A_816] : memref<16x512xi32, #tpu.memory_space<vmem>> -> memref<1x512xi32, #tpu.memory_space<vmem>>
    %dma_wait3A_818 = tpu.memref_squeeze %dma_wait3A_817 : memref<1x512xi32, #tpu.memory_space<vmem>> -> memref<512xi32, #tpu.memory_space<vmem>>
    %dma_wait3A_819 = arith.constant 0 : i32
    %dma_wait3A_820 = arith.constant 0 : i32
    %dma_wait3A_821 = tpu.memref_slice %arg2[%dma_wait3A_819, %dma_wait3A_820] : memref<4194304x16xf32, #tpu.memory_space<hbm>> -> memref<4194304x16xf32, #tpu.memory_space<hbm>>
    tpu.wait_indirect_dma semaphore(%arg13 : memref<!tpu.dma_semaphore, #tpu.memory_space<semaphore_mem>>) src(%dma_wait3A_821 : memref<4194304x16xf32, #tpu.memory_space<hbm>>) dst(%dma_wait3A_815 : memref<512x16xf32, #tpu.memory_space<vmem>>)
    %dma_wait3A_822 = arith.constant 10 : i32
    %dma_wait3A_823 = arith.constant 2 : i32
    %dma_wait3A_824 = arith.constant 0 : i32
    %dma_wait3A_825 = arith.constant 0 : i32
    %dma_wait3A_826 = tpu.memref_slice %arg10[%dma_wait3A_823, %dma_wait3A_824, %dma_wait3A_825] : memref<4x512x16xf32, #tpu.memory_space<vmem>> -> memref<1x512x16xf32, #tpu.memory_space<vmem>>
    %dma_wait3A_827 = tpu.memref_squeeze %dma_wait3A_826 : memref<1x512x16xf32, #tpu.memory_space<vmem>> -> memref<512x16xf32, #tpu.memory_space<vmem>>
    %dma_wait3A_828 = arith.constant 0 : i32
    %dma_wait3A_829 = tpu.memref_slice %arg9[%dma_wait3A_822, %dma_wait3A_828] : memref<16x512xi32, #tpu.memory_space<vmem>> -> memref<1x512xi32, #tpu.memory_space<vmem>>
    %dma_wait3A_830 = tpu.memref_squeeze %dma_wait3A_829 : memref<1x512xi32, #tpu.memory_space<vmem>> -> memref<512xi32, #tpu.memory_space<vmem>>
    %dma_wait3A_831 = arith.constant 0 : i32
    %dma_wait3A_832 = arith.constant 0 : i32
    %dma_wait3A_833 = tpu.memref_slice %arg2[%dma_wait3A_831, %dma_wait3A_832] : memref<4194304x16xf32, #tpu.memory_space<hbm>> -> memref<4194304x16xf32, #tpu.memory_space<hbm>>
    tpu.wait_indirect_dma semaphore(%arg13 : memref<!tpu.dma_semaphore, #tpu.memory_space<semaphore_mem>>) src(%dma_wait3A_833 : memref<4194304x16xf32, #tpu.memory_space<hbm>>) dst(%dma_wait3A_827 : memref<512x16xf32, #tpu.memory_space<vmem>>)
    %dma_wait3A_834 = arith.constant 11 : i32
    %dma_wait3A_835 = arith.constant 3 : i32
    %dma_wait3A_836 = arith.constant 0 : i32
    %dma_wait3A_837 = arith.constant 0 : i32
    %dma_wait3A_838 = tpu.memref_slice %arg10[%dma_wait3A_835, %dma_wait3A_836, %dma_wait3A_837] : memref<4x512x16xf32, #tpu.memory_space<vmem>> -> memref<1x512x16xf32, #tpu.memory_space<vmem>>
    %dma_wait3A_839 = tpu.memref_squeeze %dma_wait3A_838 : memref<1x512x16xf32, #tpu.memory_space<vmem>> -> memref<512x16xf32, #tpu.memory_space<vmem>>
    %dma_wait3A_840 = arith.constant 0 : i32
    %dma_wait3A_841 = tpu.memref_slice %arg9[%dma_wait3A_834, %dma_wait3A_840] : memref<16x512xi32, #tpu.memory_space<vmem>> -> memref<1x512xi32, #tpu.memory_space<vmem>>
    %dma_wait3A_842 = tpu.memref_squeeze %dma_wait3A_841 : memref<1x512xi32, #tpu.memory_space<vmem>> -> memref<512xi32, #tpu.memory_space<vmem>>
    %dma_wait3A_843 = arith.constant 0 : i32
    %dma_wait3A_844 = arith.constant 0 : i32
    %dma_wait3A_845 = tpu.memref_slice %arg2[%dma_wait3A_843, %dma_wait3A_844] : memref<4194304x16xf32, #tpu.memory_space<hbm>> -> memref<4194304x16xf32, #tpu.memory_space<hbm>>
    tpu.wait_indirect_dma semaphore(%arg13 : memref<!tpu.dma_semaphore, #tpu.memory_space<semaphore_mem>>) src(%dma_wait3A_845 : memref<4194304x16xf32, #tpu.memory_space<hbm>>) dst(%dma_wait3A_839 : memref<512x16xf32, #tpu.memory_space<vmem>>)
    %scan3A_846 = arith.constant 0 : i32
    %scan3A_847 = arith.constant 0 : i32
    %scan3A_848 = arith.constant 4 : i32
    %scan3A_849 = arith.addi %scan3A_847, %scan3A_848 : i32
    %scan3A_850 = arith.constant 1 : i32
    scf.for %scan3A_908 = %scan3A_847 to %scan3A_849 step %scan3A_850  : i32 {
      %add3A_909 = arith.constant 8 : i32
      %add3A_910 = arith.addi %add3A_909, %scan3A_908 : i32
      %mul3A_911 = arith.constant 16 : i32
      %mul3A_912 = arith.muli %add3A_910, %mul3A_911 : i32
      %add3A_913 = vector.broadcast %mul3A_912 : i32 to vector<16xi32>
      %add3A_914 = arith.addi %add3A_913, %iota3A : vector<16xi32>
      %gather3A = tpu.vector_load_idx %arg7[%add3A_914] : memref<256xi32, #tpu.memory_space<vmem>>[vector<16xi32>], vector<16xi32>,
      %shift_right_logical3A_915 = arith.constant 7 : i32
      %shift_right_logical3A_916 = vector.broadcast %shift_right_logical3A_915 : i32 to vector<16xi32>
      %shift_right_logical3A_917 = arith.shrui %add3A_914, %shift_right_logical3A_916 : vector<16xi32>
      %mul3A_918 = arith.constant 8 : i32
      %mul3A_919 = vector.broadcast %mul3A_918 : i32 to vector<16xi32>
      %mul3A_920 = arith.muli %shift_right_logical3A_917, %mul3A_919 : vector<16xi32>
      %and3A_921 = arith.constant 127 : i32
      %and3A_922 = vector.broadcast %and3A_921 : i32 to vector<16xi32>
      %and3A_923 = arith.andi %add3A_914, %and3A_922 : vector<16xi32>
      %broadcast_in_dim3A = arith.constant 0 : i32
      %broadcast_in_dim3A_924 = vector.broadcast %broadcast_in_dim3A : i32 to vector<16xi32>
      %add3A_925 = vector.broadcast %scan3A_908 : i32 to vector<16xi32>
      %add3A_926 = arith.addi %broadcast_in_dim3A_924, %add3A_925 : vector<16xi32>
      %mul3A_927 = arith.constant 32 : i32
      %mul3A_928 = vector.broadcast %mul3A_927 : i32 to vector<16xi32>
      %mul3A_929 = arith.muli %iota3A, %mul3A_928 : vector<16xi32>
      %add3A_930 = arith.constant 0 : i32
      %add3A_931 = vector.broadcast %add3A_930 : i32 to vector<16xi32>
      %add3A_932 = arith.addi %mul3A_929, %add3A_931 : vector<16xi32>
      %gather3A_933 = tpu.vector_load_idx %arg10[%add3A_926, %add3A_932, %gather3A] : memref<4x512x16xf32, #tpu.memory_space<vmem>>[vector<16xi32>, vector<16xi32>, vector<16xi32>], vector<16xf32>,
      %add3A_934 = arith.constant 0 : i32
      %add3A_935 = vector.broadcast %add3A_934 : i32 to vector<16xi32>
      %add3A_936 = arith.addi %mul3A_920, %add3A_935 : vector<16xi32>
      tpu.vector_store_idx %arg12[%add3A_936, %and3A_923], %gather3A_933 : memref<64x128xf32, #tpu.memory_space<vmem>>[vector<16xi32>, vector<16xi32>], vector<16xf32>,
      %mul3A_937 = arith.constant 32 : i32
      %mul3A_938 = vector.broadcast %mul3A_937 : i32 to vector<16xi32>
      %mul3A_939 = arith.muli %iota3A, %mul3A_938 : vector<16xi32>
      %add3A_940 = arith.constant 1 : i32
      %add3A_941 = vector.broadcast %add3A_940 : i32 to vector<16xi32>
      %add3A_942 = arith.addi %mul3A_939, %add3A_941 : vector<16xi32>
      %gather3A_943 = tpu.vector_load_idx %arg10[%add3A_926, %add3A_942, %gather3A] : memref<4x512x16xf32, #tpu.memory_space<vmem>>[vector<16xi32>, vector<16xi32>, vector<16xi32>], vector<16xf32>,
      %add3A_944 = arith.constant 1 : i32
      %add3A_945 = vector.broadcast %add3A_944 : i32 to vector<16xi32>
      %add3A_946 = arith.addi %mul3A_920, %add3A_945 : vector<16xi32>
      tpu.vector_store_idx %arg12[%add3A_946, %and3A_923], %gather3A_943 : memref<64x128xf32, #tpu.memory_space<vmem>>[vector<16xi32>, vector<16xi32>], vector<16xf32>,
      %mul3A_947 = arith.constant 32 : i32
      %mul3A_948 = vector.broadcast %mul3A_947 : i32 to vector<16xi32>
      %mul3A_949 = arith.muli %iota3A, %mul3A_948 : vector<16xi32>
      %add3A_950 = arith.constant 2 : i32
      %add3A_951 = vector.broadcast %add3A_950 : i32 to vector<16xi32>
      %add3A_952 = arith.addi %mul3A_949, %add3A_951 : vector<16xi32>
      %gather3A_953 = tpu.vector_load_idx %arg10[%add3A_926, %add3A_952, %gather3A] : memref<4x512x16xf32, #tpu.memory_space<vmem>>[vector<16xi32>, vector<16xi32>, vector<16xi32>], vector<16xf32>,
      %add3A_954 = arith.constant 2 : i32
      %add3A_955 = vector.broadcast %add3A_954 : i32 to vector<16xi32>
      %add3A_956 = arith.addi %mul3A_920, %add3A_955 : vector<16xi32>
      tpu.vector_store_idx %arg12[%add3A_956, %and3A_923], %gather3A_953 : memref<64x128xf32, #tpu.memory_space<vmem>>[vector<16xi32>, vector<16xi32>], vector<16xf32>,
      %mul3A_957 = arith.constant 32 : i32
      %mul3A_958 = vector.broadcast %mul3A_957 : i32 to vector<16xi32>
      %mul3A_959 = arith.muli %iota3A, %mul3A_958 : vector<16xi32>
      %add3A_960 = arith.constant 3 : i32
      %add3A_961 = vector.broadcast %add3A_960 : i32 to vector<16xi32>
      %add3A_962 = arith.addi %mul3A_959, %add3A_961 : vector<16xi32>
      %gather3A_963 = tpu.vector_load_idx %arg10[%add3A_926, %add3A_962, %gather3A] : memref<4x512x16xf32, #tpu.memory_space<vmem>>[vector<16xi32>, vector<16xi32>, vector<16xi32>], vector<16xf32>,
      %add3A_964 = arith.constant 3 : i32
      %add3A_965 = vector.broadcast %add3A_964 : i32 to vector<16xi32>
      %add3A_966 = arith.addi %mul3A_920, %add3A_965 : vector<16xi32>
      tpu.vector_store_idx %arg12[%add3A_966, %and3A_923], %gather3A_963 : memref<64x128xf32, #tpu.memory_space<vmem>>[vector<16xi32>, vector<16xi32>], vector<16xf32>,
      %mul3A_967 = arith.constant 32 : i32
      %mul3A_968 = vector.broadcast %mul3A_967 : i32 to vector<16xi32>
      %mul3A_969 = arith.muli %iota3A, %mul3A_968 : vector<16xi32>
      %add3A_970 = arith.constant 4 : i32
      %add3A_971 = vector.broadcast %add3A_970 : i32 to vector<16xi32>
      %add3A_972 = arith.addi %mul3A_969, %add3A_971 : vector<16xi32>
      %gather3A_973 = tpu.vector_load_idx %arg10[%add3A_926, %add3A_972, %gather3A] : memref<4x512x16xf32, #tpu.memory_space<vmem>>[vector<16xi32>, vector<16xi32>, vector<16xi32>], vector<16xf32>,
      %add3A_974 = arith.constant 4 : i32
      %add3A_975 = vector.broadcast %add3A_974 : i32 to vector<16xi32>
      %add3A_976 = arith.addi %mul3A_920, %add3A_975 : vector<16xi32>
      tpu.vector_store_idx %arg12[%add3A_976, %and3A_923], %gather3A_973 : memref<64x128xf32, #tpu.memory_space<vmem>>[vector<16xi32>, vector<16xi32>], vector<16xf32>,
      %mul3A_977 = arith.constant 32 : i32
      %mul3A_978 = vector.broadcast %mul3A_977 : i32 to vector<16xi32>
      %mul3A_979 = arith.muli %iota3A, %mul3A_978 : vector<16xi32>
      %add3A_980 = arith.constant 5 : i32
      %add3A_981 = vector.broadcast %add3A_980 : i32 to vector<16xi32>
      %add3A_982 = arith.addi %mul3A_979, %add3A_981 : vector<16xi32>
      %gather3A_983 = tpu.vector_load_idx %arg10[%add3A_926, %add3A_982, %gather3A] : memref<4x512x16xf32, #tpu.memory_space<vmem>>[vector<16xi32>, vector<16xi32>, vector<16xi32>], vector<16xf32>,
      %add3A_984 = arith.constant 5 : i32
      %add3A_985 = vector.broadcast %add3A_984 : i32 to vector<16xi32>
      %add3A_986 = arith.addi %mul3A_920, %add3A_985 : vector<16xi32>
      tpu.vector_store_idx %arg12[%add3A_986, %and3A_923], %gather3A_983 : memref<64x128xf32, #tpu.memory_space<vmem>>[vector<16xi32>, vector<16xi32>], vector<16xf32>,
      %mul3A_987 = arith.constant 32 : i32
      %mul3A_988 = vector.broadcast %mul3A_987 : i32 to vector<16xi32>
      %mul3A_989 = arith.muli %iota3A, %mul3A_988 : vector<16xi32>
      %add3A_990 = arith.constant 6 : i32
      %add3A_991 = vector.broadcast %add3A_990 : i32 to vector<16xi32>
      %add3A_992 = arith.addi %mul3A_989, %add3A_991 : vector<16xi32>
      %gather3A_993 = tpu.vector_load_idx %arg10[%add3A_926, %add3A_992, %gather3A] : memref<4x512x16xf32, #tpu.memory_space<vmem>>[vector<16xi32>, vector<16xi32>, vector<16xi32>], vector<16xf32>,
      %add3A_994 = arith.constant 6 : i32
      %add3A_995 = vector.broadcast %add3A_994 : i32 to vector<16xi32>
      %add3A_996 = arith.addi %mul3A_920, %add3A_995 : vector<16xi32>
      tpu.vector_store_idx %arg12[%add3A_996, %and3A_923], %gather3A_993 : memref<64x128xf32, #tpu.memory_space<vmem>>[vector<16xi32>, vector<16xi32>], vector<16xf32>,
      %mul3A_997 = arith.constant 32 : i32
      %mul3A_998 = vector.broadcast %mul3A_997 : i32 to vector<16xi32>
      %mul3A_999 = arith.muli %iota3A, %mul3A_998 : vector<16xi32>
      %add3A_1000 = arith.constant 7 : i32
      %add3A_1001 = vector.broadcast %add3A_1000 : i32 to vector<16xi32>
      %add3A_1002 = arith.addi %mul3A_999, %add3A_1001 : vector<16xi32>
      %gather3A_1003 = tpu.vector_load_idx %arg10[%add3A_926, %add3A_1002, %gather3A] : memref<4x512x16xf32, #tpu.memory_space<vmem>>[vector<16xi32>, vector<16xi32>, vector<16xi32>], vector<16xf32>,
      %add3A_1004 = arith.constant 7 : i32
      %add3A_1005 = vector.broadcast %add3A_1004 : i32 to vector<16xi32>
      %add3A_1006 = arith.addi %mul3A_920, %add3A_1005 : vector<16xi32>
      tpu.vector_store_idx %arg12[%add3A_1006, %and3A_923], %gather3A_1003 : memref<64x128xf32, #tpu.memory_space<vmem>>[vector<16xi32>, vector<16xi32>], vector<16xf32>,
      %mul3A_1007 = arith.constant 32 : i32
      %mul3A_1008 = vector.broadcast %mul3A_1007 : i32 to vector<16xi32>
      %mul3A_1009 = arith.muli %iota3A, %mul3A_1008 : vector<16xi32>
      %add3A_1010 = arith.constant 8 : i32
      %add3A_1011 = vector.broadcast %add3A_1010 : i32 to vector<16xi32>
      %add3A_1012 = arith.addi %mul3A_1009, %add3A_1011 : vector<16xi32>
      %gather3A_1013 = tpu.vector_load_idx %arg10[%add3A_926, %add3A_1012, %gather3A] : memref<4x512x16xf32, #tpu.memory_space<vmem>>[vector<16xi32>, vector<16xi32>, vector<16xi32>], vector<16xf32>,
      %add3A_1014 = arith.constant 16 : i32
      %add3A_1015 = vector.broadcast %add3A_1014 : i32 to vector<16xi32>
      %add3A_1016 = arith.addi %mul3A_920, %add3A_1015 : vector<16xi32>
      tpu.vector_store_idx %arg12[%add3A_1016, %and3A_923], %gather3A_1013 : memref<64x128xf32, #tpu.memory_space<vmem>>[vector<16xi32>, vector<16xi32>], vector<16xf32>,
      %mul3A_1017 = arith.constant 32 : i32
      %mul3A_1018 = vector.broadcast %mul3A_1017 : i32 to vector<16xi32>
      %mul3A_1019 = arith.muli %iota3A, %mul3A_1018 : vector<16xi32>
      %add3A_1020 = arith.constant 9 : i32
      %add3A_1021 = vector.broadcast %add3A_1020 : i32 to vector<16xi32>
      %add3A_1022 = arith.addi %mul3A_1019, %add3A_1021 : vector<16xi32>
      %gather3A_1023 = tpu.vector_load_idx %arg10[%add3A_926, %add3A_1022, %gather3A] : memref<4x512x16xf32, #tpu.memory_space<vmem>>[vector<16xi32>, vector<16xi32>, vector<16xi32>], vector<16xf32>,
      %add3A_1024 = arith.constant 17 : i32
      %add3A_1025 = vector.broadcast %add3A_1024 : i32 to vector<16xi32>
      %add3A_1026 = arith.addi %mul3A_920, %add3A_1025 : vector<16xi32>
      tpu.vector_store_idx %arg12[%add3A_1026, %and3A_923], %gather3A_1023 : memref<64x128xf32, #tpu.memory_space<vmem>>[vector<16xi32>, vector<16xi32>], vector<16xf32>,
      %mul3A_1027 = arith.constant 32 : i32
      %mul3A_1028 = vector.broadcast %mul3A_1027 : i32 to vector<16xi32>
      %mul3A_1029 = arith.muli %iota3A, %mul3A_1028 : vector<16xi32>
      %add3A_1030 = arith.constant 10 : i32
      %add3A_1031 = vector.broadcast %add3A_1030 : i32 to vector<16xi32>
      %add3A_1032 = arith.addi %mul3A_1029, %add3A_1031 : vector<16xi32>
      %gather3A_1033 = tpu.vector_load_idx %arg10[%add3A_926, %add3A_1032, %gather3A] : memref<4x512x16xf32, #tpu.memory_space<vmem>>[vector<16xi32>, vector<16xi32>, vector<16xi32>], vector<16xf32>,
      %add3A_1034 = arith.constant 18 : i32
      %add3A_1035 = vector.broadcast %add3A_1034 : i32 to vector<16xi32>
      %add3A_1036 = arith.addi %mul3A_920, %add3A_1035 : vector<16xi32>
      tpu.vector_store_idx %arg12[%add3A_1036, %and3A_923], %gather3A_1033 : memref<64x128xf32, #tpu.memory_space<vmem>>[vector<16xi32>, vector<16xi32>], vector<16xf32>,
      %mul3A_1037 = arith.constant 32 : i32
      %mul3A_1038 = vector.broadcast %mul3A_1037 : i32 to vector<16xi32>
      %mul3A_1039 = arith.muli %iota3A, %mul3A_1038 : vector<16xi32>
      %add3A_1040 = arith.constant 11 : i32
      %add3A_1041 = vector.broadcast %add3A_1040 : i32 to vector<16xi32>
      %add3A_1042 = arith.addi %mul3A_1039, %add3A_1041 : vector<16xi32>
      %gather3A_1043 = tpu.vector_load_idx %arg10[%add3A_926, %add3A_1042, %gather3A] : memref<4x512x16xf32, #tpu.memory_space<vmem>>[vector<16xi32>, vector<16xi32>, vector<16xi32>], vector<16xf32>,
      %add3A_1044 = arith.constant 19 : i32
      %add3A_1045 = vector.broadcast %add3A_1044 : i32 to vector<16xi32>
      %add3A_1046 = arith.addi %mul3A_920, %add3A_1045 : vector<16xi32>
      tpu.vector_store_idx %arg12[%add3A_1046, %and3A_923], %gather3A_1043 : memref<64x128xf32, #tpu.memory_space<vmem>>[vector<16xi32>, vector<16xi32>], vector<16xf32>,
      %mul3A_1047 = arith.constant 32 : i32
      %mul3A_1048 = vector.broadcast %mul3A_1047 : i32 to vector<16xi32>
      %mul3A_1049 = arith.muli %iota3A, %mul3A_1048 : vector<16xi32>
      %add3A_1050 = arith.constant 12 : i32
      %add3A_1051 = vector.broadcast %add3A_1050 : i32 to vector<16xi32>
      %add3A_1052 = arith.addi %mul3A_1049, %add3A_1051 : vector<16xi32>
      %gather3A_1053 = tpu.vector_load_idx %arg10[%add3A_926, %add3A_1052, %gather3A] : memref<4x512x16xf32, #tpu.memory_space<vmem>>[vector<16xi32>, vector<16xi32>, vector<16xi32>], vector<16xf32>,
      %add3A_1054 = arith.constant 20 : i32
      %add3A_1055 = vector.broadcast %add3A_1054 : i32 to vector<16xi32>
      %add3A_1056 = arith.addi %mul3A_920, %add3A_1055 : vector<16xi32>
      tpu.vector_store_idx %arg12[%add3A_1056, %and3A_923], %gather3A_1053 : memref<64x128xf32, #tpu.memory_space<vmem>>[vector<16xi32>, vector<16xi32>], vector<16xf32>,
      %mul3A_1057 = arith.constant 32 : i32
      %mul3A_1058 = vector.broadcast %mul3A_1057 : i32 to vector<16xi32>
      %mul3A_1059 = arith.muli %iota3A, %mul3A_1058 : vector<16xi32>
      %add3A_1060 = arith.constant 13 : i32
      %add3A_1061 = vector.broadcast %add3A_1060 : i32 to vector<16xi32>
      %add3A_1062 = arith.addi %mul3A_1059, %add3A_1061 : vector<16xi32>
      %gather3A_1063 = tpu.vector_load_idx %arg10[%add3A_926, %add3A_1062, %gather3A] : memref<4x512x16xf32, #tpu.memory_space<vmem>>[vector<16xi32>, vector<16xi32>, vector<16xi32>], vector<16xf32>,
      %add3A_1064 = arith.constant 21 : i32
      %add3A_1065 = vector.broadcast %add3A_1064 : i32 to vector<16xi32>
      %add3A_1066 = arith.addi %mul3A_920, %add3A_1065 : vector<16xi32>
      tpu.vector_store_idx %arg12[%add3A_1066, %and3A_923], %gather3A_1063 : memref<64x128xf32, #tpu.memory_space<vmem>>[vector<16xi32>, vector<16xi32>], vector<16xf32>,
      %mul3A_1067 = arith.constant 32 : i32
      %mul3A_1068 = vector.broadcast %mul3A_1067 : i32 to vector<16xi32>
      %mul3A_1069 = arith.muli %iota3A, %mul3A_1068 : vector<16xi32>
      %add3A_1070 = arith.constant 14 : i32
      %add3A_1071 = vector.broadcast %add3A_1070 : i32 to vector<16xi32>
      %add3A_1072 = arith.addi %mul3A_1069, %add3A_1071 : vector<16xi32>
      %gather3A_1073 = tpu.vector_load_idx %arg10[%add3A_926, %add3A_1072, %gather3A] : memref<4x512x16xf32, #tpu.memory_space<vmem>>[vector<16xi32>, vector<16xi32>, vector<16xi32>], vector<16xf32>,
      %add3A_1074 = arith.constant 22 : i32
      %add3A_1075 = vector.broadcast %add3A_1074 : i32 to vector<16xi32>
      %add3A_1076 = arith.addi %mul3A_920, %add3A_1075 : vector<16xi32>
      tpu.vector_store_idx %arg12[%add3A_1076, %and3A_923], %gather3A_1073 : memref<64x128xf32, #tpu.memory_space<vmem>>[vector<16xi32>, vector<16xi32>], vector<16xf32>,
      %mul3A_1077 = arith.constant 32 : i32
      %mul3A_1078 = vector.broadcast %mul3A_1077 : i32 to vector<16xi32>
      %mul3A_1079 = arith.muli %iota3A, %mul3A_1078 : vector<16xi32>
      %add3A_1080 = arith.constant 15 : i32
      %add3A_1081 = vector.broadcast %add3A_1080 : i32 to vector<16xi32>
      %add3A_1082 = arith.addi %mul3A_1079, %add3A_1081 : vector<16xi32>
      %gather3A_1083 = tpu.vector_load_idx %arg10[%add3A_926, %add3A_1082, %gather3A] : memref<4x512x16xf32, #tpu.memory_space<vmem>>[vector<16xi32>, vector<16xi32>, vector<16xi32>], vector<16xf32>,
      %add3A_1084 = arith.constant 23 : i32
      %add3A_1085 = vector.broadcast %add3A_1084 : i32 to vector<16xi32>
      %add3A_1086 = arith.addi %mul3A_920, %add3A_1085 : vector<16xi32>
      tpu.vector_store_idx %arg12[%add3A_1086, %and3A_923], %gather3A_1083 : memref<64x128xf32, #tpu.memory_space<vmem>>[vector<16xi32>, vector<16xi32>], vector<16xf32>,
      %mul3A_1087 = arith.constant 32 : i32
      %mul3A_1088 = vector.broadcast %mul3A_1087 : i32 to vector<16xi32>
      %mul3A_1089 = arith.muli %iota3A, %mul3A_1088 : vector<16xi32>
      %add3A_1090 = arith.constant 16 : i32
      %add3A_1091 = vector.broadcast %add3A_1090 : i32 to vector<16xi32>
      %add3A_1092 = arith.addi %mul3A_1089, %add3A_1091 : vector<16xi32>
      %gather3A_1093 = tpu.vector_load_idx %arg10[%add3A_926, %add3A_1092, %gather3A] : memref<4x512x16xf32, #tpu.memory_space<vmem>>[vector<16xi32>, vector<16xi32>, vector<16xi32>], vector<16xf32>,
      %add3A_1094 = arith.constant 32 : i32
      %add3A_1095 = vector.broadcast %add3A_1094 : i32 to vector<16xi32>
      %add3A_1096 = arith.addi %mul3A_920, %add3A_1095 : vector<16xi32>
      tpu.vector_store_idx %arg12[%add3A_1096, %and3A_923], %gather3A_1093 : memref<64x128xf32, #tpu.memory_space<vmem>>[vector<16xi32>, vector<16xi32>], vector<16xf32>,
      %mul3A_1097 = arith.constant 32 : i32
      %mul3A_1098 = vector.broadcast %mul3A_1097 : i32 to vector<16xi32>
      %mul3A_1099 = arith.muli %iota3A, %mul3A_1098 : vector<16xi32>
      %add3A_1100 = arith.constant 17 : i32
      %add3A_1101 = vector.broadcast %add3A_1100 : i32 to vector<16xi32>
      %add3A_1102 = arith.addi %mul3A_1099, %add3A_1101 : vector<16xi32>
      %gather3A_1103 = tpu.vector_load_idx %arg10[%add3A_926, %add3A_1102, %gather3A] : memref<4x512x16xf32, #tpu.memory_space<vmem>>[vector<16xi32>, vector<16xi32>, vector<16xi32>], vector<16xf32>,
      %add3A_1104 = arith.constant 33 : i32
      %add3A_1105 = vector.broadcast %add3A_1104 : i32 to vector<16xi32>
      %add3A_1106 = arith.addi %mul3A_920, %add3A_1105 : vector<16xi32>
      tpu.vector_store_idx %arg12[%add3A_1106, %and3A_923], %gather3A_1103 : memref<64x128xf32, #tpu.memory_space<vmem>>[vector<16xi32>, vector<16xi32>], vector<16xf32>,
      %mul3A_1107 = arith.constant 32 : i32
      %mul3A_1108 = vector.broadcast %mul3A_1107 : i32 to vector<16xi32>
      %mul3A_1109 = arith.muli %iota3A, %mul3A_1108 : vector<16xi32>
      %add3A_1110 = arith.constant 18 : i32
      %add3A_1111 = vector.broadcast %add3A_1110 : i32 to vector<16xi32>
      %add3A_1112 = arith.addi %mul3A_1109, %add3A_1111 : vector<16xi32>
      %gather3A_1113 = tpu.vector_load_idx %arg10[%add3A_926, %add3A_1112, %gather3A] : memref<4x512x16xf32, #tpu.memory_space<vmem>>[vector<16xi32>, vector<16xi32>, vector<16xi32>], vector<16xf32>,
      %add3A_1114 = arith.constant 34 : i32
      %add3A_1115 = vector.broadcast %add3A_1114 : i32 to vector<16xi32>
      %add3A_1116 = arith.addi %mul3A_920, %add3A_1115 : vector<16xi32>
      tpu.vector_store_idx %arg12[%add3A_1116, %and3A_923], %gather3A_1113 : memref<64x128xf32, #tpu.memory_space<vmem>>[vector<16xi32>, vector<16xi32>], vector<16xf32>,
      %mul3A_1117 = arith.constant 32 : i32
      %mul3A_1118 = vector.broadcast %mul3A_1117 : i32 to vector<16xi32>
      %mul3A_1119 = arith.muli %iota3A, %mul3A_1118 : vector<16xi32>
      %add3A_1120 = arith.constant 19 : i32
      %add3A_1121 = vector.broadcast %add3A_1120 : i32 to vector<16xi32>
      %add3A_1122 = arith.addi %mul3A_1119, %add3A_1121 : vector<16xi32>
      %gather3A_1123 = tpu.vector_load_idx %arg10[%add3A_926, %add3A_1122, %gather3A] : memref<4x512x16xf32, #tpu.memory_space<vmem>>[vector<16xi32>, vector<16xi32>, vector<16xi32>], vector<16xf32>,
      %add3A_1124 = arith.constant 35 : i32
      %add3A_1125 = vector.broadcast %add3A_1124 : i32 to vector<16xi32>
      %add3A_1126 = arith.addi %mul3A_920, %add3A_1125 : vector<16xi32>
      tpu.vector_store_idx %arg12[%add3A_1126, %and3A_923], %gather3A_1123 : memref<64x128xf32, #tpu.memory_space<vmem>>[vector<16xi32>, vector<16xi32>], vector<16xf32>,
      %mul3A_1127 = arith.constant 32 : i32
      %mul3A_1128 = vector.broadcast %mul3A_1127 : i32 to vector<16xi32>
      %mul3A_1129 = arith.muli %iota3A, %mul3A_1128 : vector<16xi32>
      %add3A_1130 = arith.constant 20 : i32
      %add3A_1131 = vector.broadcast %add3A_1130 : i32 to vector<16xi32>
      %add3A_1132 = arith.addi %mul3A_1129, %add3A_1131 : vector<16xi32>
      %gather3A_1133 = tpu.vector_load_idx %arg10[%add3A_926, %add3A_1132, %gather3A] : memref<4x512x16xf32, #tpu.memory_space<vmem>>[vector<16xi32>, vector<16xi32>, vector<16xi32>], vector<16xf32>,
      %add3A_1134 = arith.constant 36 : i32
      %add3A_1135 = vector.broadcast %add3A_1134 : i32 to vector<16xi32>
      %add3A_1136 = arith.addi %mul3A_920, %add3A_1135 : vector<16xi32>
      tpu.vector_store_idx %arg12[%add3A_1136, %and3A_923], %gather3A_1133 : memref<64x128xf32, #tpu.memory_space<vmem>>[vector<16xi32>, vector<16xi32>], vector<16xf32>,
      %mul3A_1137 = arith.constant 32 : i32
      %mul3A_1138 = vector.broadcast %mul3A_1137 : i32 to vector<16xi32>
      %mul3A_1139 = arith.muli %iota3A, %mul3A_1138 : vector<16xi32>
      %add3A_1140 = arith.constant 21 : i32
      %add3A_1141 = vector.broadcast %add3A_1140 : i32 to vector<16xi32>
      %add3A_1142 = arith.addi %mul3A_1139, %add3A_1141 : vector<16xi32>
      %gather3A_1143 = tpu.vector_load_idx %arg10[%add3A_926, %add3A_1142, %gather3A] : memref<4x512x16xf32, #tpu.memory_space<vmem>>[vector<16xi32>, vector<16xi32>, vector<16xi32>], vector<16xf32>,
      %add3A_1144 = arith.constant 37 : i32
      %add3A_1145 = vector.broadcast %add3A_1144 : i32 to vector<16xi32>
      %add3A_1146 = arith.addi %mul3A_920, %add3A_1145 : vector<16xi32>
      tpu.vector_store_idx %arg12[%add3A_1146, %and3A_923], %gather3A_1143 : memref<64x128xf32, #tpu.memory_space<vmem>>[vector<16xi32>, vector<16xi32>], vector<16xf32>,
      %mul3A_1147 = arith.constant 32 : i32
      %mul3A_1148 = vector.broadcast %mul3A_1147 : i32 to vector<16xi32>
      %mul3A_1149 = arith.muli %iota3A, %mul3A_1148 : vector<16xi32>
      %add3A_1150 = arith.constant 22 : i32
      %add3A_1151 = vector.broadcast %add3A_1150 : i32 to vector<16xi32>
      %add3A_1152 = arith.addi %mul3A_1149, %add3A_1151 : vector<16xi32>
      %gather3A_1153 = tpu.vector_load_idx %arg10[%add3A_926, %add3A_1152, %gather3A] : memref<4x512x16xf32, #tpu.memory_space<vmem>>[vector<16xi32>, vector<16xi32>, vector<16xi32>], vector<16xf32>,
      %add3A_1154 = arith.constant 38 : i32
      %add3A_1155 = vector.broadcast %add3A_1154 : i32 to vector<16xi32>
      %add3A_1156 = arith.addi %mul3A_920, %add3A_1155 : vector<16xi32>
      tpu.vector_store_idx %arg12[%add3A_1156, %and3A_923], %gather3A_1153 : memref<64x128xf32, #tpu.memory_space<vmem>>[vector<16xi32>, vector<16xi32>], vector<16xf32>,
      %mul3A_1157 = arith.constant 32 : i32
      %mul3A_1158 = vector.broadcast %mul3A_1157 : i32 to vector<16xi32>
      %mul3A_1159 = arith.muli %iota3A, %mul3A_1158 : vector<16xi32>
      %add3A_1160 = arith.constant 23 : i32
      %add3A_1161 = vector.broadcast %add3A_1160 : i32 to vector<16xi32>
      %add3A_1162 = arith.addi %mul3A_1159, %add3A_1161 : vector<16xi32>
      %gather3A_1163 = tpu.vector_load_idx %arg10[%add3A_926, %add3A_1162, %gather3A] : memref<4x512x16xf32, #tpu.memory_space<vmem>>[vector<16xi32>, vector<16xi32>, vector<16xi32>], vector<16xf32>,
      %add3A_1164 = arith.constant 39 : i32
      %add3A_1165 = vector.broadcast %add3A_1164 : i32 to vector<16xi32>
      %add3A_1166 = arith.addi %mul3A_920, %add3A_1165 : vector<16xi32>
      tpu.vector_store_idx %arg12[%add3A_1166, %and3A_923], %gather3A_1163 : memref<64x128xf32, #tpu.memory_space<vmem>>[vector<16xi32>, vector<16xi32>], vector<16xf32>,
      %mul3A_1167 = arith.constant 32 : i32
      %mul3A_1168 = vector.broadcast %mul3A_1167 : i32 to vector<16xi32>
      %mul3A_1169 = arith.muli %iota3A, %mul3A_1168 : vector<16xi32>
      %add3A_1170 = arith.constant 24 : i32
      %add3A_1171 = vector.broadcast %add3A_1170 : i32 to vector<16xi32>
      %add3A_1172 = arith.addi %mul3A_1169, %add3A_1171 : vector<16xi32>
      %gather3A_1173 = tpu.vector_load_idx %arg10[%add3A_926, %add3A_1172, %gather3A] : memref<4x512x16xf32, #tpu.memory_space<vmem>>[vector<16xi32>, vector<16xi32>, vector<16xi32>], vector<16xf32>,
      %add3A_1174 = arith.constant 48 : i32
      %add3A_1175 = vector.broadcast %add3A_1174 : i32 to vector<16xi32>
      %add3A_1176 = arith.addi %mul3A_920, %add3A_1175 : vector<16xi32>
      tpu.vector_store_idx %arg12[%add3A_1176, %and3A_923], %gather3A_1173 : memref<64x128xf32, #tpu.memory_space<vmem>>[vector<16xi32>, vector<16xi32>], vector<16xf32>,
      %mul3A_1177 = arith.constant 32 : i32
      %mul3A_1178 = vector.broadcast %mul3A_1177 : i32 to vector<16xi32>
      %mul3A_1179 = arith.muli %iota3A, %mul3A_1178 : vector<16xi32>
      %add3A_1180 = arith.constant 25 : i32
      %add3A_1181 = vector.broadcast %add3A_1180 : i32 to vector<16xi32>
      %add3A_1182 = arith.addi %mul3A_1179, %add3A_1181 : vector<16xi32>
      %gather3A_1183 = tpu.vector_load_idx %arg10[%add3A_926, %add3A_1182, %gather3A] : memref<4x512x16xf32, #tpu.memory_space<vmem>>[vector<16xi32>, vector<16xi32>, vector<16xi32>], vector<16xf32>,
      %add3A_1184 = arith.constant 49 : i32
      %add3A_1185 = vector.broadcast %add3A_1184 : i32 to vector<16xi32>
      %add3A_1186 = arith.addi %mul3A_920, %add3A_1185 : vector<16xi32>
      tpu.vector_store_idx %arg12[%add3A_1186, %and3A_923], %gather3A_1183 : memref<64x128xf32, #tpu.memory_space<vmem>>[vector<16xi32>, vector<16xi32>], vector<16xf32>,
      %mul3A_1187 = arith.constant 32 : i32
      %mul3A_1188 = vector.broadcast %mul3A_1187 : i32 to vector<16xi32>
      %mul3A_1189 = arith.muli %iota3A, %mul3A_1188 : vector<16xi32>
      %add3A_1190 = arith.constant 26 : i32
      %add3A_1191 = vector.broadcast %add3A_1190 : i32 to vector<16xi32>
      %add3A_1192 = arith.addi %mul3A_1189, %add3A_1191 : vector<16xi32>
      %gather3A_1193 = tpu.vector_load_idx %arg10[%add3A_926, %add3A_1192, %gather3A] : memref<4x512x16xf32, #tpu.memory_space<vmem>>[vector<16xi32>, vector<16xi32>, vector<16xi32>], vector<16xf32>,
      %add3A_1194 = arith.constant 50 : i32
      %add3A_1195 = vector.broadcast %add3A_1194 : i32 to vector<16xi32>
      %add3A_1196 = arith.addi %mul3A_920, %add3A_1195 : vector<16xi32>
      tpu.vector_store_idx %arg12[%add3A_1196, %and3A_923], %gather3A_1193 : memref<64x128xf32, #tpu.memory_space<vmem>>[vector<16xi32>, vector<16xi32>], vector<16xf32>,
      %mul3A_1197 = arith.constant 32 : i32
      %mul3A_1198 = vector.broadcast %mul3A_1197 : i32 to vector<16xi32>
      %mul3A_1199 = arith.muli %iota3A, %mul3A_1198 : vector<16xi32>
      %add3A_1200 = arith.constant 27 : i32
      %add3A_1201 = vector.broadcast %add3A_1200 : i32 to vector<16xi32>
      %add3A_1202 = arith.addi %mul3A_1199, %add3A_1201 : vector<16xi32>
      %gather3A_1203 = tpu.vector_load_idx %arg10[%add3A_926, %add3A_1202, %gather3A] : memref<4x512x16xf32, #tpu.memory_space<vmem>>[vector<16xi32>, vector<16xi32>, vector<16xi32>], vector<16xf32>,
      %add3A_1204 = arith.constant 51 : i32
      %add3A_1205 = vector.broadcast %add3A_1204 : i32 to vector<16xi32>
      %add3A_1206 = arith.addi %mul3A_920, %add3A_1205 : vector<16xi32>
      tpu.vector_store_idx %arg12[%add3A_1206, %and3A_923], %gather3A_1203 : memref<64x128xf32, #tpu.memory_space<vmem>>[vector<16xi32>, vector<16xi32>], vector<16xf32>,
      %mul3A_1207 = arith.constant 32 : i32
      %mul3A_1208 = vector.broadcast %mul3A_1207 : i32 to vector<16xi32>
      %mul3A_1209 = arith.muli %iota3A, %mul3A_1208 : vector<16xi32>
      %add3A_1210 = arith.constant 28 : i32
      %add3A_1211 = vector.broadcast %add3A_1210 : i32 to vector<16xi32>
      %add3A_1212 = arith.addi %mul3A_1209, %add3A_1211 : vector<16xi32>
      %gather3A_1213 = tpu.vector_load_idx %arg10[%add3A_926, %add3A_1212, %gather3A] : memref<4x512x16xf32, #tpu.memory_space<vmem>>[vector<16xi32>, vector<16xi32>, vector<16xi32>], vector<16xf32>,
      %add3A_1214 = arith.constant 52 : i32
      %add3A_1215 = vector.broadcast %add3A_1214 : i32 to vector<16xi32>
      %add3A_1216 = arith.addi %mul3A_920, %add3A_1215 : vector<16xi32>
      tpu.vector_store_idx %arg12[%add3A_1216, %and3A_923], %gather3A_1213 : memref<64x128xf32, #tpu.memory_space<vmem>>[vector<16xi32>, vector<16xi32>], vector<16xf32>,
      %mul3A_1217 = arith.constant 32 : i32
      %mul3A_1218 = vector.broadcast %mul3A_1217 : i32 to vector<16xi32>
      %mul3A_1219 = arith.muli %iota3A, %mul3A_1218 : vector<16xi32>
      %add3A_1220 = arith.constant 29 : i32
      %add3A_1221 = vector.broadcast %add3A_1220 : i32 to vector<16xi32>
      %add3A_1222 = arith.addi %mul3A_1219, %add3A_1221 : vector<16xi32>
      %gather3A_1223 = tpu.vector_load_idx %arg10[%add3A_926, %add3A_1222, %gather3A] : memref<4x512x16xf32, #tpu.memory_space<vmem>>[vector<16xi32>, vector<16xi32>, vector<16xi32>], vector<16xf32>,
      %add3A_1224 = arith.constant 53 : i32
      %add3A_1225 = vector.broadcast %add3A_1224 : i32 to vector<16xi32>
      %add3A_1226 = arith.addi %mul3A_920, %add3A_1225 : vector<16xi32>
      tpu.vector_store_idx %arg12[%add3A_1226, %and3A_923], %gather3A_1223 : memref<64x128xf32, #tpu.memory_space<vmem>>[vector<16xi32>, vector<16xi32>], vector<16xf32>,
      %mul3A_1227 = arith.constant 32 : i32
      %mul3A_1228 = vector.broadcast %mul3A_1227 : i32 to vector<16xi32>
      %mul3A_1229 = arith.muli %iota3A, %mul3A_1228 : vector<16xi32>
      %add3A_1230 = arith.constant 30 : i32
      %add3A_1231 = vector.broadcast %add3A_1230 : i32 to vector<16xi32>
      %add3A_1232 = arith.addi %mul3A_1229, %add3A_1231 : vector<16xi32>
      %gather3A_1233 = tpu.vector_load_idx %arg10[%add3A_926, %add3A_1232, %gather3A] : memref<4x512x16xf32, #tpu.memory_space<vmem>>[vector<16xi32>, vector<16xi32>, vector<16xi32>], vector<16xf32>,
      %add3A_1234 = arith.constant 54 : i32
      %add3A_1235 = vector.broadcast %add3A_1234 : i32 to vector<16xi32>
      %add3A_1236 = arith.addi %mul3A_920, %add3A_1235 : vector<16xi32>
      tpu.vector_store_idx %arg12[%add3A_1236, %and3A_923], %gather3A_1233 : memref<64x128xf32, #tpu.memory_space<vmem>>[vector<16xi32>, vector<16xi32>], vector<16xf32>,
      %mul3A_1237 = arith.constant 32 : i32
      %mul3A_1238 = vector.broadcast %mul3A_1237 : i32 to vector<16xi32>
      %mul3A_1239 = arith.muli %iota3A, %mul3A_1238 : vector<16xi32>
      %add3A_1240 = arith.constant 31 : i32
      %add3A_1241 = vector.broadcast %add3A_1240 : i32 to vector<16xi32>
      %add3A_1242 = arith.addi %mul3A_1239, %add3A_1241 : vector<16xi32>
      %gather3A_1243 = tpu.vector_load_idx %arg10[%add3A_926, %add3A_1242, %gather3A] : memref<4x512x16xf32, #tpu.memory_space<vmem>>[vector<16xi32>, vector<16xi32>, vector<16xi32>], vector<16xf32>,
      %add3A_1244 = arith.constant 55 : i32
      %add3A_1245 = vector.broadcast %add3A_1244 : i32 to vector<16xi32>
      %add3A_1246 = arith.addi %mul3A_920, %add3A_1245 : vector<16xi32>
      tpu.vector_store_idx %arg12[%add3A_1246, %and3A_923], %gather3A_1243 : memref<64x128xf32, #tpu.memory_space<vmem>>[vector<16xi32>, vector<16xi32>], vector<16xf32>,
    }
    %scan3A_851 = arith.constant 4 : i32
    %dma_wait3A_852 = arith.constant 12 : i32
    %dma_wait3A_853 = arith.constant 0 : i32
    %dma_wait3A_854 = arith.constant 0 : i32
    %dma_wait3A_855 = arith.constant 0 : i32
    %dma_wait3A_856 = tpu.memref_slice %arg11[%dma_wait3A_853, %dma_wait3A_854, %dma_wait3A_855] : memref<4x512x16xf32, #tpu.memory_space<vmem>> -> memref<1x512x16xf32, #tpu.memory_space<vmem>>
    %dma_wait3A_857 = tpu.memref_squeeze %dma_wait3A_856 : memref<1x512x16xf32, #tpu.memory_space<vmem>> -> memref<512x16xf32, #tpu.memory_space<vmem>>
    %dma_wait3A_858 = arith.constant 0 : i32
    %dma_wait3A_859 = tpu.memref_slice %arg9[%dma_wait3A_852, %dma_wait3A_858] : memref<16x512xi32, #tpu.memory_space<vmem>> -> memref<1x512xi32, #tpu.memory_space<vmem>>
    %dma_wait3A_860 = tpu.memref_squeeze %dma_wait3A_859 : memref<1x512xi32, #tpu.memory_space<vmem>> -> memref<512xi32, #tpu.memory_space<vmem>>
    %dma_wait3A_861 = arith.constant 0 : i32
    %dma_wait3A_862 = arith.constant 0 : i32
    %dma_wait3A_863 = tpu.memref_slice %arg2[%dma_wait3A_861, %dma_wait3A_862] : memref<4194304x16xf32, #tpu.memory_space<hbm>> -> memref<4194304x16xf32, #tpu.memory_space<hbm>>
    tpu.wait_indirect_dma semaphore(%arg14 : memref<!tpu.dma_semaphore, #tpu.memory_space<semaphore_mem>>) src(%dma_wait3A_863 : memref<4194304x16xf32, #tpu.memory_space<hbm>>) dst(%dma_wait3A_857 : memref<512x16xf32, #tpu.memory_space<vmem>>)
    %dma_wait3A_864 = arith.constant 13 : i32
    %dma_wait3A_865 = arith.constant 1 : i32
    %dma_wait3A_866 = arith.constant 0 : i32
    %dma_wait3A_867 = arith.constant 0 : i32
    %dma_wait3A_868 = tpu.memref_slice %arg11[%dma_wait3A_865, %dma_wait3A_866, %dma_wait3A_867] : memref<4x512x16xf32, #tpu.memory_space<vmem>> -> memref<1x512x16xf32, #tpu.memory_space<vmem>>
    %dma_wait3A_869 = tpu.memref_squeeze %dma_wait3A_868 : memref<1x512x16xf32, #tpu.memory_space<vmem>> -> memref<512x16xf32, #tpu.memory_space<vmem>>
    %dma_wait3A_870 = arith.constant 0 : i32
    %dma_wait3A_871 = tpu.memref_slice %arg9[%dma_wait3A_864, %dma_wait3A_870] : memref<16x512xi32, #tpu.memory_space<vmem>> -> memref<1x512xi32, #tpu.memory_space<vmem>>
    %dma_wait3A_872 = tpu.memref_squeeze %dma_wait3A_871 : memref<1x512xi32, #tpu.memory_space<vmem>> -> memref<512xi32, #tpu.memory_space<vmem>>
    %dma_wait3A_873 = arith.constant 0 : i32
    %dma_wait3A_874 = arith.constant 0 : i32
    %dma_wait3A_875 = tpu.memref_slice %arg2[%dma_wait3A_873, %dma_wait3A_874] : memref<4194304x16xf32, #tpu.memory_space<hbm>> -> memref<4194304x16xf32, #tpu.memory_space<hbm>>
    tpu.wait_indirect_dma semaphore(%arg14 : memref<!tpu.dma_semaphore, #tpu.memory_space<semaphore_mem>>) src(%dma_wait3A_875 : memref<4194304x16xf32, #tpu.memory_space<hbm>>) dst(%dma_wait3A_869 : memref<512x16xf32, #tpu.memory_space<vmem>>)
    %dma_wait3A_876 = arith.constant 14 : i32
    %dma_wait3A_877 = arith.constant 2 : i32
    %dma_wait3A_878 = arith.constant 0 : i32
    %dma_wait3A_879 = arith.constant 0 : i32
    %dma_wait3A_880 = tpu.memref_slice %arg11[%dma_wait3A_877, %dma_wait3A_878, %dma_wait3A_879] : memref<4x512x16xf32, #tpu.memory_space<vmem>> -> memref<1x512x16xf32, #tpu.memory_space<vmem>>
    %dma_wait3A_881 = tpu.memref_squeeze %dma_wait3A_880 : memref<1x512x16xf32, #tpu.memory_space<vmem>> -> memref<512x16xf32, #tpu.memory_space<vmem>>
    %dma_wait3A_882 = arith.constant 0 : i32
    %dma_wait3A_883 = tpu.memref_slice %arg9[%dma_wait3A_876, %dma_wait3A_882] : memref<16x512xi32, #tpu.memory_space<vmem>> -> memref<1x512xi32, #tpu.memory_space<vmem>>
    %dma_wait3A_884 = tpu.memref_squeeze %dma_wait3A_883 : memref<1x512xi32, #tpu.memory_space<vmem>> -> memref<512xi32, #tpu.memory_space<vmem>>
    %dma_wait3A_885 = arith.constant 0 : i32
    %dma_wait3A_886 = arith.constant 0 : i32
    %dma_wait3A_887 = tpu.memref_slice %arg2[%dma_wait3A_885, %dma_wait3A_886] : memref<4194304x16xf32, #tpu.memory_space<hbm>> -> memref<4194304x16xf32, #tpu.memory_space<hbm>>
    tpu.wait_indirect_dma semaphore(%arg14 : memref<!tpu.dma_semaphore, #tpu.memory_space<semaphore_mem>>) src(%dma_wait3A_887 : memref<4194304x16xf32, #tpu.memory_space<hbm>>) dst(%dma_wait3A_881 : memref<512x16xf32, #tpu.memory_space<vmem>>)
    %dma_wait3A_888 = arith.constant 15 : i32
    %dma_wait3A_889 = arith.constant 3 : i32
    %dma_wait3A_890 = arith.constant 0 : i32
    %dma_wait3A_891 = arith.constant 0 : i32
    %dma_wait3A_892 = tpu.memref_slice %arg11[%dma_wait3A_889, %dma_wait3A_890, %dma_wait3A_891] : memref<4x512x16xf32, #tpu.memory_space<vmem>> -> memref<1x512x16xf32, #tpu.memory_space<vmem>>
    %dma_wait3A_893 = tpu.memref_squeeze %dma_wait3A_892 : memref<1x512x16xf32, #tpu.memory_space<vmem>> -> memref<512x16xf32, #tpu.memory_space<vmem>>
    %dma_wait3A_894 = arith.constant 0 : i32
    %dma_wait3A_895 = tpu.memref_slice %arg9[%dma_wait3A_888, %dma_wait3A_894] : memref<16x512xi32, #tpu.memory_space<vmem>> -> memref<1x512xi32, #tpu.memory_space<vmem>>
    %dma_wait3A_896 = tpu.memref_squeeze %dma_wait3A_895 : memref<1x512xi32, #tpu.memory_space<vmem>> -> memref<512xi32, #tpu.memory_space<vmem>>
    %dma_wait3A_897 = arith.constant 0 : i32
    %dma_wait3A_898 = arith.constant 0 : i32
    %dma_wait3A_899 = tpu.memref_slice %arg2[%dma_wait3A_897, %dma_wait3A_898] : memref<4194304x16xf32, #tpu.memory_space<hbm>> -> memref<4194304x16xf32, #tpu.memory_space<hbm>>
    tpu.wait_indirect_dma semaphore(%arg14 : memref<!tpu.dma_semaphore, #tpu.memory_space<semaphore_mem>>) src(%dma_wait3A_899 : memref<4194304x16xf32, #tpu.memory_space<hbm>>) dst(%dma_wait3A_893 : memref<512x16xf32, #tpu.memory_space<vmem>>)
    %scan3A_900 = arith.constant 0 : i32
    %scan3A_901 = arith.constant 0 : i32
    %scan3A_902 = arith.constant 4 : i32
    %scan3A_903 = arith.addi %scan3A_901, %scan3A_902 : i32
    %scan3A_904 = arith.constant 1 : i32
    scf.for %scan3A_908 = %scan3A_901 to %scan3A_903 step %scan3A_904  : i32 {
      %add3A_909 = arith.constant 12 : i32
      %add3A_910 = arith.addi %add3A_909, %scan3A_908 : i32
      %mul3A_911 = arith.constant 16 : i32
      %mul3A_912 = arith.muli %add3A_910, %mul3A_911 : i32
      %add3A_913 = vector.broadcast %mul3A_912 : i32 to vector<16xi32>
      %add3A_914 = arith.addi %add3A_913, %iota3A : vector<16xi32>
      %gather3A = tpu.vector_load_idx %arg7[%add3A_914] : memref<256xi32, #tpu.memory_space<vmem>>[vector<16xi32>], vector<16xi32>,
      %shift_right_logical3A_915 = arith.constant 7 : i32
      %shift_right_logical3A_916 = vector.broadcast %shift_right_logical3A_915 : i32 to vector<16xi32>
      %shift_right_logical3A_917 = arith.shrui %add3A_914, %shift_right_logical3A_916 : vector<16xi32>
      %mul3A_918 = arith.constant 8 : i32
      %mul3A_919 = vector.broadcast %mul3A_918 : i32 to vector<16xi32>
      %mul3A_920 = arith.muli %shift_right_logical3A_917, %mul3A_919 : vector<16xi32>
      %and3A_921 = arith.constant 127 : i32
      %and3A_922 = vector.broadcast %and3A_921 : i32 to vector<16xi32>
      %and3A_923 = arith.andi %add3A_914, %and3A_922 : vector<16xi32>
      %broadcast_in_dim3A = arith.constant 0 : i32
      %broadcast_in_dim3A_924 = vector.broadcast %broadcast_in_dim3A : i32 to vector<16xi32>
      %add3A_925 = vector.broadcast %scan3A_908 : i32 to vector<16xi32>
      %add3A_926 = arith.addi %broadcast_in_dim3A_924, %add3A_925 : vector<16xi32>
      %mul3A_927 = arith.constant 32 : i32
      %mul3A_928 = vector.broadcast %mul3A_927 : i32 to vector<16xi32>
      %mul3A_929 = arith.muli %iota3A, %mul3A_928 : vector<16xi32>
      %add3A_930 = arith.constant 0 : i32
      %add3A_931 = vector.broadcast %add3A_930 : i32 to vector<16xi32>
      %add3A_932 = arith.addi %mul3A_929, %add3A_931 : vector<16xi32>
      %gather3A_933 = tpu.vector_load_idx %arg11[%add3A_926, %add3A_932, %gather3A] : memref<4x512x16xf32, #tpu.memory_space<vmem>>[vector<16xi32>, vector<16xi32>, vector<16xi32>], vector<16xf32>,
      %add3A_934 = arith.constant 0 : i32
      %add3A_935 = vector.broadcast %add3A_934 : i32 to vector<16xi32>
      %add3A_936 = arith.addi %mul3A_920, %add3A_935 : vector<16xi32>
      tpu.vector_store_idx %arg12[%add3A_936, %and3A_923], %gather3A_933 : memref<64x128xf32, #tpu.memory_space<vmem>>[vector<16xi32>, vector<16xi32>], vector<16xf32>,
      %mul3A_937 = arith.constant 32 : i32
      %mul3A_938 = vector.broadcast %mul3A_937 : i32 to vector<16xi32>
      %mul3A_939 = arith.muli %iota3A, %mul3A_938 : vector<16xi32>
      %add3A_940 = arith.constant 1 : i32
      %add3A_941 = vector.broadcast %add3A_940 : i32 to vector<16xi32>
      %add3A_942 = arith.addi %mul3A_939, %add3A_941 : vector<16xi32>
      %gather3A_943 = tpu.vector_load_idx %arg11[%add3A_926, %add3A_942, %gather3A] : memref<4x512x16xf32, #tpu.memory_space<vmem>>[vector<16xi32>, vector<16xi32>, vector<16xi32>], vector<16xf32>,
      %add3A_944 = arith.constant 1 : i32
      %add3A_945 = vector.broadcast %add3A_944 : i32 to vector<16xi32>
      %add3A_946 = arith.addi %mul3A_920, %add3A_945 : vector<16xi32>
      tpu.vector_store_idx %arg12[%add3A_946, %and3A_923], %gather3A_943 : memref<64x128xf32, #tpu.memory_space<vmem>>[vector<16xi32>, vector<16xi32>], vector<16xf32>,
      %mul3A_947 = arith.constant 32 : i32
      %mul3A_948 = vector.broadcast %mul3A_947 : i32 to vector<16xi32>
      %mul3A_949 = arith.muli %iota3A, %mul3A_948 : vector<16xi32>
      %add3A_950 = arith.constant 2 : i32
      %add3A_951 = vector.broadcast %add3A_950 : i32 to vector<16xi32>
      %add3A_952 = arith.addi %mul3A_949, %add3A_951 : vector<16xi32>
      %gather3A_953 = tpu.vector_load_idx %arg11[%add3A_926, %add3A_952, %gather3A] : memref<4x512x16xf32, #tpu.memory_space<vmem>>[vector<16xi32>, vector<16xi32>, vector<16xi32>], vector<16xf32>,
      %add3A_954 = arith.constant 2 : i32
      %add3A_955 = vector.broadcast %add3A_954 : i32 to vector<16xi32>
      %add3A_956 = arith.addi %mul3A_920, %add3A_955 : vector<16xi32>
      tpu.vector_store_idx %arg12[%add3A_956, %and3A_923], %gather3A_953 : memref<64x128xf32, #tpu.memory_space<vmem>>[vector<16xi32>, vector<16xi32>], vector<16xf32>,
      %mul3A_957 = arith.constant 32 : i32
      %mul3A_958 = vector.broadcast %mul3A_957 : i32 to vector<16xi32>
      %mul3A_959 = arith.muli %iota3A, %mul3A_958 : vector<16xi32>
      %add3A_960 = arith.constant 3 : i32
      %add3A_961 = vector.broadcast %add3A_960 : i32 to vector<16xi32>
      %add3A_962 = arith.addi %mul3A_959, %add3A_961 : vector<16xi32>
      %gather3A_963 = tpu.vector_load_idx %arg11[%add3A_926, %add3A_962, %gather3A] : memref<4x512x16xf32, #tpu.memory_space<vmem>>[vector<16xi32>, vector<16xi32>, vector<16xi32>], vector<16xf32>,
      %add3A_964 = arith.constant 3 : i32
      %add3A_965 = vector.broadcast %add3A_964 : i32 to vector<16xi32>
      %add3A_966 = arith.addi %mul3A_920, %add3A_965 : vector<16xi32>
      tpu.vector_store_idx %arg12[%add3A_966, %and3A_923], %gather3A_963 : memref<64x128xf32, #tpu.memory_space<vmem>>[vector<16xi32>, vector<16xi32>], vector<16xf32>,
      %mul3A_967 = arith.constant 32 : i32
      %mul3A_968 = vector.broadcast %mul3A_967 : i32 to vector<16xi32>
      %mul3A_969 = arith.muli %iota3A, %mul3A_968 : vector<16xi32>
      %add3A_970 = arith.constant 4 : i32
      %add3A_971 = vector.broadcast %add3A_970 : i32 to vector<16xi32>
      %add3A_972 = arith.addi %mul3A_969, %add3A_971 : vector<16xi32>
      %gather3A_973 = tpu.vector_load_idx %arg11[%add3A_926, %add3A_972, %gather3A] : memref<4x512x16xf32, #tpu.memory_space<vmem>>[vector<16xi32>, vector<16xi32>, vector<16xi32>], vector<16xf32>,
      %add3A_974 = arith.constant 4 : i32
      %add3A_975 = vector.broadcast %add3A_974 : i32 to vector<16xi32>
      %add3A_976 = arith.addi %mul3A_920, %add3A_975 : vector<16xi32>
      tpu.vector_store_idx %arg12[%add3A_976, %and3A_923], %gather3A_973 : memref<64x128xf32, #tpu.memory_space<vmem>>[vector<16xi32>, vector<16xi32>], vector<16xf32>,
      %mul3A_977 = arith.constant 32 : i32
      %mul3A_978 = vector.broadcast %mul3A_977 : i32 to vector<16xi32>
      %mul3A_979 = arith.muli %iota3A, %mul3A_978 : vector<16xi32>
      %add3A_980 = arith.constant 5 : i32
      %add3A_981 = vector.broadcast %add3A_980 : i32 to vector<16xi32>
      %add3A_982 = arith.addi %mul3A_979, %add3A_981 : vector<16xi32>
      %gather3A_983 = tpu.vector_load_idx %arg11[%add3A_926, %add3A_982, %gather3A] : memref<4x512x16xf32, #tpu.memory_space<vmem>>[vector<16xi32>, vector<16xi32>, vector<16xi32>], vector<16xf32>,
      %add3A_984 = arith.constant 5 : i32
      %add3A_985 = vector.broadcast %add3A_984 : i32 to vector<16xi32>
      %add3A_986 = arith.addi %mul3A_920, %add3A_985 : vector<16xi32>
      tpu.vector_store_idx %arg12[%add3A_986, %and3A_923], %gather3A_983 : memref<64x128xf32, #tpu.memory_space<vmem>>[vector<16xi32>, vector<16xi32>], vector<16xf32>,
      %mul3A_987 = arith.constant 32 : i32
      %mul3A_988 = vector.broadcast %mul3A_987 : i32 to vector<16xi32>
      %mul3A_989 = arith.muli %iota3A, %mul3A_988 : vector<16xi32>
      %add3A_990 = arith.constant 6 : i32
      %add3A_991 = vector.broadcast %add3A_990 : i32 to vector<16xi32>
      %add3A_992 = arith.addi %mul3A_989, %add3A_991 : vector<16xi32>
      %gather3A_993 = tpu.vector_load_idx %arg11[%add3A_926, %add3A_992, %gather3A] : memref<4x512x16xf32, #tpu.memory_space<vmem>>[vector<16xi32>, vector<16xi32>, vector<16xi32>], vector<16xf32>,
      %add3A_994 = arith.constant 6 : i32
      %add3A_995 = vector.broadcast %add3A_994 : i32 to vector<16xi32>
      %add3A_996 = arith.addi %mul3A_920, %add3A_995 : vector<16xi32>
      tpu.vector_store_idx %arg12[%add3A_996, %and3A_923], %gather3A_993 : memref<64x128xf32, #tpu.memory_space<vmem>>[vector<16xi32>, vector<16xi32>], vector<16xf32>,
      %mul3A_997 = arith.constant 32 : i32
      %mul3A_998 = vector.broadcast %mul3A_997 : i32 to vector<16xi32>
      %mul3A_999 = arith.muli %iota3A, %mul3A_998 : vector<16xi32>
      %add3A_1000 = arith.constant 7 : i32
      %add3A_1001 = vector.broadcast %add3A_1000 : i32 to vector<16xi32>
      %add3A_1002 = arith.addi %mul3A_999, %add3A_1001 : vector<16xi32>
      %gather3A_1003 = tpu.vector_load_idx %arg11[%add3A_926, %add3A_1002, %gather3A] : memref<4x512x16xf32, #tpu.memory_space<vmem>>[vector<16xi32>, vector<16xi32>, vector<16xi32>], vector<16xf32>,
      %add3A_1004 = arith.constant 7 : i32
      %add3A_1005 = vector.broadcast %add3A_1004 : i32 to vector<16xi32>
      %add3A_1006 = arith.addi %mul3A_920, %add3A_1005 : vector<16xi32>
      tpu.vector_store_idx %arg12[%add3A_1006, %and3A_923], %gather3A_1003 : memref<64x128xf32, #tpu.memory_space<vmem>>[vector<16xi32>, vector<16xi32>], vector<16xf32>,
      %mul3A_1007 = arith.constant 32 : i32
      %mul3A_1008 = vector.broadcast %mul3A_1007 : i32 to vector<16xi32>
      %mul3A_1009 = arith.muli %iota3A, %mul3A_1008 : vector<16xi32>
      %add3A_1010 = arith.constant 8 : i32
      %add3A_1011 = vector.broadcast %add3A_1010 : i32 to vector<16xi32>
      %add3A_1012 = arith.addi %mul3A_1009, %add3A_1011 : vector<16xi32>
      %gather3A_1013 = tpu.vector_load_idx %arg11[%add3A_926, %add3A_1012, %gather3A] : memref<4x512x16xf32, #tpu.memory_space<vmem>>[vector<16xi32>, vector<16xi32>, vector<16xi32>], vector<16xf32>,
      %add3A_1014 = arith.constant 16 : i32
      %add3A_1015 = vector.broadcast %add3A_1014 : i32 to vector<16xi32>
      %add3A_1016 = arith.addi %mul3A_920, %add3A_1015 : vector<16xi32>
      tpu.vector_store_idx %arg12[%add3A_1016, %and3A_923], %gather3A_1013 : memref<64x128xf32, #tpu.memory_space<vmem>>[vector<16xi32>, vector<16xi32>], vector<16xf32>,
      %mul3A_1017 = arith.constant 32 : i32
      %mul3A_1018 = vector.broadcast %mul3A_1017 : i32 to vector<16xi32>
      %mul3A_1019 = arith.muli %iota3A, %mul3A_1018 : vector<16xi32>
      %add3A_1020 = arith.constant 9 : i32
      %add3A_1021 = vector.broadcast %add3A_1020 : i32 to vector<16xi32>
      %add3A_1022 = arith.addi %mul3A_1019, %add3A_1021 : vector<16xi32>
      %gather3A_1023 = tpu.vector_load_idx %arg11[%add3A_926, %add3A_1022, %gather3A] : memref<4x512x16xf32, #tpu.memory_space<vmem>>[vector<16xi32>, vector<16xi32>, vector<16xi32>], vector<16xf32>,
      %add3A_1024 = arith.constant 17 : i32
      %add3A_1025 = vector.broadcast %add3A_1024 : i32 to vector<16xi32>
      %add3A_1026 = arith.addi %mul3A_920, %add3A_1025 : vector<16xi32>
      tpu.vector_store_idx %arg12[%add3A_1026, %and3A_923], %gather3A_1023 : memref<64x128xf32, #tpu.memory_space<vmem>>[vector<16xi32>, vector<16xi32>], vector<16xf32>,
      %mul3A_1027 = arith.constant 32 : i32
      %mul3A_1028 = vector.broadcast %mul3A_1027 : i32 to vector<16xi32>
      %mul3A_1029 = arith.muli %iota3A, %mul3A_1028 : vector<16xi32>
      %add3A_1030 = arith.constant 10 : i32
      %add3A_1031 = vector.broadcast %add3A_1030 : i32 to vector<16xi32>
      %add3A_1032 = arith.addi %mul3A_1029, %add3A_1031 : vector<16xi32>
      %gather3A_1033 = tpu.vector_load_idx %arg11[%add3A_926, %add3A_1032, %gather3A] : memref<4x512x16xf32, #tpu.memory_space<vmem>>[vector<16xi32>, vector<16xi32>, vector<16xi32>], vector<16xf32>,
      %add3A_1034 = arith.constant 18 : i32
      %add3A_1035 = vector.broadcast %add3A_1034 : i32 to vector<16xi32>
      %add3A_1036 = arith.addi %mul3A_920, %add3A_1035 : vector<16xi32>
      tpu.vector_store_idx %arg12[%add3A_1036, %and3A_923], %gather3A_1033 : memref<64x128xf32, #tpu.memory_space<vmem>>[vector<16xi32>, vector<16xi32>], vector<16xf32>,
      %mul3A_1037 = arith.constant 32 : i32
      %mul3A_1038 = vector.broadcast %mul3A_1037 : i32 to vector<16xi32>
      %mul3A_1039 = arith.muli %iota3A, %mul3A_1038 : vector<16xi32>
      %add3A_1040 = arith.constant 11 : i32
      %add3A_1041 = vector.broadcast %add3A_1040 : i32 to vector<16xi32>
      %add3A_1042 = arith.addi %mul3A_1039, %add3A_1041 : vector<16xi32>
      %gather3A_1043 = tpu.vector_load_idx %arg11[%add3A_926, %add3A_1042, %gather3A] : memref<4x512x16xf32, #tpu.memory_space<vmem>>[vector<16xi32>, vector<16xi32>, vector<16xi32>], vector<16xf32>,
      %add3A_1044 = arith.constant 19 : i32
      %add3A_1045 = vector.broadcast %add3A_1044 : i32 to vector<16xi32>
      %add3A_1046 = arith.addi %mul3A_920, %add3A_1045 : vector<16xi32>
      tpu.vector_store_idx %arg12[%add3A_1046, %and3A_923], %gather3A_1043 : memref<64x128xf32, #tpu.memory_space<vmem>>[vector<16xi32>, vector<16xi32>], vector<16xf32>,
      %mul3A_1047 = arith.constant 32 : i32
      %mul3A_1048 = vector.broadcast %mul3A_1047 : i32 to vector<16xi32>
      %mul3A_1049 = arith.muli %iota3A, %mul3A_1048 : vector<16xi32>
      %add3A_1050 = arith.constant 12 : i32
      %add3A_1051 = vector.broadcast %add3A_1050 : i32 to vector<16xi32>
      %add3A_1052 = arith.addi %mul3A_1049, %add3A_1051 : vector<16xi32>
      %gather3A_1053 = tpu.vector_load_idx %arg11[%add3A_926, %add3A_1052, %gather3A] : memref<4x512x16xf32, #tpu.memory_space<vmem>>[vector<16xi32>, vector<16xi32>, vector<16xi32>], vector<16xf32>,
      %add3A_1054 = arith.constant 20 : i32
      %add3A_1055 = vector.broadcast %add3A_1054 : i32 to vector<16xi32>
      %add3A_1056 = arith.addi %mul3A_920, %add3A_1055 : vector<16xi32>
      tpu.vector_store_idx %arg12[%add3A_1056, %and3A_923], %gather3A_1053 : memref<64x128xf32, #tpu.memory_space<vmem>>[vector<16xi32>, vector<16xi32>], vector<16xf32>,
      %mul3A_1057 = arith.constant 32 : i32
      %mul3A_1058 = vector.broadcast %mul3A_1057 : i32 to vector<16xi32>
      %mul3A_1059 = arith.muli %iota3A, %mul3A_1058 : vector<16xi32>
      %add3A_1060 = arith.constant 13 : i32
      %add3A_1061 = vector.broadcast %add3A_1060 : i32 to vector<16xi32>
      %add3A_1062 = arith.addi %mul3A_1059, %add3A_1061 : vector<16xi32>
      %gather3A_1063 = tpu.vector_load_idx %arg11[%add3A_926, %add3A_1062, %gather3A] : memref<4x512x16xf32, #tpu.memory_space<vmem>>[vector<16xi32>, vector<16xi32>, vector<16xi32>], vector<16xf32>,
      %add3A_1064 = arith.constant 21 : i32
      %add3A_1065 = vector.broadcast %add3A_1064 : i32 to vector<16xi32>
      %add3A_1066 = arith.addi %mul3A_920, %add3A_1065 : vector<16xi32>
      tpu.vector_store_idx %arg12[%add3A_1066, %and3A_923], %gather3A_1063 : memref<64x128xf32, #tpu.memory_space<vmem>>[vector<16xi32>, vector<16xi32>], vector<16xf32>,
      %mul3A_1067 = arith.constant 32 : i32
      %mul3A_1068 = vector.broadcast %mul3A_1067 : i32 to vector<16xi32>
      %mul3A_1069 = arith.muli %iota3A, %mul3A_1068 : vector<16xi32>
      %add3A_1070 = arith.constant 14 : i32
      %add3A_1071 = vector.broadcast %add3A_1070 : i32 to vector<16xi32>
      %add3A_1072 = arith.addi %mul3A_1069, %add3A_1071 : vector<16xi32>
      %gather3A_1073 = tpu.vector_load_idx %arg11[%add3A_926, %add3A_1072, %gather3A] : memref<4x512x16xf32, #tpu.memory_space<vmem>>[vector<16xi32>, vector<16xi32>, vector<16xi32>], vector<16xf32>,
      %add3A_1074 = arith.constant 22 : i32
      %add3A_1075 = vector.broadcast %add3A_1074 : i32 to vector<16xi32>
      %add3A_1076 = arith.addi %mul3A_920, %add3A_1075 : vector<16xi32>
      tpu.vector_store_idx %arg12[%add3A_1076, %and3A_923], %gather3A_1073 : memref<64x128xf32, #tpu.memory_space<vmem>>[vector<16xi32>, vector<16xi32>], vector<16xf32>,
      %mul3A_1077 = arith.constant 32 : i32
      %mul3A_1078 = vector.broadcast %mul3A_1077 : i32 to vector<16xi32>
      %mul3A_1079 = arith.muli %iota3A, %mul3A_1078 : vector<16xi32>
      %add3A_1080 = arith.constant 15 : i32
      %add3A_1081 = vector.broadcast %add3A_1080 : i32 to vector<16xi32>
      %add3A_1082 = arith.addi %mul3A_1079, %add3A_1081 : vector<16xi32>
      %gather3A_1083 = tpu.vector_load_idx %arg11[%add3A_926, %add3A_1082, %gather3A] : memref<4x512x16xf32, #tpu.memory_space<vmem>>[vector<16xi32>, vector<16xi32>, vector<16xi32>], vector<16xf32>,
      %add3A_1084 = arith.constant 23 : i32
      %add3A_1085 = vector.broadcast %add3A_1084 : i32 to vector<16xi32>
      %add3A_1086 = arith.addi %mul3A_920, %add3A_1085 : vector<16xi32>
      tpu.vector_store_idx %arg12[%add3A_1086, %and3A_923], %gather3A_1083 : memref<64x128xf32, #tpu.memory_space<vmem>>[vector<16xi32>, vector<16xi32>], vector<16xf32>,
      %mul3A_1087 = arith.constant 32 : i32
      %mul3A_1088 = vector.broadcast %mul3A_1087 : i32 to vector<16xi32>
      %mul3A_1089 = arith.muli %iota3A, %mul3A_1088 : vector<16xi32>
      %add3A_1090 = arith.constant 16 : i32
      %add3A_1091 = vector.broadcast %add3A_1090 : i32 to vector<16xi32>
      %add3A_1092 = arith.addi %mul3A_1089, %add3A_1091 : vector<16xi32>
      %gather3A_1093 = tpu.vector_load_idx %arg11[%add3A_926, %add3A_1092, %gather3A] : memref<4x512x16xf32, #tpu.memory_space<vmem>>[vector<16xi32>, vector<16xi32>, vector<16xi32>], vector<16xf32>,
      %add3A_1094 = arith.constant 32 : i32
      %add3A_1095 = vector.broadcast %add3A_1094 : i32 to vector<16xi32>
      %add3A_1096 = arith.addi %mul3A_920, %add3A_1095 : vector<16xi32>
      tpu.vector_store_idx %arg12[%add3A_1096, %and3A_923], %gather3A_1093 : memref<64x128xf32, #tpu.memory_space<vmem>>[vector<16xi32>, vector<16xi32>], vector<16xf32>,
      %mul3A_1097 = arith.constant 32 : i32
      %mul3A_1098 = vector.broadcast %mul3A_1097 : i32 to vector<16xi32>
      %mul3A_1099 = arith.muli %iota3A, %mul3A_1098 : vector<16xi32>
      %add3A_1100 = arith.constant 17 : i32
      %add3A_1101 = vector.broadcast %add3A_1100 : i32 to vector<16xi32>
      %add3A_1102 = arith.addi %mul3A_1099, %add3A_1101 : vector<16xi32>
      %gather3A_1103 = tpu.vector_load_idx %arg11[%add3A_926, %add3A_1102, %gather3A] : memref<4x512x16xf32, #tpu.memory_space<vmem>>[vector<16xi32>, vector<16xi32>, vector<16xi32>], vector<16xf32>,
      %add3A_1104 = arith.constant 33 : i32
      %add3A_1105 = vector.broadcast %add3A_1104 : i32 to vector<16xi32>
      %add3A_1106 = arith.addi %mul3A_920, %add3A_1105 : vector<16xi32>
      tpu.vector_store_idx %arg12[%add3A_1106, %and3A_923], %gather3A_1103 : memref<64x128xf32, #tpu.memory_space<vmem>>[vector<16xi32>, vector<16xi32>], vector<16xf32>,
      %mul3A_1107 = arith.constant 32 : i32
      %mul3A_1108 = vector.broadcast %mul3A_1107 : i32 to vector<16xi32>
      %mul3A_1109 = arith.muli %iota3A, %mul3A_1108 : vector<16xi32>
      %add3A_1110 = arith.constant 18 : i32
      %add3A_1111 = vector.broadcast %add3A_1110 : i32 to vector<16xi32>
      %add3A_1112 = arith.addi %mul3A_1109, %add3A_1111 : vector<16xi32>
      %gather3A_1113 = tpu.vector_load_idx %arg11[%add3A_926, %add3A_1112, %gather3A] : memref<4x512x16xf32, #tpu.memory_space<vmem>>[vector<16xi32>, vector<16xi32>, vector<16xi32>], vector<16xf32>,
      %add3A_1114 = arith.constant 34 : i32
      %add3A_1115 = vector.broadcast %add3A_1114 : i32 to vector<16xi32>
      %add3A_1116 = arith.addi %mul3A_920, %add3A_1115 : vector<16xi32>
      tpu.vector_store_idx %arg12[%add3A_1116, %and3A_923], %gather3A_1113 : memref<64x128xf32, #tpu.memory_space<vmem>>[vector<16xi32>, vector<16xi32>], vector<16xf32>,
      %mul3A_1117 = arith.constant 32 : i32
      %mul3A_1118 = vector.broadcast %mul3A_1117 : i32 to vector<16xi32>
      %mul3A_1119 = arith.muli %iota3A, %mul3A_1118 : vector<16xi32>
      %add3A_1120 = arith.constant 19 : i32
      %add3A_1121 = vector.broadcast %add3A_1120 : i32 to vector<16xi32>
      %add3A_1122 = arith.addi %mul3A_1119, %add3A_1121 : vector<16xi32>
      %gather3A_1123 = tpu.vector_load_idx %arg11[%add3A_926, %add3A_1122, %gather3A] : memref<4x512x16xf32, #tpu.memory_space<vmem>>[vector<16xi32>, vector<16xi32>, vector<16xi32>], vector<16xf32>,
      %add3A_1124 = arith.constant 35 : i32
      %add3A_1125 = vector.broadcast %add3A_1124 : i32 to vector<16xi32>
      %add3A_1126 = arith.addi %mul3A_920, %add3A_1125 : vector<16xi32>
      tpu.vector_store_idx %arg12[%add3A_1126, %and3A_923], %gather3A_1123 : memref<64x128xf32, #tpu.memory_space<vmem>>[vector<16xi32>, vector<16xi32>], vector<16xf32>,
      %mul3A_1127 = arith.constant 32 : i32
      %mul3A_1128 = vector.broadcast %mul3A_1127 : i32 to vector<16xi32>
      %mul3A_1129 = arith.muli %iota3A, %mul3A_1128 : vector<16xi32>
      %add3A_1130 = arith.constant 20 : i32
      %add3A_1131 = vector.broadcast %add3A_1130 : i32 to vector<16xi32>
      %add3A_1132 = arith.addi %mul3A_1129, %add3A_1131 : vector<16xi32>
      %gather3A_1133 = tpu.vector_load_idx %arg11[%add3A_926, %add3A_1132, %gather3A] : memref<4x512x16xf32, #tpu.memory_space<vmem>>[vector<16xi32>, vector<16xi32>, vector<16xi32>], vector<16xf32>,
      %add3A_1134 = arith.constant 36 : i32
      %add3A_1135 = vector.broadcast %add3A_1134 : i32 to vector<16xi32>
      %add3A_1136 = arith.addi %mul3A_920, %add3A_1135 : vector<16xi32>
      tpu.vector_store_idx %arg12[%add3A_1136, %and3A_923], %gather3A_1133 : memref<64x128xf32, #tpu.memory_space<vmem>>[vector<16xi32>, vector<16xi32>], vector<16xf32>,
      %mul3A_1137 = arith.constant 32 : i32
      %mul3A_1138 = vector.broadcast %mul3A_1137 : i32 to vector<16xi32>
      %mul3A_1139 = arith.muli %iota3A, %mul3A_1138 : vector<16xi32>
      %add3A_1140 = arith.constant 21 : i32
      %add3A_1141 = vector.broadcast %add3A_1140 : i32 to vector<16xi32>
      %add3A_1142 = arith.addi %mul3A_1139, %add3A_1141 : vector<16xi32>
      %gather3A_1143 = tpu.vector_load_idx %arg11[%add3A_926, %add3A_1142, %gather3A] : memref<4x512x16xf32, #tpu.memory_space<vmem>>[vector<16xi32>, vector<16xi32>, vector<16xi32>], vector<16xf32>,
      %add3A_1144 = arith.constant 37 : i32
      %add3A_1145 = vector.broadcast %add3A_1144 : i32 to vector<16xi32>
      %add3A_1146 = arith.addi %mul3A_920, %add3A_1145 : vector<16xi32>
      tpu.vector_store_idx %arg12[%add3A_1146, %and3A_923], %gather3A_1143 : memref<64x128xf32, #tpu.memory_space<vmem>>[vector<16xi32>, vector<16xi32>], vector<16xf32>,
      %mul3A_1147 = arith.constant 32 : i32
      %mul3A_1148 = vector.broadcast %mul3A_1147 : i32 to vector<16xi32>
      %mul3A_1149 = arith.muli %iota3A, %mul3A_1148 : vector<16xi32>
      %add3A_1150 = arith.constant 22 : i32
      %add3A_1151 = vector.broadcast %add3A_1150 : i32 to vector<16xi32>
      %add3A_1152 = arith.addi %mul3A_1149, %add3A_1151 : vector<16xi32>
      %gather3A_1153 = tpu.vector_load_idx %arg11[%add3A_926, %add3A_1152, %gather3A] : memref<4x512x16xf32, #tpu.memory_space<vmem>>[vector<16xi32>, vector<16xi32>, vector<16xi32>], vector<16xf32>,
      %add3A_1154 = arith.constant 38 : i32
      %add3A_1155 = vector.broadcast %add3A_1154 : i32 to vector<16xi32>
      %add3A_1156 = arith.addi %mul3A_920, %add3A_1155 : vector<16xi32>
      tpu.vector_store_idx %arg12[%add3A_1156, %and3A_923], %gather3A_1153 : memref<64x128xf32, #tpu.memory_space<vmem>>[vector<16xi32>, vector<16xi32>], vector<16xf32>,
      %mul3A_1157 = arith.constant 32 : i32
      %mul3A_1158 = vector.broadcast %mul3A_1157 : i32 to vector<16xi32>
      %mul3A_1159 = arith.muli %iota3A, %mul3A_1158 : vector<16xi32>
      %add3A_1160 = arith.constant 23 : i32
      %add3A_1161 = vector.broadcast %add3A_1160 : i32 to vector<16xi32>
      %add3A_1162 = arith.addi %mul3A_1159, %add3A_1161 : vector<16xi32>
      %gather3A_1163 = tpu.vector_load_idx %arg11[%add3A_926, %add3A_1162, %gather3A] : memref<4x512x16xf32, #tpu.memory_space<vmem>>[vector<16xi32>, vector<16xi32>, vector<16xi32>], vector<16xf32>,
      %add3A_1164 = arith.constant 39 : i32
      %add3A_1165 = vector.broadcast %add3A_1164 : i32 to vector<16xi32>
      %add3A_1166 = arith.addi %mul3A_920, %add3A_1165 : vector<16xi32>
      tpu.vector_store_idx %arg12[%add3A_1166, %and3A_923], %gather3A_1163 : memref<64x128xf32, #tpu.memory_space<vmem>>[vector<16xi32>, vector<16xi32>], vector<16xf32>,
      %mul3A_1167 = arith.constant 32 : i32
      %mul3A_1168 = vector.broadcast %mul3A_1167 : i32 to vector<16xi32>
      %mul3A_1169 = arith.muli %iota3A, %mul3A_1168 : vector<16xi32>
      %add3A_1170 = arith.constant 24 : i32
      %add3A_1171 = vector.broadcast %add3A_1170 : i32 to vector<16xi32>
      %add3A_1172 = arith.addi %mul3A_1169, %add3A_1171 : vector<16xi32>
      %gather3A_1173 = tpu.vector_load_idx %arg11[%add3A_926, %add3A_1172, %gather3A] : memref<4x512x16xf32, #tpu.memory_space<vmem>>[vector<16xi32>, vector<16xi32>, vector<16xi32>], vector<16xf32>,
      %add3A_1174 = arith.constant 48 : i32
      %add3A_1175 = vector.broadcast %add3A_1174 : i32 to vector<16xi32>
      %add3A_1176 = arith.addi %mul3A_920, %add3A_1175 : vector<16xi32>
      tpu.vector_store_idx %arg12[%add3A_1176, %and3A_923], %gather3A_1173 : memref<64x128xf32, #tpu.memory_space<vmem>>[vector<16xi32>, vector<16xi32>], vector<16xf32>,
      %mul3A_1177 = arith.constant 32 : i32
      %mul3A_1178 = vector.broadcast %mul3A_1177 : i32 to vector<16xi32>
      %mul3A_1179 = arith.muli %iota3A, %mul3A_1178 : vector<16xi32>
      %add3A_1180 = arith.constant 25 : i32
      %add3A_1181 = vector.broadcast %add3A_1180 : i32 to vector<16xi32>
      %add3A_1182 = arith.addi %mul3A_1179, %add3A_1181 : vector<16xi32>
      %gather3A_1183 = tpu.vector_load_idx %arg11[%add3A_926, %add3A_1182, %gather3A] : memref<4x512x16xf32, #tpu.memory_space<vmem>>[vector<16xi32>, vector<16xi32>, vector<16xi32>], vector<16xf32>,
      %add3A_1184 = arith.constant 49 : i32
      %add3A_1185 = vector.broadcast %add3A_1184 : i32 to vector<16xi32>
      %add3A_1186 = arith.addi %mul3A_920, %add3A_1185 : vector<16xi32>
      tpu.vector_store_idx %arg12[%add3A_1186, %and3A_923], %gather3A_1183 : memref<64x128xf32, #tpu.memory_space<vmem>>[vector<16xi32>, vector<16xi32>], vector<16xf32>,
      %mul3A_1187 = arith.constant 32 : i32
      %mul3A_1188 = vector.broadcast %mul3A_1187 : i32 to vector<16xi32>
      %mul3A_1189 = arith.muli %iota3A, %mul3A_1188 : vector<16xi32>
      %add3A_1190 = arith.constant 26 : i32
      %add3A_1191 = vector.broadcast %add3A_1190 : i32 to vector<16xi32>
      %add3A_1192 = arith.addi %mul3A_1189, %add3A_1191 : vector<16xi32>
      %gather3A_1193 = tpu.vector_load_idx %arg11[%add3A_926, %add3A_1192, %gather3A] : memref<4x512x16xf32, #tpu.memory_space<vmem>>[vector<16xi32>, vector<16xi32>, vector<16xi32>], vector<16xf32>,
      %add3A_1194 = arith.constant 50 : i32
      %add3A_1195 = vector.broadcast %add3A_1194 : i32 to vector<16xi32>
      %add3A_1196 = arith.addi %mul3A_920, %add3A_1195 : vector<16xi32>
      tpu.vector_store_idx %arg12[%add3A_1196, %and3A_923], %gather3A_1193 : memref<64x128xf32, #tpu.memory_space<vmem>>[vector<16xi32>, vector<16xi32>], vector<16xf32>,
      %mul3A_1197 = arith.constant 32 : i32
      %mul3A_1198 = vector.broadcast %mul3A_1197 : i32 to vector<16xi32>
      %mul3A_1199 = arith.muli %iota3A, %mul3A_1198 : vector<16xi32>
      %add3A_1200 = arith.constant 27 : i32
      %add3A_1201 = vector.broadcast %add3A_1200 : i32 to vector<16xi32>
      %add3A_1202 = arith.addi %mul3A_1199, %add3A_1201 : vector<16xi32>
      %gather3A_1203 = tpu.vector_load_idx %arg11[%add3A_926, %add3A_1202, %gather3A] : memref<4x512x16xf32, #tpu.memory_space<vmem>>[vector<16xi32>, vector<16xi32>, vector<16xi32>], vector<16xf32>,
      %add3A_1204 = arith.constant 51 : i32
      %add3A_1205 = vector.broadcast %add3A_1204 : i32 to vector<16xi32>
      %add3A_1206 = arith.addi %mul3A_920, %add3A_1205 : vector<16xi32>
      tpu.vector_store_idx %arg12[%add3A_1206, %and3A_923], %gather3A_1203 : memref<64x128xf32, #tpu.memory_space<vmem>>[vector<16xi32>, vector<16xi32>], vector<16xf32>,
      %mul3A_1207 = arith.constant 32 : i32
      %mul3A_1208 = vector.broadcast %mul3A_1207 : i32 to vector<16xi32>
      %mul3A_1209 = arith.muli %iota3A, %mul3A_1208 : vector<16xi32>
      %add3A_1210 = arith.constant 28 : i32
      %add3A_1211 = vector.broadcast %add3A_1210 : i32 to vector<16xi32>
      %add3A_1212 = arith.addi %mul3A_1209, %add3A_1211 : vector<16xi32>
      %gather3A_1213 = tpu.vector_load_idx %arg11[%add3A_926, %add3A_1212, %gather3A] : memref<4x512x16xf32, #tpu.memory_space<vmem>>[vector<16xi32>, vector<16xi32>, vector<16xi32>], vector<16xf32>,
      %add3A_1214 = arith.constant 52 : i32
      %add3A_1215 = vector.broadcast %add3A_1214 : i32 to vector<16xi32>
      %add3A_1216 = arith.addi %mul3A_920, %add3A_1215 : vector<16xi32>
      tpu.vector_store_idx %arg12[%add3A_1216, %and3A_923], %gather3A_1213 : memref<64x128xf32, #tpu.memory_space<vmem>>[vector<16xi32>, vector<16xi32>], vector<16xf32>,
      %mul3A_1217 = arith.constant 32 : i32
      %mul3A_1218 = vector.broadcast %mul3A_1217 : i32 to vector<16xi32>
      %mul3A_1219 = arith.muli %iota3A, %mul3A_1218 : vector<16xi32>
      %add3A_1220 = arith.constant 29 : i32
      %add3A_1221 = vector.broadcast %add3A_1220 : i32 to vector<16xi32>
      %add3A_1222 = arith.addi %mul3A_1219, %add3A_1221 : vector<16xi32>
      %gather3A_1223 = tpu.vector_load_idx %arg11[%add3A_926, %add3A_1222, %gather3A] : memref<4x512x16xf32, #tpu.memory_space<vmem>>[vector<16xi32>, vector<16xi32>, vector<16xi32>], vector<16xf32>,
      %add3A_1224 = arith.constant 53 : i32
      %add3A_1225 = vector.broadcast %add3A_1224 : i32 to vector<16xi32>
      %add3A_1226 = arith.addi %mul3A_920, %add3A_1225 : vector<16xi32>
      tpu.vector_store_idx %arg12[%add3A_1226, %and3A_923], %gather3A_1223 : memref<64x128xf32, #tpu.memory_space<vmem>>[vector<16xi32>, vector<16xi32>], vector<16xf32>,
      %mul3A_1227 = arith.constant 32 : i32
      %mul3A_1228 = vector.broadcast %mul3A_1227 : i32 to vector<16xi32>
      %mul3A_1229 = arith.muli %iota3A, %mul3A_1228 : vector<16xi32>
      %add3A_1230 = arith.constant 30 : i32
      %add3A_1231 = vector.broadcast %add3A_1230 : i32 to vector<16xi32>
      %add3A_1232 = arith.addi %mul3A_1229, %add3A_1231 : vector<16xi32>
      %gather3A_1233 = tpu.vector_load_idx %arg11[%add3A_926, %add3A_1232, %gather3A] : memref<4x512x16xf32, #tpu.memory_space<vmem>>[vector<16xi32>, vector<16xi32>, vector<16xi32>], vector<16xf32>,
      %add3A_1234 = arith.constant 54 : i32
      %add3A_1235 = vector.broadcast %add3A_1234 : i32 to vector<16xi32>
      %add3A_1236 = arith.addi %mul3A_920, %add3A_1235 : vector<16xi32>
      tpu.vector_store_idx %arg12[%add3A_1236, %and3A_923], %gather3A_1233 : memref<64x128xf32, #tpu.memory_space<vmem>>[vector<16xi32>, vector<16xi32>], vector<16xf32>,
      %mul3A_1237 = arith.constant 32 : i32
      %mul3A_1238 = vector.broadcast %mul3A_1237 : i32 to vector<16xi32>
      %mul3A_1239 = arith.muli %iota3A, %mul3A_1238 : vector<16xi32>
      %add3A_1240 = arith.constant 31 : i32
      %add3A_1241 = vector.broadcast %add3A_1240 : i32 to vector<16xi32>
      %add3A_1242 = arith.addi %mul3A_1239, %add3A_1241 : vector<16xi32>
      %gather3A_1243 = tpu.vector_load_idx %arg11[%add3A_926, %add3A_1242, %gather3A] : memref<4x512x16xf32, #tpu.memory_space<vmem>>[vector<16xi32>, vector<16xi32>, vector<16xi32>], vector<16xf32>,
      %add3A_1244 = arith.constant 55 : i32
      %add3A_1245 = vector.broadcast %add3A_1244 : i32 to vector<16xi32>
      %add3A_1246 = arith.addi %mul3A_920, %add3A_1245 : vector<16xi32>
      tpu.vector_store_idx %arg12[%add3A_1246, %and3A_923], %gather3A_1243 : memref<64x128xf32, #tpu.memory_space<vmem>>[vector<16xi32>, vector<16xi32>], vector<16xf32>,
    }
    %scan3A_905 = arith.constant 4 : i32
    %mul3A_906 = arith.constant 64 : i32
    %mul3A_907 = arith.muli %add3A, %mul3A_906 : i32
    "tpu.region"() ({
      %run_scoped3A = tpu.sem_alloc : memref<!tpu.dma_semaphore, #tpu.memory_space<semaphore_mem>>
      %dma_start3A_908 = arith.constant 0 : i32
      %dma_start3A_909 = tpu.memref_slice %arg4[%mul3A_907, %dma_start3A_908] : memref<2048x128xf32, #tpu.memory_space<hbm>> -> memref<64x128xf32, #tpu.memory_space<hbm>>
      %dma_start3A_910 = arith.constant 0 : i32
      %dma_start3A_911 = tpu.memref_slice %arg4[%mul3A_907, %dma_start3A_910] : memref<2048x128xf32, #tpu.memory_space<hbm>> -> memref<64x128xf32, #tpu.memory_space<hbm>>
      tpu.enqueue_dma source(%arg12 : memref<64x128xf32, #tpu.memory_space<vmem>>) target(%dma_start3A_911 : memref<64x128xf32, #tpu.memory_space<hbm>>) target_semaphore(%run_scoped3A : memref<!tpu.dma_semaphore, #tpu.memory_space<semaphore_mem>>)
      %dma_wait3A_912 = arith.constant 0 : i32
      %dma_wait3A_913 = tpu.memref_slice %arg4[%mul3A_907, %dma_wait3A_912] : memref<2048x128xf32, #tpu.memory_space<hbm>> -> memref<64x128xf32, #tpu.memory_space<hbm>>
      %dma_wait3A_914 = arith.constant 0 : i32
      %dma_wait3A_915 = tpu.memref_slice %arg4[%mul3A_907, %dma_wait3A_914] : memref<2048x128xf32, #tpu.memory_space<hbm>> -> memref<64x128xf32, #tpu.memory_space<hbm>>
      tpu.wait_dma2 semaphore(%run_scoped3A : memref<!tpu.dma_semaphore, #tpu.memory_space<semaphore_mem>>) src(%arg12 : memref<64x128xf32, #tpu.memory_space<vmem>>) dst(%dma_wait3A_915 : memref<64x128xf32, #tpu.memory_space<hbm>>)
      tpu.yield
    }) : () -> ()
    return
  }
}

</mosaic_0001>

<sc_bundles>
// kernel: kernel.3.cloned.1.call-start
scs
__scs_entry_jumppad:
0x0: {  	(pc) =	sbr.rel $0x88, $3  }
0x1: {  	(tag) =	ssettag $0x0;
	lr =	simm.s32 $0x1  }
0x2: {  	[smem:$0x3F9F] =	sst lr;
	_ =	strace $0xD0000000  }
0x3: {  	_ = 	snop  }
0x4: {  	_ = 	snop  }
0x5: {  	_ = 	snop  }
0x6: {  	_ = 	snop  }
0x7: {  	_ = 	snop  }
__scs_overlays_trampoline_lowered:
0x8: {  	[smem:$0x3FAE] =	sst s0  }
0x9: {  	[smem:$0x3FAF] =	sst s1  }
0xa: {  	[smem:$0x3FB0] =	sst s2  }
0xb: {  	[smem:$0x3FB1] =	sst s3  }
0xc: {  	[smem:$0x3FB2] =	sst s4  }
0xd: {  	[smem:$0x3FB3] =	sst s5  }
0xe: {  	[smem:$0x3FB4] =	sst s6  }
0xf: {  	[smem:$0x3FB5] =	sst s7  }
0x10: {  	[smem:$0x3FB6] =	sst s8  }
0x11: {  	[smem:$0x3FB7] =	sst s9;
	s0 =	simm.s32 @!p0 $0x0  }
0x12: {  	s1 =	sld [smem:$0x3F9D];
	s0 =	simm.s32 @p0 $0x1  }
0x13: {  	[smem:$0x3FB8] =	sst s0;
	s0 =	simm.s32 @!p1 $0x0  }
0x14: {  	s2 =	sld [smem:$0x3F9C];
	s0 =	simm.s32 @p1 $0x1  }
0x15: {  	[smem:$0x3FB9] =	sst s0;
	s0 =	simm.s32 @!p2 $0x0  }
0x16: {  	s3 =	sld [smem:$0x3FDB];
	s0 =	simm.s32 @p2 $0x1  }
0x17: {  	s4 =	simm.s32 $0x1BF5;
	[smem:$0x3FBB] =	sst s0  }
0x18: {  	s0 =	sld [smem:$0x3F9E];
	_ =	swait.ge [sflag:s4], $0x0  }
0x19: {  	s7 =	sld [smem:$0x3F9F]  }
0x1a: {  	s8 =	sadd.s32 $0xFFFFE003, lr  }
0x1b: {  	s9 =	sadd.s32 $0xFFFFFEF7, lr;
	s5 =	simm.s32 $0xFFFFFFFF;
	p2 =	slt.u32 s8, $0xFFFFF086  }
0x1c: {  	p1 =	slt.u32 s9, $0xF7A;
	s5 =	simm.s32 @!p2 $0x0  }
0x1d: {  	s5 =	simm.s32 @p1 $0x1;
	p0 =	seq.s32 s7, s2  }
0x1e: {  	s7 =	smul.u32 @!p0 $0xF7A, s2;
	p2 =	seq.s32 @!p0 s5, $0x0  }
0x1f: {  	s9 =	smul.u32 $0xF7A, s1;
	s8 =	simm.s32 @!p0 $0x1BF5;
	p2 =	por !p2, p0  }
0x20: {  	[sflag:s8] =	ssyncset.s32 @!p0 $0xFFFFF086;
	s6 =	sadd.s32 @!p0 s3, s7;
	s7 =	simm.s32 @!p0 $0x108  }
0x21: {  	s3 =	sadd.s32 s3, s9;
	s6 =	sadd.s32 @!p0 $0x88, s6;
	s7 =	simm.s32 @p2 $0x1082  }
0x22: {  	[simem:s7], [sflag:s8] =	dma.local @!p0 [hbm:s6], $0xF7A  }
0x23: {  	s9 =	sor.u32 $0xD0000000, s2;
	s6 =	simm.s32 $0x108;
	_ =	swait.ge @!p0 [sflag:s8], $0x0  }
0x24: {  	s3 =	sadd.s32 $0x88, s3;
	s6 =	simm.s32 @!p1 $0x1082;
	[sflag:s4] =	ssyncset.s32 $0xFFFFF086  }
0x25: {  	[simem:s6], [sflag:s4] =	dma.local [hbm:s3], $0xF7A  }
0x26: {  	[smem:$0x3F9F] =	sst s1;
	(tag) =	ssettag s2;
	_ =	strace s9  }
0x27: {  	s1 =	sld [smem:$0x3FAF]  }
0x28: {  	s2 =	sld [smem:$0x3FB0]  }
0x29: {  	s4 =	sld [smem:$0x3FB2]  }
0x2a: {  	p0 =	seq.s32 s5, $0x0;
	s5 =	sld [smem:$0x3FB3]  }
0x2b: {  	s6 =	sld [smem:$0x3FB4]  }
0x2c: {  	s7 =	sld [smem:$0x3FB5]  }
0x2d: {  	s3 =	simm.s32 $0x108;
	s8 =	sld [smem:$0x3FB6]  }
0x2e: {  	s3 =	simm.s32 @!p0 $0x1082;
	s9 =	sld [smem:$0x3FB7]  }
0x2f: {  	lr =	sadd.s32 s0, s3;
	s0 =	sld [smem:$0x3FAE]  }
0x30: {  	s3 =	sld [smem:$0x3FB1]  }
0x31: {  	[smem:$0x3FBA] =	sst s10  }
0x32: {  	s10 =	sld [smem:$0x3FB8];
	_ =	sdelay $0x3  }
0x33: {  	p0 =	seq.s32 s10, $0x1;
	s10 =	sld [smem:$0x3FBA];
	_ =	sdelay $0x3  }
0x34: {  	[smem:$0x3FBA] =	sst s10  }
0x35: {  	s10 =	sld [smem:$0x3FB9];
	_ =	sdelay $0x3  }
0x36: {  	p1 =	seq.s32 s10, $0x1;
	s10 =	sld [smem:$0x3FBA];
	_ =	sdelay $0x3  }
0x37: {  	[smem:$0x3FBA] =	sst s10  }
0x38: {  	s10 =	sld [smem:$0x3FBB]  }
0x39: {  	_ = 	snop;
	(pc) =	sbr.ind lr, $3  }
0x3a: {  	_ = 	snop  }
0x3b: {  	_ = 	snop  }
0x3c: {  	p2 =	seq.s32 s10, $0x1;
	s10 =	sld [smem:$0x3FBA]  }
0x3d: {  	_ =	shalt  }
0x3e: {  	_ =	shalt  }
0x3f: {  	_ =	shalt  }
0x40: {  	_ =	shalt  }
0x41: {  	_ =	shalt  }
0x42: {  	_ =	shalt  }
0x43: {  	_ =	shalt  }
0x44: {  	_ =	shalt  }
0x45: {  	_ =	shalt  }
0x46: {  	_ =	shalt  }
0x47: {  	_ =	shalt  }
0x48: {  	_ =	shalt  }
0x49: {  	_ =	shalt  }
0x4a: {  	_ =	shalt  }
0x4b: {  	_ =	shalt  }
0x4c: {  	_ =	shalt  }
0x4d: {  	_ =	shalt  }
0x4e: {  	_ =	shalt  }
0x4f: {  	_ =	shalt  }
0x50: {  	_ =	shalt  }
0x51: {  	_ =	shalt  }
0x52: {  	_ =	shalt  }
0x53: {  	_ =	shalt  }
0x54: {  	_ =	shalt  }
0x55: {  	_ =	shalt  }
0x56: {  	_ =	shalt  }
0x57: {  	_ =	shalt  }
0x58: {  	_ =	shalt  }
0x59: {  	_ =	shalt  }
0x5a: {  	_ =	shalt  }
0x5b: {  	_ =	shalt  }
0x5c: {  	_ =	shalt  }
0x5d: {  	_ =	shalt  }
0x5e: {  	_ =	shalt  }
0x5f: {  	_ =	shalt  }
0x60: {  	_ =	shalt  }
0x61: {  	_ =	shalt  }
0x62: {  	_ =	shalt  }
0x63: {  	_ =	shalt  }
0x64: {  	_ =	shalt  }
0x65: {  	_ =	shalt  }
0x66: {  	_ =	shalt  }
0x67: {  	_ =	shalt  }
0x68: {  	_ =	shalt  }
0x69: {  	_ =	shalt  }
0x6a: {  	_ =	shalt  }
0x6b: {  	_ =	shalt  }
0x6c: {  	_ =	shalt  }
0x6d: {  	_ =	shalt  }
0x6e: {  	_ =	shalt  }
0x6f: {  	_ =	shalt  }
0x70: {  	_ =	shalt  }
0x71: {  	_ =	shalt  }
0x72: {  	_ =	shalt  }
0x73: {  	_ =	shalt  }
0x74: {  	_ =	shalt  }
0x75: {  	_ =	shalt  }
0x76: {  	_ =	shalt  }
0x77: {  	_ =	shalt  }
0x78: {  	_ =	shalt  }
0x79: {  	_ =	shalt  }
0x7a: {  	_ =	shalt  }
0x7b: {  	_ =	shalt  }
0x7c: {  	_ =	shalt  }
0x7d: {  	_ =	shalt  }
0x7e: {  	_ =	shalt  }
0x7f: {  	_ =	shalt  }
0x80: {  	_ =	shalt  }
0x81: {  	_ =	shalt  }
0x82: {  	_ =	shalt  }
0x83: {  	_ =	shalt  }
0x84: {  	_ =	shalt  }
0x85: {  	_ =	shalt  }
0x86: {  	_ =	shalt  }
0x87: {  	_ =	shalt  }
.Lfunc_end0:
.L_simem_size_0:
called_computation_lowered:
.L_overlay_start_0:
0x88: {  	s2 =	sld [smem:$0x3FD9]  }
0x89: {  	s3 =	sld [smem:$0x3FFE];
	_ =	sdelay $0x1  }
0x8a: {  	s1 =	srdreg.scid  }
0x8b: {  	s0 =	sand.u32 $0x1, s1  }
0x8c: {  	s18 =	sshll.u32 s0, $0xA;
	s2 =	sadd.s32 s3, s2  }
0x8d: {  	s2 =	sadd.s32 s2, s18  }
0x8e: {  	[smem:$0x3FC6] =	sst s2  }
0x8f: {  	_ = 	snop  }
0x90: {  	s2 =	sld [smem:$0x3FC9]  }
0x91: {  	s19 =	sld [smem:$0x3FC8]  }
0x92: {  	s4 =	sld [smem:$0x3FD0];
	(tm) =	ssettm $0x1  }
0x93: {  	s5 =	sld [smem:$0x3FFB];
	_ =	sdelay $0x3  }
0x94: {  	_ =	strace s5  }
0x95: {  	s5 =	sld [smem:$0x3FFC];
	_ =	sdelay $0x3  }
0x96: {  	_ =	strace s5  }
0x97: {  	s5 =	sld [smem:$0x3FFD];
	_ =	sdelay $0x3  }
0x98: {  	_ =	strace s5  }
0x99: {  	_ =	strace $0x8FFFFFFF  }
0x9a: {  	s20 =	sld [smem:$0x3FDB];
	_ =	sdelay $0x1  }
0x9b: {  	s6 =	simm.s32 $_scs_section_size  }
0x9c: {  	s7 =	simm.s32 $_size__tile_overlayer_lowered;
	s8 =	simm.s32 $_tile_overlayer_lowered  }
0x9d: {  	s23 =	simm.s32 $0x1BFF;
	s22 =	sshll.u32 s8, $0x1;
	s5 =	sadd.s32 s6, s20  }
0x9e: {  	s9 =	simm.s32 $0x0;
	s21 =	sshll.u32 s7, $0x1;
	s7 =	sadd.s32 s22, s5  }
0x9f: {  	[timem:s9], [sflag:s23] =	dma.local [hbm:s7], s21  }
0xa0: {  	_ =	swait.ge [sflag:s23], s21  }
0xa1: {  	s6 =	ssub.s32 $0x0, s21;
	[sflag:s23] =	ssyncset.done $0x0  }
0xa2: {  	[sflag:s23] =	ssyncadd.s32 s6;
	_ =	sdelay $0x1  }
0xa3: {  	s24 =	simm.s32 $0x1B8B  }
0xa4: {  	_ =	swait.ge [sflag:s24], $0x1  }
0xa5: {  	[sflag:s24] =	ssyncset.done $0x0  }
0xa6: {  	s25 =	simm.s32 $0x1B8E;
	[sflag:s24] =	ssyncadd.s32 $0xFFFFFFFF  }
0xa7: {  	s26 =	simm.s32 $execute0_lowered;
	[smem:$0x3FD2] =	sst s25  }
0xa8: {  	s6 =	sshll.u32 s26, $0x1;
	_ =	strace $0x80000046;
	[dreg:$0x1] =	wrdreg $0xFFFFFFFF  }
0xa9: {  	s28 =	simm.s32 $_size_execute0_lowered;
	s5 =	sadd.s32 s5, s6;
	[dreg:$0x0] =	wrdreg $0x0  }
0xaa: {  	s6 =	sshll.u32 s28, $0x1;
	[dreg:$0x2] =	wrdreg s5  }
0xab: {  	[dreg:$0x3] =	wrdreg s6  }
0xac: {  	[dreg:$0x4] =	wrdreg $0xC0  }
0xad: {  	_ =	task [dreg:s9], $0x5FFFF  }
0xae: {  	[dreg:$0x1] =	wrdreg $0xFFFFFFFF  }
0xaf: {  	[dreg:$0x0] =	wrdreg $0x60  }
0xb0: {  	[dreg:$0x2] =	wrdreg s2  }
0xb1: {  	[dreg:$0x3] =	wrdreg s19  }
0xb2: {  	[dreg:$0x4] =	wrdreg s4  }
0xb3: {  	[dreg:$0x5] =	wrdreg $0x9  }
0xb4: {  	_ =	task.clear_ibuf [dreg:s9], $0x6FFFF;
	_ =	strace $0x90000046  }
0xb5: {  	s29 =	simm.s32 $0x9;
	_ =	strace $0x80000048  }
0xb6: {  	_ =	swait.ge [sflag:s29], $0x1  }
0xb7: {  	[sflag:s29] =	ssyncadd.s32 $0xFFFFFFFF  }
0xb8: {  	_ =	strace $0x90000048  }
0xb9: {  	_ =	sfence  }
0xba: {  	s30 =	sld [smem:$0x0];
	_ =	sdelay $0x2  }
0xbb: {  	s31 =	sshll.u32 s1, $0xD;
	s1 =	sshrl.u32 s1, $0x2  }
0xbc: {  	s3 =	sand.u32 $0x4000, s31;
	s1 =	sadd.s32 s1, s30  }
0xbd: {  	s0 =	sor.u32 s3, s0;
	s1 =	sshll.u32 s1, $0x11  }
0xbe: {  	s0 =	sor.u32 s1, s0  }
0xbf: {  	s0 =	sadd.s32 $0x8F2B, s0  }
0xc0: {  	[sflag:s0] =	ssyncadd.remote.s32 $0x1  }
0xc1: {  	_ =	sfence.sel $0xFFFF  }
0xc2: {  	[dreg:$0x0] =	wrdreg $0xFFFFFFFF;
	(pc) =	sbr.abs _section_cstart, $3  }
0xc3: {  	[dreg:$0x1] =	wrdreg $0xFFFFFFFF  }
0xc4: {  	_ =	task.clear_ibuf [dreg:s9], $0x2FFFF;
	_ =	strace $0x9FFFFFFF  }
0xc5: {  	(tm) =	ssettm $0x7FFFFFFF  }
tec
execute0_lowered:
.L_overlay_start_1:
0x0: {  	(tag) =	ssettag $0x1  }
0x1: {  	s1 =	rddreg [dreg:$0x0];
	s0 =	srdreg.scid  }
0x2: {  	s3 =	simm.s32 $0x0;
	s7 =	stileid.u32;
	v22 =	vlaneseq.u32;
	s0 =	sand.u32 $0x1, s0  }
0x3: {  	[smem:$0x7FF] =	sst s3;
	s6 =	sshll.u32 s7, $0x3;
	v4 =	vand.u32 $0x7, v22;
	s26 =	sshll.u32 s0, $0x2  }
0x4: {  	s2 =	rddreg [dreg:$0x2];
	v0 =	vshrl.u32 v22, $0x3;
	v19 =	vmul.u32 $0x200, v22;
	_ =	strace $0x80000047;
	v23 =	vor.u32 $0x180, v4;
	[tilespmem:$0x1FFA0] =	vst v4;
	s10 =	sor.u32 s26, s6  }
0x5: {  	v0 =	vmul.u32 $0x8000, v0;
	v15 =	vor.u32 $0x200, v4;
	[tilespmem:$0x1FFC0] =	vst v23;
	v1 =	vmov s10  }
0x6: {  	v2 =	vmul.u32 $0x8, v4;
	v21 =	vor.u32 $0x50, v19;
	[tilespmem:$0x1FFD0] =	vst v15;
	v1 =	vshll.u32 v1, $0xF  }
0x7: {  	v20 =	vor.u32 $0x40, v19;
	[tilespmem:$0x1FFE0] =	vst v21;
	v3 =	vor.u32 v0, v1;
	v0 =	vor.u32 $0x10000, v0  }
0x8: {  	s8 =	simm.s32 $0x100;
	s9 =	simm.s32 $0x200;
	s11 =	simm.s32 $0x2320;
	[tilespmem:$0x1FFF0] =	vst v20;
	v3 =	vor.u32 v2, v3;
	v0 =	vor.u32 v0, v1  }
0x9: {  	s13 =	simm.s32 $0x4320;
	s15 =	simm.s32 $0x6320;
	s17 =	simm.s32 $0x8320;
	[tilespmem:$0x1FF20] =	vst v3;
	v0 =	vor.u32 v2, v0  }
0xa: {  	s19 =	simm.s32 $0xA320;
	s21 =	simm.s32 $0xC320;
	s23 =	simm.s32 $0xE320;
	v3 =	vor.u32 $0x100, v4;
	[tilespmem:$0x1FF30] =	vst v0  }
0xb: {  	s25 =	simm.s32 $0x10320;
	s28 =	simm.s32 $0x12320;
	s30 =	simm.s32 $0x1520;
	v0 =	vor.u32 $0xFFFFFFF8, v4;
	[tilespmem:$0x1FFB0] =	vst v3  }
0xc: {  	s31 =	simm.s32 $0x1720;
	s12 =	simm.s32 $0x1F20;
	s14 =	simm.s32 $0x2120;
	[tilespmem:$0x1FF40] =	vst v0;
	v0 =	vor.u32 $0x38, v4  }
0xd: {  	s16 =	simm.s32 $0x0;
	s29 =	sshll.u32 s7, $0xB;
	s4 =	ssub.s32 $0x2, s0;
	[tilespmem:$0x1FF50] =	vst v0;
	v0 =	vor.u32 $0x10, v19  }
0xe: {  	s7 =	simm.s32 $0x3;
	s0 =	sshll.u32 s0, $0xA;
	s5 =	sshrl.u32 s4, $0x1;
	[tilespmem:$0x1FF60] =	vst v0;
	v0 =	vor.u32 $0x80, v4  }
0xf: {  	s0 =	sadd.s32 s2, s0;
	s26 =	simm.s32 $0x1;
	s2 =	simm.s32 $0x1B20;
	[tilespmem:$0x1FF70] =	vst v0;
	v0 =	vor.u32 $0x20, v19  }
0x10: {  	s4 =	ssub.s32 s4, s5;
	s5 =	sadd.s32 s29, s0;
	s0 =	simm.s32 $0x1920;
	[tilespmem:$0x1FF80] =	vst v0;
	v0 =	vor.u32 $0x30, v19  }
0x11: {  	s10 =	simm.s32 $0x1D20;
	s6 =	smax.u32 s4, $0x1;
	s4 =	simm.s32 $0x2;
	[tilespmem:$0x1FF90] =	vst v0  }
.LBB2_1:
0x12: {  	s18 =	rddreg [dreg:$0x1]  }
0x13: {  	[tilespmem:s3], [sflag:$0x3] =	stream.linear.gather [hbm4b:s18+s3], $0x100, $0x38;
	[tilespmem:$0x14320] =	vst v63  }
0x14: {  	_ =	swait.ge [sflag:s7], $0x100  }
0x15: {  	[sflag:s7] =	ssyncset.done $0x0  }
0x16: {  	[sflag:s7] =	ssyncadd.s32 $0xFFFFFF00  }
0x17: {  	v0 =	vld [tilespmem:$0x0]  }
0x18: {  	v1 =	vld [tilespmem:$0x10]  }
0x19: {  	v2 =	vld [tilespmem:$0x20]  }
0x1a: {  	v6 =	vld [tilespmem:$0x30]  }
0x1b: {  	v38 =	vld [tilespmem:$0x40]  }
0x1c: {  	v10 =	vld [tilespmem:$0x50]  }
0x1d: {  	v40 =	vld [tilespmem:$0x60]  }
0x1e: {  	v14 =	vld [tilespmem:$0x70]  }
0x1f: {  	v17 =	vld [tilespmem:$0x90]  }
0x20: {  	v43 =	vld [tilespmem:$0xA0]  }
0x21: {  	v51 =	vld [tilespmem:$0xC0];
	_ =	sdelay $0x1  }
0x22: {  	vm0 =	vgt.s32 v0, $0x0;
	vm13 =	vgt.s32 v1, $0x0;
	vm14 =	vgt.s32 v2, $0x0  }
0x23: {  	v58 =	vld [tilespmem:$0xE0];
	vm15 =	vgt.s32 v6, $0x0;
	vm4 =	vgt.s32 v38, $0x0;
	vm5 =	vgt.s32 v10, $0x0  }
0x24: {  	vm6 =	vgt.s32 v40, $0x0;
	vm7 =	vgt.s32 v14, $0x0;
	vm9 =	vgt.s32 v17, $0x0  }
0x25: {  	vm10 =	vgt.s32 v43, $0x0;
	vm12 =	vgt.s32 v51, $0x0;
	v0 =	vnsel vm0, $0x0, v0  }
0x26: {  	v1 =	vnsel vm13, $0x0, v1;
	v2 =	vnsel vm14, $0x0, v2;
	v6 =	vnsel vm15, $0x0, v6  }
0x27: {  	v10 =	vnsel vm5, $0x0, v10;
	v14 =	vnsel vm7, $0x0, v14;
	v47 =	vnsel vm9, $0x0, v17  }
0x28: {  	v50 =	vnsel vm10, $0x0, v43;
	v57 =	vnsel vm12, $0x0, v51;
	vm14 =	vgt.s32 v58, $0x0  }
0x29: {  	v0 =	vmin.u32 v0, $0xFFFF;
	v1 =	vmin.u32 v1, $0xFFFF;
	v2 =	vmin.u32 v2, $0xFFFF  }
0x2a: {  	v6 =	vmin.u32 v6, $0xFFFF;
	v10 =	vmin.u32 v10, $0xFFFF;
	v42 =	vmin.u32 v14, $0xFFFF  }
0x2b: {  	v4 =	vshrl.u32 v0, $0x1;
	v5 =	vshrl.u32 v0, $0x4;
	v7 =	vshrl.u32 v1, $0x4  }
0x2c: {  	v0 =	vand.u32 $0xF, v0;
	v8 =	vshrl.u32 v2, $0x1;
	v9 =	vshrl.u32 v2, $0x4  }
0x2d: {  	v39 =	vshrl.u32 v6, $0x1;
	v11 =	vshrl.u32 v6, $0x4;
	v2 =	vand.u32 $0xF, v2  }
0x2e: {  	v6 =	vand.u32 $0xF, v6;
	v16 =	vshrl.u32 v10, $0x4;
	v4 =	vand.u32 $0x7FC0, v4  }
0x2f: {  	v5 =	vand.u32 $0x7, v5;
	v7 =	vand.u32 $0x7, v7;
	v8 =	vand.u32 $0x7FC0, v8  }
0x30: {  	v9 =	vand.u32 $0x7, v9;
	v4 =	vor.u32 v5, v4;
	v5 =	vshrl.u32 v1, $0x1  }
0x31: {  	v11 =	vand.u32 $0x7, v11;
	v16 =	vand.u32 $0x7, v16;
	v5 =	vand.u32 $0x7FC0, v5  }
0x32: {  	v1 =	vand.u32 $0xF, v1;
	v5 =	vor.u32 v7, v5;
	v7 =	vnsel vm4, $0x0, v38  }
0x33: {  	v14 =	vld [tilespmem:$0xB0];
	v8 =	vor.u32 v9, v8;
	v9 =	vand.u32 $0x7FC0, v39;
	v7 =	vmin.u32 v7, $0xFFFF  }
0x34: {  	v9 =	vor.u32 v11, v9;
	v12 =	vshrl.u32 v7, $0x1;
	v13 =	vshrl.u32 v7, $0x4  }
0x35: {  	v11 =	vnsel vm6, $0x0, v40;
	v12 =	vand.u32 $0x7FC0, v12;
	v13 =	vand.u32 $0x7, v13  }
0x36: {  	[tilespmem:$0x100] =	vst v4;
	v4 =	vand.u32 $0xF, v10;
	v12 =	vor.u32 v13, v12;
	v13 =	vshrl.u32 v10, $0x1  }
0x37: {  	[tilespmem:$0x210] =	vst v1;
	v1 =	vshrl.u32 v42, $0x1;
	v41 =	vmin.u32 v11, $0xFFFF;
	v13 =	vand.u32 $0x7FC0, v13  }
0x38: {  	[tilespmem:$0x200] =	vst v0;
	v1 =	vand.u32 $0x7FC0, v1;
	vm11 =	vgt.s32 v14, $0x0;
	v13 =	vor.u32 v16, v13;
	v16 =	vld [tilespmem:$0x80]  }
0x39: {  	[tilespmem:$0x220] =	vst v2;
	v0 =	vshrl.u32 v41, $0x1;
	v11 =	vshrl.u32 v41, $0x4;
	v2 =	vand.u32 $0xF, v41  }
0x3a: {  	v53 =	vnsel vm11, $0x0, v14;
	v7 =	vand.u32 $0xF, v7;
	v0 =	vand.u32 $0x7FC0, v0  }
0x3b: {  	[tilespmem:$0x110] =	vst v5;
	v5 =	vand.u32 $0x7, v11;
	v11 =	vmin.u32 v47, $0xFFFF;
	v54 =	vmin.u32 v53, $0xFFFF  }
0x3c: {  	v0 =	vor.u32 v5, v0;
	v5 =	vshrl.u32 v42, $0x4;
	v48 =	vshrl.u32 v11, $0x1;
	[tilespmem:$0x140] =	vst v12;
	v12 =	vld [tilespmem:$0xD0]  }
0x3d: {  	v49 =	vshrl.u32 v11, $0x4;
	v5 =	vand.u32 $0x7, v5;
	vm8 =	vgt.s32 v16, $0x0  }
0x3e: {  	[tilespmem:$0x240] =	vst v7;
	v55 =	vshrl.u32 v54, $0x4;
	v1 =	vor.u32 v5, v1;
	v5 =	vnsel vm8, $0x0, v16  }
0x3f: {  	v7 =	vand.u32 $0x7FC0, v48;
	[tilespmem:$0x160] =	vst v0;
	v0 =	vand.u32 $0xF, v11;
	v5 =	vmin.u32 v5, $0xFFFF  }
0x40: {  	[tilespmem:$0x230] =	vst v6;
	v56 =	vand.u32 $0x7, v55;
	v45 =	vshrl.u32 v5, $0x1;
	v46 =	vshrl.u32 v5, $0x4  }
0x41: {  	[tilespmem:$0x250] =	vst v4;
	vm13 =	vgt.s32 v12, $0x0;
	v6 =	vand.u32 $0x7FC0, v45;
	v10 =	vand.u32 $0x7, v46  }
0x42: {  	[tilespmem:$0x260] =	vst v2;
	v60 =	vnsel vm13, $0x0, v12;
	v6 =	vor.u32 v10, v6;
	v10 =	vand.u32 $0x7, v49  }
0x43: {  	[tilespmem:$0x290] =	vst v0;
	v4 =	vand.u32 $0xF, v5;
	v5 =	vor.u32 v10, v7;
	v7 =	vmin.u32 v50, $0xFFFF  }
0x44: {  	v62 =	vmin.u32 v60, $0xFFFF;
	[tilespmem:$0x180] =	vst v6;
	v6 =	vmin.u32 v57, $0xFFFF;
	v2 =	vshrl.u32 v7, $0x1  }
0x45: {  	[tilespmem:$0x280] =	vst v4;
	v52 =	vshrl.u32 v7, $0x4;
	v4 =	vand.u32 $0xF, v7;
	v0 =	vshrl.u32 v6, $0x1  }
0x46: {  	v61 =	vld [tilespmem:$0xF0];
	[tilespmem:$0x170] =	vst v1;
	v59 =	vshrl.u32 v6, $0x4;
	v1 =	vand.u32 $0x7FC0, v2;
	v2 =	vand.u32 $0x7, v52  }
0x47: {  	v0 =	vand.u32 $0x7FC0, v0;
	[tilespmem:$0x2A0] =	vst v4;
	v1 =	vor.u32 v2, v1;
	v2 =	vshrl.u32 v54, $0x1  }
0x48: {  	v4 =	vshrl.u32 v62, $0x4;
	v2 =	vand.u32 $0x7FC0, v2;
	[tilespmem:$0x1A0] =	vst v1;
	v1 =	vand.u32 $0x7, v59  }
0x49: {  	[tilespmem:$0x190] =	vst v5;
	v2 =	vor.u32 v56, v2;
	v0 =	vor.u32 v1, v0;
	v1 =	vshrl.u32 v62, $0x1  }
0x4a: {  	v5 =	vand.u32 $0xF, v54;
	[tilespmem:$0x1B0] =	vst v2;
	v1 =	vand.u32 $0x7FC0, v1;
	v2 =	vand.u32 $0x7, v4  }
0x4b: {  	vm15 =	vgt.s32 v61, $0x0;
	[tilespmem:$0x2B0] =	vst v5;
	v1 =	vor.u32 v2, v1;
	v2 =	vnsel vm14, $0x0, v58  }
0x4c: {  	v5 =	vnsel vm15, $0x0, v61;
	v4 =	vand.u32 $0xF, v6;
	[tilespmem:$0x1C0] =	vst v0;
	v2 =	vmin.u32 v2, $0xFFFF  }
0x4d: {  	v5 =	vmin.u32 v5, $0xFFFF;
	[tilespmem:$0x2C0] =	vst v4;
	v4 =	vshrl.u32 v2, $0x1;
	v63 =	vshrl.u32 v2, $0x4  }
0x4e: {  	v0 =	vand.u32 $0xF, v62;
	[tilespmem:$0x1D0] =	vst v1;
	v1 =	vand.u32 $0x7FC0, v4;
	v4 =	vand.u32 $0x7, v63  }
0x4f: {  	[tilespmem:$0x2D0] =	vst v0;
	v0 =	vor.u32 v4, v1;
	v1 =	vshrl.u32 v5, $0x1;
	v4 =	vshrl.u32 v5, $0x4  }
0x50: {  	[tilespmem:$0x1E0] =	vst v0;
	v0 =	vand.u32 $0xF, v2;
	v1 =	vand.u32 $0x7FC0, v1;
	v2 =	vand.u32 $0x7, v4  }
0x51: {  	v1 =	vor.u32 v2, v1  }
0x52: {  	[tilespmem:$0x1F0] =	vst v1;
	v1 =	vand.u32 $0xF, v5  }
0x53: {  	[tilespmem:$0x2F0] =	vst v1;
	v1 =	vld [tilespmem:$0x1FF20];
	_ =	sdelay $0x2  }
0x54: {  	v44 =	vand.u32 $0xF, v42  }
0x55: {  	[tilespmem:$0x270] =	vst v44  }
0x56: {  	[tilespmem:$0x300] =	vst v1;
	v1 =	vld [tilespmem:$0x1FF30]  }
0x57: {  	[tilespmem:$0x2E0] =	vst v0;
	v0 =	vmov s3  }
0x58: {  	[tilespmem:$0x120] =	vst v8  }
0x59: {  	[tilespmem:$0x130] =	vst v9  }
0x5a: {  	[tilespmem:$0x150] =	vst v13  }
0x5b: {  	v2 =	vld [tilespmem:$0x300];
	[tilespmem:$0x310] =	vst v1  }
0x5c: {  	v1 =	vld.idx.msk [tilespmem:v0+s8+$0x0], $0xffff;
	_ =	sdelay $0x4  }
0x5d: {  	s18 =	simm.s32 $0x420;
	v1 =	vadd.s32 v1, v2  }
0x5e: {  	[tilespmem:s18+$0xFFFFFF00] =	vst v1  }
0x5f: {  	v1 =	vld.idx.msk [tilespmem:v0+s8+$0x0], $0xffff  }
0x60: {  	v2 =	vld [tilespmem:$0x310];
	_ =	sdelay $0x1  }
0x61: {  	v4 =	vor.u32 $0x1, v0;
	_ =	sdelay $0x2  }
0x62: {  	v1 =	vadd.s32 v1, v2  }
0x63: {  	[tilespmem:s18+$0xFFFFFF10] =	vst v1  }
0x64: {  	v1 =	vld.idx.msk [tilespmem:v4+s8+$0x0], $0xffff  }
0x65: {  	v2 =	vld [tilespmem:$0x300];
	_ =	sdelay $0x4  }
0x66: {  	v1 =	vadd.s32 v1, v2  }
0x67: {  	[tilespmem:s18+$0xFFFFFF20] =	vst v1  }
0x68: {  	v1 =	vld.idx.msk [tilespmem:v4+s8+$0x0], $0xffff  }
0x69: {  	v2 =	vld [tilespmem:$0x310];
	_ =	sdelay $0x1  }
0x6a: {  	v4 =	vor.u32 $0x2, v0;
	_ =	sdelay $0x2  }
0x6b: {  	v1 =	vadd.s32 v1, v2  }
0x6c: {  	[tilespmem:s18+$0xFFFFFF30] =	vst v1  }
0x6d: {  	v1 =	vld.idx.msk [tilespmem:v4+s8+$0x0], $0xffff  }
0x6e: {  	v2 =	vld [tilespmem:$0x300];
	_ =	sdelay $0x4  }
0x6f: {  	v1 =	vadd.s32 v1, v2  }
0x70: {  	[tilespmem:s18+$0xFFFFFF40] =	vst v1  }
0x71: {  	v1 =	vld.idx.msk [tilespmem:v4+s8+$0x0], $0xffff  }
0x72: {  	v2 =	vld [tilespmem:$0x310];
	_ =	sdelay $0x1  }
0x73: {  	v4 =	vor.u32 $0x3, v0;
	_ =	sdelay $0x2  }
0x74: {  	v1 =	vadd.s32 v1, v2  }
0x75: {  	[tilespmem:s18+$0xFFFFFF50] =	vst v1  }
0x76: {  	v1 =	vld.idx.msk [tilespmem:v4+s8+$0x0], $0xffff  }
0x77: {  	v2 =	vld [tilespmem:$0x300];
	_ =	sdelay $0x4  }
0x78: {  	v1 =	vadd.s32 v1, v2  }
0x79: {  	[tilespmem:s18+$0xFFFFFF60] =	vst v1  }
0x7a: {  	v1 =	vld.idx.msk [tilespmem:v4+s8+$0x0], $0xffff  }
0x7b: {  	v2 =	vld [tilespmem:$0x310];
	_ =	sdelay $0x1  }
0x7c: {  	v4 =	vor.u32 $0x4, v0;
	_ =	sdelay $0x2  }
0x7d: {  	v1 =	vadd.s32 v1, v2  }
0x7e: {  	[tilespmem:s18+$0xFFFFFF70] =	vst v1  }
0x7f: {  	v1 =	vld.idx.msk [tilespmem:v4+s8+$0x0], $0xffff  }
0x80: {  	v2 =	vld [tilespmem:$0x300];
	_ =	sdelay $0x4  }
0x81: {  	v1 =	vadd.s32 v1, v2  }
0x82: {  	[tilespmem:s18+$0xFFFFFF80] =	vst v1  }
0x83: {  	v1 =	vld.idx.msk [tilespmem:v4+s8+$0x0], $0xffff  }
0x84: {  	v2 =	vld [tilespmem:$0x310];
	_ =	sdelay $0x1  }
0x85: {  	v4 =	vor.u32 $0x5, v0;
	_ =	sdelay $0x2  }
0x86: {  	v1 =	vadd.s32 v1, v2  }
0x87: {  	[tilespmem:s18+$0xFFFFFF90] =	vst v1  }
0x88: {  	v1 =	vld.idx.msk [tilespmem:v4+s8+$0x0], $0xffff  }
0x89: {  	v2 =	vld [tilespmem:$0x300];
	_ =	sdelay $0x4  }
0x8a: {  	v1 =	vadd.s32 v1, v2  }
0x8b: {  	[tilespmem:s18+$0xFFFFFFA0] =	vst v1  }
0x8c: {  	v1 =	vld.idx.msk [tilespmem:v4+s8+$0x0], $0xffff  }
0x8d: {  	v2 =	vld [tilespmem:$0x310];
	_ =	sdelay $0x1  }
0x8e: {  	v4 =	vor.u32 $0x6, v0;
	_ =	sdelay $0x2  }
0x8f: {  	v1 =	vadd.s32 v1, v2  }
0x90: {  	[tilespmem:s18+$0xFFFFFFB0] =	vst v1  }
0x91: {  	v1 =	vld.idx.msk [tilespmem:v4+s8+$0x0], $0xffff  }
0x92: {  	v2 =	vld [tilespmem:$0x300];
	_ =	sdelay $0x4  }
0x93: {  	v1 =	vadd.s32 v1, v2  }
0x94: {  	[tilespmem:s18+$0xFFFFFFC0] =	vst v1  }
0x95: {  	v1 =	vld.idx.msk [tilespmem:v4+s8+$0x0], $0xffff  }
0x96: {  	v2 =	vld [tilespmem:$0x310];
	_ =	sdelay $0x1  }
0x97: {  	v4 =	vor.u32 $0x7, v0;
	_ =	sdelay $0x2  }
0x98: {  	v1 =	vadd.s32 v1, v2  }
0x99: {  	[tilespmem:s18+$0xFFFFFFD0] =	vst v1  }
0x9a: {  	v1 =	vld.idx.msk [tilespmem:v4+s8+$0x0], $0xffff  }
0x9b: {  	v2 =	vld [tilespmem:$0x300];
	_ =	sdelay $0x4  }
0x9c: {  	v1 =	vadd.s32 v1, v2  }
0x9d: {  	[tilespmem:s18+$0xFFFFFFE0] =	vst v1  }
0x9e: {  	v1 =	vld.idx.msk [tilespmem:v4+s8+$0x0], $0xffff  }
0x9f: {  	v2 =	vld [tilespmem:$0x310];
	_ =	sdelay $0x1  }
0xa0: {  	v4 =	vor.u32 $0x8, v0;
	_ =	sdelay $0x2  }
0xa1: {  	v1 =	vadd.s32 v1, v2  }
0xa2: {  	[tilespmem:s18+$0xFFFFFFF0] =	vst v1  }
0xa3: {  	v1 =	vld.idx.msk [tilespmem:v4+s8+$0x0], $0xffff  }
0xa4: {  	v2 =	vld [tilespmem:$0x300];
	_ =	sdelay $0x4  }
0xa5: {  	v1 =	vadd.s32 v1, v2  }
0xa6: {  	[tilespmem:s18+$0x0] =	vst v1  }
0xa7: {  	v1 =	vld.idx.msk [tilespmem:v4+s8+$0x0], $0xffff  }
0xa8: {  	v2 =	vld [tilespmem:$0x310];
	_ =	sdelay $0x1  }
0xa9: {  	v4 =	vor.u32 $0x9, v0;
	_ =	sdelay $0x2  }
0xaa: {  	v1 =	vadd.s32 v1, v2  }
0xab: {  	[tilespmem:s18+$0x10] =	vst v1  }
0xac: {  	v1 =	vld.idx.msk [tilespmem:v4+s8+$0x0], $0xffff  }
0xad: {  	v2 =	vld [tilespmem:$0x300];
	_ =	sdelay $0x4  }
0xae: {  	v1 =	vadd.s32 v1, v2  }
0xaf: {  	[tilespmem:s18+$0x20] =	vst v1  }
0xb0: {  	v1 =	vld.idx.msk [tilespmem:v4+s8+$0x0], $0xffff  }
0xb1: {  	v2 =	vld [tilespmem:$0x310];
	_ =	sdelay $0x1  }
0xb2: {  	v4 =	vor.u32 $0xA, v0;
	_ =	sdelay $0x2  }
0xb3: {  	v1 =	vadd.s32 v1, v2  }
0xb4: {  	[tilespmem:s18+$0x30] =	vst v1  }
0xb5: {  	v1 =	vld.idx.msk [tilespmem:v4+s8+$0x0], $0xffff  }
0xb6: {  	v2 =	vld [tilespmem:$0x300];
	_ =	sdelay $0x4  }
0xb7: {  	v1 =	vadd.s32 v1, v2  }
0xb8: {  	[tilespmem:s18+$0x40] =	vst v1  }
0xb9: {  	v1 =	vld.idx.msk [tilespmem:v4+s8+$0x0], $0xffff  }
0xba: {  	v2 =	vld [tilespmem:$0x310];
	_ =	sdelay $0x1  }
0xbb: {  	v4 =	vor.u32 $0xB, v0;
	_ =	sdelay $0x2  }
0xbc: {  	v1 =	vadd.s32 v1, v2  }
0xbd: {  	[tilespmem:s18+$0x50] =	vst v1  }
0xbe: {  	v1 =	vld.idx.msk [tilespmem:v4+s8+$0x0], $0xffff  }
0xbf: {  	v2 =	vld [tilespmem:$0x300];
	_ =	sdelay $0x4  }
0xc0: {  	v1 =	vadd.s32 v1, v2  }
0xc1: {  	[tilespmem:s18+$0x60] =	vst v1  }
0xc2: {  	v1 =	vld.idx.msk [tilespmem:v4+s8+$0x0], $0xffff  }
0xc3: {  	v2 =	vld [tilespmem:$0x310];
	_ =	sdelay $0x1  }
0xc4: {  	v4 =	vor.u32 $0xC, v0;
	_ =	sdelay $0x2  }
0xc5: {  	v1 =	vadd.s32 v1, v2  }
0xc6: {  	[tilespmem:s18+$0x70] =	vst v1  }
0xc7: {  	v1 =	vld.idx.msk [tilespmem:v4+s8+$0x0], $0xffff  }
0xc8: {  	v2 =	vld [tilespmem:$0x300];
	_ =	sdelay $0x4  }
0xc9: {  	v1 =	vadd.s32 v1, v2  }
0xca: {  	[tilespmem:s18+$0x80] =	vst v1  }
0xcb: {  	v1 =	vld.idx.msk [tilespmem:v4+s8+$0x0], $0xffff  }
0xcc: {  	v2 =	vld [tilespmem:$0x310];
	_ =	sdelay $0x1  }
0xcd: {  	v4 =	vor.u32 $0xD, v0;
	_ =	sdelay $0x2  }
0xce: {  	v1 =	vadd.s32 v1, v2  }
0xcf: {  	[tilespmem:s18+$0x90] =	vst v1  }
0xd0: {  	v1 =	vld.idx.msk [tilespmem:v4+s8+$0x0], $0xffff  }
0xd1: {  	v2 =	vld [tilespmem:$0x300];
	_ =	sdelay $0x4  }
0xd2: {  	v1 =	vadd.s32 v1, v2  }
0xd3: {  	[tilespmem:s18+$0xA0] =	vst v1  }
0xd4: {  	v1 =	vld.idx.msk [tilespmem:v4+s8+$0x0], $0xffff  }
0xd5: {  	v2 =	vld [tilespmem:$0x310];
	_ =	sdelay $0x1  }
0xd6: {  	v4 =	vor.u32 $0xE, v0;
	_ =	sdelay $0x2  }
0xd7: {  	v1 =	vadd.s32 v1, v2  }
0xd8: {  	[tilespmem:s18+$0xB0] =	vst v1  }
0xd9: {  	v1 =	vld.idx.msk [tilespmem:v4+s8+$0x0], $0xffff  }
0xda: {  	v2 =	vld [tilespmem:$0x300];
	_ =	sdelay $0x4  }
0xdb: {  	v1 =	vadd.s32 v1, v2  }
0xdc: {  	[tilespmem:s18+$0xC0] =	vst v1  }
0xdd: {  	v1 =	vld.idx.msk [tilespmem:v4+s8+$0x0], $0xffff  }
0xde: {  	v2 =	vld [tilespmem:$0x310];
	_ =	sdelay $0x1  }
0xdf: {  	v0 =	vor.u32 $0xF, v0;
	_ =	sdelay $0x2  }
0xe0: {  	v1 =	vadd.s32 v1, v2  }
0xe1: {  	[tilespmem:s18+$0xD0] =	vst v1  }
0xe2: {  	v1 =	vld.idx.msk [tilespmem:v0+s8+$0x0], $0xffff  }
0xe3: {  	v2 =	vld [tilespmem:$0x300];
	_ =	sdelay $0x4  }
0xe4: {  	v1 =	vadd.s32 v1, v2  }
0xe5: {  	[tilespmem:s18+$0xE0] =	vst v1  }
0xe6: {  	v1 =	vld.idx.msk [tilespmem:v0+s8+$0x0], $0xffff  }
0xe7: {  	v2 =	vld [tilespmem:$0x310];
	_ =	sdelay $0x1  }
0xe8: {  	s22 =	simm.s32 $0x10  }
0xe9: {  	v0 =	vmov s22;
	_ =	sdelay $0x1  }
0xea: {  	s20 =	simm.s32 $0x20;
	v1 =	vadd.s32 v1, v2  }
.LBB2_2:
0xeb: {  	p0 =	sne.s32 s20, $0xF0  }
0xec: {  	[tilespmem:s18+$0xF0] =	vst v1;
	s18 =	sadd.s32 $0x200, s18;
	s22 =	smov.u32 s20;
	s20 =	sadd.s32 $0x10, s20  }
0xed: {  	v1 =	vld.idx.msk [tilespmem:v0+s8+$0x0], $0xffff  }
0xee: {  	v2 =	vld [tilespmem:$0x300];
	_ =	sdelay $0x4  }
0xef: {  	v1 =	vadd.s32 v1, v2  }
0xf0: {  	[tilespmem:s18+$0xFFFFFF00] =	vst v1  }
0xf1: {  	v1 =	vld.idx.msk [tilespmem:v0+s8+$0x0], $0xffff  }
0xf2: {  	v2 =	vld [tilespmem:$0x310];
	_ =	sdelay $0x1  }
0xf3: {  	v4 =	vor.u32 $0x1, v0;
	_ =	sdelay $0x2  }
0xf4: {  	v1 =	vadd.s32 v1, v2  }
0xf5: {  	[tilespmem:s18+$0xFFFFFF10] =	vst v1  }
0xf6: {  	v1 =	vld.idx.msk [tilespmem:v4+s8+$0x0], $0xffff  }
0xf7: {  	v2 =	vld [tilespmem:$0x300];
	_ =	sdelay $0x4  }
0xf8: {  	v1 =	vadd.s32 v1, v2  }
0xf9: {  	[tilespmem:s18+$0xFFFFFF20] =	vst v1  }
0xfa: {  	v1 =	vld.idx.msk [tilespmem:v4+s8+$0x0], $0xffff  }
0xfb: {  	v2 =	vld [tilespmem:$0x310];
	_ =	sdelay $0x1  }
0xfc: {  	v4 =	vor.u32 $0x2, v0;
	_ =	sdelay $0x2  }
0xfd: {  	v1 =	vadd.s32 v1, v2  }
0xfe: {  	[tilespmem:s18+$0xFFFFFF30] =	vst v1  }
0xff: {  	v1 =	vld.idx.msk [tilespmem:v4+s8+$0x0], $0xffff  }
0x100: {  	v2 =	vld [tilespmem:$0x300];
	_ =	sdelay $0x4  }
0x101: {  	v1 =	vadd.s32 v1, v2  }
0x102: {  	[tilespmem:s18+$0xFFFFFF40] =	vst v1  }
0x103: {  	v1 =	vld.idx.msk [tilespmem:v4+s8+$0x0], $0xffff  }
0x104: {  	v2 =	vld [tilespmem:$0x310];
	_ =	sdelay $0x1  }
0x105: {  	v4 =	vor.u32 $0x3, v0;
	_ =	sdelay $0x2  }
0x106: {  	v1 =	vadd.s32 v1, v2  }
0x107: {  	[tilespmem:s18+$0xFFFFFF50] =	vst v1  }
0x108: {  	v1 =	vld.idx.msk [tilespmem:v4+s8+$0x0], $0xffff  }
0x109: {  	v2 =	vld [tilespmem:$0x300];
	_ =	sdelay $0x4  }
0x10a: {  	v1 =	vadd.s32 v1, v2  }
0x10b: {  	[tilespmem:s18+$0xFFFFFF60] =	vst v1  }
0x10c: {  	v1 =	vld.idx.msk [tilespmem:v4+s8+$0x0], $0xffff  }
0x10d: {  	v2 =	vld [tilespmem:$0x310];
	_ =	sdelay $0x1  }
0x10e: {  	v4 =	vor.u32 $0x4, v0;
	_ =	sdelay $0x2  }
0x10f: {  	v1 =	vadd.s32 v1, v2  }
0x110: {  	[tilespmem:s18+$0xFFFFFF70] =	vst v1  }
0x111: {  	v1 =	vld.idx.msk [tilespmem:v4+s8+$0x0], $0xffff  }
0x112: {  	v2 =	vld [tilespmem:$0x300];
	_ =	sdelay $0x4  }
0x113: {  	v1 =	vadd.s32 v1, v2  }
0x114: {  	[tilespmem:s18+$0xFFFFFF80] =	vst v1  }
0x115: {  	v1 =	vld.idx.msk [tilespmem:v4+s8+$0x0], $0xffff  }
0x116: {  	v2 =	vld [tilespmem:$0x310];
	_ =	sdelay $0x1  }
0x117: {  	v4 =	vor.u32 $0x5, v0;
	_ =	sdelay $0x2  }
0x118: {  	v1 =	vadd.s32 v1, v2  }
0x119: {  	[tilespmem:s18+$0xFFFFFF90] =	vst v1  }
0x11a: {  	v1 =	vld.idx.msk [tilespmem:v4+s8+$0x0], $0xffff  }
0x11b: {  	v2 =	vld [tilespmem:$0x300];
	_ =	sdelay $0x4  }
0x11c: {  	v1 =	vadd.s32 v1, v2  }
0x11d: {  	[tilespmem:s18+$0xFFFFFFA0] =	vst v1  }
0x11e: {  	v1 =	vld.idx.msk [tilespmem:v4+s8+$0x0], $0xffff  }
0x11f: {  	v2 =	vld [tilespmem:$0x310];
	_ =	sdelay $0x1  }
0x120: {  	v4 =	vor.u32 $0x6, v0;
	_ =	sdelay $0x2  }
0x121: {  	v1 =	vadd.s32 v1, v2  }
0x122: {  	[tilespmem:s18+$0xFFFFFFB0] =	vst v1  }
0x123: {  	v1 =	vld.idx.msk [tilespmem:v4+s8+$0x0], $0xffff  }
0x124: {  	v2 =	vld [tilespmem:$0x300];
	_ =	sdelay $0x4  }
0x125: {  	v1 =	vadd.s32 v1, v2  }
0x126: {  	[tilespmem:s18+$0xFFFFFFC0] =	vst v1  }
0x127: {  	v1 =	vld.idx.msk [tilespmem:v4+s8+$0x0], $0xffff  }
0x128: {  	v2 =	vld [tilespmem:$0x310];
	_ =	sdelay $0x1  }
0x129: {  	v4 =	vor.u32 $0x7, v0;
	_ =	sdelay $0x2  }
0x12a: {  	v1 =	vadd.s32 v1, v2  }
0x12b: {  	[tilespmem:s18+$0xFFFFFFD0] =	vst v1  }
0x12c: {  	v1 =	vld.idx.msk [tilespmem:v4+s8+$0x0], $0xffff  }
0x12d: {  	v2 =	vld [tilespmem:$0x300];
	_ =	sdelay $0x4  }
0x12e: {  	v1 =	vadd.s32 v1, v2  }
0x12f: {  	[tilespmem:s18+$0xFFFFFFE0] =	vst v1  }
0x130: {  	v1 =	vld.idx.msk [tilespmem:v4+s8+$0x0], $0xffff  }
0x131: {  	v2 =	vld [tilespmem:$0x310];
	_ =	sdelay $0x1  }
0x132: {  	v4 =	vor.u32 $0x8, v0;
	_ =	sdelay $0x2  }
0x133: {  	v1 =	vadd.s32 v1, v2  }
0x134: {  	[tilespmem:s18+$0xFFFFFFF0] =	vst v1  }
0x135: {  	v1 =	vld.idx.msk [tilespmem:v4+s8+$0x0], $0xffff  }
0x136: {  	v2 =	vld [tilespmem:$0x300];
	_ =	sdelay $0x4  }
0x137: {  	v1 =	vadd.s32 v1, v2  }
0x138: {  	[tilespmem:s18+$0x0] =	vst v1  }
0x139: {  	v1 =	vld.idx.msk [tilespmem:v4+s8+$0x0], $0xffff  }
0x13a: {  	v2 =	vld [tilespmem:$0x310];
	_ =	sdelay $0x1  }
0x13b: {  	v4 =	vor.u32 $0x9, v0;
	_ =	sdelay $0x2  }
0x13c: {  	v1 =	vadd.s32 v1, v2  }
0x13d: {  	[tilespmem:s18+$0x10] =	vst v1  }
0x13e: {  	v1 =	vld.idx.msk [tilespmem:v4+s8+$0x0], $0xffff  }
0x13f: {  	v2 =	vld [tilespmem:$0x300];
	_ =	sdelay $0x4  }
0x140: {  	v1 =	vadd.s32 v1, v2  }
0x141: {  	[tilespmem:s18+$0x20] =	vst v1  }
0x142: {  	v1 =	vld.idx.msk [tilespmem:v4+s8+$0x0], $0xffff  }
0x143: {  	v2 =	vld [tilespmem:$0x310];
	_ =	sdelay $0x1  }
0x144: {  	v4 =	vor.u32 $0xA, v0;
	_ =	sdelay $0x2  }
0x145: {  	v1 =	vadd.s32 v1, v2  }
0x146: {  	[tilespmem:s18+$0x30] =	vst v1  }
0x147: {  	v1 =	vld.idx.msk [tilespmem:v4+s8+$0x0], $0xffff  }
0x148: {  	v2 =	vld [tilespmem:$0x300];
	_ =	sdelay $0x4  }
0x149: {  	v1 =	vadd.s32 v1, v2  }
0x14a: {  	[tilespmem:s18+$0x40] =	vst v1  }
0x14b: {  	v1 =	vld.idx.msk [tilespmem:v4+s8+$0x0], $0xffff  }
0x14c: {  	v2 =	vld [tilespmem:$0x310];
	_ =	sdelay $0x1  }
0x14d: {  	v4 =	vor.u32 $0xB, v0;
	_ =	sdelay $0x2  }
0x14e: {  	v1 =	vadd.s32 v1, v2  }
0x14f: {  	[tilespmem:s18+$0x50] =	vst v1  }
0x150: {  	v1 =	vld.idx.msk [tilespmem:v4+s8+$0x0], $0xffff  }
0x151: {  	v2 =	vld [tilespmem:$0x300];
	_ =	sdelay $0x4  }
0x152: {  	v1 =	vadd.s32 v1, v2  }
0x153: {  	[tilespmem:s18+$0x60] =	vst v1  }
0x154: {  	v1 =	vld.idx.msk [tilespmem:v4+s8+$0x0], $0xffff  }
0x155: {  	v2 =	vld [tilespmem:$0x310];
	_ =	sdelay $0x1  }
0x156: {  	v4 =	vor.u32 $0xC, v0;
	_ =	sdelay $0x2  }
0x157: {  	v1 =	vadd.s32 v1, v2  }
0x158: {  	[tilespmem:s18+$0x70] =	vst v1  }
0x159: {  	v1 =	vld.idx.msk [tilespmem:v4+s8+$0x0], $0xffff  }
0x15a: {  	v2 =	vld [tilespmem:$0x300];
	_ =	sdelay $0x4  }
0x15b: {  	v1 =	vadd.s32 v1, v2  }
0x15c: {  	[tilespmem:s18+$0x80] =	vst v1  }
0x15d: {  	v1 =	vld.idx.msk [tilespmem:v4+s8+$0x0], $0xffff  }
0x15e: {  	v2 =	vld [tilespmem:$0x310];
	_ =	sdelay $0x1  }
0x15f: {  	v4 =	vor.u32 $0xD, v0;
	_ =	sdelay $0x2  }
0x160: {  	v1 =	vadd.s32 v1, v2  }
0x161: {  	[tilespmem:s18+$0x90] =	vst v1  }
0x162: {  	v1 =	vld.idx.msk [tilespmem:v4+s8+$0x0], $0xffff  }
0x163: {  	v2 =	vld [tilespmem:$0x300];
	_ =	sdelay $0x4  }
0x164: {  	v1 =	vadd.s32 v1, v2  }
0x165: {  	[tilespmem:s18+$0xA0] =	vst v1  }
0x166: {  	v1 =	vld.idx.msk [tilespmem:v4+s8+$0x0], $0xffff  }
0x167: {  	v2 =	vld [tilespmem:$0x310];
	_ =	sdelay $0x1  }
0x168: {  	v4 =	vor.u32 $0xE, v0;
	_ =	sdelay $0x2  }
0x169: {  	v1 =	vadd.s32 v1, v2  }
0x16a: {  	[tilespmem:s18+$0xB0] =	vst v1  }
0x16b: {  	v1 =	vld.idx.msk [tilespmem:v4+s8+$0x0], $0xffff  }
0x16c: {  	v2 =	vld [tilespmem:$0x300];
	_ =	sdelay $0x4  }
0x16d: {  	v1 =	vadd.s32 v1, v2  }
0x16e: {  	[tilespmem:s18+$0xC0] =	vst v1  }
0x16f: {  	v1 =	vld.idx.msk [tilespmem:v4+s8+$0x0], $0xffff  }
0x170: {  	v2 =	vld [tilespmem:$0x310];
	_ =	sdelay $0x1  }
0x171: {  	v0 =	vor.u32 $0xF, v0;
	_ =	sdelay $0x2  }
0x172: {  	v1 =	vadd.s32 v1, v2  }
0x173: {  	[tilespmem:s18+$0xD0] =	vst v1  }
0x174: {  	v1 =	vld.idx.msk [tilespmem:v0+s8+$0x0], $0xffff  }
0x175: {  	v2 =	vld [tilespmem:$0x300];
	_ =	sdelay $0x4  }
0x176: {  	v1 =	vadd.s32 v1, v2  }
0x177: {  	[tilespmem:s18+$0xE0] =	vst v1  }
0x178: {  	v1 =	vld.idx.msk [tilespmem:v0+s8+$0x0], $0xffff  }
0x179: {  	v2 =	vld [tilespmem:$0x310]  }
.Ltmp0:
0x17a: {  	(pc) =	sbr.rel @p0 .LBB2_2-.Ltmp0, $2  }
0x17b: {  	v0 =	vmov s22;
	_ =	sdelay $0x2  }
0x17c: {  	v1 =	vadd.s32 v1, v2  }
0x17d: {  	_ =	sdelay $0x2  }
0x17e: {  	[tilespmem:s18+$0xF0] =	vst v1  }
0x17f: {  	v1 =	vld.idx.msk [tilespmem:v0+s8+$0x0], $0xffff  }
0x180: {  	v2 =	vld [tilespmem:$0x300];
	_ =	sdelay $0x4  }
0x181: {  	s22 =	sadd.s32 $0x200, s18;
	v1 =	vadd.s32 v1, v2  }
0x182: {  	[tilespmem:s22+$0xFFFFFF00] =	vst v1  }
0x183: {  	v1 =	vld.idx.msk [tilespmem:v0+s8+$0x0], $0xffff  }
0x184: {  	v2 =	vld [tilespmem:$0x310];
	_ =	sdelay $0x1  }
0x185: {  	v4 =	vor.u32 $0x1, v0;
	_ =	sdelay $0x2  }
0x186: {  	v1 =	vadd.s32 v1, v2  }
0x187: {  	[tilespmem:s22+$0xFFFFFF10] =	vst v1  }
0x188: {  	v1 =	vld.idx.msk [tilespmem:v4+s8+$0x0], $0xffff  }
0x189: {  	v2 =	vld [tilespmem:$0x300];
	_ =	sdelay $0x4  }
0x18a: {  	v1 =	vadd.s32 v1, v2  }
0x18b: {  	[tilespmem:s22+$0xFFFFFF20] =	vst v1  }
0x18c: {  	v1 =	vld.idx.msk [tilespmem:v4+s8+$0x0], $0xffff  }
0x18d: {  	v2 =	vld [tilespmem:$0x310];
	_ =	sdelay $0x1  }
0x18e: {  	v4 =	vor.u32 $0x2, v0;
	_ =	sdelay $0x2  }
0x18f: {  	v1 =	vadd.s32 v1, v2  }
0x190: {  	[tilespmem:s22+$0xFFFFFF30] =	vst v1  }
0x191: {  	v1 =	vld.idx.msk [tilespmem:v4+s8+$0x0], $0xffff  }
0x192: {  	v2 =	vld [tilespmem:$0x300];
	_ =	sdelay $0x4  }
0x193: {  	v1 =	vadd.s32 v1, v2  }
0x194: {  	[tilespmem:s22+$0xFFFFFF40] =	vst v1  }
0x195: {  	v1 =	vld.idx.msk [tilespmem:v4+s8+$0x0], $0xffff  }
0x196: {  	v2 =	vld [tilespmem:$0x310];
	_ =	sdelay $0x1  }
0x197: {  	v4 =	vor.u32 $0x3, v0;
	_ =	sdelay $0x2  }
0x198: {  	v1 =	vadd.s32 v1, v2  }
0x199: {  	[tilespmem:s22+$0xFFFFFF50] =	vst v1  }
0x19a: {  	v1 =	vld.idx.msk [tilespmem:v4+s8+$0x0], $0xffff  }
0x19b: {  	v2 =	vld [tilespmem:$0x300];
	_ =	sdelay $0x4  }
0x19c: {  	v1 =	vadd.s32 v1, v2  }
0x19d: {  	[tilespmem:s22+$0xFFFFFF60] =	vst v1  }
0x19e: {  	v1 =	vld.idx.msk [tilespmem:v4+s8+$0x0], $0xffff  }
0x19f: {  	v2 =	vld [tilespmem:$0x310];
	_ =	sdelay $0x1  }
0x1a0: {  	v4 =	vor.u32 $0x4, v0;
	_ =	sdelay $0x2  }
0x1a1: {  	v1 =	vadd.s32 v1, v2  }
0x1a2: {  	[tilespmem:s22+$0xFFFFFF70] =	vst v1  }
0x1a3: {  	v1 =	vld.idx.msk [tilespmem:v4+s8+$0x0], $0xffff  }
0x1a4: {  	v2 =	vld [tilespmem:$0x300];
	_ =	sdelay $0x4  }
0x1a5: {  	v1 =	vadd.s32 v1, v2  }
0x1a6: {  	[tilespmem:s22+$0xFFFFFF80] =	vst v1  }
0x1a7: {  	v1 =	vld.idx.msk [tilespmem:v4+s8+$0x0], $0xffff  }
0x1a8: {  	v2 =	vld [tilespmem:$0x310];
	_ =	sdelay $0x1  }
0x1a9: {  	v4 =	vor.u32 $0x5, v0;
	_ =	sdelay $0x2  }
0x1aa: {  	v1 =	vadd.s32 v1, v2  }
0x1ab: {  	[tilespmem:s22+$0xFFFFFF90] =	vst v1  }
0x1ac: {  	v1 =	vld.idx.msk [tilespmem:v4+s8+$0x0], $0xffff  }
0x1ad: {  	v2 =	vld [tilespmem:$0x300];
	_ =	sdelay $0x4  }
0x1ae: {  	v1 =	vadd.s32 v1, v2  }
0x1af: {  	[tilespmem:s22+$0xFFFFFFA0] =	vst v1  }
0x1b0: {  	v1 =	vld.idx.msk [tilespmem:v4+s8+$0x0], $0xffff  }
0x1b1: {  	v2 =	vld [tilespmem:$0x310];
	_ =	sdelay $0x1  }
0x1b2: {  	v4 =	vor.u32 $0x6, v0;
	_ =	sdelay $0x2  }
0x1b3: {  	v1 =	vadd.s32 v1, v2  }
0x1b4: {  	[tilespmem:s22+$0xFFFFFFB0] =	vst v1  }
0x1b5: {  	v1 =	vld.idx.msk [tilespmem:v4+s8+$0x0], $0xffff  }
0x1b6: {  	v2 =	vld [tilespmem:$0x300];
	_ =	sdelay $0x4  }
0x1b7: {  	v1 =	vadd.s32 v1, v2  }
0x1b8: {  	[tilespmem:s22+$0xFFFFFFC0] =	vst v1  }
0x1b9: {  	v1 =	vld.idx.msk [tilespmem:v4+s8+$0x0], $0xffff  }
0x1ba: {  	v2 =	vld [tilespmem:$0x310];
	_ =	sdelay $0x1  }
0x1bb: {  	v4 =	vor.u32 $0x7, v0;
	_ =	sdelay $0x2  }
0x1bc: {  	v1 =	vadd.s32 v1, v2  }
0x1bd: {  	[tilespmem:s22+$0xFFFFFFD0] =	vst v1  }
0x1be: {  	v1 =	vld.idx.msk [tilespmem:v4+s8+$0x0], $0xffff  }
0x1bf: {  	v2 =	vld [tilespmem:$0x300];
	_ =	sdelay $0x4  }
0x1c0: {  	v1 =	vadd.s32 v1, v2  }
0x1c1: {  	[tilespmem:s22+$0xFFFFFFE0] =	vst v1  }
0x1c2: {  	v1 =	vld.idx.msk [tilespmem:v4+s8+$0x0], $0xffff  }
0x1c3: {  	v2 =	vld [tilespmem:$0x310];
	_ =	sdelay $0x1  }
0x1c4: {  	v4 =	vor.u32 $0x8, v0;
	_ =	sdelay $0x2  }
0x1c5: {  	v1 =	vadd.s32 v1, v2  }
0x1c6: {  	[tilespmem:s22+$0xFFFFFFF0] =	vst v1  }
0x1c7: {  	v1 =	vld.idx.msk [tilespmem:v4+s8+$0x0], $0xffff  }
0x1c8: {  	v2 =	vld [tilespmem:$0x300];
	_ =	sdelay $0x4  }
0x1c9: {  	v1 =	vadd.s32 v1, v2  }
0x1ca: {  	[tilespmem:s22+$0x0] =	vst v1  }
0x1cb: {  	v1 =	vld.idx.msk [tilespmem:v4+s8+$0x0], $0xffff  }
0x1cc: {  	v2 =	vld [tilespmem:$0x310];
	_ =	sdelay $0x1  }
0x1cd: {  	v4 =	vor.u32 $0x9, v0;
	_ =	sdelay $0x2  }
0x1ce: {  	v1 =	vadd.s32 v1, v2  }
0x1cf: {  	[tilespmem:s22+$0x10] =	vst v1  }
0x1d0: {  	v1 =	vld.idx.msk [tilespmem:v4+s8+$0x0], $0xffff  }
0x1d1: {  	v2 =	vld [tilespmem:$0x300];
	_ =	sdelay $0x4  }
0x1d2: {  	v1 =	vadd.s32 v1, v2  }
0x1d3: {  	[tilespmem:s22+$0x20] =	vst v1  }
0x1d4: {  	v1 =	vld.idx.msk [tilespmem:v4+s8+$0x0], $0xffff  }
0x1d5: {  	v2 =	vld [tilespmem:$0x310];
	_ =	sdelay $0x1  }
0x1d6: {  	v4 =	vor.u32 $0xA, v0;
	_ =	sdelay $0x2  }
0x1d7: {  	v1 =	vadd.s32 v1, v2  }
0x1d8: {  	[tilespmem:s22+$0x30] =	vst v1  }
0x1d9: {  	v1 =	vld.idx.msk [tilespmem:v4+s8+$0x0], $0xffff  }
0x1da: {  	v2 =	vld [tilespmem:$0x300];
	_ =	sdelay $0x4  }
0x1db: {  	v1 =	vadd.s32 v1, v2  }
0x1dc: {  	[tilespmem:s22+$0x40] =	vst v1  }
0x1dd: {  	v1 =	vld.idx.msk [tilespmem:v4+s8+$0x0], $0xffff  }
0x1de: {  	v2 =	vld [tilespmem:$0x310];
	_ =	sdelay $0x1  }
0x1df: {  	v4 =	vor.u32 $0xB, v0;
	_ =	sdelay $0x2  }
0x1e0: {  	v1 =	vadd.s32 v1, v2  }
0x1e1: {  	[tilespmem:s22+$0x50] =	vst v1  }
0x1e2: {  	v1 =	vld.idx.msk [tilespmem:v4+s8+$0x0], $0xffff  }
0x1e3: {  	v2 =	vld [tilespmem:$0x300];
	_ =	sdelay $0x4  }
0x1e4: {  	v1 =	vadd.s32 v1, v2  }
0x1e5: {  	[tilespmem:s22+$0x60] =	vst v1  }
0x1e6: {  	v1 =	vld.idx.msk [tilespmem:v4+s8+$0x0], $0xffff  }
0x1e7: {  	v2 =	vld [tilespmem:$0x310];
	_ =	sdelay $0x1  }
0x1e8: {  	v4 =	vor.u32 $0xC, v0;
	_ =	sdelay $0x2  }
0x1e9: {  	v1 =	vadd.s32 v1, v2  }
0x1ea: {  	[tilespmem:s22+$0x70] =	vst v1  }
0x1eb: {  	v1 =	vld.idx.msk [tilespmem:v4+s8+$0x0], $0xffff  }
0x1ec: {  	v2 =	vld [tilespmem:$0x300];
	_ =	sdelay $0x4  }
0x1ed: {  	v1 =	vadd.s32 v1, v2  }
0x1ee: {  	[tilespmem:s22+$0x80] =	vst v1  }
0x1ef: {  	v1 =	vld.idx.msk [tilespmem:v4+s8+$0x0], $0xffff  }
0x1f0: {  	v2 =	vld [tilespmem:$0x310];
	_ =	sdelay $0x1  }
0x1f1: {  	v4 =	vor.u32 $0xD, v0;
	_ =	sdelay $0x2  }
0x1f2: {  	v1 =	vadd.s32 v1, v2  }
0x1f3: {  	[tilespmem:s22+$0x90] =	vst v1  }
0x1f4: {  	v1 =	vld.idx.msk [tilespmem:v4+s8+$0x0], $0xffff  }
0x1f5: {  	v2 =	vld [tilespmem:$0x300];
	_ =	sdelay $0x4  }
0x1f6: {  	v1 =	vadd.s32 v1, v2  }
0x1f7: {  	[tilespmem:s22+$0xA0] =	vst v1  }
0x1f8: {  	v1 =	vld.idx.msk [tilespmem:v4+s8+$0x0], $0xffff  }
0x1f9: {  	v2 =	vld [tilespmem:$0x310];
	_ =	sdelay $0x1  }
0x1fa: {  	v4 =	vor.u32 $0xE, v0;
	_ =	sdelay $0x2  }
0x1fb: {  	v1 =	vadd.s32 v1, v2  }
0x1fc: {  	[tilespmem:s22+$0xB0] =	vst v1  }
0x1fd: {  	v1 =	vld.idx.msk [tilespmem:v4+s8+$0x0], $0xffff  }
0x1fe: {  	v2 =	vld [tilespmem:$0x300];
	_ =	sdelay $0x4  }
0x1ff: {  	v1 =	vadd.s32 v1, v2  }
0x200: {  	[tilespmem:s22+$0xC0] =	vst v1  }
0x201: {  	v1 =	vld.idx.msk [tilespmem:v4+s8+$0x0], $0xffff  }
0x202: {  	v2 =	vld [tilespmem:$0x310];
	_ =	sdelay $0x1  }
0x203: {  	v0 =	vor.u32 $0xF, v0;
	_ =	sdelay $0x2  }
0x204: {  	v1 =	vadd.s32 v1, v2  }
0x205: {  	[tilespmem:s22+$0xD0] =	vst v1  }
0x206: {  	v1 =	vld.idx.msk [tilespmem:v0+s8+$0x0], $0xffff  }
0x207: {  	v2 =	vld [tilespmem:$0x300];
	_ =	sdelay $0x4  }
0x208: {  	v1 =	vadd.s32 v1, v2  }
0x209: {  	[tilespmem:s22+$0xE0] =	vst v1  }
0x20a: {  	v0 =	vld.idx.msk [tilespmem:v0+s8+$0x0], $0xffff  }
0x20b: {  	v1 =	vld [tilespmem:$0x310];
	_ =	sdelay $0x4  }
0x20c: {  	v0 =	vadd.s32 v0, v1  }
0x20d: {  	s24 =	simm.s32 $0x320;
	[tilespmem:s22+$0xF0] =	vst v0  }
0x20e: {  	[tilespmem:s11], [sflag:$0x1] =	stream.indirect.gather [hbm4b:s1+s9], $0x10, s24, s9, $0xb8;
	[tilespmem:$0x14320] =	vst v63  }
0x20f: {  	s29 =	simm.s32 $0x520  }
0x210: {  	[tilespmem:s13], [sflag:$0x1] =	stream.indirect.gather [hbm4b:s1+s9], $0x10, s29, s9, $0xb8;
	[tilespmem:$0x14320] =	vst v63  }
0x211: {  	s20 =	simm.s32 $0x720  }
0x212: {  	[tilespmem:s15], [sflag:$0x1] =	stream.indirect.gather [hbm4b:s1+s9], $0x10, s20, s9, $0xb8;
	[tilespmem:$0x14320] =	vst v63  }
0x213: {  	s22 =	simm.s32 $0x920  }
0x214: {  	[tilespmem:s17], [sflag:$0x1] =	stream.indirect.gather [hbm4b:s1+s9], $0x10, s22, s9, $0xb8;
	[tilespmem:$0x14320] =	vst v63  }
0x215: {  	s24 =	simm.s32 $0xB20  }
0x216: {  	[tilespmem:s19], [sflag:$0x2] =	stream.indirect.gather [hbm4b:s1+s9], $0x10, s24, s9, $0xb8;
	[tilespmem:$0x14320] =	vst v63  }
0x217: {  	s29 =	simm.s32 $0xD20  }
0x218: {  	[tilespmem:s21], [sflag:$0x2] =	stream.indirect.gather [hbm4b:s1+s9], $0x10, s29, s9, $0xb8;
	[tilespmem:$0x14320] =	vst v63  }
0x219: {  	s20 =	simm.s32 $0xF20  }
0x21a: {  	[tilespmem:s23], [sflag:$0x2] =	stream.indirect.gather [hbm4b:s1+s9], $0x10, s20, s9, $0xb8;
	[tilespmem:$0x14320] =	vst v63  }
0x21b: {  	s22 =	simm.s32 $0x1120  }
0x21c: {  	[tilespmem:s25], [sflag:$0x2] =	stream.indirect.gather [hbm4b:s1+s9], $0x10, s22, s9, $0xb8;
	[tilespmem:$0x14320] =	vst v63  }
0x21d: {  	_ =	swait.ge [sflag:s26], $0x2000  }
0x21e: {  	[sflag:s26] =	ssyncset.done $0x0  }
0x21f: {  	[sflag:s26] =	ssyncadd.s32 $0xFFFFE000  }
0x220: {  	_ =	swait.ge [sflag:s26], $0x2000  }
0x221: {  	[sflag:s26] =	ssyncset.done $0x0  }
0x222: {  	[sflag:s26] =	ssyncadd.s32 $0xFFFFE000  }
0x223: {  	_ =	swait.ge [sflag:s26], $0x2000  }
0x224: {  	v13 =	vld [tilespmem:$0x1FF40];
	_ =	sdelay $0x2  }
0x225: {  	s24 =	simm.s32 $0x0  }
0x226: {  	v1 =	vor.u32 s24, v22  }
0x227: {  	[sflag:s26] =	ssyncset.done $0x0;
	v0 =	vand.u32 v13, v1  }
0x228: {  	[sflag:s26] =	ssyncadd.s32 $0xFFFFE000  }
0x229: {  	_ =	swait.ge [sflag:s26], $0x2000  }
0x22a: {  	[sflag:s26] =	ssyncset.done $0x0  }
0x22b: {  	[sflag:s26] =	ssyncadd.s32 $0xFFFFE000  }
0x22c: {  	v0 =	vld.idx.msk [tilespmem:v0+s9+$0x0], $0xffff;
	_ =	sdelay $0x4  }
0x22d: {  	s29 =	simm.s32 $0x0;
	v2 =	vand.u32 $0xFFFFFFF8, v0  }
0x22e: {  	v0 =	vand.u32 $0x7, v0;
	v2 =	vadd.s32 s29, v2  }
0x22f: {  	v0 =	vor.u32 v0, v2  }
0x230: {  	v11 =	vld [tilespmem:$0x1FF50];
	v2 =	vadd.s32 v19, v0  }
0x231: {  	v14 =	vld [tilespmem:$0x1FF60];
	_ =	sdelay $0x3  }
0x232: {  	v4 =	vand.u32 v11, v1;
	v2 =	vld.idx.msk [tilespmem:v2+s11+$0x0], $0xffff  }
0x233: {  	v16 =	vld [tilespmem:$0x1FF70];
	v6 =	vadd.s32 v14, v0  }
0x234: {  	v17 =	vld [tilespmem:$0x1FF80];
	_ =	sdelay $0x2  }
0x235: {  	v5 =	vand.u32 $0x38, v1;
	[tilespmem:v4+s28+$0x0] =	vst.idx.msk $0xffff, v2  }
0x236: {  	v2 =	vor.u32 v16, v5;
	v1 =	vld.idx.msk [tilespmem:v6+s11+$0x0], $0xffff  }
0x237: {  	v4 =	vadd.s32 v17, v0  }
0x238: {  	v12 =	vld [tilespmem:$0x1FF90];
	_ =	sdelay $0x2  }
0x239: {  	[tilespmem:v2+s28+$0x0] =	vst.idx.msk $0xffff, v1  }
0x23a: {  	v2 =	vor.u32 v3, v5;
	v1 =	vld.idx.msk [tilespmem:v4+s11+$0x0], $0xffff  }
0x23b: {  	v4 =	vadd.s32 v12, v0;
	_ =	sdelay $0x3  }
0x23c: {  	[tilespmem:v2+s28+$0x0] =	vst.idx.msk $0xffff, v1  }
0x23d: {  	v2 =	vor.u32 v23, v5;
	v1 =	vld.idx.msk [tilespmem:v4+s11+$0x0], $0xffff  }
0x23e: {  	v4 =	vadd.s32 v20, v0;
	_ =	sdelay $0x3  }
0x23f: {  	v10 =	vld [tilespmem:$0x1FFA0];
	[tilespmem:v2+s28+$0x0] =	vst.idx.msk $0xffff, v1  }
0x240: {  	v2 =	vor.u32 v15, v5;
	v1 =	vld.idx.msk [tilespmem:v4+s11+$0x0], $0xffff  }
0x241: {  	v4 =	vadd.s32 v21, v0;
	_ =	sdelay $0x3  }
0x242: {  	v42 =	vor.u32 $0x280, v10;
	[tilespmem:v2+s28+$0x0] =	vst.idx.msk $0xffff, v1  }
0x243: {  	v2 =	vor.u32 v42, v5;
	v1 =	vld.idx.msk [tilespmem:v4+s11+$0x0], $0xffff;
	v4 =	vor.u32 $0x60, v19  }
0x244: {  	[tilespmem:$0x1FEE0] =	vst v4;
	v4 =	vadd.s32 v4, v0;
	_ =	sdelay $0x3  }
0x245: {  	v43 =	vor.u32 $0x300, v10;
	[tilespmem:v2+s28+$0x0] =	vst.idx.msk $0xffff, v1  }
0x246: {  	v2 =	vor.u32 v43, v5;
	v1 =	vld.idx.msk [tilespmem:v4+s11+$0x0], $0xffff;
	v4 =	vor.u32 $0x70, v19  }
0x247: {  	[tilespmem:$0x1FEF0] =	vst v4;
	v4 =	vadd.s32 v4, v0;
	_ =	sdelay $0x3  }
0x248: {  	v44 =	vor.u32 $0x380, v10;
	[tilespmem:v2+s28+$0x0] =	vst.idx.msk $0xffff, v1  }
0x249: {  	v2 =	vor.u32 v44, v5;
	v1 =	vld.idx.msk [tilespmem:v4+s11+$0x0], $0xffff;
	v4 =	vor.u32 $0x80, v19  }
0x24a: {  	[tilespmem:$0x1FF00] =	vst v4;
	v4 =	vadd.s32 v4, v0;
	_ =	sdelay $0x3  }
0x24b: {  	v45 =	vor.u32 $0x800, v10;
	[tilespmem:v2+s28+$0x0] =	vst.idx.msk $0xffff, v1  }
0x24c: {  	v2 =	vor.u32 v45, v5;
	v1 =	vld.idx.msk [tilespmem:v4+s11+$0x0], $0xffff;
	v4 =	vor.u32 $0x90, v19  }
0x24d: {  	[tilespmem:$0x1FF10] =	vst v4;
	v4 =	vadd.s32 v4, v0;
	_ =	sdelay $0x3  }
0x24e: {  	v46 =	vor.u32 $0x880, v10;
	[tilespmem:v2+s28+$0x0] =	vst.idx.msk $0xffff, v1  }
0x24f: {  	v2 =	vor.u32 v46, v5;
	v1 =	vld.idx.msk [tilespmem:v4+s11+$0x0], $0xffff;
	v4 =	vor.u32 $0xA0, v19  }
0x250: {  	v26 =	vmov v4;
	v4 =	vadd.s32 v4, v0;
	_ =	sdelay $0x3  }
0x251: {  	v47 =	vor.u32 $0x900, v10;
	[tilespmem:v2+s28+$0x0] =	vst.idx.msk $0xffff, v1  }
0x252: {  	v2 =	vor.u32 v47, v5;
	v1 =	vld.idx.msk [tilespmem:v4+s11+$0x0], $0xffff;
	v4 =	vor.u32 $0xB0, v19  }
0x253: {  	v27 =	vmov v4;
	v4 =	vadd.s32 v4, v0;
	_ =	sdelay $0x3  }
0x254: {  	v48 =	vor.u32 $0x980, v10;
	[tilespmem:v2+s28+$0x0] =	vst.idx.msk $0xffff, v1  }
0x255: {  	v2 =	vor.u32 v48, v5;
	v1 =	vld.idx.msk [tilespmem:v4+s11+$0x0], $0xffff;
	v4 =	vor.u32 $0xC0, v19  }
0x256: {  	v28 =	vmov v4;
	v4 =	vadd.s32 v4, v0;
	_ =	sdelay $0x3  }
0x257: {  	v49 =	vor.u32 $0xA00, v10;
	[tilespmem:v2+s28+$0x0] =	vst.idx.msk $0xffff, v1  }
0x258: {  	v2 =	vor.u32 v49, v5;
	v1 =	vld.idx.msk [tilespmem:v4+s11+$0x0], $0xffff;
	v4 =	vor.u32 $0xD0, v19  }
0x259: {  	v22 =	vmov v4;
	v4 =	vadd.s32 v4, v0;
	_ =	sdelay $0x3  }
0x25a: {  	v50 =	vor.u32 $0xA80, v10;
	[tilespmem:v2+s28+$0x0] =	vst.idx.msk $0xffff, v1  }
0x25b: {  	v2 =	vor.u32 v50, v5;
	v1 =	vld.idx.msk [tilespmem:v4+s11+$0x0], $0xffff;
	v4 =	vor.u32 $0xE0, v19  }
0x25c: {  	v29 =	vmov v4;
	v4 =	vadd.s32 v4, v0;
	_ =	sdelay $0x3  }
0x25d: {  	v51 =	vor.u32 $0xB00, v10;
	[tilespmem:v2+s28+$0x0] =	vst.idx.msk $0xffff, v1  }
0x25e: {  	v2 =	vor.u32 v51, v5;
	v1 =	vld.idx.msk [tilespmem:v4+s11+$0x0], $0xffff;
	v4 =	vor.u32 $0xF0, v19  }
0x25f: {  	v21 =	vmov v4;
	v4 =	vadd.s32 v4, v0;
	_ =	sdelay $0x3  }
0x260: {  	v52 =	vor.u32 $0xB80, v10;
	[tilespmem:v2+s28+$0x0] =	vst.idx.msk $0xffff, v1  }
0x261: {  	v2 =	vor.u32 v52, v5;
	v1 =	vld.idx.msk [tilespmem:v4+s11+$0x0], $0xffff;
	v4 =	vor.u32 $0x100, v19  }
0x262: {  	v18 =	vmovc v19;
	v19 =	vmov v23;
	v23 =	vmov v4;
	v4 =	vadd.s32 v4, v0;
	_ =	sdelay $0x3  }
0x263: {  	v53 =	vor.u32 $0x1000, v10;
	[tilespmem:v2+s28+$0x0] =	vst.idx.msk $0xffff, v1  }
0x264: {  	v2 =	vor.u32 v53, v5;
	v1 =	vld.idx.msk [tilespmem:v4+s11+$0x0], $0xffff;
	v4 =	vor.u32 $0x110, v18  }
0x265: {  	v30 =	vmov v4;
	v4 =	vadd.s32 v4, v0;
	_ =	sdelay $0x3  }
0x266: {  	v54 =	vor.u32 $0x1080, v10;
	[tilespmem:v2+s28+$0x0] =	vst.idx.msk $0xffff, v1  }
0x267: {  	v2 =	vor.u32 v54, v5;
	v1 =	vld.idx.msk [tilespmem:v4+s11+$0x0], $0xffff;
	v4 =	vor.u32 $0x120, v18  }
0x268: {  	v24 =	vmov v4;
	v4 =	vadd.s32 v4, v0;
	_ =	sdelay $0x3  }
0x269: {  	v55 =	vor.u32 $0x1100, v10;
	[tilespmem:v2+s28+$0x0] =	vst.idx.msk $0xffff, v1  }
0x26a: {  	v2 =	vor.u32 v55, v5;
	v1 =	vld.idx.msk [tilespmem:v4+s11+$0x0], $0xffff;
	v4 =	vor.u32 $0x130, v18  }
0x26b: {  	v31 =	vmov v4;
	v4 =	vadd.s32 v4, v0;
	_ =	sdelay $0x3  }
0x26c: {  	v56 =	vor.u32 $0x1180, v10;
	[tilespmem:v2+s28+$0x0] =	vst.idx.msk $0xffff, v1  }
0x26d: {  	v2 =	vor.u32 v56, v5;
	v1 =	vld.idx.msk [tilespmem:v4+s11+$0x0], $0xffff;
	v4 =	vor.u32 $0x140, v18  }
0x26e: {  	v20 =	vmov v4;
	v4 =	vadd.s32 v4, v0;
	_ =	sdelay $0x3  }
0x26f: {  	v57 =	vor.u32 $0x1200, v10;
	[tilespmem:v2+s28+$0x0] =	vst.idx.msk $0xffff, v1  }
0x270: {  	v2 =	vor.u32 v57, v5;
	v1 =	vld.idx.msk [tilespmem:v4+s11+$0x0], $0xffff;
	v4 =	vor.u32 $0x150, v18  }
0x271: {  	v25 =	vmov v4;
	v4 =	vadd.s32 v4, v0;
	_ =	sdelay $0x3  }
0x272: {  	v58 =	vor.u32 $0x1280, v10;
	[tilespmem:v2+s28+$0x0] =	vst.idx.msk $0xffff, v1  }
0x273: {  	v32 =	vor.u32 $0x160, v18;
	v2 =	vor.u32 v58, v5;
	v1 =	vld.idx.msk [tilespmem:v4+s11+$0x0], $0xffff  }
0x274: {  	v4 =	vadd.s32 v32, v0;
	_ =	sdelay $0x3  }
0x275: {  	v59 =	vor.u32 $0x1300, v10;
	[tilespmem:v2+s28+$0x0] =	vst.idx.msk $0xffff, v1  }
0x276: {  	v33 =	vor.u32 $0x170, v18;
	v2 =	vor.u32 v59, v5;
	v1 =	vld.idx.msk [tilespmem:v4+s11+$0x0], $0xffff  }
0x277: {  	v4 =	vadd.s32 v33, v0;
	_ =	sdelay $0x3  }
0x278: {  	v60 =	vor.u32 $0x1380, v10;
	[tilespmem:v2+s28+$0x0] =	vst.idx.msk $0xffff, v1  }
0x279: {  	v34 =	vor.u32 $0x180, v18;
	v2 =	vor.u32 v60, v5;
	v1 =	vld.idx.msk [tilespmem:v4+s11+$0x0], $0xffff  }
0x27a: {  	v4 =	vadd.s32 v34, v0;
	_ =	sdelay $0x3  }
0x27b: {  	v61 =	vor.u32 $0x1800, v10;
	[tilespmem:v2+s28+$0x0] =	vst.idx.msk $0xffff, v1  }
0x27c: {  	v35 =	vor.u32 $0x190, v18;
	v2 =	vor.u32 v61, v5;
	v1 =	vld.idx.msk [tilespmem:v4+s11+$0x0], $0xffff  }
0x27d: {  	v4 =	vadd.s32 v35, v0;
	_ =	sdelay $0x3  }
0x27e: {  	v62 =	vor.u32 $0x1880, v10;
	[tilespmem:v2+s28+$0x0] =	vst.idx.msk $0xffff, v1  }
0x27f: {  	v36 =	vor.u32 $0x1A0, v18;
	v2 =	vor.u32 v62, v5;
	v1 =	vld.idx.msk [tilespmem:v4+s11+$0x0], $0xffff  }
0x280: {  	v4 =	vadd.s32 v36, v0;
	_ =	sdelay $0x3  }
0x281: {  	v63 =	vor.u32 $0x1900, v10;
	[tilespmem:v2+s28+$0x0] =	vst.idx.msk $0xffff, v1  }
0x282: {  	v37 =	vor.u32 $0x1B0, v18;
	v2 =	vor.u32 v63, v5;
	v1 =	vld.idx.msk [tilespmem:v4+s11+$0x0], $0xffff  }
0x283: {  	v4 =	vadd.s32 v37, v0;
	_ =	sdelay $0x3  }
0x284: {  	[tilespmem:v2+s28+$0x0] =	vst.idx.msk $0xffff, v1;
	v2 =	vor.u32 $0x1980, v10  }
0x285: {  	v38 =	vor.u32 $0x1C0, v18;
	v1 =	vld.idx.msk [tilespmem:v4+s11+$0x0], $0xffff;
	v4 =	vor.u32 v2, v5  }
0x286: {  	v6 =	vadd.s32 v38, v0;
	_ =	sdelay $0x3  }
0x287: {  	[tilespmem:v4+s28+$0x0] =	vst.idx.msk $0xffff, v1;
	v4 =	vor.u32 $0x1A00, v10  }
0x288: {  	v39 =	vor.u32 $0x1D0, v18;
	v1 =	vld.idx.msk [tilespmem:v6+s11+$0x0], $0xffff;
	v6 =	vor.u32 v4, v5  }
0x289: {  	v7 =	vadd.s32 v39, v0;
	_ =	sdelay $0x3  }
0x28a: {  	[tilespmem:v6+s28+$0x0] =	vst.idx.msk $0xffff, v1;
	v1 =	vor.u32 $0x1A80, v10  }
0x28b: {  	v40 =	vor.u32 $0x1E0, v18;
	v6 =	vld.idx.msk [tilespmem:v7+s11+$0x0], $0xffff;
	v7 =	vor.u32 v1, v5  }
0x28c: {  	v8 =	vadd.s32 v40, v0;
	_ =	sdelay $0x3  }
0x28d: {  	[tilespmem:v7+s28+$0x0] =	vst.idx.msk $0xffff, v6;
	v6 =	vor.u32 $0x1B00, v10  }
0x28e: {  	v7 =	vld.idx.msk [tilespmem:v8+s11+$0x0], $0xffff;
	v8 =	vor.u32 v6, v5  }
0x28f: {  	v41 =	vor.u32 $0x1F0, v18  }
0x290: {  	v9 =	vadd.s32 v41, v0;
	_ =	sdelay $0x2  }
0x291: {  	s18 =	simm.s32 $0x10;
	[tilespmem:v8+s28+$0x0] =	vst.idx.msk $0xffff, v7;
	v7 =	vlaneseq.u32  }
0x292: {  	v0 =	vor.u32 $0x1B80, v10;
	v8 =	vor.u32 s18, v7  }
0x293: {  	s20 =	simm.s32 $0x1;
	s22 =	simm.s32 $0x2;
	v10 =	vor.u32 v0, v5;
	v7 =	vld.idx.msk [tilespmem:v9+s11+$0x0], $0xffff;
	v9 =	vand.u32 v13, v8;
	v5 =	vand.u32 $0x38, v8  }
.LBB2_4:
0x294: {  	_ =	sdelay $0x3  }
0x295: {  	[tilespmem:v10+s28+$0x0] =	vst.idx.msk $0xffff, v7  }
0x296: {  	v7 =	vld.idx.msk [tilespmem:v9+s9+$0x0], $0xffff;
	_ =	sdelay $0x4  }
0x297: {  	s29 =	sshll.u32 s20, $0xD;
	v9 =	vand.u32 $0xFFFFFFF8, v7  }
0x298: {  	v7 =	vand.u32 $0x7, v7;
	v9 =	vadd.s32 s29, v9  }
0x299: {  	v7 =	vor.u32 v7, v9  }
0x29a: {  	v9 =	vadd.s32 v18, v7;
	_ =	sdelay $0x4  }
0x29b: {  	v8 =	vand.u32 v11, v8;
	v9 =	vld.idx.msk [tilespmem:v9+s11+$0x0], $0xffff  }
0x29c: {  	v10 =	vadd.s32 v14, v7;
	_ =	sdelay $0x3  }
0x29d: {  	[tilespmem:v8+s28+$0x0] =	vst.idx.msk $0xffff, v9  }
0x29e: {  	v9 =	vor.u32 v16, v5;
	v8 =	vld.idx.msk [tilespmem:v10+s11+$0x0], $0xffff  }
0x29f: {  	v10 =	vadd.s32 v17, v7;
	_ =	sdelay $0x3  }
0x2a0: {  	[tilespmem:v9+s28+$0x0] =	vst.idx.msk $0xffff, v8  }
0x2a1: {  	v9 =	vor.u32 v3, v5;
	v8 =	vld.idx.msk [tilespmem:v10+s11+$0x0], $0xffff  }
0x2a2: {  	v10 =	vadd.s32 v12, v7;
	_ =	sdelay $0x3  }
0x2a3: {  	[tilespmem:v9+s28+$0x0] =	vst.idx.msk $0xffff, v8  }
0x2a4: {  	v8 =	vld.idx.msk [tilespmem:v10+s11+$0x0], $0xffff  }
0x2a5: {  	v10 =	vld [tilespmem:$0x1FFF0];
	_ =	sdelay $0x3  }
0x2a6: {  	v9 =	vor.u32 v19, v5  }
0x2a7: {  	v10 =	vadd.s32 v10, v7;
	_ =	sdelay $0x3  }
0x2a8: {  	[tilespmem:v9+s28+$0x0] =	vst.idx.msk $0xffff, v8  }
0x2a9: {  	v8 =	vld.idx.msk [tilespmem:v10+s11+$0x0], $0xffff  }
0x2aa: {  	v10 =	vld [tilespmem:$0x1FFE0];
	_ =	sdelay $0x3  }
0x2ab: {  	v9 =	vor.u32 v15, v5  }
0x2ac: {  	v10 =	vadd.s32 v10, v7;
	_ =	sdelay $0x3  }
0x2ad: {  	[tilespmem:v9+s28+$0x0] =	vst.idx.msk $0xffff, v8  }
0x2ae: {  	v8 =	vld.idx.msk [tilespmem:v10+s11+$0x0], $0xffff  }
0x2af: {  	v10 =	vld [tilespmem:$0x1FEE0];
	_ =	sdelay $0x3  }
0x2b0: {  	v9 =	vor.u32 v42, v5  }
0x2b1: {  	v10 =	vadd.s32 v10, v7;
	_ =	sdelay $0x3  }
0x2b2: {  	[tilespmem:v9+s28+$0x0] =	vst.idx.msk $0xffff, v8  }
0x2b3: {  	v8 =	vld.idx.msk [tilespmem:v10+s11+$0x0], $0xffff  }
0x2b4: {  	v10 =	vld [tilespmem:$0x1FEF0];
	_ =	sdelay $0x3  }
0x2b5: {  	v9 =	vor.u32 v43, v5  }
0x2b6: {  	v10 =	vadd.s32 v10, v7;
	_ =	sdelay $0x3  }
0x2b7: {  	[tilespmem:v9+s28+$0x0] =	vst.idx.msk $0xffff, v8  }
0x2b8: {  	v8 =	vld.idx.msk [tilespmem:v10+s11+$0x0], $0xffff  }
0x2b9: {  	v10 =	vld [tilespmem:$0x1FF00];
	_ =	sdelay $0x3  }
0x2ba: {  	v9 =	vor.u32 v44, v5  }
0x2bb: {  	v10 =	vadd.s32 v10, v7;
	_ =	sdelay $0x3  }
0x2bc: {  	[tilespmem:v9+s28+$0x0] =	vst.idx.msk $0xffff, v8  }
0x2bd: {  	v8 =	vld.idx.msk [tilespmem:v10+s11+$0x0], $0xffff  }
0x2be: {  	v10 =	vld [tilespmem:$0x1FF10];
	_ =	sdelay $0x3  }
0x2bf: {  	v9 =	vor.u32 v45, v5  }
0x2c0: {  	v10 =	vadd.s32 v10, v7;
	_ =	sdelay $0x3  }
0x2c1: {  	[tilespmem:v9+s28+$0x0] =	vst.idx.msk $0xffff, v8  }
0x2c2: {  	v9 =	vor.u32 v46, v5;
	v8 =	vld.idx.msk [tilespmem:v10+s11+$0x0], $0xffff  }
0x2c3: {  	v10 =	vadd.s32 v26, v7;
	_ =	sdelay $0x3  }
0x2c4: {  	[tilespmem:v9+s28+$0x0] =	vst.idx.msk $0xffff, v8  }
0x2c5: {  	v9 =	vor.u32 v47, v5;
	v8 =	vld.idx.msk [tilespmem:v10+s11+$0x0], $0xffff  }
0x2c6: {  	v10 =	vadd.s32 v27, v7;
	_ =	sdelay $0x3  }
0x2c7: {  	[tilespmem:v9+s28+$0x0] =	vst.idx.msk $0xffff, v8  }
0x2c8: {  	v9 =	vor.u32 v48, v5;
	v8 =	vld.idx.msk [tilespmem:v10+s11+$0x0], $0xffff  }
0x2c9: {  	v10 =	vadd.s32 v28, v7;
	_ =	sdelay $0x3  }
0x2ca: {  	[tilespmem:v9+s28+$0x0] =	vst.idx.msk $0xffff, v8  }
0x2cb: {  	v9 =	vor.u32 v49, v5;
	v8 =	vld.idx.msk [tilespmem:v10+s11+$0x0], $0xffff  }
0x2cc: {  	v10 =	vadd.s32 v22, v7;
	_ =	sdelay $0x3  }
0x2cd: {  	[tilespmem:v9+s28+$0x0] =	vst.idx.msk $0xffff, v8  }
0x2ce: {  	v9 =	vor.u32 v50, v5;
	v8 =	vld.idx.msk [tilespmem:v10+s11+$0x0], $0xffff  }
0x2cf: {  	v10 =	vadd.s32 v29, v7;
	_ =	sdelay $0x3  }
0x2d0: {  	[tilespmem:v9+s28+$0x0] =	vst.idx.msk $0xffff, v8  }
0x2d1: {  	v9 =	vor.u32 v51, v5;
	v8 =	vld.idx.msk [tilespmem:v10+s11+$0x0], $0xffff  }
0x2d2: {  	v10 =	vadd.s32 v21, v7;
	_ =	sdelay $0x3  }
0x2d3: {  	[tilespmem:v9+s28+$0x0] =	vst.idx.msk $0xffff, v8  }
0x2d4: {  	v9 =	vor.u32 v52, v5;
	v8 =	vld.idx.msk [tilespmem:v10+s11+$0x0], $0xffff  }
0x2d5: {  	v10 =	vadd.s32 v23, v7;
	_ =	sdelay $0x3  }
0x2d6: {  	[tilespmem:v9+s28+$0x0] =	vst.idx.msk $0xffff, v8  }
0x2d7: {  	v9 =	vor.u32 v53, v5;
	v8 =	vld.idx.msk [tilespmem:v10+s11+$0x0], $0xffff  }
0x2d8: {  	v10 =	vadd.s32 v30, v7;
	_ =	sdelay $0x3  }
0x2d9: {  	[tilespmem:v9+s28+$0x0] =	vst.idx.msk $0xffff, v8  }
0x2da: {  	v9 =	vor.u32 v54, v5;
	v8 =	vld.idx.msk [tilespmem:v10+s11+$0x0], $0xffff  }
0x2db: {  	v10 =	vadd.s32 v24, v7;
	_ =	sdelay $0x3  }
0x2dc: {  	[tilespmem:v9+s28+$0x0] =	vst.idx.msk $0xffff, v8  }
0x2dd: {  	v9 =	vor.u32 v55, v5;
	v8 =	vld.idx.msk [tilespmem:v10+s11+$0x0], $0xffff  }
0x2de: {  	v10 =	vadd.s32 v31, v7;
	_ =	sdelay $0x3  }
0x2df: {  	[tilespmem:v9+s28+$0x0] =	vst.idx.msk $0xffff, v8  }
0x2e0: {  	v9 =	vor.u32 v56, v5;
	v8 =	vld.idx.msk [tilespmem:v10+s11+$0x0], $0xffff  }
0x2e1: {  	v10 =	vadd.s32 v20, v7;
	_ =	sdelay $0x3  }
0x2e2: {  	[tilespmem:v9+s28+$0x0] =	vst.idx.msk $0xffff, v8  }
0x2e3: {  	v9 =	vor.u32 v57, v5;
	v8 =	vld.idx.msk [tilespmem:v10+s11+$0x0], $0xffff  }
0x2e4: {  	v10 =	vadd.s32 v25, v7;
	_ =	sdelay $0x3  }
0x2e5: {  	[tilespmem:v9+s28+$0x0] =	vst.idx.msk $0xffff, v8  }
0x2e6: {  	v9 =	vor.u32 v58, v5;
	v8 =	vld.idx.msk [tilespmem:v10+s11+$0x0], $0xffff  }
0x2e7: {  	v10 =	vadd.s32 v32, v7;
	_ =	sdelay $0x3  }
0x2e8: {  	[tilespmem:v9+s28+$0x0] =	vst.idx.msk $0xffff, v8  }
0x2e9: {  	v9 =	vor.u32 v59, v5;
	v8 =	vld.idx.msk [tilespmem:v10+s11+$0x0], $0xffff  }
0x2ea: {  	v10 =	vadd.s32 v33, v7;
	_ =	sdelay $0x3  }
0x2eb: {  	[tilespmem:v9+s28+$0x0] =	vst.idx.msk $0xffff, v8  }
0x2ec: {  	v9 =	vor.u32 v60, v5;
	v8 =	vld.idx.msk [tilespmem:v10+s11+$0x0], $0xffff  }
0x2ed: {  	v10 =	vadd.s32 v34, v7;
	_ =	sdelay $0x3  }
0x2ee: {  	[tilespmem:v9+s28+$0x0] =	vst.idx.msk $0xffff, v8  }
0x2ef: {  	v9 =	vor.u32 v61, v5;
	v8 =	vld.idx.msk [tilespmem:v10+s11+$0x0], $0xffff  }
0x2f0: {  	v10 =	vadd.s32 v35, v7;
	_ =	sdelay $0x3  }
0x2f1: {  	[tilespmem:v9+s28+$0x0] =	vst.idx.msk $0xffff, v8  }
0x2f2: {  	v9 =	vor.u32 v62, v5;
	v8 =	vld.idx.msk [tilespmem:v10+s11+$0x0], $0xffff  }
0x2f3: {  	v10 =	vadd.s32 v36, v7;
	_ =	sdelay $0x3  }
0x2f4: {  	[tilespmem:v9+s28+$0x0] =	vst.idx.msk $0xffff, v8  }
0x2f5: {  	v9 =	vor.u32 v63, v5;
	v8 =	vld.idx.msk [tilespmem:v10+s11+$0x0], $0xffff  }
0x2f6: {  	v10 =	vadd.s32 v37, v7;
	_ =	sdelay $0x3  }
0x2f7: {  	[tilespmem:v9+s28+$0x0] =	vst.idx.msk $0xffff, v8  }
0x2f8: {  	v9 =	vor.u32 v2, v5;
	v8 =	vld.idx.msk [tilespmem:v10+s11+$0x0], $0xffff  }
0x2f9: {  	v10 =	vadd.s32 v38, v7;
	_ =	sdelay $0x3  }
0x2fa: {  	[tilespmem:v9+s28+$0x0] =	vst.idx.msk $0xffff, v8  }
0x2fb: {  	v9 =	vor.u32 v4, v5;
	v8 =	vld.idx.msk [tilespmem:v10+s11+$0x0], $0xffff  }
0x2fc: {  	v10 =	vadd.s32 v39, v7;
	_ =	sdelay $0x3  }
0x2fd: {  	[tilespmem:v9+s28+$0x0] =	vst.idx.msk $0xffff, v8  }
0x2fe: {  	v9 =	vor.u32 v1, v5;
	v8 =	vld.idx.msk [tilespmem:v10+s11+$0x0], $0xffff  }
0x2ff: {  	v10 =	vadd.s32 v40, v7;
	_ =	sdelay $0x3  }
0x300: {  	[tilespmem:v9+s28+$0x0] =	vst.idx.msk $0xffff, v8  }
0x301: {  	v9 =	vor.u32 v6, v5;
	v8 =	vld.idx.msk [tilespmem:v10+s11+$0x0], $0xffff;
	_ =	sdelay $0x1  }
0x302: {  	p0 =	sne.s32 s22, $0x3;
	v7 =	vadd.s32 v41, v7  }
.Ltmp1:
0x303: {  	_ = 	snop;
	(pc) =	sbr.rel @p0 .LBB2_4-.Ltmp1, $4  }
0x304: {  	_ = 	snop  }
0x305: {  	s18 =	sadd.s32 $0x10, s18;
	[tilespmem:v9+s28+$0x0] =	vst.idx.msk $0xffff, v8;
	v8 =	vlaneseq.u32  }
0x306: {  	s24 =	smov.u32 s22;
	v8 =	vor.u32 s18, v8  }
0x307: {  	s22 =	sadd.s32 $0x1, s22;
	s20 =	smov.u32 s24;
	v10 =	vor.u32 v0, v5;
	v7 =	vld.idx.msk [tilespmem:v7+s11+$0x0], $0xffff;
	v9 =	vand.u32 v13, v8;
	v5 =	vand.u32 $0x38, v8  }
0x308: {  	_ =	sdelay $0x3  }
0x309: {  	[tilespmem:v10+s28+$0x0] =	vst.idx.msk $0xffff, v7  }
0x30a: {  	v7 =	vld.idx.msk [tilespmem:v9+s9+$0x0], $0xffff;
	_ =	sdelay $0x4  }
0x30b: {  	s18 =	sshll.u32 s20, $0xD;
	v9 =	vand.u32 $0xFFFFFFF8, v7  }
0x30c: {  	v7 =	vand.u32 $0x7, v7;
	v9 =	vadd.s32 s18, v9  }
0x30d: {  	v7 =	vor.u32 v7, v9  }
0x30e: {  	v9 =	vadd.s32 v18, v7;
	_ =	sdelay $0x4  }
0x30f: {  	v8 =	vand.u32 v11, v8;
	v9 =	vld.idx.msk [tilespmem:v9+s11+$0x0], $0xffff  }
0x310: {  	v10 =	vadd.s32 v14, v7;
	_ =	sdelay $0x3  }
0x311: {  	[tilespmem:v8+s28+$0x0] =	vst.idx.msk $0xffff, v9  }
0x312: {  	v9 =	vor.u32 v16, v5;
	v8 =	vld.idx.msk [tilespmem:v10+s11+$0x0], $0xffff  }
0x313: {  	v10 =	vadd.s32 v17, v7;
	_ =	sdelay $0x3  }
0x314: {  	[tilespmem:v9+s28+$0x0] =	vst.idx.msk $0xffff, v8  }
0x315: {  	v9 =	vor.u32 v3, v5;
	v8 =	vld.idx.msk [tilespmem:v10+s11+$0x0], $0xffff  }
0x316: {  	v10 =	vadd.s32 v12, v7;
	_ =	sdelay $0x3  }
0x317: {  	[tilespmem:v9+s28+$0x0] =	vst.idx.msk $0xffff, v8  }
0x318: {  	v8 =	vld.idx.msk [tilespmem:v10+s11+$0x0], $0xffff  }
0x319: {  	v10 =	vld [tilespmem:$0x1FFF0];
	_ =	sdelay $0x3  }
0x31a: {  	v9 =	vor.u32 v19, v5  }
0x31b: {  	v10 =	vadd.s32 v10, v7;
	_ =	sdelay $0x3  }
0x31c: {  	[tilespmem:v9+s28+$0x0] =	vst.idx.msk $0xffff, v8  }
0x31d: {  	v8 =	vld.idx.msk [tilespmem:v10+s11+$0x0], $0xffff  }
0x31e: {  	v10 =	vld [tilespmem:$0x1FFE0];
	_ =	sdelay $0x3  }
0x31f: {  	v9 =	vor.u32 v15, v5  }
0x320: {  	v10 =	vadd.s32 v10, v7;
	_ =	sdelay $0x3  }
0x321: {  	[tilespmem:v9+s28+$0x0] =	vst.idx.msk $0xffff, v8  }
0x322: {  	v8 =	vld.idx.msk [tilespmem:v10+s11+$0x0], $0xffff  }
0x323: {  	v10 =	vld [tilespmem:$0x1FEE0];
	_ =	sdelay $0x3  }
0x324: {  	v9 =	vor.u32 v42, v5  }
0x325: {  	v10 =	vadd.s32 v10, v7;
	_ =	sdelay $0x3  }
0x326: {  	[tilespmem:v9+s28+$0x0] =	vst.idx.msk $0xffff, v8  }
0x327: {  	v8 =	vld.idx.msk [tilespmem:v10+s11+$0x0], $0xffff  }
0x328: {  	v10 =	vld [tilespmem:$0x1FEF0];
	_ =	sdelay $0x3  }
0x329: {  	v9 =	vor.u32 v43, v5  }
0x32a: {  	v10 =	vadd.s32 v10, v7;
	_ =	sdelay $0x3  }
0x32b: {  	[tilespmem:v9+s28+$0x0] =	vst.idx.msk $0xffff, v8  }
0x32c: {  	v8 =	vld.idx.msk [tilespmem:v10+s11+$0x0], $0xffff  }
0x32d: {  	v10 =	vld [tilespmem:$0x1FF00];
	_ =	sdelay $0x3  }
0x32e: {  	v9 =	vor.u32 v44, v5  }
0x32f: {  	v10 =	vadd.s32 v10, v7;
	_ =	sdelay $0x3  }
0x330: {  	[tilespmem:v9+s28+$0x0] =	vst.idx.msk $0xffff, v8  }
0x331: {  	v8 =	vld.idx.msk [tilespmem:v10+s11+$0x0], $0xffff  }
0x332: {  	v10 =	vld [tilespmem:$0x1FF10];
	_ =	sdelay $0x3  }
0x333: {  	v9 =	vor.u32 v45, v5  }
0x334: {  	v10 =	vadd.s32 v10, v7;
	_ =	sdelay $0x3  }
0x335: {  	[tilespmem:v9+s28+$0x0] =	vst.idx.msk $0xffff, v8  }
0x336: {  	v9 =	vor.u32 v46, v5;
	v8 =	vld.idx.msk [tilespmem:v10+s11+$0x0], $0xffff  }
0x337: {  	v10 =	vadd.s32 v26, v7;
	_ =	sdelay $0x3  }
0x338: {  	[tilespmem:v9+s28+$0x0] =	vst.idx.msk $0xffff, v8  }
0x339: {  	v9 =	vor.u32 v47, v5;
	v8 =	vld.idx.msk [tilespmem:v10+s11+$0x0], $0xffff  }
0x33a: {  	v10 =	vadd.s32 v27, v7;
	_ =	sdelay $0x3  }
0x33b: {  	[tilespmem:v9+s28+$0x0] =	vst.idx.msk $0xffff, v8  }
0x33c: {  	v9 =	vor.u32 v48, v5;
	v8 =	vld.idx.msk [tilespmem:v10+s11+$0x0], $0xffff  }
0x33d: {  	v10 =	vadd.s32 v28, v7;
	_ =	sdelay $0x3  }
0x33e: {  	[tilespmem:v9+s28+$0x0] =	vst.idx.msk $0xffff, v8  }
0x33f: {  	v9 =	vor.u32 v49, v5;
	v8 =	vld.idx.msk [tilespmem:v10+s11+$0x0], $0xffff  }
0x340: {  	v10 =	vadd.s32 v22, v7;
	_ =	sdelay $0x3  }
0x341: {  	[tilespmem:v9+s28+$0x0] =	vst.idx.msk $0xffff, v8  }
0x342: {  	v9 =	vor.u32 v50, v5;
	v8 =	vld.idx.msk [tilespmem:v10+s11+$0x0], $0xffff  }
0x343: {  	v10 =	vadd.s32 v29, v7;
	_ =	sdelay $0x3  }
0x344: {  	[tilespmem:v9+s28+$0x0] =	vst.idx.msk $0xffff, v8  }
0x345: {  	v9 =	vor.u32 v51, v5;
	v8 =	vld.idx.msk [tilespmem:v10+s11+$0x0], $0xffff  }
0x346: {  	v10 =	vadd.s32 v21, v7;
	_ =	sdelay $0x3  }
0x347: {  	[tilespmem:v9+s28+$0x0] =	vst.idx.msk $0xffff, v8  }
0x348: {  	v9 =	vor.u32 v52, v5;
	v8 =	vld.idx.msk [tilespmem:v10+s11+$0x0], $0xffff  }
0x349: {  	v10 =	vadd.s32 v23, v7;
	_ =	sdelay $0x3  }
0x34a: {  	[tilespmem:v9+s28+$0x0] =	vst.idx.msk $0xffff, v8  }
0x34b: {  	v9 =	vor.u32 v53, v5;
	v8 =	vld.idx.msk [tilespmem:v10+s11+$0x0], $0xffff  }
0x34c: {  	v10 =	vadd.s32 v30, v7;
	_ =	sdelay $0x3  }
0x34d: {  	[tilespmem:v9+s28+$0x0] =	vst.idx.msk $0xffff, v8  }
0x34e: {  	v9 =	vor.u32 v54, v5;
	v8 =	vld.idx.msk [tilespmem:v10+s11+$0x0], $0xffff  }
0x34f: {  	v10 =	vadd.s32 v24, v7;
	_ =	sdelay $0x3  }
0x350: {  	[tilespmem:v9+s28+$0x0] =	vst.idx.msk $0xffff, v8  }
0x351: {  	v9 =	vor.u32 v55, v5;
	v8 =	vld.idx.msk [tilespmem:v10+s11+$0x0], $0xffff  }
0x352: {  	v10 =	vadd.s32 v31, v7;
	_ =	sdelay $0x3  }
0x353: {  	[tilespmem:v9+s28+$0x0] =	vst.idx.msk $0xffff, v8  }
0x354: {  	v9 =	vor.u32 v56, v5;
	v8 =	vld.idx.msk [tilespmem:v10+s11+$0x0], $0xffff  }
0x355: {  	v10 =	vadd.s32 v20, v7;
	_ =	sdelay $0x3  }
0x356: {  	[tilespmem:v9+s28+$0x0] =	vst.idx.msk $0xffff, v8  }
0x357: {  	v9 =	vor.u32 v57, v5;
	v8 =	vld.idx.msk [tilespmem:v10+s11+$0x0], $0xffff  }
0x358: {  	v10 =	vadd.s32 v25, v7;
	_ =	sdelay $0x3  }
0x359: {  	[tilespmem:v9+s28+$0x0] =	vst.idx.msk $0xffff, v8  }
0x35a: {  	v9 =	vor.u32 v58, v5;
	v8 =	vld.idx.msk [tilespmem:v10+s11+$0x0], $0xffff  }
0x35b: {  	v10 =	vadd.s32 v32, v7;
	_ =	sdelay $0x3  }
0x35c: {  	[tilespmem:v9+s28+$0x0] =	vst.idx.msk $0xffff, v8  }
0x35d: {  	v9 =	vor.u32 v59, v5;
	v8 =	vld.idx.msk [tilespmem:v10+s11+$0x0], $0xffff  }
0x35e: {  	v10 =	vadd.s32 v33, v7;
	_ =	sdelay $0x3  }
0x35f: {  	[tilespmem:v9+s28+$0x0] =	vst.idx.msk $0xffff, v8  }
0x360: {  	v9 =	vor.u32 v60, v5;
	v8 =	vld.idx.msk [tilespmem:v10+s11+$0x0], $0xffff  }
0x361: {  	v10 =	vadd.s32 v34, v7;
	_ =	sdelay $0x3  }
0x362: {  	[tilespmem:v9+s28+$0x0] =	vst.idx.msk $0xffff, v8  }
0x363: {  	v9 =	vor.u32 v61, v5;
	v8 =	vld.idx.msk [tilespmem:v10+s11+$0x0], $0xffff  }
0x364: {  	v10 =	vadd.s32 v35, v7;
	_ =	sdelay $0x3  }
0x365: {  	[tilespmem:v9+s28+$0x0] =	vst.idx.msk $0xffff, v8  }
0x366: {  	v9 =	vor.u32 v62, v5;
	v8 =	vld.idx.msk [tilespmem:v10+s11+$0x0], $0xffff  }
0x367: {  	v10 =	vadd.s32 v36, v7;
	_ =	sdelay $0x3  }
0x368: {  	[tilespmem:v9+s28+$0x0] =	vst.idx.msk $0xffff, v8  }
0x369: {  	v9 =	vor.u32 v63, v5;
	v8 =	vld.idx.msk [tilespmem:v10+s11+$0x0], $0xffff  }
0x36a: {  	v10 =	vadd.s32 v37, v7;
	_ =	sdelay $0x3  }
0x36b: {  	[tilespmem:v9+s28+$0x0] =	vst.idx.msk $0xffff, v8  }
0x36c: {  	v9 =	vor.u32 v2, v5;
	v8 =	vld.idx.msk [tilespmem:v10+s11+$0x0], $0xffff  }
0x36d: {  	v10 =	vadd.s32 v38, v7;
	_ =	sdelay $0x3  }
0x36e: {  	[tilespmem:v9+s28+$0x0] =	vst.idx.msk $0xffff, v8  }
0x36f: {  	v9 =	vor.u32 v4, v5;
	v8 =	vld.idx.msk [tilespmem:v10+s11+$0x0], $0xffff  }
0x370: {  	v10 =	vadd.s32 v39, v7;
	_ =	sdelay $0x3  }
0x371: {  	[tilespmem:v9+s28+$0x0] =	vst.idx.msk $0xffff, v8  }
0x372: {  	v9 =	vor.u32 v1, v5;
	v8 =	vld.idx.msk [tilespmem:v10+s11+$0x0], $0xffff  }
0x373: {  	v10 =	vadd.s32 v40, v7;
	_ =	sdelay $0x3  }
0x374: {  	[tilespmem:v9+s28+$0x0] =	vst.idx.msk $0xffff, v8  }
0x375: {  	v9 =	vor.u32 v6, v5;
	v8 =	vld.idx.msk [tilespmem:v10+s11+$0x0], $0xffff  }
0x376: {  	[tilespmem:$0x1FE20] =	vst v26;
	v7 =	vadd.s32 v41, v7  }
0x377: {  	[tilespmem:$0x1FE30] =	vst v27  }
0x378: {  	[tilespmem:$0x1FE40] =	vst v28  }
0x379: {  	[tilespmem:$0x1FE50] =	vst v22  }
0x37a: {  	[tilespmem:v9+s28+$0x0] =	vst.idx.msk $0xffff, v8  }
0x37b: {  	[tilespmem:$0x1FE60] =	vst v29;
	v5 =	vor.u32 v0, v5;
	v7 =	vld.idx.msk [tilespmem:v7+s11+$0x0], $0xffff  }
0x37c: {  	[tilespmem:$0x1FE70] =	vst v21  }
0x37d: {  	[tilespmem:$0x1FE80] =	vst v23  }
0x37e: {  	[tilespmem:$0x1FE90] =	vst v30  }
0x37f: {  	[tilespmem:$0x1FEA0] =	vst v24  }
0x380: {  	s20 =	simm.s32 $0x1320;
	[tilespmem:v5+s28+$0x0] =	vst.idx.msk $0xffff, v7  }
0x381: {  	[tilespmem:s11], [sflag:$0x1] =	stream.indirect.gather [hbm4b:s1+s9], $0x10, s20, s9, $0xb8;
	[tilespmem:$0x14320] =	vst v63  }
0x382: {  	[tilespmem:$0x1FEB0] =	vst v31  }
0x383: {  	[tilespmem:s13], [sflag:$0x1] =	stream.indirect.gather [hbm4b:s1+s9], $0x10, s30, s9, $0xb8;
	[tilespmem:$0x14320] =	vst v63  }
0x384: {  	[tilespmem:$0x1FEC0] =	vst v20  }
0x385: {  	[tilespmem:s15], [sflag:$0x1] =	stream.indirect.gather [hbm4b:s1+s9], $0x10, s31, s9, $0xb8;
	[tilespmem:$0x14320] =	vst v63  }
0x386: {  	[tilespmem:$0x1FED0] =	vst v25  }
0x387: {  	[tilespmem:s17], [sflag:$0x1] =	stream.indirect.gather [hbm4b:s1+s9], $0x10, s0, s9, $0xb8;
	[tilespmem:$0x14320] =	vst v63  }
0x388: {  	_ =	swait.ge [sflag:s4], $0x2000  }
0x389: {  	[sflag:s4] =	ssyncset.done $0x0  }
0x38a: {  	[sflag:s4] =	ssyncadd.s32 $0xFFFFE000  }
0x38b: {  	_ =	swait.ge [sflag:s4], $0x2000  }
0x38c: {  	[sflag:s4] =	ssyncset.done $0x0  }
0x38d: {  	s22 =	simm.s32 $0x40;
	v5 =	vlaneseq.u32;
	[sflag:s4] =	ssyncadd.s32 $0xFFFFE000  }
0x38e: {  	v7 =	vor.u32 s22, v5;
	_ =	swait.ge [sflag:s4], $0x2000  }
0x38f: {  	v5 =	vand.u32 v13, v7;
	[sflag:s4] =	ssyncset.done $0x0  }
0x390: {  	[sflag:s4] =	ssyncadd.s32 $0xFFFFE000  }
0x391: {  	_ =	swait.ge [sflag:s4], $0x2000  }
0x392: {  	[sflag:s4] =	ssyncset.done $0x0  }
0x393: {  	[sflag:s4] =	ssyncadd.s32 $0xFFFFE000  }
0x394: {  	v5 =	vld.idx.msk [tilespmem:v5+s9+$0x0], $0xffff;
	_ =	sdelay $0x4  }
0x395: {  	s24 =	simm.s32 $0x0;
	v8 =	vand.u32 $0xFFFFFFF8, v5  }
0x396: {  	v5 =	vand.u32 $0x7, v5;
	v8 =	vadd.s32 s24, v8  }
0x397: {  	v8 =	vor.u32 v5, v8;
	v5 =	vld [tilespmem:$0x1FFA0]  }
0x398: {  	v9 =	vadd.s32 v18, v8;
	_ =	sdelay $0x3  }
0x399: {  	v5 =	vor.u32 $0x78, v5  }
0x39a: {  	v9 =	vld.idx.msk [tilespmem:v9+s19+$0x0], $0xffff;
	v10 =	vand.u32 v5, v7  }
0x39b: {  	v11 =	vadd.s32 v14, v8;
	_ =	sdelay $0x3  }
0x39c: {  	v12 =	vand.u32 $0x78, v7;
	[tilespmem:v10+s28+$0x0] =	vst.idx.msk $0xffff, v9  }
0x39d: {  	v9 =	vor.u32 v16, v12;
	v7 =	vld.idx.msk [tilespmem:v11+s19+$0x0], $0xffff  }
0x39e: {  	v10 =	vadd.s32 v17, v8;
	_ =	sdelay $0x3  }
0x39f: {  	[tilespmem:v9+s28+$0x0] =	vst.idx.msk $0xffff, v7  }
0x3a0: {  	v7 =	vld.idx.msk [tilespmem:v10+s19+$0x0], $0xffff  }
0x3a1: {  	v10 =	vld [tilespmem:$0x1FF90];
	_ =	sdelay $0x3  }
0x3a2: {  	v9 =	vor.u32 v3, v12  }
0x3a3: {  	v10 =	vadd.s32 v10, v8;
	_ =	sdelay $0x3  }
0x3a4: {  	[tilespmem:v9+s28+$0x0] =	vst.idx.msk $0xffff, v7  }
0x3a5: {  	v7 =	vld.idx.msk [tilespmem:v10+s19+$0x0], $0xffff  }
0x3a6: {  	v10 =	vld [tilespmem:$0x1FFF0];
	_ =	sdelay $0x3  }
0x3a7: {  	v9 =	vor.u32 v19, v12  }
0x3a8: {  	v10 =	vadd.s32 v10, v8;
	_ =	sdelay $0x3  }
0x3a9: {  	[tilespmem:v9+s28+$0x0] =	vst.idx.msk $0xffff, v7  }
0x3aa: {  	v7 =	vld.idx.msk [tilespmem:v10+s19+$0x0], $0xffff  }
0x3ab: {  	v10 =	vld [tilespmem:$0x1FFE0];
	_ =	sdelay $0x3  }
0x3ac: {  	v9 =	vor.u32 v15, v12  }
0x3ad: {  	v10 =	vadd.s32 v10, v8;
	_ =	sdelay $0x3  }
0x3ae: {  	[tilespmem:v9+s28+$0x0] =	vst.idx.msk $0xffff, v7  }
0x3af: {  	v7 =	vld.idx.msk [tilespmem:v10+s19+$0x0], $0xffff  }
0x3b0: {  	v10 =	vld [tilespmem:$0x1FEE0];
	_ =	sdelay $0x3  }
0x3b1: {  	v9 =	vor.u32 v42, v12  }
0x3b2: {  	v10 =	vadd.s32 v10, v8;
	_ =	sdelay $0x3  }
0x3b3: {  	[tilespmem:v9+s28+$0x0] =	vst.idx.msk $0xffff, v7  }
0x3b4: {  	v7 =	vld.idx.msk [tilespmem:v10+s19+$0x0], $0xffff  }
0x3b5: {  	v10 =	vld [tilespmem:$0x1FEF0];
	_ =	sdelay $0x3  }
0x3b6: {  	v9 =	vor.u32 v43, v12  }
0x3b7: {  	v10 =	vadd.s32 v10, v8;
	_ =	sdelay $0x3  }
0x3b8: {  	[tilespmem:v9+s28+$0x0] =	vst.idx.msk $0xffff, v7  }
0x3b9: {  	v7 =	vld.idx.msk [tilespmem:v10+s19+$0x0], $0xffff  }
0x3ba: {  	v10 =	vld [tilespmem:$0x1FF00];
	_ =	sdelay $0x3  }
0x3bb: {  	v9 =	vor.u32 v44, v12  }
0x3bc: {  	v10 =	vadd.s32 v10, v8;
	_ =	sdelay $0x3  }
0x3bd: {  	[tilespmem:v9+s28+$0x0] =	vst.idx.msk $0xffff, v7  }
0x3be: {  	v7 =	vld.idx.msk [tilespmem:v10+s19+$0x0], $0xffff  }
0x3bf: {  	v10 =	vld [tilespmem:$0x1FF10];
	_ =	sdelay $0x3  }
0x3c0: {  	v9 =	vor.u32 v45, v12  }
0x3c1: {  	v10 =	vadd.s32 v10, v8;
	_ =	sdelay $0x3  }
0x3c2: {  	[tilespmem:v9+s28+$0x0] =	vst.idx.msk $0xffff, v7  }
0x3c3: {  	v7 =	vld.idx.msk [tilespmem:v10+s19+$0x0], $0xffff  }
0x3c4: {  	v10 =	vld [tilespmem:$0x1FE20];
	_ =	sdelay $0x3  }
0x3c5: {  	v9 =	vor.u32 v46, v12  }
0x3c6: {  	v10 =	vadd.s32 v10, v8;
	_ =	sdelay $0x3  }
0x3c7: {  	[tilespmem:v9+s28+$0x0] =	vst.idx.msk $0xffff, v7  }
0x3c8: {  	v7 =	vld.idx.msk [tilespmem:v10+s19+$0x0], $0xffff  }
0x3c9: {  	v10 =	vld [tilespmem:$0x1FE30];
	_ =	sdelay $0x3  }
0x3ca: {  	v9 =	vor.u32 v47, v12  }
0x3cb: {  	v10 =	vadd.s32 v10, v8;
	_ =	sdelay $0x3  }
0x3cc: {  	[tilespmem:v9+s28+$0x0] =	vst.idx.msk $0xffff, v7  }
0x3cd: {  	v7 =	vld.idx.msk [tilespmem:v10+s19+$0x0], $0xffff  }
0x3ce: {  	v10 =	vld [tilespmem:$0x1FE40];
	_ =	sdelay $0x3  }
0x3cf: {  	v9 =	vor.u32 v48, v12  }
0x3d0: {  	v10 =	vadd.s32 v10, v8;
	_ =	sdelay $0x3  }
0x3d1: {  	[tilespmem:v9+s28+$0x0] =	vst.idx.msk $0xffff, v7  }
0x3d2: {  	v7 =	vld.idx.msk [tilespmem:v10+s19+$0x0], $0xffff  }
0x3d3: {  	v10 =	vld [tilespmem:$0x1FE50];
	_ =	sdelay $0x3  }
0x3d4: {  	v9 =	vor.u32 v49, v12  }
0x3d5: {  	v10 =	vadd.s32 v10, v8;
	_ =	sdelay $0x3  }
0x3d6: {  	[tilespmem:v9+s28+$0x0] =	vst.idx.msk $0xffff, v7  }
0x3d7: {  	v7 =	vld.idx.msk [tilespmem:v10+s19+$0x0], $0xffff  }
0x3d8: {  	v10 =	vld [tilespmem:$0x1FE60];
	_ =	sdelay $0x3  }
0x3d9: {  	v9 =	vor.u32 v50, v12  }
0x3da: {  	v10 =	vadd.s32 v10, v8;
	_ =	sdelay $0x3  }
0x3db: {  	[tilespmem:v9+s28+$0x0] =	vst.idx.msk $0xffff, v7  }
0x3dc: {  	v7 =	vld.idx.msk [tilespmem:v10+s19+$0x0], $0xffff  }
0x3dd: {  	v10 =	vld [tilespmem:$0x1FE70];
	_ =	sdelay $0x3  }
0x3de: {  	v9 =	vor.u32 v51, v12  }
0x3df: {  	v10 =	vadd.s32 v10, v8;
	_ =	sdelay $0x3  }
0x3e0: {  	[tilespmem:v9+s28+$0x0] =	vst.idx.msk $0xffff, v7  }
0x3e1: {  	v7 =	vld.idx.msk [tilespmem:v10+s19+$0x0], $0xffff  }
0x3e2: {  	v10 =	vld [tilespmem:$0x1FE80];
	_ =	sdelay $0x3  }
0x3e3: {  	v9 =	vor.u32 v52, v12  }
0x3e4: {  	v10 =	vadd.s32 v10, v8;
	_ =	sdelay $0x3  }
0x3e5: {  	[tilespmem:v9+s28+$0x0] =	vst.idx.msk $0xffff, v7  }
0x3e6: {  	v7 =	vld.idx.msk [tilespmem:v10+s19+$0x0], $0xffff  }
0x3e7: {  	v10 =	vld [tilespmem:$0x1FE90];
	_ =	sdelay $0x3  }
0x3e8: {  	v9 =	vor.u32 v53, v12  }
0x3e9: {  	v10 =	vadd.s32 v10, v8;
	_ =	sdelay $0x3  }
0x3ea: {  	[tilespmem:v9+s28+$0x0] =	vst.idx.msk $0xffff, v7  }
0x3eb: {  	v7 =	vld.idx.msk [tilespmem:v10+s19+$0x0], $0xffff  }
0x3ec: {  	v10 =	vld [tilespmem:$0x1FEA0];
	_ =	sdelay $0x3  }
0x3ed: {  	v9 =	vor.u32 v54, v12  }
0x3ee: {  	v10 =	vadd.s32 v10, v8;
	_ =	sdelay $0x3  }
0x3ef: {  	[tilespmem:v9+s28+$0x0] =	vst.idx.msk $0xffff, v7  }
0x3f0: {  	v7 =	vld.idx.msk [tilespmem:v10+s19+$0x0], $0xffff  }
0x3f1: {  	v10 =	vld [tilespmem:$0x1FEB0];
	_ =	sdelay $0x3  }
0x3f2: {  	v9 =	vor.u32 v55, v12  }
0x3f3: {  	v10 =	vadd.s32 v10, v8;
	_ =	sdelay $0x3  }
0x3f4: {  	[tilespmem:v9+s28+$0x0] =	vst.idx.msk $0xffff, v7  }
0x3f5: {  	v7 =	vld.idx.msk [tilespmem:v10+s19+$0x0], $0xffff  }
0x3f6: {  	v10 =	vld [tilespmem:$0x1FEC0];
	_ =	sdelay $0x3  }
0x3f7: {  	v9 =	vor.u32 v56, v12  }
0x3f8: {  	v10 =	vadd.s32 v10, v8;
	_ =	sdelay $0x3  }
0x3f9: {  	[tilespmem:v9+s28+$0x0] =	vst.idx.msk $0xffff, v7  }
0x3fa: {  	v7 =	vld.idx.msk [tilespmem:v10+s19+$0x0], $0xffff  }
0x3fb: {  	v10 =	vld [tilespmem:$0x1FED0];
	_ =	sdelay $0x3  }
0x3fc: {  	v9 =	vor.u32 v57, v12  }
0x3fd: {  	v10 =	vadd.s32 v10, v8;
	_ =	sdelay $0x3  }
0x3fe: {  	[tilespmem:v9+s28+$0x0] =	vst.idx.msk $0xffff, v7  }
0x3ff: {  	v9 =	vor.u32 v58, v12;
	v7 =	vld.idx.msk [tilespmem:v10+s19+$0x0], $0xffff  }
0x400: {  	v10 =	vadd.s32 v32, v8;
	_ =	sdelay $0x3  }
0x401: {  	[tilespmem:v9+s28+$0x0] =	vst.idx.msk $0xffff, v7  }
0x402: {  	v9 =	vor.u32 v59, v12;
	v7 =	vld.idx.msk [tilespmem:v10+s19+$0x0], $0xffff  }
0x403: {  	v10 =	vadd.s32 v33, v8;
	_ =	sdelay $0x3  }
0x404: {  	[tilespmem:v9+s28+$0x0] =	vst.idx.msk $0xffff, v7  }
0x405: {  	v9 =	vor.u32 v60, v12;
	v7 =	vld.idx.msk [tilespmem:v10+s19+$0x0], $0xffff  }
0x406: {  	v10 =	vadd.s32 v34, v8;
	_ =	sdelay $0x3  }
0x407: {  	[tilespmem:v9+s28+$0x0] =	vst.idx.msk $0xffff, v7  }
0x408: {  	v9 =	vor.u32 v61, v12;
	v7 =	vld.idx.msk [tilespmem:v10+s19+$0x0], $0xffff  }
0x409: {  	v10 =	vadd.s32 v35, v8;
	_ =	sdelay $0x3  }
0x40a: {  	[tilespmem:v9+s28+$0x0] =	vst.idx.msk $0xffff, v7  }
0x40b: {  	v9 =	vor.u32 v62, v12;
	v7 =	vld.idx.msk [tilespmem:v10+s19+$0x0], $0xffff  }
0x40c: {  	v10 =	vadd.s32 v36, v8;
	_ =	sdelay $0x3  }
0x40d: {  	[tilespmem:v9+s28+$0x0] =	vst.idx.msk $0xffff, v7  }
0x40e: {  	v9 =	vor.u32 v63, v12;
	v7 =	vld.idx.msk [tilespmem:v10+s19+$0x0], $0xffff  }
0x40f: {  	v10 =	vadd.s32 v37, v8;
	_ =	sdelay $0x3  }
0x410: {  	[tilespmem:v9+s28+$0x0] =	vst.idx.msk $0xffff, v7  }
0x411: {  	v9 =	vor.u32 v2, v12;
	v7 =	vld.idx.msk [tilespmem:v10+s19+$0x0], $0xffff  }
0x412: {  	v10 =	vadd.s32 v38, v8;
	_ =	sdelay $0x3  }
0x413: {  	[tilespmem:v9+s28+$0x0] =	vst.idx.msk $0xffff, v7  }
0x414: {  	v9 =	vor.u32 v4, v12;
	v7 =	vld.idx.msk [tilespmem:v10+s19+$0x0], $0xffff  }
0x415: {  	v10 =	vadd.s32 v39, v8;
	_ =	sdelay $0x3  }
0x416: {  	[tilespmem:v9+s28+$0x0] =	vst.idx.msk $0xffff, v7  }
0x417: {  	v9 =	vor.u32 v1, v12;
	v7 =	vld.idx.msk [tilespmem:v10+s19+$0x0], $0xffff  }
0x418: {  	v10 =	vadd.s32 v40, v8;
	_ =	sdelay $0x3  }
0x419: {  	[tilespmem:v9+s28+$0x0] =	vst.idx.msk $0xffff, v7  }
0x41a: {  	v9 =	vor.u32 v6, v12;
	v7 =	vld.idx.msk [tilespmem:v10+s19+$0x0], $0xffff;
	_ =	sdelay $0x1  }
0x41b: {  	v8 =	vadd.s32 v41, v8;
	_ =	sdelay $0x2  }
0x41c: {  	s29 =	simm.s32 $0x50;
	[tilespmem:v9+s28+$0x0] =	vst.idx.msk $0xffff, v7;
	v7 =	vlaneseq.u32  }
0x41d: {  	v11 =	vor.u32 v0, v12;
	v12 =	vmov v19;
	v19 =	vld [tilespmem:$0x1FF90];
	v9 =	vor.u32 s29, v7  }
0x41e: {  	s18 =	simm.s32 $0x0;
	s20 =	simm.s32 $0x60;
	v7 =	vld.idx.msk [tilespmem:v8+s19+$0x0], $0xffff;
	v10 =	vand.u32 v13, v9;
	v8 =	vand.u32 $0x78, v9  }
.LBB2_6:
0x41f: {  	_ =	sdelay $0x3  }
0x420: {  	[tilespmem:v11+s28+$0x0] =	vst.idx.msk $0xffff, v7  }
0x421: {  	v7 =	vld.idx.msk [tilespmem:v10+s9+$0x0], $0xffff;
	_ =	sdelay $0x3  }
0x422: {  	s18 =	sadd.s32 $0x1, s18  }
0x423: {  	s24 =	sshll.u32 s18, $0xD;
	v10 =	vand.u32 $0xFFFFFFF8, v7  }
0x424: {  	v7 =	vand.u32 $0x7, v7;
	v10 =	vadd.s32 s24, v10  }
0x425: {  	v7 =	vor.u32 v7, v10  }
0x426: {  	v10 =	vadd.s32 v18, v7;
	_ =	sdelay $0x4  }
0x427: {  	v9 =	vand.u32 v5, v9;
	v10 =	vld.idx.msk [tilespmem:v10+s19+$0x0], $0xffff  }
0x428: {  	v11 =	vadd.s32 v14, v7;
	_ =	sdelay $0x3  }
0x429: {  	[tilespmem:v9+s28+$0x0] =	vst.idx.msk $0xffff, v10  }
0x42a: {  	v10 =	vor.u32 v16, v8;
	v9 =	vld.idx.msk [tilespmem:v11+s19+$0x0], $0xffff  }
0x42b: {  	v11 =	vadd.s32 v17, v7;
	_ =	sdelay $0x3  }
0x42c: {  	[tilespmem:v10+s28+$0x0] =	vst.idx.msk $0xffff, v9  }
0x42d: {  	v10 =	vor.u32 v3, v8;
	v9 =	vld.idx.msk [tilespmem:v11+s19+$0x0], $0xffff  }
0x42e: {  	v11 =	vadd.s32 v19, v7;
	_ =	sdelay $0x3  }
0x42f: {  	[tilespmem:v10+s28+$0x0] =	vst.idx.msk $0xffff, v9  }
0x430: {  	v9 =	vld.idx.msk [tilespmem:v11+s19+$0x0], $0xffff  }
0x431: {  	v11 =	vld [tilespmem:$0x1FFF0];
	_ =	sdelay $0x3  }
0x432: {  	v10 =	vor.u32 v12, v8  }
0x433: {  	v11 =	vadd.s32 v11, v7;
	_ =	sdelay $0x3  }
0x434: {  	[tilespmem:v10+s28+$0x0] =	vst.idx.msk $0xffff, v9  }
0x435: {  	v9 =	vld.idx.msk [tilespmem:v11+s19+$0x0], $0xffff  }
0x436: {  	v11 =	vld [tilespmem:$0x1FFE0];
	_ =	sdelay $0x3  }
0x437: {  	v10 =	vor.u32 v15, v8  }
0x438: {  	v11 =	vadd.s32 v11, v7;
	_ =	sdelay $0x3  }
0x439: {  	[tilespmem:v10+s28+$0x0] =	vst.idx.msk $0xffff, v9  }
0x43a: {  	v9 =	vld.idx.msk [tilespmem:v11+s19+$0x0], $0xffff  }
0x43b: {  	v11 =	vld [tilespmem:$0x1FEE0];
	_ =	sdelay $0x3  }
0x43c: {  	v10 =	vor.u32 v42, v8  }
0x43d: {  	v11 =	vadd.s32 v11, v7;
	_ =	sdelay $0x3  }
0x43e: {  	[tilespmem:v10+s28+$0x0] =	vst.idx.msk $0xffff, v9  }
0x43f: {  	v9 =	vld.idx.msk [tilespmem:v11+s19+$0x0], $0xffff  }
0x440: {  	v11 =	vld [tilespmem:$0x1FEF0];
	_ =	sdelay $0x3  }
0x441: {  	v10 =	vor.u32 v43, v8  }
0x442: {  	v11 =	vadd.s32 v11, v7;
	_ =	sdelay $0x3  }
0x443: {  	[tilespmem:v10+s28+$0x0] =	vst.idx.msk $0xffff, v9  }
0x444: {  	v9 =	vld.idx.msk [tilespmem:v11+s19+$0x0], $0xffff  }
0x445: {  	v11 =	vld [tilespmem:$0x1FF00];
	_ =	sdelay $0x3  }
0x446: {  	v10 =	vor.u32 v44, v8  }
0x447: {  	v11 =	vadd.s32 v11, v7;
	_ =	sdelay $0x3  }
0x448: {  	[tilespmem:v10+s28+$0x0] =	vst.idx.msk $0xffff, v9  }
0x449: {  	v9 =	vld.idx.msk [tilespmem:v11+s19+$0x0], $0xffff  }
0x44a: {  	v11 =	vld [tilespmem:$0x1FF10];
	_ =	sdelay $0x3  }
0x44b: {  	v10 =	vor.u32 v45, v8  }
0x44c: {  	v11 =	vadd.s32 v11, v7;
	_ =	sdelay $0x3  }
0x44d: {  	[tilespmem:v10+s28+$0x0] =	vst.idx.msk $0xffff, v9  }
0x44e: {  	v10 =	vor.u32 v46, v8;
	v9 =	vld.idx.msk [tilespmem:v11+s19+$0x0], $0xffff  }
0x44f: {  	v11 =	vadd.s32 v26, v7;
	_ =	sdelay $0x3  }
0x450: {  	[tilespmem:v10+s28+$0x0] =	vst.idx.msk $0xffff, v9  }
0x451: {  	v10 =	vor.u32 v47, v8;
	v9 =	vld.idx.msk [tilespmem:v11+s19+$0x0], $0xffff  }
0x452: {  	v11 =	vadd.s32 v27, v7;
	_ =	sdelay $0x3  }
0x453: {  	[tilespmem:v10+s28+$0x0] =	vst.idx.msk $0xffff, v9  }
0x454: {  	v10 =	vor.u32 v48, v8;
	v9 =	vld.idx.msk [tilespmem:v11+s19+$0x0], $0xffff  }
0x455: {  	v11 =	vadd.s32 v28, v7;
	_ =	sdelay $0x3  }
0x456: {  	[tilespmem:v10+s28+$0x0] =	vst.idx.msk $0xffff, v9  }
0x457: {  	v10 =	vor.u32 v49, v8;
	v9 =	vld.idx.msk [tilespmem:v11+s19+$0x0], $0xffff  }
0x458: {  	v11 =	vadd.s32 v22, v7;
	_ =	sdelay $0x3  }
0x459: {  	[tilespmem:v10+s28+$0x0] =	vst.idx.msk $0xffff, v9  }
0x45a: {  	v10 =	vor.u32 v50, v8;
	v9 =	vld.idx.msk [tilespmem:v11+s19+$0x0], $0xffff  }
0x45b: {  	v11 =	vadd.s32 v29, v7;
	_ =	sdelay $0x3  }
0x45c: {  	[tilespmem:v10+s28+$0x0] =	vst.idx.msk $0xffff, v9  }
0x45d: {  	v10 =	vor.u32 v51, v8;
	v9 =	vld.idx.msk [tilespmem:v11+s19+$0x0], $0xffff  }
0x45e: {  	v11 =	vadd.s32 v21, v7;
	_ =	sdelay $0x3  }
0x45f: {  	[tilespmem:v10+s28+$0x0] =	vst.idx.msk $0xffff, v9  }
0x460: {  	v10 =	vor.u32 v52, v8;
	v9 =	vld.idx.msk [tilespmem:v11+s19+$0x0], $0xffff  }
0x461: {  	v11 =	vadd.s32 v23, v7;
	_ =	sdelay $0x3  }
0x462: {  	[tilespmem:v10+s28+$0x0] =	vst.idx.msk $0xffff, v9  }
0x463: {  	v10 =	vor.u32 v53, v8;
	v9 =	vld.idx.msk [tilespmem:v11+s19+$0x0], $0xffff  }
0x464: {  	v11 =	vadd.s32 v30, v7;
	_ =	sdelay $0x3  }
0x465: {  	[tilespmem:v10+s28+$0x0] =	vst.idx.msk $0xffff, v9  }
0x466: {  	v10 =	vor.u32 v54, v8;
	v9 =	vld.idx.msk [tilespmem:v11+s19+$0x0], $0xffff  }
0x467: {  	v11 =	vadd.s32 v24, v7;
	_ =	sdelay $0x3  }
0x468: {  	[tilespmem:v10+s28+$0x0] =	vst.idx.msk $0xffff, v9  }
0x469: {  	v10 =	vor.u32 v55, v8;
	v9 =	vld.idx.msk [tilespmem:v11+s19+$0x0], $0xffff  }
0x46a: {  	v11 =	vadd.s32 v31, v7;
	_ =	sdelay $0x3  }
0x46b: {  	[tilespmem:v10+s28+$0x0] =	vst.idx.msk $0xffff, v9  }
0x46c: {  	v10 =	vor.u32 v56, v8;
	v9 =	vld.idx.msk [tilespmem:v11+s19+$0x0], $0xffff  }
0x46d: {  	v11 =	vadd.s32 v20, v7;
	_ =	sdelay $0x3  }
0x46e: {  	[tilespmem:v10+s28+$0x0] =	vst.idx.msk $0xffff, v9  }
0x46f: {  	v10 =	vor.u32 v57, v8;
	v9 =	vld.idx.msk [tilespmem:v11+s19+$0x0], $0xffff  }
0x470: {  	v11 =	vadd.s32 v25, v7;
	_ =	sdelay $0x3  }
0x471: {  	[tilespmem:v10+s28+$0x0] =	vst.idx.msk $0xffff, v9  }
0x472: {  	v10 =	vor.u32 v58, v8;
	v9 =	vld.idx.msk [tilespmem:v11+s19+$0x0], $0xffff  }
0x473: {  	v11 =	vadd.s32 v32, v7;
	_ =	sdelay $0x3  }
0x474: {  	[tilespmem:v10+s28+$0x0] =	vst.idx.msk $0xffff, v9  }
0x475: {  	v10 =	vor.u32 v59, v8;
	v9 =	vld.idx.msk [tilespmem:v11+s19+$0x0], $0xffff  }
0x476: {  	v11 =	vadd.s32 v33, v7;
	_ =	sdelay $0x3  }
0x477: {  	[tilespmem:v10+s28+$0x0] =	vst.idx.msk $0xffff, v9  }
0x478: {  	v10 =	vor.u32 v60, v8;
	v9 =	vld.idx.msk [tilespmem:v11+s19+$0x0], $0xffff  }
0x479: {  	v11 =	vadd.s32 v34, v7;
	_ =	sdelay $0x3  }
0x47a: {  	[tilespmem:v10+s28+$0x0] =	vst.idx.msk $0xffff, v9  }
0x47b: {  	v10 =	vor.u32 v61, v8;
	v9 =	vld.idx.msk [tilespmem:v11+s19+$0x0], $0xffff  }
0x47c: {  	v11 =	vadd.s32 v35, v7;
	_ =	sdelay $0x3  }
0x47d: {  	[tilespmem:v10+s28+$0x0] =	vst.idx.msk $0xffff, v9  }
0x47e: {  	v10 =	vor.u32 v62, v8;
	v9 =	vld.idx.msk [tilespmem:v11+s19+$0x0], $0xffff  }
0x47f: {  	v11 =	vadd.s32 v36, v7;
	_ =	sdelay $0x3  }
0x480: {  	[tilespmem:v10+s28+$0x0] =	vst.idx.msk $0xffff, v9  }
0x481: {  	v10 =	vor.u32 v63, v8;
	v9 =	vld.idx.msk [tilespmem:v11+s19+$0x0], $0xffff  }
0x482: {  	v11 =	vadd.s32 v37, v7;
	_ =	sdelay $0x3  }
0x483: {  	[tilespmem:v10+s28+$0x0] =	vst.idx.msk $0xffff, v9  }
0x484: {  	v10 =	vor.u32 v2, v8;
	v9 =	vld.idx.msk [tilespmem:v11+s19+$0x0], $0xffff  }
0x485: {  	v11 =	vadd.s32 v38, v7;
	_ =	sdelay $0x3  }
0x486: {  	[tilespmem:v10+s28+$0x0] =	vst.idx.msk $0xffff, v9  }
0x487: {  	v10 =	vor.u32 v4, v8;
	v9 =	vld.idx.msk [tilespmem:v11+s19+$0x0], $0xffff  }
0x488: {  	v11 =	vadd.s32 v39, v7;
	_ =	sdelay $0x3  }
0x489: {  	[tilespmem:v10+s28+$0x0] =	vst.idx.msk $0xffff, v9  }
0x48a: {  	v10 =	vor.u32 v1, v8;
	v9 =	vld.idx.msk [tilespmem:v11+s19+$0x0], $0xffff  }
0x48b: {  	v11 =	vadd.s32 v40, v7;
	_ =	sdelay $0x3  }
0x48c: {  	[tilespmem:v10+s28+$0x0] =	vst.idx.msk $0xffff, v9  }
0x48d: {  	v10 =	vor.u32 v6, v8;
	v9 =	vld.idx.msk [tilespmem:v11+s19+$0x0], $0xffff;
	_ =	sdelay $0x1  }
0x48e: {  	p0 =	sne.s32 s20, $0x70;
	v7 =	vadd.s32 v41, v7  }
.Ltmp2:
0x48f: {  	_ = 	snop;
	(pc) =	sbr.rel @p0 .LBB2_6-.Ltmp2, $4  }
0x490: {  	_ = 	snop  }
0x491: {  	s22 =	smov.u32 s20;
	[tilespmem:v10+s28+$0x0] =	vst.idx.msk $0xffff, v9;
	v9 =	vlaneseq.u32  }
0x492: {  	v9 =	vor.u32 s22, v9  }
0x493: {  	s20 =	sadd.s32 $0x10, s20;
	v11 =	vor.u32 v0, v8;
	v7 =	vld.idx.msk [tilespmem:v7+s19+$0x0], $0xffff;
	v10 =	vand.u32 v13, v9;
	v8 =	vand.u32 $0x78, v9  }
0x494: {  	_ =	sdelay $0x3  }
0x495: {  	[tilespmem:v11+s28+$0x0] =	vst.idx.msk $0xffff, v7  }
0x496: {  	v7 =	vld.idx.msk [tilespmem:v10+s9+$0x0], $0xffff;
	_ =	sdelay $0x3  }
0x497: {  	s18 =	sadd.s32 $0x1, s18  }
0x498: {  	s18 =	sshll.u32 s18, $0xD;
	v10 =	vand.u32 $0xFFFFFFF8, v7  }
0x499: {  	v7 =	vand.u32 $0x7, v7;
	v10 =	vadd.s32 s18, v10  }
0x49a: {  	v7 =	vor.u32 v7, v10  }
0x49b: {  	v10 =	vadd.s32 v18, v7;
	_ =	sdelay $0x4  }
0x49c: {  	v5 =	vand.u32 v5, v9;
	v10 =	vld.idx.msk [tilespmem:v10+s19+$0x0], $0xffff  }
0x49d: {  	v9 =	vadd.s32 v14, v7;
	_ =	sdelay $0x3  }
0x49e: {  	[tilespmem:v5+s28+$0x0] =	vst.idx.msk $0xffff, v10  }
0x49f: {  	v5 =	vld.idx.msk [tilespmem:v9+s19+$0x0], $0xffff;
	v9 =	vor.u32 v16, v8  }
0x4a0: {  	v10 =	vadd.s32 v17, v7;
	_ =	sdelay $0x3  }
0x4a1: {  	[tilespmem:v9+s28+$0x0] =	vst.idx.msk $0xffff, v5  }
0x4a2: {  	v9 =	vor.u32 v3, v8;
	v5 =	vld.idx.msk [tilespmem:v10+s19+$0x0], $0xffff  }
0x4a3: {  	v10 =	vadd.s32 v19, v7  }
0x4a4: {  	v16 =	vld [tilespmem:$0x1FFF0];
	_ =	sdelay $0x2  }
0x4a5: {  	[tilespmem:v9+s28+$0x0] =	vst.idx.msk $0xffff, v5  }
0x4a6: {  	v9 =	vor.u32 v12, v8;
	v5 =	vld.idx.msk [tilespmem:v10+s19+$0x0], $0xffff  }
0x4a7: {  	v10 =	vadd.s32 v16, v7  }
0x4a8: {  	v12 =	vld [tilespmem:$0x1FFE0];
	_ =	sdelay $0x2  }
0x4a9: {  	[tilespmem:v9+s28+$0x0] =	vst.idx.msk $0xffff, v5  }
0x4aa: {  	v9 =	vor.u32 v15, v8;
	v5 =	vld.idx.msk [tilespmem:v10+s19+$0x0], $0xffff  }
0x4ab: {  	v10 =	vadd.s32 v12, v7  }
0x4ac: {  	v15 =	vld [tilespmem:$0x1FEE0];
	_ =	sdelay $0x2  }
0x4ad: {  	[tilespmem:v9+s28+$0x0] =	vst.idx.msk $0xffff, v5  }
0x4ae: {  	v9 =	vor.u32 v42, v8;
	v5 =	vld.idx.msk [tilespmem:v10+s19+$0x0], $0xffff  }
0x4af: {  	v10 =	vadd.s32 v15, v7  }
0x4b0: {  	v3 =	vld [tilespmem:$0x1FEF0];
	_ =	sdelay $0x2  }
0x4b1: {  	[tilespmem:v9+s28+$0x0] =	vst.idx.msk $0xffff, v5  }
0x4b2: {  	v9 =	vor.u32 v43, v8;
	v5 =	vld.idx.msk [tilespmem:v10+s19+$0x0], $0xffff  }
0x4b3: {  	v10 =	vadd.s32 v3, v7;
	_ =	sdelay $0x3  }
0x4b4: {  	[tilespmem:v9+s28+$0x0] =	vst.idx.msk $0xffff, v5  }
0x4b5: {  	v5 =	vld.idx.msk [tilespmem:v10+s19+$0x0], $0xffff  }
0x4b6: {  	v10 =	vld [tilespmem:$0x1FF00];
	_ =	sdelay $0x3  }
0x4b7: {  	v9 =	vor.u32 v44, v8  }
0x4b8: {  	v10 =	vadd.s32 v10, v7;
	_ =	sdelay $0x3  }
0x4b9: {  	[tilespmem:v9+s28+$0x0] =	vst.idx.msk $0xffff, v5  }
0x4ba: {  	v5 =	vld.idx.msk [tilespmem:v10+s19+$0x0], $0xffff  }
0x4bb: {  	v10 =	vld [tilespmem:$0x1FF10];
	_ =	sdelay $0x3  }
0x4bc: {  	v9 =	vor.u32 v45, v8  }
0x4bd: {  	v10 =	vadd.s32 v10, v7;
	_ =	sdelay $0x3  }
0x4be: {  	[tilespmem:v9+s28+$0x0] =	vst.idx.msk $0xffff, v5  }
0x4bf: {  	v9 =	vor.u32 v46, v8;
	v5 =	vld.idx.msk [tilespmem:v10+s19+$0x0], $0xffff  }
0x4c0: {  	v10 =	vadd.s32 v26, v7;
	_ =	sdelay $0x3  }
0x4c1: {  	[tilespmem:v9+s28+$0x0] =	vst.idx.msk $0xffff, v5  }
0x4c2: {  	v9 =	vor.u32 v47, v8;
	v5 =	vld.idx.msk [tilespmem:v10+s19+$0x0], $0xffff  }
0x4c3: {  	v10 =	vadd.s32 v27, v7;
	_ =	sdelay $0x3  }
0x4c4: {  	[tilespmem:v9+s28+$0x0] =	vst.idx.msk $0xffff, v5  }
0x4c5: {  	v9 =	vor.u32 v48, v8;
	v5 =	vld.idx.msk [tilespmem:v10+s19+$0x0], $0xffff  }
0x4c6: {  	v10 =	vadd.s32 v28, v7;
	_ =	sdelay $0x3  }
0x4c7: {  	[tilespmem:v9+s28+$0x0] =	vst.idx.msk $0xffff, v5  }
0x4c8: {  	v9 =	vor.u32 v49, v8;
	v5 =	vld.idx.msk [tilespmem:v10+s19+$0x0], $0xffff  }
0x4c9: {  	v10 =	vadd.s32 v22, v7;
	_ =	sdelay $0x3  }
0x4ca: {  	[tilespmem:v9+s28+$0x0] =	vst.idx.msk $0xffff, v5  }
0x4cb: {  	v9 =	vor.u32 v50, v8;
	v5 =	vld.idx.msk [tilespmem:v10+s19+$0x0], $0xffff  }
0x4cc: {  	v10 =	vadd.s32 v29, v7;
	_ =	sdelay $0x3  }
0x4cd: {  	[tilespmem:v9+s28+$0x0] =	vst.idx.msk $0xffff, v5  }
0x4ce: {  	v9 =	vor.u32 v51, v8;
	v5 =	vld.idx.msk [tilespmem:v10+s19+$0x0], $0xffff  }
0x4cf: {  	v10 =	vadd.s32 v21, v7;
	_ =	sdelay $0x3  }
0x4d0: {  	[tilespmem:v9+s28+$0x0] =	vst.idx.msk $0xffff, v5  }
0x4d1: {  	v9 =	vor.u32 v52, v8;
	v5 =	vld.idx.msk [tilespmem:v10+s19+$0x0], $0xffff  }
0x4d2: {  	v10 =	vadd.s32 v23, v7;
	_ =	sdelay $0x3  }
0x4d3: {  	[tilespmem:v9+s28+$0x0] =	vst.idx.msk $0xffff, v5  }
0x4d4: {  	v9 =	vor.u32 v53, v8;
	v5 =	vld.idx.msk [tilespmem:v10+s19+$0x0], $0xffff  }
0x4d5: {  	v10 =	vadd.s32 v30, v7;
	_ =	sdelay $0x3  }
0x4d6: {  	[tilespmem:v9+s28+$0x0] =	vst.idx.msk $0xffff, v5  }
0x4d7: {  	v9 =	vor.u32 v54, v8;
	v5 =	vld.idx.msk [tilespmem:v10+s19+$0x0], $0xffff  }
0x4d8: {  	v10 =	vadd.s32 v24, v7;
	_ =	sdelay $0x3  }
0x4d9: {  	[tilespmem:v9+s28+$0x0] =	vst.idx.msk $0xffff, v5  }
0x4da: {  	v9 =	vor.u32 v55, v8;
	v5 =	vld.idx.msk [tilespmem:v10+s19+$0x0], $0xffff  }
0x4db: {  	v10 =	vadd.s32 v31, v7;
	_ =	sdelay $0x3  }
0x4dc: {  	[tilespmem:v9+s28+$0x0] =	vst.idx.msk $0xffff, v5  }
0x4dd: {  	v9 =	vor.u32 v56, v8;
	v5 =	vld.idx.msk [tilespmem:v10+s19+$0x0], $0xffff  }
0x4de: {  	v10 =	vadd.s32 v20, v7;
	_ =	sdelay $0x3  }
0x4df: {  	[tilespmem:v9+s28+$0x0] =	vst.idx.msk $0xffff, v5  }
0x4e0: {  	v9 =	vor.u32 v57, v8;
	v5 =	vld.idx.msk [tilespmem:v10+s19+$0x0], $0xffff  }
0x4e1: {  	v10 =	vadd.s32 v25, v7;
	_ =	sdelay $0x3  }
0x4e2: {  	[tilespmem:v9+s28+$0x0] =	vst.idx.msk $0xffff, v5  }
0x4e3: {  	v9 =	vor.u32 v58, v8;
	v5 =	vld.idx.msk [tilespmem:v10+s19+$0x0], $0xffff  }
0x4e4: {  	v10 =	vadd.s32 v32, v7;
	_ =	sdelay $0x3  }
0x4e5: {  	[tilespmem:v9+s28+$0x0] =	vst.idx.msk $0xffff, v5  }
0x4e6: {  	v9 =	vor.u32 v59, v8;
	v5 =	vld.idx.msk [tilespmem:v10+s19+$0x0], $0xffff  }
0x4e7: {  	v10 =	vadd.s32 v33, v7;
	_ =	sdelay $0x3  }
0x4e8: {  	[tilespmem:v9+s28+$0x0] =	vst.idx.msk $0xffff, v5  }
0x4e9: {  	v9 =	vor.u32 v60, v8;
	v5 =	vld.idx.msk [tilespmem:v10+s19+$0x0], $0xffff  }
0x4ea: {  	v10 =	vadd.s32 v34, v7;
	_ =	sdelay $0x3  }
0x4eb: {  	[tilespmem:v9+s28+$0x0] =	vst.idx.msk $0xffff, v5  }
0x4ec: {  	v9 =	vor.u32 v61, v8;
	v5 =	vld.idx.msk [tilespmem:v10+s19+$0x0], $0xffff  }
0x4ed: {  	v10 =	vadd.s32 v35, v7;
	_ =	sdelay $0x3  }
0x4ee: {  	[tilespmem:v9+s28+$0x0] =	vst.idx.msk $0xffff, v5  }
0x4ef: {  	v9 =	vor.u32 v62, v8;
	v5 =	vld.idx.msk [tilespmem:v10+s19+$0x0], $0xffff  }
0x4f0: {  	v10 =	vadd.s32 v36, v7;
	_ =	sdelay $0x3  }
0x4f1: {  	[tilespmem:v9+s28+$0x0] =	vst.idx.msk $0xffff, v5  }
0x4f2: {  	v9 =	vor.u32 v63, v8;
	v5 =	vld.idx.msk [tilespmem:v10+s19+$0x0], $0xffff  }
0x4f3: {  	v10 =	vadd.s32 v37, v7;
	_ =	sdelay $0x3  }
0x4f4: {  	[tilespmem:v9+s28+$0x0] =	vst.idx.msk $0xffff, v5  }
0x4f5: {  	v2 =	vor.u32 v2, v8;
	v5 =	vld.idx.msk [tilespmem:v10+s19+$0x0], $0xffff  }
0x4f6: {  	v9 =	vadd.s32 v38, v7;
	_ =	sdelay $0x3  }
0x4f7: {  	[tilespmem:v2+s28+$0x0] =	vst.idx.msk $0xffff, v5  }
0x4f8: {  	v4 =	vor.u32 v4, v8;
	v2 =	vld.idx.msk [tilespmem:v9+s19+$0x0], $0xffff  }
0x4f9: {  	v5 =	vadd.s32 v39, v7;
	_ =	sdelay $0x3  }
0x4fa: {  	[tilespmem:v4+s28+$0x0] =	vst.idx.msk $0xffff, v2  }
0x4fb: {  	v1 =	vor.u32 v1, v8;
	v2 =	vld.idx.msk [tilespmem:v5+s19+$0x0], $0xffff  }
0x4fc: {  	v4 =	vadd.s32 v40, v7;
	_ =	sdelay $0x3  }
0x4fd: {  	[tilespmem:v1+s28+$0x0] =	vst.idx.msk $0xffff, v2  }
0x4fe: {  	v2 =	vor.u32 v6, v8;
	v1 =	vld.idx.msk [tilespmem:v4+s19+$0x0], $0xffff  }
0x4ff: {  	v4 =	vadd.s32 v41, v7;
	_ =	sdelay $0x3  }
0x500: {  	[tilespmem:v2+s28+$0x0] =	vst.idx.msk $0xffff, v1  }
0x501: {  	v0 =	vor.u32 v0, v8;
	v1 =	vld.idx.msk [tilespmem:v4+s19+$0x0], $0xffff;
	_ =	sdelay $0x4  }
0x502: {  	[tilespmem:v0+s28+$0x0] =	vst.idx.msk $0xffff, v1  }
0x503: {  	[tilespmem:s19], [sflag:$0x2] =	stream.indirect.gather [hbm4b:s1+s9], $0x10, s2, s9, $0xb8;
	[tilespmem:$0x14320] =	vst v63  }
0x504: {  	_ = 	snop  }
0x505: {  	[tilespmem:s21], [sflag:$0x2] =	stream.indirect.gather [hbm4b:s1+s9], $0x10, s10, s9, $0xb8;
	[tilespmem:$0x14320] =	vst v63  }
0x506: {  	_ = 	snop  }
0x507: {  	[tilespmem:s23], [sflag:$0x2] =	stream.indirect.gather [hbm4b:s1+s9], $0x10, s12, s9, $0xb8;
	[tilespmem:$0x14320] =	vst v63  }
0x508: {  	_ = 	snop  }
0x509: {  	[tilespmem:s25], [sflag:$0x2] =	stream.indirect.gather [hbm4b:s1+s9], $0x10, s14, s9, $0xb8;
	[tilespmem:$0x14320] =	vst v63  }
0x50a: {  	_ =	swait.ge [sflag:s26], $0x2000  }
0x50b: {  	[sflag:s26] =	ssyncset.done $0x0  }
0x50c: {  	[sflag:s26] =	ssyncadd.s32 $0xFFFFE000  }
0x50d: {  	_ =	swait.ge [sflag:s26], $0x2000  }
0x50e: {  	[sflag:s26] =	ssyncset.done $0x0  }
0x50f: {  	s22 =	simm.s32 $0x80;
	v0 =	vlaneseq.u32;
	[sflag:s26] =	ssyncadd.s32 $0xFFFFE000  }
0x510: {  	v0 =	vor.u32 s22, v0;
	_ =	swait.ge [sflag:s26], $0x2000  }
0x511: {  	v1 =	vand.u32 v13, v0;
	[sflag:s26] =	ssyncset.done $0x0  }
0x512: {  	[sflag:s26] =	ssyncadd.s32 $0xFFFFE000  }
0x513: {  	_ =	swait.ge [sflag:s26], $0x2000  }
0x514: {  	[sflag:s26] =	ssyncset.done $0x0  }
0x515: {  	[sflag:s26] =	ssyncadd.s32 $0xFFFFE000  }
0x516: {  	v1 =	vld.idx.msk [tilespmem:v1+s9+$0x0], $0xffff;
	_ =	sdelay $0x4  }
0x517: {  	s24 =	simm.s32 $0x0;
	v2 =	vand.u32 $0xFFFFFFF8, v1  }
0x518: {  	v1 =	vand.u32 $0x7, v1;
	v2 =	vadd.s32 s24, v2  }
0x519: {  	v5 =	vld [tilespmem:$0x1FFA0];
	v7 =	vor.u32 v1, v2  }
0x51a: {  	v1 =	vadd.s32 v18, v7;
	_ =	sdelay $0x3  }
0x51b: {  	v11 =	vand.u32 $0x38, v0;
	v42 =	vor.u32 $0x400, v5  }
0x51c: {  	v0 =	vld.idx.msk [tilespmem:v1+s11+$0x0], $0xffff;
	v1 =	vor.u32 v42, v11  }
0x51d: {  	v2 =	vadd.s32 v14, v7;
	_ =	sdelay $0x3  }
0x51e: {  	v43 =	vor.u32 $0x480, v5;
	[tilespmem:v1+s28+$0x0] =	vst.idx.msk $0xffff, v0  }
0x51f: {  	v1 =	vor.u32 v43, v11;
	v0 =	vld.idx.msk [tilespmem:v2+s11+$0x0], $0xffff  }
0x520: {  	v2 =	vadd.s32 v17, v7;
	_ =	sdelay $0x3  }
0x521: {  	v44 =	vor.u32 $0x500, v5;
	[tilespmem:v1+s28+$0x0] =	vst.idx.msk $0xffff, v0  }
0x522: {  	v1 =	vor.u32 v44, v11;
	v0 =	vld.idx.msk [tilespmem:v2+s11+$0x0], $0xffff  }
0x523: {  	v2 =	vadd.s32 v19, v7;
	_ =	sdelay $0x3  }
0x524: {  	v45 =	vor.u32 $0x580, v5;
	[tilespmem:v1+s28+$0x0] =	vst.idx.msk $0xffff, v0  }
0x525: {  	v1 =	vor.u32 v45, v11;
	v0 =	vld.idx.msk [tilespmem:v2+s11+$0x0], $0xffff  }
0x526: {  	v2 =	vadd.s32 v16, v7;
	_ =	sdelay $0x3  }
0x527: {  	v46 =	vor.u32 $0x600, v5;
	[tilespmem:v1+s28+$0x0] =	vst.idx.msk $0xffff, v0  }
0x528: {  	v1 =	vor.u32 v46, v11;
	v0 =	vld.idx.msk [tilespmem:v2+s11+$0x0], $0xffff  }
0x529: {  	v2 =	vadd.s32 v12, v7;
	_ =	sdelay $0x3  }
0x52a: {  	v47 =	vor.u32 $0x680, v5;
	[tilespmem:v1+s28+$0x0] =	vst.idx.msk $0xffff, v0  }
0x52b: {  	v1 =	vor.u32 v47, v11;
	v0 =	vld.idx.msk [tilespmem:v2+s11+$0x0], $0xffff  }
0x52c: {  	v2 =	vadd.s32 v15, v7;
	_ =	sdelay $0x3  }
0x52d: {  	v48 =	vor.u32 $0x700, v5;
	[tilespmem:v1+s28+$0x0] =	vst.idx.msk $0xffff, v0  }
0x52e: {  	v1 =	vor.u32 v48, v11;
	v0 =	vld.idx.msk [tilespmem:v2+s11+$0x0], $0xffff  }
0x52f: {  	v2 =	vadd.s32 v3, v7;
	_ =	sdelay $0x3  }
0x530: {  	[tilespmem:v1+s28+$0x0] =	vst.idx.msk $0xffff, v0  }
0x531: {  	v0 =	vld.idx.msk [tilespmem:v2+s11+$0x0], $0xffff  }
0x532: {  	v2 =	vld [tilespmem:$0x1FF00];
	_ =	sdelay $0x2  }
0x533: {  	v49 =	vor.u32 $0x780, v5  }
0x534: {  	v1 =	vor.u32 v49, v11  }
0x535: {  	v2 =	vadd.s32 v2, v7;
	_ =	sdelay $0x3  }
0x536: {  	[tilespmem:v1+s28+$0x0] =	vst.idx.msk $0xffff, v0  }
0x537: {  	v0 =	vld.idx.msk [tilespmem:v2+s11+$0x0], $0xffff  }
0x538: {  	v2 =	vld [tilespmem:$0x1FF10];
	_ =	sdelay $0x2  }
0x539: {  	v50 =	vor.u32 $0xC00, v5  }
0x53a: {  	v1 =	vor.u32 v50, v11  }
0x53b: {  	v2 =	vadd.s32 v2, v7;
	_ =	sdelay $0x3  }
0x53c: {  	[tilespmem:v1+s28+$0x0] =	vst.idx.msk $0xffff, v0  }
0x53d: {  	v0 =	vld.idx.msk [tilespmem:v2+s11+$0x0], $0xffff  }
0x53e: {  	v2 =	vld [tilespmem:$0x1FE20];
	_ =	sdelay $0x2  }
0x53f: {  	v51 =	vor.u32 $0xC80, v5  }
0x540: {  	v1 =	vor.u32 v51, v11  }
0x541: {  	v2 =	vadd.s32 v2, v7;
	_ =	sdelay $0x3  }
0x542: {  	[tilespmem:v1+s28+$0x0] =	vst.idx.msk $0xffff, v0  }
0x543: {  	v0 =	vld.idx.msk [tilespmem:v2+s11+$0x0], $0xffff  }
0x544: {  	v2 =	vld [tilespmem:$0x1FE30];
	_ =	sdelay $0x2  }
0x545: {  	v52 =	vor.u32 $0xD00, v5  }
0x546: {  	v1 =	vor.u32 v52, v11  }
0x547: {  	v2 =	vadd.s32 v2, v7;
	_ =	sdelay $0x3  }
0x548: {  	[tilespmem:v1+s28+$0x0] =	vst.idx.msk $0xffff, v0  }
0x549: {  	v0 =	vld.idx.msk [tilespmem:v2+s11+$0x0], $0xffff  }
0x54a: {  	v2 =	vld [tilespmem:$0x1FE40];
	_ =	sdelay $0x2  }
0x54b: {  	v53 =	vor.u32 $0xD80, v5  }
0x54c: {  	v1 =	vor.u32 v53, v11  }
0x54d: {  	v2 =	vadd.s32 v2, v7;
	_ =	sdelay $0x3  }
0x54e: {  	[tilespmem:v1+s28+$0x0] =	vst.idx.msk $0xffff, v0  }
0x54f: {  	v0 =	vld.idx.msk [tilespmem:v2+s11+$0x0], $0xffff  }
0x550: {  	v2 =	vld [tilespmem:$0x1FE50];
	_ =	sdelay $0x2  }
0x551: {  	v54 =	vor.u32 $0xE00, v5  }
0x552: {  	v1 =	vor.u32 v54, v11  }
0x553: {  	v2 =	vadd.s32 v2, v7;
	_ =	sdelay $0x3  }
0x554: {  	[tilespmem:v1+s28+$0x0] =	vst.idx.msk $0xffff, v0  }
0x555: {  	v0 =	vld.idx.msk [tilespmem:v2+s11+$0x0], $0xffff  }
0x556: {  	v2 =	vld [tilespmem:$0x1FE60];
	_ =	sdelay $0x2  }
0x557: {  	v55 =	vor.u32 $0xE80, v5  }
0x558: {  	v1 =	vor.u32 v55, v11  }
0x559: {  	v2 =	vadd.s32 v2, v7;
	_ =	sdelay $0x3  }
0x55a: {  	[tilespmem:v1+s28+$0x0] =	vst.idx.msk $0xffff, v0  }
0x55b: {  	v0 =	vld.idx.msk [tilespmem:v2+s11+$0x0], $0xffff  }
0x55c: {  	v2 =	vld [tilespmem:$0x1FE70];
	_ =	sdelay $0x2  }
0x55d: {  	v56 =	vor.u32 $0xF00, v5  }
0x55e: {  	v1 =	vor.u32 v56, v11  }
0x55f: {  	v2 =	vadd.s32 v2, v7;
	_ =	sdelay $0x3  }
0x560: {  	[tilespmem:v1+s28+$0x0] =	vst.idx.msk $0xffff, v0  }
0x561: {  	v0 =	vld.idx.msk [tilespmem:v2+s11+$0x0], $0xffff  }
0x562: {  	v2 =	vld [tilespmem:$0x1FE80];
	_ =	sdelay $0x2  }
0x563: {  	v57 =	vor.u32 $0xF80, v5  }
0x564: {  	v1 =	vor.u32 v57, v11  }
0x565: {  	v2 =	vadd.s32 v2, v7;
	_ =	sdelay $0x3  }
0x566: {  	[tilespmem:v1+s28+$0x0] =	vst.idx.msk $0xffff, v0  }
0x567: {  	v0 =	vld.idx.msk [tilespmem:v2+s11+$0x0], $0xffff  }
0x568: {  	v2 =	vld [tilespmem:$0x1FE90];
	_ =	sdelay $0x2  }
0x569: {  	v58 =	vor.u32 $0x1400, v5  }
0x56a: {  	v1 =	vor.u32 v58, v11  }
0x56b: {  	v2 =	vadd.s32 v2, v7;
	_ =	sdelay $0x3  }
0x56c: {  	[tilespmem:v1+s28+$0x0] =	vst.idx.msk $0xffff, v0  }
0x56d: {  	v0 =	vld.idx.msk [tilespmem:v2+s11+$0x0], $0xffff  }
0x56e: {  	v2 =	vld [tilespmem:$0x1FEA0];
	_ =	sdelay $0x2  }
0x56f: {  	v59 =	vor.u32 $0x1480, v5  }
0x570: {  	v1 =	vor.u32 v59, v11  }
0x571: {  	v4 =	vadd.s32 v2, v7  }
0x572: {  	v3 =	vld [tilespmem:$0x1FEB0];
	_ =	sdelay $0x2  }
0x573: {  	[tilespmem:v1+s28+$0x0] =	vst.idx.msk $0xffff, v0;
	v2 =	vor.u32 $0x1500, v5  }
0x574: {  	v1 =	vor.u32 v2, v11;
	v0 =	vld.idx.msk [tilespmem:v4+s11+$0x0], $0xffff  }
0x575: {  	v4 =	vadd.s32 v3, v7  }
0x576: {  	v3 =	vld [tilespmem:$0x1FEC0];
	_ =	sdelay $0x2  }
0x577: {  	v60 =	vor.u32 $0x1580, v5;
	[tilespmem:v1+s28+$0x0] =	vst.idx.msk $0xffff, v0  }
0x578: {  	v1 =	vor.u32 v60, v11;
	v0 =	vld.idx.msk [tilespmem:v4+s11+$0x0], $0xffff  }
0x579: {  	v6 =	vadd.s32 v3, v7  }
0x57a: {  	v3 =	vld [tilespmem:$0x1FED0];
	_ =	sdelay $0x2  }
0x57b: {  	v4 =	vor.u32 $0x1600, v5;
	[tilespmem:v1+s28+$0x0] =	vst.idx.msk $0xffff, v0  }
0x57c: {  	v1 =	vor.u32 v4, v11;
	v0 =	vld.idx.msk [tilespmem:v6+s11+$0x0], $0xffff  }
0x57d: {  	v6 =	vadd.s32 v3, v7;
	_ =	sdelay $0x3  }
0x57e: {  	v61 =	vor.u32 $0x1680, v5;
	[tilespmem:v1+s28+$0x0] =	vst.idx.msk $0xffff, v0  }
0x57f: {  	v1 =	vor.u32 v61, v11;
	v0 =	vld.idx.msk [tilespmem:v6+s11+$0x0], $0xffff  }
0x580: {  	v6 =	vadd.s32 v32, v7;
	_ =	sdelay $0x3  }
0x581: {  	[tilespmem:v1+s28+$0x0] =	vst.idx.msk $0xffff, v0;
	v1 =	vor.u32 $0x1700, v5  }
0x582: {  	v0 =	vld.idx.msk [tilespmem:v6+s11+$0x0], $0xffff;
	v6 =	vor.u32 v1, v11  }
0x583: {  	v8 =	vadd.s32 v33, v7;
	_ =	sdelay $0x3  }
0x584: {  	v62 =	vor.u32 $0x1780, v5;
	[tilespmem:v6+s28+$0x0] =	vst.idx.msk $0xffff, v0  }
0x585: {  	v6 =	vor.u32 v62, v11;
	v0 =	vld.idx.msk [tilespmem:v8+s11+$0x0], $0xffff  }
0x586: {  	v8 =	vadd.s32 v34, v7;
	_ =	sdelay $0x3  }
0x587: {  	[tilespmem:v6+s28+$0x0] =	vst.idx.msk $0xffff, v0;
	v6 =	vor.u32 $0x1C00, v5  }
0x588: {  	v0 =	vld.idx.msk [tilespmem:v8+s11+$0x0], $0xffff;
	v8 =	vor.u32 v6, v11  }
0x589: {  	v9 =	vadd.s32 v35, v7;
	_ =	sdelay $0x3  }
0x58a: {  	v63 =	vor.u32 $0x1C80, v5;
	[tilespmem:v8+s28+$0x0] =	vst.idx.msk $0xffff, v0  }
0x58b: {  	v8 =	vor.u32 v63, v11;
	v0 =	vld.idx.msk [tilespmem:v9+s11+$0x0], $0xffff  }
0x58c: {  	v9 =	vadd.s32 v36, v7;
	_ =	sdelay $0x3  }
0x58d: {  	[tilespmem:v8+s28+$0x0] =	vst.idx.msk $0xffff, v0;
	v0 =	vor.u32 $0x1D00, v5  }
0x58e: {  	v8 =	vld.idx.msk [tilespmem:v9+s11+$0x0], $0xffff;
	v9 =	vor.u32 v0, v11  }
0x58f: {  	v10 =	vadd.s32 v37, v7;
	_ =	sdelay $0x3  }
0x590: {  	[tilespmem:v9+s28+$0x0] =	vst.idx.msk $0xffff, v8;
	v8 =	vor.u32 $0x1D80, v5  }
0x591: {  	v9 =	vld.idx.msk [tilespmem:v10+s11+$0x0], $0xffff;
	v10 =	vor.u32 v8, v11  }
0x592: {  	v12 =	vadd.s32 v38, v7;
	_ =	sdelay $0x3  }
0x593: {  	[tilespmem:v10+s28+$0x0] =	vst.idx.msk $0xffff, v9;
	v10 =	vor.u32 $0x1E00, v5  }
0x594: {  	v9 =	vld.idx.msk [tilespmem:v12+s11+$0x0], $0xffff;
	v12 =	vor.u32 v10, v11  }
0x595: {  	v3 =	vmov v13;
	v13 =	vadd.s32 v39, v7;
	_ =	sdelay $0x3  }
0x596: {  	[tilespmem:v12+s28+$0x0] =	vst.idx.msk $0xffff, v9;
	v12 =	vor.u32 $0x1E80, v5  }
0x597: {  	v16 =	vmov v18;
	v9 =	vld.idx.msk [tilespmem:v13+s11+$0x0], $0xffff;
	v18 =	vor.u32 v12, v11  }
0x598: {  	v13 =	vadd.s32 v40, v7;
	_ =	sdelay $0x3  }
0x599: {  	[tilespmem:v18+s28+$0x0] =	vst.idx.msk $0xffff, v9;
	v18 =	vor.u32 $0x1F00, v5  }
0x59a: {  	v9 =	vld.idx.msk [tilespmem:v13+s11+$0x0], $0xffff;
	v13 =	vor.u32 v18, v11;
	_ =	sdelay $0x1  }
0x59b: {  	v7 =	vadd.s32 v41, v7;
	_ =	sdelay $0x2  }
0x59c: {  	s29 =	simm.s32 $0x90;
	[tilespmem:v13+s28+$0x0] =	vst.idx.msk $0xffff, v9;
	v9 =	vlaneseq.u32  }
0x59d: {  	v5 =	vor.u32 $0x1F80, v5;
	v15 =	vor.u32 s29, v9  }
0x59e: {  	s20 =	simm.s32 $0xA0;
	s18 =	simm.s32 $0x0;
	v13 =	vor.u32 v5, v11;
	v9 =	vld.idx.msk [tilespmem:v7+s11+$0x0], $0xffff;
	v11 =	vand.u32 v3, v15;
	v7 =	vand.u32 $0x38, v15  }
.LBB2_8:
0x59f: {  	_ =	sdelay $0x3  }
0x5a0: {  	[tilespmem:v13+s28+$0x0] =	vst.idx.msk $0xffff, v9  }
0x5a1: {  	v9 =	vld.idx.msk [tilespmem:v11+s9+$0x0], $0xffff;
	_ =	sdelay $0x3  }
0x5a2: {  	s18 =	sadd.s32 $0x1, s18  }
0x5a3: {  	s24 =	sshll.u32 s18, $0xD;
	v11 =	vand.u32 $0xFFFFFFF8, v9  }
0x5a4: {  	v9 =	vand.u32 $0x7, v9;
	v11 =	vadd.s32 s24, v11  }
0x5a5: {  	v9 =	vor.u32 v9, v11  }
0x5a6: {  	v11 =	vadd.s32 v16, v9;
	_ =	sdelay $0x4  }
0x5a7: {  	v13 =	vor.u32 v42, v7;
	v11 =	vld.idx.msk [tilespmem:v11+s11+$0x0], $0xffff  }
0x5a8: {  	v15 =	vadd.s32 v14, v9;
	_ =	sdelay $0x3  }
0x5a9: {  	[tilespmem:v13+s28+$0x0] =	vst.idx.msk $0xffff, v11  }
0x5aa: {  	v13 =	vor.u32 v43, v7;
	v11 =	vld.idx.msk [tilespmem:v15+s11+$0x0], $0xffff  }
0x5ab: {  	v15 =	vadd.s32 v17, v9;
	_ =	sdelay $0x3  }
0x5ac: {  	[tilespmem:v13+s28+$0x0] =	vst.idx.msk $0xffff, v11  }
0x5ad: {  	v13 =	vor.u32 v44, v7;
	v11 =	vld.idx.msk [tilespmem:v15+s11+$0x0], $0xffff  }
0x5ae: {  	v15 =	vadd.s32 v19, v9;
	_ =	sdelay $0x3  }
0x5af: {  	[tilespmem:v13+s28+$0x0] =	vst.idx.msk $0xffff, v11  }
0x5b0: {  	v11 =	vld.idx.msk [tilespmem:v15+s11+$0x0], $0xffff  }
0x5b1: {  	v15 =	vld [tilespmem:$0x1FFF0];
	_ =	sdelay $0x3  }
0x5b2: {  	v13 =	vor.u32 v45, v7  }
0x5b3: {  	v15 =	vadd.s32 v15, v9;
	_ =	sdelay $0x3  }
0x5b4: {  	[tilespmem:v13+s28+$0x0] =	vst.idx.msk $0xffff, v11  }
0x5b5: {  	v11 =	vld.idx.msk [tilespmem:v15+s11+$0x0], $0xffff  }
0x5b6: {  	v15 =	vld [tilespmem:$0x1FFE0];
	_ =	sdelay $0x3  }
0x5b7: {  	v13 =	vor.u32 v46, v7  }
0x5b8: {  	v15 =	vadd.s32 v15, v9;
	_ =	sdelay $0x3  }
0x5b9: {  	[tilespmem:v13+s28+$0x0] =	vst.idx.msk $0xffff, v11  }
0x5ba: {  	v11 =	vld.idx.msk [tilespmem:v15+s11+$0x0], $0xffff  }
0x5bb: {  	v15 =	vld [tilespmem:$0x1FEE0];
	_ =	sdelay $0x3  }
0x5bc: {  	v13 =	vor.u32 v47, v7  }
0x5bd: {  	v15 =	vadd.s32 v15, v9;
	_ =	sdelay $0x3  }
0x5be: {  	[tilespmem:v13+s28+$0x0] =	vst.idx.msk $0xffff, v11  }
0x5bf: {  	v11 =	vld.idx.msk [tilespmem:v15+s11+$0x0], $0xffff  }
0x5c0: {  	v15 =	vld [tilespmem:$0x1FEF0];
	_ =	sdelay $0x3  }
0x5c1: {  	v13 =	vor.u32 v48, v7  }
0x5c2: {  	v15 =	vadd.s32 v15, v9;
	_ =	sdelay $0x3  }
0x5c3: {  	[tilespmem:v13+s28+$0x0] =	vst.idx.msk $0xffff, v11  }
0x5c4: {  	v11 =	vld.idx.msk [tilespmem:v15+s11+$0x0], $0xffff  }
0x5c5: {  	v15 =	vld [tilespmem:$0x1FF00];
	_ =	sdelay $0x3  }
0x5c6: {  	v13 =	vor.u32 v49, v7  }
0x5c7: {  	v15 =	vadd.s32 v15, v9;
	_ =	sdelay $0x3  }
0x5c8: {  	[tilespmem:v13+s28+$0x0] =	vst.idx.msk $0xffff, v11  }
0x5c9: {  	v11 =	vld.idx.msk [tilespmem:v15+s11+$0x0], $0xffff  }
0x5ca: {  	v15 =	vld [tilespmem:$0x1FF10];
	_ =	sdelay $0x3  }
0x5cb: {  	v13 =	vor.u32 v50, v7  }
0x5cc: {  	v15 =	vadd.s32 v15, v9;
	_ =	sdelay $0x3  }
0x5cd: {  	[tilespmem:v13+s28+$0x0] =	vst.idx.msk $0xffff, v11  }
0x5ce: {  	v13 =	vor.u32 v51, v7;
	v11 =	vld.idx.msk [tilespmem:v15+s11+$0x0], $0xffff  }
0x5cf: {  	v15 =	vadd.s32 v26, v9;
	_ =	sdelay $0x3  }
0x5d0: {  	[tilespmem:v13+s28+$0x0] =	vst.idx.msk $0xffff, v11  }
0x5d1: {  	v13 =	vor.u32 v52, v7;
	v11 =	vld.idx.msk [tilespmem:v15+s11+$0x0], $0xffff  }
0x5d2: {  	v15 =	vadd.s32 v27, v9;
	_ =	sdelay $0x3  }
0x5d3: {  	[tilespmem:v13+s28+$0x0] =	vst.idx.msk $0xffff, v11  }
0x5d4: {  	v13 =	vor.u32 v53, v7;
	v11 =	vld.idx.msk [tilespmem:v15+s11+$0x0], $0xffff  }
0x5d5: {  	v15 =	vadd.s32 v28, v9;
	_ =	sdelay $0x3  }
0x5d6: {  	[tilespmem:v13+s28+$0x0] =	vst.idx.msk $0xffff, v11  }
0x5d7: {  	v13 =	vor.u32 v54, v7;
	v11 =	vld.idx.msk [tilespmem:v15+s11+$0x0], $0xffff  }
0x5d8: {  	v15 =	vadd.s32 v22, v9;
	_ =	sdelay $0x3  }
0x5d9: {  	[tilespmem:v13+s28+$0x0] =	vst.idx.msk $0xffff, v11  }
0x5da: {  	v13 =	vor.u32 v55, v7;
	v11 =	vld.idx.msk [tilespmem:v15+s11+$0x0], $0xffff  }
0x5db: {  	v15 =	vadd.s32 v29, v9;
	_ =	sdelay $0x3  }
0x5dc: {  	[tilespmem:v13+s28+$0x0] =	vst.idx.msk $0xffff, v11  }
0x5dd: {  	v13 =	vor.u32 v56, v7;
	v11 =	vld.idx.msk [tilespmem:v15+s11+$0x0], $0xffff  }
0x5de: {  	v15 =	vadd.s32 v21, v9;
	_ =	sdelay $0x3  }
0x5df: {  	[tilespmem:v13+s28+$0x0] =	vst.idx.msk $0xffff, v11  }
0x5e0: {  	v13 =	vor.u32 v57, v7;
	v11 =	vld.idx.msk [tilespmem:v15+s11+$0x0], $0xffff  }
0x5e1: {  	v15 =	vadd.s32 v23, v9;
	_ =	sdelay $0x3  }
0x5e2: {  	[tilespmem:v13+s28+$0x0] =	vst.idx.msk $0xffff, v11  }
0x5e3: {  	v13 =	vor.u32 v58, v7;
	v11 =	vld.idx.msk [tilespmem:v15+s11+$0x0], $0xffff  }
0x5e4: {  	v15 =	vadd.s32 v30, v9;
	_ =	sdelay $0x3  }
0x5e5: {  	[tilespmem:v13+s28+$0x0] =	vst.idx.msk $0xffff, v11  }
0x5e6: {  	v13 =	vor.u32 v59, v7;
	v11 =	vld.idx.msk [tilespmem:v15+s11+$0x0], $0xffff  }
0x5e7: {  	v15 =	vadd.s32 v24, v9;
	_ =	sdelay $0x3  }
0x5e8: {  	[tilespmem:v13+s28+$0x0] =	vst.idx.msk $0xffff, v11  }
0x5e9: {  	v13 =	vor.u32 v2, v7;
	v11 =	vld.idx.msk [tilespmem:v15+s11+$0x0], $0xffff  }
0x5ea: {  	v15 =	vadd.s32 v31, v9;
	_ =	sdelay $0x3  }
0x5eb: {  	[tilespmem:v13+s28+$0x0] =	vst.idx.msk $0xffff, v11  }
0x5ec: {  	v13 =	vor.u32 v60, v7;
	v11 =	vld.idx.msk [tilespmem:v15+s11+$0x0], $0xffff  }
0x5ed: {  	v15 =	vadd.s32 v20, v9;
	_ =	sdelay $0x3  }
0x5ee: {  	[tilespmem:v13+s28+$0x0] =	vst.idx.msk $0xffff, v11  }
0x5ef: {  	v13 =	vor.u32 v4, v7;
	v11 =	vld.idx.msk [tilespmem:v15+s11+$0x0], $0xffff  }
0x5f0: {  	v15 =	vadd.s32 v25, v9;
	_ =	sdelay $0x3  }
0x5f1: {  	[tilespmem:v13+s28+$0x0] =	vst.idx.msk $0xffff, v11  }
0x5f2: {  	v13 =	vor.u32 v61, v7;
	v11 =	vld.idx.msk [tilespmem:v15+s11+$0x0], $0xffff  }
0x5f3: {  	v15 =	vadd.s32 v32, v9;
	_ =	sdelay $0x3  }
0x5f4: {  	[tilespmem:v13+s28+$0x0] =	vst.idx.msk $0xffff, v11  }
0x5f5: {  	v13 =	vor.u32 v1, v7;
	v11 =	vld.idx.msk [tilespmem:v15+s11+$0x0], $0xffff  }
0x5f6: {  	v15 =	vadd.s32 v33, v9;
	_ =	sdelay $0x3  }
0x5f7: {  	[tilespmem:v13+s28+$0x0] =	vst.idx.msk $0xffff, v11  }
0x5f8: {  	v13 =	vor.u32 v62, v7;
	v11 =	vld.idx.msk [tilespmem:v15+s11+$0x0], $0xffff  }
0x5f9: {  	v15 =	vadd.s32 v34, v9;
	_ =	sdelay $0x3  }
0x5fa: {  	[tilespmem:v13+s28+$0x0] =	vst.idx.msk $0xffff, v11  }
0x5fb: {  	v13 =	vor.u32 v6, v7;
	v11 =	vld.idx.msk [tilespmem:v15+s11+$0x0], $0xffff  }
0x5fc: {  	v15 =	vadd.s32 v35, v9;
	_ =	sdelay $0x3  }
0x5fd: {  	[tilespmem:v13+s28+$0x0] =	vst.idx.msk $0xffff, v11  }
0x5fe: {  	v13 =	vor.u32 v63, v7;
	v11 =	vld.idx.msk [tilespmem:v15+s11+$0x0], $0xffff  }
0x5ff: {  	v15 =	vadd.s32 v36, v9;
	_ =	sdelay $0x3  }
0x600: {  	[tilespmem:v13+s28+$0x0] =	vst.idx.msk $0xffff, v11  }
0x601: {  	v13 =	vor.u32 v0, v7;
	v11 =	vld.idx.msk [tilespmem:v15+s11+$0x0], $0xffff  }
0x602: {  	v15 =	vadd.s32 v37, v9;
	_ =	sdelay $0x3  }
0x603: {  	[tilespmem:v13+s28+$0x0] =	vst.idx.msk $0xffff, v11  }
0x604: {  	v13 =	vor.u32 v8, v7;
	v11 =	vld.idx.msk [tilespmem:v15+s11+$0x0], $0xffff  }
0x605: {  	v15 =	vadd.s32 v38, v9;
	_ =	sdelay $0x3  }
0x606: {  	[tilespmem:v13+s28+$0x0] =	vst.idx.msk $0xffff, v11  }
0x607: {  	v13 =	vor.u32 v10, v7;
	v11 =	vld.idx.msk [tilespmem:v15+s11+$0x0], $0xffff  }
0x608: {  	v15 =	vadd.s32 v39, v9;
	_ =	sdelay $0x3  }
0x609: {  	[tilespmem:v13+s28+$0x0] =	vst.idx.msk $0xffff, v11  }
0x60a: {  	v13 =	vor.u32 v12, v7;
	v11 =	vld.idx.msk [tilespmem:v15+s11+$0x0], $0xffff  }
0x60b: {  	v15 =	vadd.s32 v40, v9;
	_ =	sdelay $0x3  }
0x60c: {  	[tilespmem:v13+s28+$0x0] =	vst.idx.msk $0xffff, v11  }
0x60d: {  	v13 =	vor.u32 v18, v7;
	v11 =	vld.idx.msk [tilespmem:v15+s11+$0x0], $0xffff;
	_ =	sdelay $0x1  }
0x60e: {  	p0 =	sne.s32 s20, $0xB0;
	v9 =	vadd.s32 v41, v9  }
.Ltmp3:
0x60f: {  	_ = 	snop;
	(pc) =	sbr.rel @p0 .LBB2_8-.Ltmp3, $4  }
0x610: {  	_ = 	snop  }
0x611: {  	s22 =	smov.u32 s20;
	[tilespmem:v13+s28+$0x0] =	vst.idx.msk $0xffff, v11;
	v11 =	vlaneseq.u32  }
0x612: {  	v15 =	vor.u32 s22, v11  }
0x613: {  	s20 =	sadd.s32 $0x10, s20;
	v13 =	vor.u32 v5, v7;
	v9 =	vld.idx.msk [tilespmem:v9+s11+$0x0], $0xffff;
	v11 =	vand.u32 v3, v15;
	v7 =	vand.u32 $0x38, v15  }
0x614: {  	_ =	sdelay $0x3  }
0x615: {  	[tilespmem:v13+s28+$0x0] =	vst.idx.msk $0xffff, v9  }
0x616: {  	v9 =	vld.idx.msk [tilespmem:v11+s9+$0x0], $0xffff;
	_ =	sdelay $0x3  }
0x617: {  	s18 =	sadd.s32 $0x1, s18  }
0x618: {  	s18 =	sshll.u32 s18, $0xD;
	v11 =	vand.u32 $0xFFFFFFF8, v9  }
0x619: {  	v9 =	vand.u32 $0x7, v9;
	v11 =	vadd.s32 s18, v11  }
0x61a: {  	v9 =	vor.u32 v9, v11  }
0x61b: {  	v11 =	vadd.s32 v16, v9;
	_ =	sdelay $0x4  }
0x61c: {  	v13 =	vor.u32 v42, v7;
	v11 =	vld.idx.msk [tilespmem:v11+s11+$0x0], $0xffff  }
0x61d: {  	v15 =	vadd.s32 v14, v9;
	_ =	sdelay $0x3  }
0x61e: {  	[tilespmem:v13+s28+$0x0] =	vst.idx.msk $0xffff, v11  }
0x61f: {  	v13 =	vor.u32 v43, v7;
	v11 =	vld.idx.msk [tilespmem:v15+s11+$0x0], $0xffff  }
0x620: {  	v15 =	vadd.s32 v17, v9;
	_ =	sdelay $0x3  }
0x621: {  	[tilespmem:v13+s28+$0x0] =	vst.idx.msk $0xffff, v11  }
0x622: {  	v13 =	vor.u32 v44, v7;
	v11 =	vld.idx.msk [tilespmem:v15+s11+$0x0], $0xffff  }
0x623: {  	v15 =	vadd.s32 v19, v9;
	_ =	sdelay $0x3  }
0x624: {  	[tilespmem:v13+s28+$0x0] =	vst.idx.msk $0xffff, v11  }
0x625: {  	v11 =	vld.idx.msk [tilespmem:v15+s11+$0x0], $0xffff;
	_ =	sdelay $0x4  }
0x626: {  	[tilespmem:$0x1FD00] =	vst v11;
	v11 =	vld [tilespmem:$0x1FFF0];
	_ =	sdelay $0x4  }
0x627: {  	v13 =	vor.u32 v45, v7;
	v15 =	vadd.s32 v11, v9;
	v11 =	vld [tilespmem:$0x1FD00];
	_ =	sdelay $0x4  }
0x628: {  	[tilespmem:v13+s28+$0x0] =	vst.idx.msk $0xffff, v11  }
0x629: {  	v11 =	vld.idx.msk [tilespmem:v15+s11+$0x0], $0xffff;
	_ =	sdelay $0x4  }
0x62a: {  	[tilespmem:$0x1FD10] =	vst v11;
	v11 =	vld [tilespmem:$0x1FFE0];
	_ =	sdelay $0x4  }
0x62b: {  	v13 =	vor.u32 v46, v7;
	v15 =	vadd.s32 v11, v9;
	v11 =	vld [tilespmem:$0x1FD10];
	_ =	sdelay $0x4  }
0x62c: {  	[tilespmem:v13+s28+$0x0] =	vst.idx.msk $0xffff, v11  }
0x62d: {  	v11 =	vld.idx.msk [tilespmem:v15+s11+$0x0], $0xffff;
	_ =	sdelay $0x4  }
0x62e: {  	[tilespmem:$0x1FD20] =	vst v11;
	v11 =	vld [tilespmem:$0x1FEE0];
	_ =	sdelay $0x4  }
0x62f: {  	v13 =	vor.u32 v47, v7;
	v15 =	vadd.s32 v11, v9;
	v11 =	vld [tilespmem:$0x1FD20];
	_ =	sdelay $0x4  }
0x630: {  	[tilespmem:v13+s28+$0x0] =	vst.idx.msk $0xffff, v11  }
0x631: {  	v11 =	vld.idx.msk [tilespmem:v15+s11+$0x0], $0xffff;
	_ =	sdelay $0x4  }
0x632: {  	[tilespmem:$0x1FD30] =	vst v11;
	v11 =	vld [tilespmem:$0x1FEF0];
	_ =	sdelay $0x4  }
0x633: {  	v13 =	vor.u32 v48, v7;
	v15 =	vadd.s32 v11, v9;
	v11 =	vld [tilespmem:$0x1FD30];
	_ =	sdelay $0x4  }
0x634: {  	[tilespmem:v13+s28+$0x0] =	vst.idx.msk $0xffff, v11  }
0x635: {  	v11 =	vld.idx.msk [tilespmem:v15+s11+$0x0], $0xffff;
	_ =	sdelay $0x4  }
0x636: {  	[tilespmem:$0x1FD40] =	vst v11;
	v11 =	vld [tilespmem:$0x1FF00];
	_ =	sdelay $0x4  }
0x637: {  	v13 =	vor.u32 v49, v7;
	v15 =	vadd.s32 v11, v9;
	v11 =	vld [tilespmem:$0x1FD40];
	_ =	sdelay $0x4  }
0x638: {  	[tilespmem:v13+s28+$0x0] =	vst.idx.msk $0xffff, v11  }
0x639: {  	v11 =	vld.idx.msk [tilespmem:v15+s11+$0x0], $0xffff;
	_ =	sdelay $0x4  }
0x63a: {  	[tilespmem:$0x1FD50] =	vst v11;
	v11 =	vld [tilespmem:$0x1FF10];
	_ =	sdelay $0x4  }
0x63b: {  	v13 =	vor.u32 v50, v7;
	v15 =	vadd.s32 v11, v9;
	v11 =	vld [tilespmem:$0x1FD50];
	_ =	sdelay $0x4  }
0x63c: {  	[tilespmem:v13+s28+$0x0] =	vst.idx.msk $0xffff, v11  }
0x63d: {  	v11 =	vld.idx.msk [tilespmem:v15+s11+$0x0], $0xffff;
	_ =	sdelay $0x4  }
0x63e: {  	[tilespmem:$0x1FD60] =	vst v11  }
0x63f: {  	v13 =	vor.u32 v51, v7;
	v11 =	vld [tilespmem:$0x1FD60]  }
0x640: {  	v15 =	vadd.s32 v26, v9;
	_ =	sdelay $0x3  }
0x641: {  	[tilespmem:v13+s28+$0x0] =	vst.idx.msk $0xffff, v11  }
0x642: {  	v11 =	vld.idx.msk [tilespmem:v15+s11+$0x0], $0xffff;
	_ =	sdelay $0x4  }
0x643: {  	[tilespmem:$0x1FD70] =	vst v11  }
0x644: {  	v13 =	vor.u32 v52, v7;
	v11 =	vld [tilespmem:$0x1FD70]  }
0x645: {  	v15 =	vadd.s32 v27, v9;
	_ =	sdelay $0x3  }
0x646: {  	[tilespmem:v13+s28+$0x0] =	vst.idx.msk $0xffff, v11  }
0x647: {  	v11 =	vld.idx.msk [tilespmem:v15+s11+$0x0], $0xffff;
	_ =	sdelay $0x4  }
0x648: {  	[tilespmem:$0x1FD80] =	vst v11  }
0x649: {  	v13 =	vor.u32 v53, v7;
	v11 =	vld [tilespmem:$0x1FD80]  }
0x64a: {  	v15 =	vadd.s32 v28, v9;
	_ =	sdelay $0x3  }
0x64b: {  	[tilespmem:v13+s28+$0x0] =	vst.idx.msk $0xffff, v11  }
0x64c: {  	v11 =	vld.idx.msk [tilespmem:v15+s11+$0x0], $0xffff;
	_ =	sdelay $0x4  }
0x64d: {  	[tilespmem:$0x1FD90] =	vst v11  }
0x64e: {  	v13 =	vor.u32 v54, v7;
	v11 =	vld [tilespmem:$0x1FD90]  }
0x64f: {  	v15 =	vadd.s32 v22, v9;
	_ =	sdelay $0x3  }
0x650: {  	[tilespmem:v13+s28+$0x0] =	vst.idx.msk $0xffff, v11  }
0x651: {  	v11 =	vld.idx.msk [tilespmem:v15+s11+$0x0], $0xffff;
	_ =	sdelay $0x4  }
0x652: {  	[tilespmem:$0x1FDA0] =	vst v11  }
0x653: {  	v13 =	vor.u32 v55, v7;
	v11 =	vld [tilespmem:$0x1FDA0]  }
0x654: {  	v15 =	vadd.s32 v29, v9;
	_ =	sdelay $0x3  }
0x655: {  	[tilespmem:v13+s28+$0x0] =	vst.idx.msk $0xffff, v11  }
0x656: {  	v11 =	vld.idx.msk [tilespmem:v15+s11+$0x0], $0xffff;
	_ =	sdelay $0x4  }
0x657: {  	[tilespmem:$0x1FDB0] =	vst v11  }
0x658: {  	v13 =	vor.u32 v56, v7;
	v11 =	vld [tilespmem:$0x1FDB0]  }
0x659: {  	v15 =	vadd.s32 v21, v9;
	_ =	sdelay $0x3  }
0x65a: {  	[tilespmem:v13+s28+$0x0] =	vst.idx.msk $0xffff, v11  }
0x65b: {  	v11 =	vld.idx.msk [tilespmem:v15+s11+$0x0], $0xffff;
	_ =	sdelay $0x4  }
0x65c: {  	[tilespmem:$0x1FDC0] =	vst v11  }
0x65d: {  	v13 =	vor.u32 v57, v7;
	v11 =	vld [tilespmem:$0x1FDC0]  }
0x65e: {  	v15 =	vadd.s32 v23, v9;
	_ =	sdelay $0x3  }
0x65f: {  	[tilespmem:v13+s28+$0x0] =	vst.idx.msk $0xffff, v11  }
0x660: {  	v11 =	vld.idx.msk [tilespmem:v15+s11+$0x0], $0xffff;
	_ =	sdelay $0x4  }
0x661: {  	[tilespmem:$0x1FDD0] =	vst v11  }
0x662: {  	v13 =	vor.u32 v58, v7;
	v11 =	vld [tilespmem:$0x1FDD0]  }
0x663: {  	v15 =	vadd.s32 v30, v9;
	_ =	sdelay $0x3  }
0x664: {  	[tilespmem:v13+s28+$0x0] =	vst.idx.msk $0xffff, v11  }
0x665: {  	v11 =	vld.idx.msk [tilespmem:v15+s11+$0x0], $0xffff;
	_ =	sdelay $0x4  }
0x666: {  	[tilespmem:$0x1FDE0] =	vst v11  }
0x667: {  	v13 =	vor.u32 v59, v7;
	v11 =	vld [tilespmem:$0x1FDE0]  }
0x668: {  	v15 =	vadd.s32 v24, v9;
	_ =	sdelay $0x3  }
0x669: {  	[tilespmem:v13+s28+$0x0] =	vst.idx.msk $0xffff, v11  }
0x66a: {  	v11 =	vld.idx.msk [tilespmem:v15+s11+$0x0], $0xffff;
	_ =	sdelay $0x4  }
0x66b: {  	[tilespmem:$0x1FDF0] =	vst v11  }
0x66c: {  	v13 =	vor.u32 v2, v7;
	v11 =	vld [tilespmem:$0x1FDF0]  }
0x66d: {  	v15 =	vadd.s32 v31, v9;
	_ =	sdelay $0x3  }
0x66e: {  	[tilespmem:v13+s28+$0x0] =	vst.idx.msk $0xffff, v11  }
0x66f: {  	v11 =	vld.idx.msk [tilespmem:v15+s11+$0x0], $0xffff;
	_ =	sdelay $0x4  }
0x670: {  	[tilespmem:$0x1FE00] =	vst v11  }
0x671: {  	v13 =	vor.u32 v60, v7;
	v11 =	vld [tilespmem:$0x1FE00]  }
0x672: {  	v15 =	vadd.s32 v20, v9;
	_ =	sdelay $0x3  }
0x673: {  	[tilespmem:v13+s28+$0x0] =	vst.idx.msk $0xffff, v11  }
0x674: {  	v11 =	vld.idx.msk [tilespmem:v15+s11+$0x0], $0xffff;
	_ =	sdelay $0x4  }
0x675: {  	[tilespmem:$0x1FE10] =	vst v11  }
0x676: {  	v13 =	vor.u32 v4, v7;
	v11 =	vld [tilespmem:$0x1FE10]  }
0x677: {  	v15 =	vadd.s32 v25, v9;
	_ =	sdelay $0x3  }
0x678: {  	[tilespmem:v13+s28+$0x0] =	vst.idx.msk $0xffff, v11  }
0x679: {  	v13 =	vor.u32 v61, v7;
	v11 =	vld.idx.msk [tilespmem:v15+s11+$0x0], $0xffff  }
0x67a: {  	v15 =	vadd.s32 v32, v9;
	_ =	sdelay $0x3  }
0x67b: {  	[tilespmem:v13+s28+$0x0] =	vst.idx.msk $0xffff, v11  }
0x67c: {  	v13 =	vor.u32 v1, v7;
	v11 =	vld.idx.msk [tilespmem:v15+s11+$0x0], $0xffff  }
0x67d: {  	v15 =	vadd.s32 v33, v9;
	_ =	sdelay $0x3  }
0x67e: {  	[tilespmem:v13+s28+$0x0] =	vst.idx.msk $0xffff, v11  }
0x67f: {  	v13 =	vor.u32 v62, v7;
	v11 =	vld.idx.msk [tilespmem:v15+s11+$0x0], $0xffff  }
0x680: {  	v15 =	vadd.s32 v34, v9;
	_ =	sdelay $0x3  }
0x681: {  	[tilespmem:v13+s28+$0x0] =	vst.idx.msk $0xffff, v11  }
0x682: {  	v13 =	vor.u32 v6, v7;
	v11 =	vld.idx.msk [tilespmem:v15+s11+$0x0], $0xffff  }
0x683: {  	v15 =	vadd.s32 v35, v9;
	_ =	sdelay $0x3  }
0x684: {  	[tilespmem:v13+s28+$0x0] =	vst.idx.msk $0xffff, v11  }
0x685: {  	v13 =	vor.u32 v63, v7;
	v11 =	vld.idx.msk [tilespmem:v15+s11+$0x0], $0xffff  }
0x686: {  	v15 =	vadd.s32 v36, v9;
	_ =	sdelay $0x3  }
0x687: {  	[tilespmem:v13+s28+$0x0] =	vst.idx.msk $0xffff, v11  }
0x688: {  	v13 =	vor.u32 v0, v7;
	v11 =	vld.idx.msk [tilespmem:v15+s11+$0x0], $0xffff  }
0x689: {  	v15 =	vadd.s32 v37, v9;
	_ =	sdelay $0x3  }
0x68a: {  	[tilespmem:v13+s28+$0x0] =	vst.idx.msk $0xffff, v11  }
0x68b: {  	v13 =	vor.u32 v8, v7;
	v11 =	vld.idx.msk [tilespmem:v15+s11+$0x0], $0xffff  }
0x68c: {  	v15 =	vadd.s32 v38, v9;
	_ =	sdelay $0x3  }
0x68d: {  	[tilespmem:v13+s28+$0x0] =	vst.idx.msk $0xffff, v11  }
0x68e: {  	v13 =	vor.u32 v10, v7;
	v11 =	vld.idx.msk [tilespmem:v15+s11+$0x0], $0xffff  }
0x68f: {  	v15 =	vadd.s32 v39, v9;
	_ =	sdelay $0x3  }
0x690: {  	[tilespmem:v13+s28+$0x0] =	vst.idx.msk $0xffff, v11  }
0x691: {  	v13 =	vor.u32 v12, v7;
	v11 =	vld.idx.msk [tilespmem:v15+s11+$0x0], $0xffff  }
0x692: {  	v15 =	vadd.s32 v40, v9;
	_ =	sdelay $0x3  }
0x693: {  	[tilespmem:v13+s28+$0x0] =	vst.idx.msk $0xffff, v11  }
0x694: {  	v13 =	vor.u32 v18, v7;
	v11 =	vld.idx.msk [tilespmem:v15+s11+$0x0], $0xffff  }
0x695: {  	v9 =	vadd.s32 v41, v9;
	_ =	sdelay $0x3  }
0x696: {  	[tilespmem:v13+s28+$0x0] =	vst.idx.msk $0xffff, v11  }
0x697: {  	v7 =	vor.u32 v5, v7;
	v9 =	vld.idx.msk [tilespmem:v9+s11+$0x0], $0xffff;
	_ =	sdelay $0x4  }
0x698: {  	[tilespmem:v7+s28+$0x0] =	vst.idx.msk $0xffff, v9  }
0x699: {  	_ =	swait.ge [sflag:s4], $0x2000  }
0x69a: {  	[sflag:s4] =	ssyncset.done $0x0  }
0x69b: {  	[sflag:s4] =	ssyncadd.s32 $0xFFFFE000  }
0x69c: {  	_ =	swait.ge [sflag:s4], $0x2000  }
0x69d: {  	[sflag:s4] =	ssyncset.done $0x0  }
0x69e: {  	s22 =	simm.s32 $0xC0;
	v7 =	vlaneseq.u32;
	[sflag:s4] =	ssyncadd.s32 $0xFFFFE000  }
0x69f: {  	v7 =	vor.u32 s22, v7;
	_ =	swait.ge [sflag:s4], $0x2000  }
0x6a0: {  	v9 =	vand.u32 v3, v7;
	[sflag:s4] =	ssyncset.done $0x0  }
0x6a1: {  	[sflag:s4] =	ssyncadd.s32 $0xFFFFE000  }
0x6a2: {  	_ =	swait.ge [sflag:s4], $0x2000  }
0x6a3: {  	[sflag:s4] =	ssyncset.done $0x0  }
0x6a4: {  	[sflag:s4] =	ssyncadd.s32 $0xFFFFE000  }
0x6a5: {  	v9 =	vld.idx.msk [tilespmem:v9+s9+$0x0], $0xffff;
	_ =	sdelay $0x4  }
0x6a6: {  	s24 =	simm.s32 $0x0;
	v11 =	vand.u32 $0xFFFFFFF8, v9  }
0x6a7: {  	v9 =	vand.u32 $0x7, v9;
	v11 =	vadd.s32 s24, v11  }
0x6a8: {  	v9 =	vor.u32 v9, v11  }
0x6a9: {  	v11 =	vadd.s32 v16, v9;
	_ =	sdelay $0x3  }
0x6aa: {  	v7 =	vand.u32 $0x78, v7  }
0x6ab: {  	v13 =	vor.u32 v42, v7;
	v11 =	vld.idx.msk [tilespmem:v11+s19+$0x0], $0xffff  }
0x6ac: {  	v15 =	vadd.s32 v14, v9;
	_ =	sdelay $0x3  }
0x6ad: {  	[tilespmem:v13+s28+$0x0] =	vst.idx.msk $0xffff, v11  }
0x6ae: {  	v13 =	vor.u32 v43, v7;
	v11 =	vld.idx.msk [tilespmem:v15+s19+$0x0], $0xffff  }
0x6af: {  	v15 =	vadd.s32 v17, v9;
	_ =	sdelay $0x3  }
0x6b0: {  	[tilespmem:v13+s28+$0x0] =	vst.idx.msk $0xffff, v11  }
0x6b1: {  	v13 =	vor.u32 v44, v7;
	v11 =	vld.idx.msk [tilespmem:v15+s19+$0x0], $0xffff  }
0x6b2: {  	v15 =	vadd.s32 v19, v9;
	_ =	sdelay $0x3  }
0x6b3: {  	[tilespmem:v13+s28+$0x0] =	vst.idx.msk $0xffff, v11  }
0x6b4: {  	v11 =	vld.idx.msk [tilespmem:v15+s19+$0x0], $0xffff  }
0x6b5: {  	v15 =	vld [tilespmem:$0x1FFF0];
	_ =	sdelay $0x3  }
0x6b6: {  	v13 =	vor.u32 v45, v7  }
0x6b7: {  	v15 =	vadd.s32 v15, v9;
	_ =	sdelay $0x3  }
0x6b8: {  	[tilespmem:v13+s28+$0x0] =	vst.idx.msk $0xffff, v11  }
0x6b9: {  	v11 =	vld.idx.msk [tilespmem:v15+s19+$0x0], $0xffff  }
0x6ba: {  	v15 =	vld [tilespmem:$0x1FFE0];
	_ =	sdelay $0x3  }
0x6bb: {  	v13 =	vor.u32 v46, v7  }
0x6bc: {  	v15 =	vadd.s32 v15, v9;
	_ =	sdelay $0x3  }
0x6bd: {  	[tilespmem:v13+s28+$0x0] =	vst.idx.msk $0xffff, v11  }
0x6be: {  	v11 =	vld.idx.msk [tilespmem:v15+s19+$0x0], $0xffff  }
0x6bf: {  	v15 =	vld [tilespmem:$0x1FEE0];
	_ =	sdelay $0x3  }
0x6c0: {  	v13 =	vor.u32 v47, v7  }
0x6c1: {  	v15 =	vadd.s32 v15, v9;
	_ =	sdelay $0x3  }
0x6c2: {  	[tilespmem:v13+s28+$0x0] =	vst.idx.msk $0xffff, v11  }
0x6c3: {  	v11 =	vld.idx.msk [tilespmem:v15+s19+$0x0], $0xffff  }
0x6c4: {  	v15 =	vld [tilespmem:$0x1FEF0];
	_ =	sdelay $0x3  }
0x6c5: {  	v13 =	vor.u32 v48, v7  }
0x6c6: {  	v15 =	vadd.s32 v15, v9;
	_ =	sdelay $0x3  }
0x6c7: {  	[tilespmem:v13+s28+$0x0] =	vst.idx.msk $0xffff, v11  }
0x6c8: {  	v11 =	vld.idx.msk [tilespmem:v15+s19+$0x0], $0xffff  }
0x6c9: {  	v15 =	vld [tilespmem:$0x1FF00];
	_ =	sdelay $0x3  }
0x6ca: {  	v13 =	vor.u32 v49, v7  }
0x6cb: {  	v15 =	vadd.s32 v15, v9;
	_ =	sdelay $0x3  }
0x6cc: {  	[tilespmem:v13+s28+$0x0] =	vst.idx.msk $0xffff, v11  }
0x6cd: {  	v11 =	vld.idx.msk [tilespmem:v15+s19+$0x0], $0xffff  }
0x6ce: {  	v15 =	vld [tilespmem:$0x1FF10];
	_ =	sdelay $0x3  }
0x6cf: {  	v13 =	vor.u32 v50, v7  }
0x6d0: {  	v15 =	vadd.s32 v15, v9;
	_ =	sdelay $0x3  }
0x6d1: {  	[tilespmem:v13+s28+$0x0] =	vst.idx.msk $0xffff, v11  }
0x6d2: {  	v11 =	vld.idx.msk [tilespmem:v15+s19+$0x0], $0xffff  }
0x6d3: {  	v15 =	vld [tilespmem:$0x1FE20];
	_ =	sdelay $0x3  }
0x6d4: {  	v13 =	vor.u32 v51, v7  }
0x6d5: {  	v15 =	vadd.s32 v15, v9;
	_ =	sdelay $0x3  }
0x6d6: {  	[tilespmem:v13+s28+$0x0] =	vst.idx.msk $0xffff, v11  }
0x6d7: {  	v11 =	vld.idx.msk [tilespmem:v15+s19+$0x0], $0xffff  }
0x6d8: {  	v15 =	vld [tilespmem:$0x1FE30];
	_ =	sdelay $0x3  }
0x6d9: {  	v13 =	vor.u32 v52, v7  }
0x6da: {  	v15 =	vadd.s32 v15, v9;
	_ =	sdelay $0x3  }
0x6db: {  	[tilespmem:v13+s28+$0x0] =	vst.idx.msk $0xffff, v11  }
0x6dc: {  	v11 =	vld.idx.msk [tilespmem:v15+s19+$0x0], $0xffff  }
0x6dd: {  	v15 =	vld [tilespmem:$0x1FE40];
	_ =	sdelay $0x3  }
0x6de: {  	v13 =	vor.u32 v53, v7  }
0x6df: {  	v15 =	vadd.s32 v15, v9;
	_ =	sdelay $0x3  }
0x6e0: {  	[tilespmem:v13+s28+$0x0] =	vst.idx.msk $0xffff, v11  }
0x6e1: {  	v11 =	vld.idx.msk [tilespmem:v15+s19+$0x0], $0xffff  }
0x6e2: {  	v15 =	vld [tilespmem:$0x1FE50];
	_ =	sdelay $0x3  }
0x6e3: {  	v13 =	vor.u32 v54, v7  }
0x6e4: {  	v15 =	vadd.s32 v15, v9;
	_ =	sdelay $0x3  }
0x6e5: {  	[tilespmem:v13+s28+$0x0] =	vst.idx.msk $0xffff, v11  }
0x6e6: {  	v11 =	vld.idx.msk [tilespmem:v15+s19+$0x0], $0xffff  }
0x6e7: {  	v15 =	vld [tilespmem:$0x1FE60];
	_ =	sdelay $0x3  }
0x6e8: {  	v13 =	vor.u32 v55, v7  }
0x6e9: {  	v15 =	vadd.s32 v15, v9;
	_ =	sdelay $0x3  }
0x6ea: {  	[tilespmem:v13+s28+$0x0] =	vst.idx.msk $0xffff, v11  }
0x6eb: {  	v11 =	vld.idx.msk [tilespmem:v15+s19+$0x0], $0xffff  }
0x6ec: {  	v15 =	vld [tilespmem:$0x1FE70];
	_ =	sdelay $0x3  }
0x6ed: {  	v13 =	vor.u32 v56, v7  }
0x6ee: {  	v15 =	vadd.s32 v15, v9;
	_ =	sdelay $0x3  }
0x6ef: {  	[tilespmem:v13+s28+$0x0] =	vst.idx.msk $0xffff, v11  }
0x6f0: {  	v11 =	vld.idx.msk [tilespmem:v15+s19+$0x0], $0xffff  }
0x6f1: {  	v15 =	vld [tilespmem:$0x1FE80];
	_ =	sdelay $0x3  }
0x6f2: {  	v13 =	vor.u32 v57, v7  }
0x6f3: {  	v15 =	vadd.s32 v15, v9;
	_ =	sdelay $0x3  }
0x6f4: {  	[tilespmem:v13+s28+$0x0] =	vst.idx.msk $0xffff, v11  }
0x6f5: {  	v11 =	vld.idx.msk [tilespmem:v15+s19+$0x0], $0xffff  }
0x6f6: {  	v15 =	vld [tilespmem:$0x1FE90];
	_ =	sdelay $0x3  }
0x6f7: {  	v13 =	vor.u32 v58, v7  }
0x6f8: {  	v15 =	vadd.s32 v15, v9;
	_ =	sdelay $0x3  }
0x6f9: {  	[tilespmem:v13+s28+$0x0] =	vst.idx.msk $0xffff, v11  }
0x6fa: {  	v11 =	vld.idx.msk [tilespmem:v15+s19+$0x0], $0xffff  }
0x6fb: {  	v15 =	vld [tilespmem:$0x1FEA0];
	_ =	sdelay $0x3  }
0x6fc: {  	v13 =	vor.u32 v59, v7  }
0x6fd: {  	v15 =	vadd.s32 v15, v9;
	_ =	sdelay $0x3  }
0x6fe: {  	[tilespmem:v13+s28+$0x0] =	vst.idx.msk $0xffff, v11  }
0x6ff: {  	v11 =	vld.idx.msk [tilespmem:v15+s19+$0x0], $0xffff  }
0x700: {  	v15 =	vld [tilespmem:$0x1FEB0];
	_ =	sdelay $0x3  }
0x701: {  	v13 =	vor.u32 v2, v7  }
0x702: {  	v15 =	vadd.s32 v15, v9;
	_ =	sdelay $0x3  }
0x703: {  	[tilespmem:v13+s28+$0x0] =	vst.idx.msk $0xffff, v11  }
0x704: {  	v11 =	vld.idx.msk [tilespmem:v15+s19+$0x0], $0xffff  }
0x705: {  	v15 =	vld [tilespmem:$0x1FEC0];
	_ =	sdelay $0x3  }
0x706: {  	v13 =	vor.u32 v60, v7  }
0x707: {  	v15 =	vadd.s32 v15, v9;
	_ =	sdelay $0x3  }
0x708: {  	[tilespmem:v13+s28+$0x0] =	vst.idx.msk $0xffff, v11  }
0x709: {  	v11 =	vld.idx.msk [tilespmem:v15+s19+$0x0], $0xffff  }
0x70a: {  	v15 =	vld [tilespmem:$0x1FED0];
	_ =	sdelay $0x3  }
0x70b: {  	v13 =	vor.u32 v4, v7  }
0x70c: {  	v15 =	vadd.s32 v15, v9;
	_ =	sdelay $0x3  }
0x70d: {  	[tilespmem:v13+s28+$0x0] =	vst.idx.msk $0xffff, v11  }
0x70e: {  	v13 =	vor.u32 v61, v7;
	v11 =	vld.idx.msk [tilespmem:v15+s19+$0x0], $0xffff  }
0x70f: {  	v15 =	vadd.s32 v32, v9;
	_ =	sdelay $0x3  }
0x710: {  	[tilespmem:v13+s28+$0x0] =	vst.idx.msk $0xffff, v11  }
0x711: {  	v13 =	vor.u32 v1, v7;
	v11 =	vld.idx.msk [tilespmem:v15+s19+$0x0], $0xffff  }
0x712: {  	v15 =	vadd.s32 v33, v9;
	_ =	sdelay $0x3  }
0x713: {  	[tilespmem:v13+s28+$0x0] =	vst.idx.msk $0xffff, v11  }
0x714: {  	v13 =	vor.u32 v62, v7;
	v11 =	vld.idx.msk [tilespmem:v15+s19+$0x0], $0xffff  }
0x715: {  	v15 =	vadd.s32 v34, v9;
	_ =	sdelay $0x3  }
0x716: {  	[tilespmem:v13+s28+$0x0] =	vst.idx.msk $0xffff, v11  }
0x717: {  	v13 =	vor.u32 v6, v7;
	v11 =	vld.idx.msk [tilespmem:v15+s19+$0x0], $0xffff  }
0x718: {  	v15 =	vadd.s32 v35, v9;
	_ =	sdelay $0x3  }
0x719: {  	[tilespmem:v13+s28+$0x0] =	vst.idx.msk $0xffff, v11  }
0x71a: {  	v13 =	vor.u32 v63, v7;
	v11 =	vld.idx.msk [tilespmem:v15+s19+$0x0], $0xffff  }
0x71b: {  	v15 =	vadd.s32 v36, v9;
	_ =	sdelay $0x3  }
0x71c: {  	[tilespmem:v13+s28+$0x0] =	vst.idx.msk $0xffff, v11  }
0x71d: {  	v13 =	vor.u32 v0, v7;
	v11 =	vld.idx.msk [tilespmem:v15+s19+$0x0], $0xffff  }
0x71e: {  	v15 =	vadd.s32 v37, v9;
	_ =	sdelay $0x3  }
0x71f: {  	[tilespmem:v13+s28+$0x0] =	vst.idx.msk $0xffff, v11  }
0x720: {  	v13 =	vor.u32 v8, v7;
	v11 =	vld.idx.msk [tilespmem:v15+s19+$0x0], $0xffff  }
0x721: {  	v15 =	vadd.s32 v38, v9;
	_ =	sdelay $0x3  }
0x722: {  	[tilespmem:v13+s28+$0x0] =	vst.idx.msk $0xffff, v11  }
0x723: {  	v13 =	vor.u32 v10, v7;
	v11 =	vld.idx.msk [tilespmem:v15+s19+$0x0], $0xffff  }
0x724: {  	v15 =	vadd.s32 v39, v9;
	_ =	sdelay $0x3  }
0x725: {  	[tilespmem:v13+s28+$0x0] =	vst.idx.msk $0xffff, v11  }
0x726: {  	v13 =	vor.u32 v12, v7;
	v11 =	vld.idx.msk [tilespmem:v15+s19+$0x0], $0xffff  }
0x727: {  	v15 =	vadd.s32 v40, v9;
	_ =	sdelay $0x3  }
0x728: {  	[tilespmem:v13+s28+$0x0] =	vst.idx.msk $0xffff, v11  }
0x729: {  	v13 =	vor.u32 v18, v7;
	v11 =	vld.idx.msk [tilespmem:v15+s19+$0x0], $0xffff;
	_ =	sdelay $0x1  }
0x72a: {  	v9 =	vadd.s32 v41, v9;
	_ =	sdelay $0x2  }
0x72b: {  	s29 =	simm.s32 $0xD0;
	[tilespmem:v13+s28+$0x0] =	vst.idx.msk $0xffff, v11;
	v11 =	vlaneseq.u32  }
0x72c: {  	v15 =	vor.u32 s29, v11  }
0x72d: {  	s20 =	simm.s32 $0xE0;
	s18 =	simm.s32 $0x0;
	v13 =	vor.u32 v5, v7;
	v9 =	vld.idx.msk [tilespmem:v9+s19+$0x0], $0xffff;
	v11 =	vand.u32 v3, v15;
	v7 =	vand.u32 $0x78, v15  }
.LBB2_10:
0x72e: {  	_ =	sdelay $0x3  }
0x72f: {  	[tilespmem:v13+s28+$0x0] =	vst.idx.msk $0xffff, v9  }
0x730: {  	v9 =	vld.idx.msk [tilespmem:v11+s9+$0x0], $0xffff;
	_ =	sdelay $0x3  }
0x731: {  	s18 =	sadd.s32 $0x1, s18  }
0x732: {  	s24 =	sshll.u32 s18, $0xD;
	v11 =	vand.u32 $0xFFFFFFF8, v9  }
0x733: {  	v9 =	vand.u32 $0x7, v9;
	v11 =	vadd.s32 s24, v11  }
0x734: {  	v9 =	vor.u32 v9, v11  }
0x735: {  	v11 =	vadd.s32 v16, v9;
	_ =	sdelay $0x4  }
0x736: {  	v13 =	vor.u32 v42, v7;
	v11 =	vld.idx.msk [tilespmem:v11+s19+$0x0], $0xffff  }
0x737: {  	v15 =	vadd.s32 v14, v9;
	_ =	sdelay $0x3  }
0x738: {  	[tilespmem:v13+s28+$0x0] =	vst.idx.msk $0xffff, v11  }
0x739: {  	v13 =	vor.u32 v43, v7;
	v11 =	vld.idx.msk [tilespmem:v15+s19+$0x0], $0xffff  }
0x73a: {  	v15 =	vadd.s32 v17, v9;
	_ =	sdelay $0x3  }
0x73b: {  	[tilespmem:v13+s28+$0x0] =	vst.idx.msk $0xffff, v11  }
0x73c: {  	v13 =	vor.u32 v44, v7;
	v11 =	vld.idx.msk [tilespmem:v15+s19+$0x0], $0xffff  }
0x73d: {  	v15 =	vadd.s32 v19, v9;
	_ =	sdelay $0x3  }
0x73e: {  	[tilespmem:v13+s28+$0x0] =	vst.idx.msk $0xffff, v11  }
0x73f: {  	v11 =	vld.idx.msk [tilespmem:v15+s19+$0x0], $0xffff  }
0x740: {  	v15 =	vld [tilespmem:$0x1FFF0];
	_ =	sdelay $0x3  }
0x741: {  	v13 =	vor.u32 v45, v7  }
0x742: {  	v15 =	vadd.s32 v15, v9;
	_ =	sdelay $0x3  }
0x743: {  	[tilespmem:v13+s28+$0x0] =	vst.idx.msk $0xffff, v11  }
0x744: {  	v11 =	vld.idx.msk [tilespmem:v15+s19+$0x0], $0xffff  }
0x745: {  	v15 =	vld [tilespmem:$0x1FFE0];
	_ =	sdelay $0x3  }
0x746: {  	v13 =	vor.u32 v46, v7  }
0x747: {  	v15 =	vadd.s32 v15, v9;
	_ =	sdelay $0x3  }
0x748: {  	[tilespmem:v13+s28+$0x0] =	vst.idx.msk $0xffff, v11  }
0x749: {  	v11 =	vld.idx.msk [tilespmem:v15+s19+$0x0], $0xffff  }
0x74a: {  	v15 =	vld [tilespmem:$0x1FEE0];
	_ =	sdelay $0x3  }
0x74b: {  	v13 =	vor.u32 v47, v7  }
0x74c: {  	v15 =	vadd.s32 v15, v9;
	_ =	sdelay $0x3  }
0x74d: {  	[tilespmem:v13+s28+$0x0] =	vst.idx.msk $0xffff, v11  }
0x74e: {  	v11 =	vld.idx.msk [tilespmem:v15+s19+$0x0], $0xffff  }
0x74f: {  	v15 =	vld [tilespmem:$0x1FEF0];
	_ =	sdelay $0x3  }
0x750: {  	v13 =	vor.u32 v48, v7  }
0x751: {  	v15 =	vadd.s32 v15, v9;
	_ =	sdelay $0x3  }
0x752: {  	[tilespmem:v13+s28+$0x0] =	vst.idx.msk $0xffff, v11  }
0x753: {  	v11 =	vld.idx.msk [tilespmem:v15+s19+$0x0], $0xffff  }
0x754: {  	v15 =	vld [tilespmem:$0x1FF00];
	_ =	sdelay $0x3  }
0x755: {  	v13 =	vor.u32 v49, v7  }
0x756: {  	v15 =	vadd.s32 v15, v9;
	_ =	sdelay $0x3  }
0x757: {  	[tilespmem:v13+s28+$0x0] =	vst.idx.msk $0xffff, v11  }
0x758: {  	v11 =	vld.idx.msk [tilespmem:v15+s19+$0x0], $0xffff  }
0x759: {  	v15 =	vld [tilespmem:$0x1FF10];
	_ =	sdelay $0x3  }
0x75a: {  	v13 =	vor.u32 v50, v7  }
0x75b: {  	v15 =	vadd.s32 v15, v9;
	_ =	sdelay $0x3  }
0x75c: {  	[tilespmem:v13+s28+$0x0] =	vst.idx.msk $0xffff, v11  }
0x75d: {  	v13 =	vor.u32 v51, v7;
	v11 =	vld.idx.msk [tilespmem:v15+s19+$0x0], $0xffff  }
0x75e: {  	v15 =	vadd.s32 v26, v9;
	_ =	sdelay $0x3  }
0x75f: {  	[tilespmem:v13+s28+$0x0] =	vst.idx.msk $0xffff, v11  }
0x760: {  	v13 =	vor.u32 v52, v7;
	v11 =	vld.idx.msk [tilespmem:v15+s19+$0x0], $0xffff  }
0x761: {  	v15 =	vadd.s32 v27, v9;
	_ =	sdelay $0x3  }
0x762: {  	[tilespmem:v13+s28+$0x0] =	vst.idx.msk $0xffff, v11  }
0x763: {  	v13 =	vor.u32 v53, v7;
	v11 =	vld.idx.msk [tilespmem:v15+s19+$0x0], $0xffff  }
0x764: {  	v15 =	vadd.s32 v28, v9;
	_ =	sdelay $0x3  }
0x765: {  	[tilespmem:v13+s28+$0x0] =	vst.idx.msk $0xffff, v11  }
0x766: {  	v13 =	vor.u32 v54, v7;
	v11 =	vld.idx.msk [tilespmem:v15+s19+$0x0], $0xffff  }
0x767: {  	v15 =	vadd.s32 v22, v9;
	_ =	sdelay $0x3  }
0x768: {  	[tilespmem:v13+s28+$0x0] =	vst.idx.msk $0xffff, v11  }
0x769: {  	v13 =	vor.u32 v55, v7;
	v11 =	vld.idx.msk [tilespmem:v15+s19+$0x0], $0xffff  }
0x76a: {  	v15 =	vadd.s32 v29, v9;
	_ =	sdelay $0x3  }
0x76b: {  	[tilespmem:v13+s28+$0x0] =	vst.idx.msk $0xffff, v11  }
0x76c: {  	v13 =	vor.u32 v56, v7;
	v11 =	vld.idx.msk [tilespmem:v15+s19+$0x0], $0xffff  }
0x76d: {  	v15 =	vadd.s32 v21, v9;
	_ =	sdelay $0x3  }
0x76e: {  	[tilespmem:v13+s28+$0x0] =	vst.idx.msk $0xffff, v11  }
0x76f: {  	v13 =	vor.u32 v57, v7;
	v11 =	vld.idx.msk [tilespmem:v15+s19+$0x0], $0xffff  }
0x770: {  	v15 =	vadd.s32 v23, v9;
	_ =	sdelay $0x3  }
0x771: {  	[tilespmem:v13+s28+$0x0] =	vst.idx.msk $0xffff, v11  }
0x772: {  	v13 =	vor.u32 v58, v7;
	v11 =	vld.idx.msk [tilespmem:v15+s19+$0x0], $0xffff  }
0x773: {  	v15 =	vadd.s32 v30, v9;
	_ =	sdelay $0x3  }
0x774: {  	[tilespmem:v13+s28+$0x0] =	vst.idx.msk $0xffff, v11  }
0x775: {  	v13 =	vor.u32 v59, v7;
	v11 =	vld.idx.msk [tilespmem:v15+s19+$0x0], $0xffff  }
0x776: {  	v15 =	vadd.s32 v24, v9;
	_ =	sdelay $0x3  }
0x777: {  	[tilespmem:v13+s28+$0x0] =	vst.idx.msk $0xffff, v11  }
0x778: {  	v13 =	vor.u32 v2, v7;
	v11 =	vld.idx.msk [tilespmem:v15+s19+$0x0], $0xffff  }
0x779: {  	v15 =	vadd.s32 v31, v9;
	_ =	sdelay $0x3  }
0x77a: {  	[tilespmem:v13+s28+$0x0] =	vst.idx.msk $0xffff, v11  }
0x77b: {  	v13 =	vor.u32 v60, v7;
	v11 =	vld.idx.msk [tilespmem:v15+s19+$0x0], $0xffff  }
0x77c: {  	v15 =	vadd.s32 v20, v9;
	_ =	sdelay $0x3  }
0x77d: {  	[tilespmem:v13+s28+$0x0] =	vst.idx.msk $0xffff, v11  }
0x77e: {  	v13 =	vor.u32 v4, v7;
	v11 =	vld.idx.msk [tilespmem:v15+s19+$0x0], $0xffff  }
0x77f: {  	v15 =	vadd.s32 v25, v9;
	_ =	sdelay $0x3  }
0x780: {  	[tilespmem:v13+s28+$0x0] =	vst.idx.msk $0xffff, v11  }
0x781: {  	v13 =	vor.u32 v61, v7;
	v11 =	vld.idx.msk [tilespmem:v15+s19+$0x0], $0xffff  }
0x782: {  	v15 =	vadd.s32 v32, v9;
	_ =	sdelay $0x3  }
0x783: {  	[tilespmem:v13+s28+$0x0] =	vst.idx.msk $0xffff, v11  }
0x784: {  	v13 =	vor.u32 v1, v7;
	v11 =	vld.idx.msk [tilespmem:v15+s19+$0x0], $0xffff  }
0x785: {  	v15 =	vadd.s32 v33, v9;
	_ =	sdelay $0x3  }
0x786: {  	[tilespmem:v13+s28+$0x0] =	vst.idx.msk $0xffff, v11  }
0x787: {  	v13 =	vor.u32 v62, v7;
	v11 =	vld.idx.msk [tilespmem:v15+s19+$0x0], $0xffff  }
0x788: {  	v15 =	vadd.s32 v34, v9;
	_ =	sdelay $0x3  }
0x789: {  	[tilespmem:v13+s28+$0x0] =	vst.idx.msk $0xffff, v11  }
0x78a: {  	v13 =	vor.u32 v6, v7;
	v11 =	vld.idx.msk [tilespmem:v15+s19+$0x0], $0xffff  }
0x78b: {  	v15 =	vadd.s32 v35, v9;
	_ =	sdelay $0x3  }
0x78c: {  	[tilespmem:v13+s28+$0x0] =	vst.idx.msk $0xffff, v11  }
0x78d: {  	v13 =	vor.u32 v63, v7;
	v11 =	vld.idx.msk [tilespmem:v15+s19+$0x0], $0xffff  }
0x78e: {  	v15 =	vadd.s32 v36, v9;
	_ =	sdelay $0x3  }
0x78f: {  	[tilespmem:v13+s28+$0x0] =	vst.idx.msk $0xffff, v11  }
0x790: {  	v13 =	vor.u32 v0, v7;
	v11 =	vld.idx.msk [tilespmem:v15+s19+$0x0], $0xffff  }
0x791: {  	v15 =	vadd.s32 v37, v9;
	_ =	sdelay $0x3  }
0x792: {  	[tilespmem:v13+s28+$0x0] =	vst.idx.msk $0xffff, v11  }
0x793: {  	v13 =	vor.u32 v8, v7;
	v11 =	vld.idx.msk [tilespmem:v15+s19+$0x0], $0xffff  }
0x794: {  	v15 =	vadd.s32 v38, v9;
	_ =	sdelay $0x3  }
0x795: {  	[tilespmem:v13+s28+$0x0] =	vst.idx.msk $0xffff, v11  }
0x796: {  	v13 =	vor.u32 v10, v7;
	v11 =	vld.idx.msk [tilespmem:v15+s19+$0x0], $0xffff  }
0x797: {  	v15 =	vadd.s32 v39, v9;
	_ =	sdelay $0x3  }
0x798: {  	[tilespmem:v13+s28+$0x0] =	vst.idx.msk $0xffff, v11  }
0x799: {  	v13 =	vor.u32 v12, v7;
	v11 =	vld.idx.msk [tilespmem:v15+s19+$0x0], $0xffff  }
0x79a: {  	v15 =	vadd.s32 v40, v9;
	_ =	sdelay $0x3  }
0x79b: {  	[tilespmem:v13+s28+$0x0] =	vst.idx.msk $0xffff, v11  }
0x79c: {  	v13 =	vor.u32 v18, v7;
	v11 =	vld.idx.msk [tilespmem:v15+s19+$0x0], $0xffff;
	_ =	sdelay $0x1  }
0x79d: {  	p0 =	sne.s32 s20, $0xF0;
	v9 =	vadd.s32 v41, v9  }
.Ltmp4:
0x79e: {  	_ = 	snop;
	(pc) =	sbr.rel @p0 .LBB2_10-.Ltmp4, $4  }
0x79f: {  	_ = 	snop  }
0x7a0: {  	s22 =	smov.u32 s20;
	[tilespmem:v13+s28+$0x0] =	vst.idx.msk $0xffff, v11;
	v11 =	vlaneseq.u32  }
0x7a1: {  	v15 =	vor.u32 s22, v11  }
0x7a2: {  	s20 =	sadd.s32 $0x10, s20;
	v13 =	vor.u32 v5, v7;
	v9 =	vld.idx.msk [tilespmem:v9+s19+$0x0], $0xffff;
	v11 =	vand.u32 v3, v15;
	v7 =	vand.u32 $0x78, v15  }
0x7a3: {  	_ =	sdelay $0x3  }
0x7a4: {  	[tilespmem:v13+s28+$0x0] =	vst.idx.msk $0xffff, v9  }
0x7a5: {  	v9 =	vld.idx.msk [tilespmem:v11+s9+$0x0], $0xffff;
	_ =	sdelay $0x3  }
0x7a6: {  	s18 =	sadd.s32 $0x1, s18  }
0x7a7: {  	s18 =	sshll.u32 s18, $0xD;
	v11 =	vand.u32 $0xFFFFFFF8, v9  }
0x7a8: {  	v9 =	vand.u32 $0x7, v9;
	v11 =	vadd.s32 s18, v11  }
0x7a9: {  	v9 =	vor.u32 v9, v11  }
0x7aa: {  	v11 =	vadd.s32 v16, v9;
	_ =	sdelay $0x4  }
0x7ab: {  	v13 =	vor.u32 v42, v7;
	v11 =	vld.idx.msk [tilespmem:v11+s19+$0x0], $0xffff  }
0x7ac: {  	v15 =	vadd.s32 v14, v9;
	_ =	sdelay $0x3  }
0x7ad: {  	[tilespmem:v13+s28+$0x0] =	vst.idx.msk $0xffff, v11  }
0x7ae: {  	v13 =	vor.u32 v43, v7;
	v11 =	vld.idx.msk [tilespmem:v15+s19+$0x0], $0xffff  }
0x7af: {  	v15 =	vadd.s32 v17, v9;
	_ =	sdelay $0x3  }
0x7b0: {  	[tilespmem:v13+s28+$0x0] =	vst.idx.msk $0xffff, v11  }
0x7b1: {  	v13 =	vor.u32 v44, v7;
	v11 =	vld.idx.msk [tilespmem:v15+s19+$0x0], $0xffff  }
0x7b2: {  	v15 =	vadd.s32 v19, v9  }
0x7b3: {  	v17 =	vld [tilespmem:$0x1FFF0];
	_ =	sdelay $0x2  }
0x7b4: {  	[tilespmem:v13+s28+$0x0] =	vst.idx.msk $0xffff, v11  }
0x7b5: {  	v13 =	vor.u32 v45, v7;
	v11 =	vld.idx.msk [tilespmem:v15+s19+$0x0], $0xffff  }
0x7b6: {  	v15 =	vadd.s32 v17, v9  }
0x7b7: {  	v14 =	vld [tilespmem:$0x1FFE0];
	_ =	sdelay $0x2  }
0x7b8: {  	[tilespmem:v13+s28+$0x0] =	vst.idx.msk $0xffff, v11  }
0x7b9: {  	v13 =	vor.u32 v46, v7;
	v11 =	vld.idx.msk [tilespmem:v15+s19+$0x0], $0xffff  }
0x7ba: {  	v15 =	vadd.s32 v14, v9  }
0x7bb: {  	v3 =	vld [tilespmem:$0x1FEE0];
	_ =	sdelay $0x2  }
0x7bc: {  	[tilespmem:v13+s28+$0x0] =	vst.idx.msk $0xffff, v11  }
0x7bd: {  	v13 =	vor.u32 v47, v7;
	v11 =	vld.idx.msk [tilespmem:v15+s19+$0x0], $0xffff  }
0x7be: {  	v15 =	vadd.s32 v3, v9  }
0x7bf: {  	v3 =	vld [tilespmem:$0x1FEF0];
	_ =	sdelay $0x2  }
0x7c0: {  	[tilespmem:v13+s28+$0x0] =	vst.idx.msk $0xffff, v11  }
0x7c1: {  	v13 =	vor.u32 v48, v7;
	v11 =	vld.idx.msk [tilespmem:v15+s19+$0x0], $0xffff  }
0x7c2: {  	v15 =	vadd.s32 v3, v9  }
0x7c3: {  	v3 =	vld [tilespmem:$0x1FF00];
	_ =	sdelay $0x2  }
0x7c4: {  	[tilespmem:v13+s28+$0x0] =	vst.idx.msk $0xffff, v11  }
0x7c5: {  	v13 =	vor.u32 v49, v7;
	v11 =	vld.idx.msk [tilespmem:v15+s19+$0x0], $0xffff  }
0x7c6: {  	v15 =	vadd.s32 v3, v9  }
0x7c7: {  	v3 =	vld [tilespmem:$0x1FF10];
	_ =	sdelay $0x2  }
0x7c8: {  	[tilespmem:v13+s28+$0x0] =	vst.idx.msk $0xffff, v11  }
0x7c9: {  	v13 =	vor.u32 v50, v7;
	v11 =	vld.idx.msk [tilespmem:v15+s19+$0x0], $0xffff  }
0x7ca: {  	v15 =	vadd.s32 v3, v9;
	_ =	sdelay $0x3  }
0x7cb: {  	[tilespmem:v13+s28+$0x0] =	vst.idx.msk $0xffff, v11  }
0x7cc: {  	v13 =	vor.u32 v51, v7;
	v11 =	vld.idx.msk [tilespmem:v15+s19+$0x0], $0xffff  }
0x7cd: {  	v15 =	vadd.s32 v26, v9;
	_ =	sdelay $0x3  }
0x7ce: {  	[tilespmem:v13+s28+$0x0] =	vst.idx.msk $0xffff, v11  }
0x7cf: {  	v13 =	vor.u32 v52, v7;
	v11 =	vld.idx.msk [tilespmem:v15+s19+$0x0], $0xffff  }
0x7d0: {  	v15 =	vadd.s32 v27, v9;
	_ =	sdelay $0x3  }
0x7d1: {  	[tilespmem:v13+s28+$0x0] =	vst.idx.msk $0xffff, v11  }
0x7d2: {  	v13 =	vor.u32 v53, v7;
	v11 =	vld.idx.msk [tilespmem:v15+s19+$0x0], $0xffff  }
0x7d3: {  	v15 =	vadd.s32 v28, v9;
	_ =	sdelay $0x3  }
0x7d4: {  	[tilespmem:v13+s28+$0x0] =	vst.idx.msk $0xffff, v11  }
0x7d5: {  	v13 =	vor.u32 v54, v7;
	v11 =	vld.idx.msk [tilespmem:v15+s19+$0x0], $0xffff  }
0x7d6: {  	v15 =	vadd.s32 v22, v9;
	_ =	sdelay $0x3  }
0x7d7: {  	[tilespmem:v13+s28+$0x0] =	vst.idx.msk $0xffff, v11  }
0x7d8: {  	v13 =	vor.u32 v55, v7;
	v11 =	vld.idx.msk [tilespmem:v15+s19+$0x0], $0xffff  }
0x7d9: {  	v15 =	vadd.s32 v29, v9;
	_ =	sdelay $0x3  }
0x7da: {  	[tilespmem:v13+s28+$0x0] =	vst.idx.msk $0xffff, v11  }
0x7db: {  	v13 =	vor.u32 v56, v7;
	v11 =	vld.idx.msk [tilespmem:v15+s19+$0x0], $0xffff  }
0x7dc: {  	v15 =	vadd.s32 v21, v9;
	_ =	sdelay $0x3  }
0x7dd: {  	[tilespmem:v13+s28+$0x0] =	vst.idx.msk $0xffff, v11  }
0x7de: {  	v13 =	vor.u32 v57, v7;
	v11 =	vld.idx.msk [tilespmem:v15+s19+$0x0], $0xffff  }
0x7df: {  	v15 =	vadd.s32 v23, v9;
	_ =	sdelay $0x3  }
0x7e0: {  	[tilespmem:v13+s28+$0x0] =	vst.idx.msk $0xffff, v11  }
0x7e1: {  	v13 =	vor.u32 v58, v7;
	v11 =	vld.idx.msk [tilespmem:v15+s19+$0x0], $0xffff  }
0x7e2: {  	v15 =	vadd.s32 v30, v9;
	_ =	sdelay $0x3  }
0x7e3: {  	[tilespmem:v13+s28+$0x0] =	vst.idx.msk $0xffff, v11  }
0x7e4: {  	v13 =	vor.u32 v59, v7;
	v11 =	vld.idx.msk [tilespmem:v15+s19+$0x0], $0xffff  }
0x7e5: {  	v15 =	vadd.s32 v24, v9;
	_ =	sdelay $0x3  }
0x7e6: {  	[tilespmem:v13+s28+$0x0] =	vst.idx.msk $0xffff, v11  }
0x7e7: {  	v2 =	vor.u32 v2, v7;
	v11 =	vld.idx.msk [tilespmem:v15+s19+$0x0], $0xffff  }
0x7e8: {  	v13 =	vadd.s32 v31, v9;
	_ =	sdelay $0x3  }
0x7e9: {  	[tilespmem:v2+s28+$0x0] =	vst.idx.msk $0xffff, v11  }
0x7ea: {  	v59 =	vor.u32 v60, v7;
	v2 =	vld.idx.msk [tilespmem:v13+s19+$0x0], $0xffff  }
0x7eb: {  	v13 =	vadd.s32 v20, v9;
	_ =	sdelay $0x3  }
0x7ec: {  	[tilespmem:v59+s28+$0x0] =	vst.idx.msk $0xffff, v2  }
0x7ed: {  	v4 =	vor.u32 v4, v7;
	v2 =	vld.idx.msk [tilespmem:v13+s19+$0x0], $0xffff  }
0x7ee: {  	v60 =	vadd.s32 v25, v9;
	_ =	sdelay $0x3  }
0x7ef: {  	[tilespmem:v4+s28+$0x0] =	vst.idx.msk $0xffff, v2  }
0x7f0: {  	v4 =	vor.u32 v61, v7;
	v2 =	vld.idx.msk [tilespmem:v60+s19+$0x0], $0xffff  }
0x7f1: {  	v61 =	vadd.s32 v32, v9;
	_ =	sdelay $0x3  }
0x7f2: {  	[tilespmem:v4+s28+$0x0] =	vst.idx.msk $0xffff, v2  }
0x7f3: {  	v1 =	vor.u32 v1, v7;
	v2 =	vld.idx.msk [tilespmem:v61+s19+$0x0], $0xffff  }
0x7f4: {  	v4 =	vadd.s32 v33, v9;
	_ =	sdelay $0x3  }
0x7f5: {  	[tilespmem:v1+s28+$0x0] =	vst.idx.msk $0xffff, v2  }
0x7f6: {  	v2 =	vor.u32 v62, v7;
	v1 =	vld.idx.msk [tilespmem:v4+s19+$0x0], $0xffff  }
0x7f7: {  	v4 =	vadd.s32 v34, v9;
	_ =	sdelay $0x3  }
0x7f8: {  	[tilespmem:v2+s28+$0x0] =	vst.idx.msk $0xffff, v1  }
0x7f9: {  	v2 =	vor.u32 v6, v7;
	v1 =	vld.idx.msk [tilespmem:v4+s19+$0x0], $0xffff  }
0x7fa: {  	v4 =	vadd.s32 v35, v9;
	_ =	sdelay $0x3  }
0x7fb: {  	[tilespmem:v2+s28+$0x0] =	vst.idx.msk $0xffff, v1  }
0x7fc: {  	v2 =	vor.u32 v63, v7;
	v1 =	vld.idx.msk [tilespmem:v4+s19+$0x0], $0xffff  }
0x7fd: {  	v4 =	vadd.s32 v36, v9;
	_ =	sdelay $0x3  }
0x7fe: {  	[tilespmem:v2+s28+$0x0] =	vst.idx.msk $0xffff, v1  }
0x7ff: {  	v0 =	vor.u32 v0, v7;
	v1 =	vld.idx.msk [tilespmem:v4+s19+$0x0], $0xffff  }
0x800: {  	v2 =	vadd.s32 v37, v9;
	_ =	sdelay $0x3  }
0x801: {  	[tilespmem:v0+s28+$0x0] =	vst.idx.msk $0xffff, v1  }
0x802: {  	v1 =	vor.u32 v8, v7;
	v0 =	vld.idx.msk [tilespmem:v2+s19+$0x0], $0xffff  }
0x803: {  	v2 =	vadd.s32 v38, v9;
	_ =	sdelay $0x3  }
0x804: {  	[tilespmem:v1+s28+$0x0] =	vst.idx.msk $0xffff, v0  }
0x805: {  	v1 =	vor.u32 v10, v7;
	v0 =	vld.idx.msk [tilespmem:v2+s19+$0x0], $0xffff  }
0x806: {  	v2 =	vadd.s32 v39, v9;
	_ =	sdelay $0x3  }
0x807: {  	[tilespmem:v1+s28+$0x0] =	vst.idx.msk $0xffff, v0  }
0x808: {  	v1 =	vor.u32 v12, v7;
	v0 =	vld.idx.msk [tilespmem:v2+s19+$0x0], $0xffff  }
0x809: {  	v2 =	vadd.s32 v40, v9;
	_ =	sdelay $0x3  }
0x80a: {  	[tilespmem:v1+s28+$0x0] =	vst.idx.msk $0xffff, v0  }
0x80b: {  	v1 =	vor.u32 v18, v7;
	v0 =	vld.idx.msk [tilespmem:v2+s19+$0x0], $0xffff  }
0x80c: {  	v2 =	vadd.s32 v41, v9;
	_ =	sdelay $0x3  }
0x80d: {  	[tilespmem:v1+s28+$0x0] =	vst.idx.msk $0xffff, v0  }
0x80e: {  	v0 =	vor.u32 v5, v7;
	v1 =	vld.idx.msk [tilespmem:v2+s19+$0x0], $0xffff;
	_ =	sdelay $0x3  }
0x80f: {  	s16 =	sadd.s32 $0x1, s16  }
0x810: {  	p0 =	sne.s32 s16, s6;
	[tilespmem:v0+s28+$0x0] =	vst.idx.msk $0xffff, v1  }
0x811: {  	[hbm4b:s5+s3] =	stream.linear.scatter [tilespmem:s28], [sflag:$0x3], $0x2000, $0x38;
	[tilespmem:$0x14320] =	vst v63  }
.Ltmp5:
0x812: {  	_ = 	snop;
	(pc) =	sbr.rel @p0 .LBB2_1-.Ltmp5, $4  }
0x813: {  	_ =	swait.ge [sflag:s7], $0x2000  }
0x814: {  	v3 =	vld [tilespmem:$0x1FFB0]  }
0x815: {  	[sflag:s7] =	ssyncset.done $0x0;
	v23 =	vld [tilespmem:$0x1FFC0]  }
0x816: {  	v19 =	vmovc v16;
	v22 =	vlaneseq.u32;
	v21 =	vmov v14;
	v20 =	vmov v17;
	v15 =	vld [tilespmem:$0x1FFD0];
	[sflag:s7] =	ssyncadd.s32 $0xFFFFE000  }
0x817: {  	_ =	sfence.sel $0x180000  }
0x818: {  	[bflag:$0x0] =	sbarrier.arrive $0xFFFF  }
0x819: {  	_ =	strace $0x90000047  }
0x81a: {  	s0 =	stileid.u32;
	[bflag:$0x2] =	sbarrier.arrive $0xFFFF  }
0x81b: {  	p0 =	sne.s32 s0, $0x0;
	s0 =	rddreg [dreg:$0x3]  }
0x81c: {  	s0 =	sadd.s32 @!p0 $0x100000, s0  }
0x81d: {  	[sflag:s0] =	ssyncadd.tile.s32 @!p0 $0x1;
	_ =	shalt  }
.Lfunc_end2:
_tile_overlayer_lowered:
.L_overlay_start_2:
0x81e: {  	(tag) =	ssettag $0x2  }
0x81f: {  	s0 =	rddreg [dreg:$0x0];
	s2 =	stileid.u32  }
0x820: {  	s1 =	rddreg [dreg:$0x1];
	p0 =	sne.s32 s2, $0x0  }
0x821: {  	s3 =	rddreg [dreg:$0x2];
	[bflag:$0x3] =	sbarrier.arrive $0xFFFF;
	s2 =	simm.s32 @!p0 $0x1C03  }
0x822: {  	[timem:s3], [sflag:s2] =	dma.local @!p0 [hbm:s0], s1  }
0x823: {  	s0 =	simm.s32 @!p0 $0x3  }
0x824: {  	_ =	swait.ge @!p0 [sflag:s0], s1  }
0x825: {  	s1 =	ssub.s32 @!p0 $0x0, s1;
	[sflag:s0] =	ssyncset.done @!p0 $0x0  }
0x826: {  	[sflag:s0] =	ssyncadd.s32 @!p0 s1  }
0x827: {  	[bflag:$0x3] =	sbarrier.arrive $0xFFFF  }
0x828: {  	_ =	shalt  }

</sc_bundles>
